<compile_context>
chip_gen: v7x
topology: tpu7x:2x2x1
jax: 0.10.2.dev20260603
libtpu: 0.0.44.dev20260713+nightly
codegen_flags: <defaults>
</compile_context>

<pallas_src>
import functools

import jax
import jax.numpy as jnp
from jax import lax
from jax.experimental import pallas as pl
from jax.experimental.pallas import tpu as pltpu
from jax.experimental.pallas import tpu_sc as plsc

_L = 16
_TS = 8
_NOB = 4


def _make_lookup(n_trows, n_cols, n_workers):
    cols_per_w = n_cols // n_workers
    mesh = plsc.VectorSubcoreMesh(core_axis_name="c", subcore_axis_name="s")

    @functools.partial(
        pl.kernel,
        mesh=mesh,
        out_type=jax.ShapeDtypeStruct((n_trows, _TS, n_cols), jnp.int32),
        scratch_types=[
            pltpu.VMEM((_L,), jnp.int32),
            pltpu.VMEM((2, _L), jnp.int32),
            pltpu.VMEM((n_trows, _TS, cols_per_w), jnp.int32),
            [pltpu.VMEM((1, _TS, cols_per_w), jnp.int32)
             for _ in range(_NOB)],
            pltpu.SemaphoreType.DMA,
            [pltpu.SemaphoreType.DMA for _ in range(_NOB)],
        ],
        compiler_params=pltpu.CompilerParams(needs_layout_passes=False),
    )
    def lookup(idx_hbm, vals_hbm, out_hbm, tab_v, rid_v, in_b, out_b,
               in_sem, out_sem):
        wid = lax.axis_index("s") * 2 + lax.axis_index("c")
        pltpu.sync_copy(vals_hbm, tab_v)
        col0 = wid * cols_per_w

        lane = lax.iota(jnp.int32, _L)
        for j in range(2):
            t = lane + (j * _L + wid)
            t = jnp.where(t >= n_trows, t - n_trows, t)
            t = jnp.where(t >= n_trows, t - n_trows, t)
            rid_v[j, :] = t

        def rid_at(c):
            return rid_v.at[c // _L, pl.ds(c % _L, 1)]

        def compute(c, dst):
            @plsc.parallel_loop(0, _TS * (cols_per_w // _L), unroll=8)
            def _(v):
                s = v // (cols_per_w // _L)
                k = v % (cols_per_w // _L)
                sl = pl.ds(k * _L, _L)
                dst[0, s, sl] = plsc.load_gather(tab_v, [in_b[c, s, sl]])

        in_cp = [
            pltpu.async_copy(
                idx_hbm.at[rid_at(c), :, pl.ds(col0, cols_per_w)],
                in_b.at[pl.ds(c, 1)], in_sem)
            for c in range(n_trows)
        ]
        out_cp = [None] * _NOB
        for c in range(n_trows):
            ob = c % _NOB
            in_cp[c].wait()
            if c >= _NOB:
                out_cp[ob].wait()
            compute(c, out_b[ob])
            out_cp[ob] = pltpu.async_copy(
                out_b[ob], out_hbm.at[rid_at(c), :, pl.ds(col0, cols_per_w)],
                out_sem[ob])
        for c in range(max(0, n_trows - _NOB), n_trows):
            out_cp[c % _NOB].wait()

    return lookup


def kernel(inputs, vals):
    n_rows, n_cols = inputs.shape
    x = inputs.astype(jnp.int32).T.reshape(n_cols // _TS, _TS, n_rows)
    tab = jnp.pad(vals.astype(jnp.int32), (0, _L - vals.shape[0]))
    out = _make_lookup(n_cols // _TS, n_rows, 32)(x, tab)
    return out.reshape(n_cols, n_rows).T

# --- scband reference (transcript-rebuilt; emitter-appended) ---
"""Pipeline reference for scband-subsequent-type-transformation-layer-1279900254758 (READ-ONLY COPY).

The authoritative reference and input builder live on the scoring server;
editing this copy changes nothing except your own understanding.
"""

import jax, jax.numpy as jnp
import numpy as np


def setup_inputs(seed: int = 0) -> dict:
    key = jax.random.key(seed)
    # type ids in [0, 8) as in conf.INPUT_RANGES['type'] = 8
    inputs = jax.random.randint(key, (16384, 200), 0, 8).astype(jnp.int64)
    # the StaticHashTable is keys=range(8) -> vals, i.e. a dense lookup table
    vals = jnp.array([0, 1, 2, 3, 3, 3, 3, 4], dtype=jnp.int32)
    return {"inputs": inputs, "vals": vals}


def reference(inputs, vals):
    # StaticHashTable with keys = range(N) is a dense gather with default -1
    num_keys = vals.shape[0]
    valid = (inputs >= 0) & (inputs < num_keys)
    safe = jnp.clip(inputs, 0, num_keys - 1)
    out = jnp.take(vals, safe, axis=0)
    return jnp.where(valid, out, jnp.array(-1, dtype=vals.dtype))

if __name__ == "__main__":
    import jax
    _d = setup_inputs()
    print(jax.jit(kernel)(*tuple(_d.values())))

</pallas_src>

<mosaic_0001>
#map = affine_map<(d0, d1) -> (0, 0, 0)>
#map1 = affine_map<(d0, d1) -> (0)>
module attributes {stable_mosaic.version = 14 : i64} {
  func.func @lookup(%arg0: i32, %arg1: i32, %arg2: memref<25x8x16384xi32, #tpu.memory_space<hbm>>, %arg3: memref<16xi32, #tpu.memory_space<hbm>>, %arg4: memref<25x8x16384xi32, #tpu.memory_space<hbm>>, %arg5: memref<16xi32, #tpu.memory_space<vmem>>, %arg6: memref<2x16xi32, #tpu.memory_space<vmem>>, %arg7: memref<25x8x512xi32, #tpu.memory_space<vmem>>, %arg8: memref<1x8x512xi32, #tpu.memory_space<vmem>>, %arg9: memref<1x8x512xi32, #tpu.memory_space<vmem>>, %arg10: memref<1x8x512xi32, #tpu.memory_space<vmem>>, %arg11: memref<1x8x512xi32, #tpu.memory_space<vmem>>, %arg12: memref<!tpu.dma_semaphore, #tpu.memory_space<semaphore_mem>>, %arg13: memref<!tpu.dma_semaphore, #tpu.memory_space<semaphore_mem>>, %arg14: memref<!tpu.dma_semaphore, #tpu.memory_space<semaphore_mem>>, %arg15: memref<!tpu.dma_semaphore, #tpu.memory_space<semaphore_mem>>, %arg16: memref<!tpu.dma_semaphore, #tpu.memory_space<semaphore_mem>>) attributes {dimension_semantics = [#tpu.dimension_semantics<core_parallel>, #tpu.dimension_semantics<subcore_parallel>], iteration_bounds = array<i64: 2, 16>, scalar_prefetch = 0 : i64, scratch_operands = 12 : i64, tpu.core_type = #tpu.core_type<sc_vector_subcore>, window_params = [{transform_indices = #map}, {transform_indices = #map1}, {transform_indices = #map}]} {
    %mul3A = arith.constant 2 : i32
    %mul3A_0 = arith.muli %arg1, %mul3A : i32
    %add3A = arith.addi %mul3A_0, %arg0 : i32
    "tpu.region"() ({
      %run_scoped3A = tpu.sem_alloc : memref<!tpu.dma_semaphore, #tpu.memory_space<semaphore_mem>>
      tpu.enqueue_dma source(%arg3 : memref<16xi32, #tpu.memory_space<hbm>>) target(%arg5 : memref<16xi32, #tpu.memory_space<vmem>>) target_semaphore(%run_scoped3A : memref<!tpu.dma_semaphore, #tpu.memory_space<semaphore_mem>>)
      tpu.wait_dma2 semaphore(%run_scoped3A : memref<!tpu.dma_semaphore, #tpu.memory_space<semaphore_mem>>) src(%arg3 : memref<16xi32, #tpu.memory_space<hbm>>) dst(%arg5 : memref<16xi32, #tpu.memory_space<vmem>>)
      tpu.yield
    }) : () -> ()
    %mul3A_1 = arith.constant 512 : i32
    %mul3A_2 = arith.muli %add3A, %mul3A_1 : i32
    %iota3A = tpu.iota {dimensions = array<i32: 0>} : vector<16xi32>
    %add3A_3 = arith.constant 0 : i32
    %add3A_4 = arith.addi %add3A_3, %add3A : i32
    %add3A_5 = vector.broadcast %add3A_4 : i32 to vector<16xi32>
    %add3A_6 = arith.addi %iota3A, %add3A_5 : vector<16xi32>
    %ge3A = arith.constant 25 : i32
    %ge3A_7 = vector.broadcast %ge3A : i32 to vector<16xi32>
    %ge3A_8 = arith.cmpi sge, %add3A_6, %ge3A_7 : vector<16xi32>
    %sub3A = arith.constant 25 : i32
    %sub3A_9 = vector.broadcast %sub3A : i32 to vector<16xi32>
    %sub3A_10 = arith.subi %add3A_6, %sub3A_9 : vector<16xi32>
    %select_n3A = arith.select %ge3A_8, %sub3A_10, %add3A_6 : vector<16xi1>, vector<16xi32>
    %ge3A_11 = arith.constant 25 : i32
    %ge3A_12 = vector.broadcast %ge3A_11 : i32 to vector<16xi32>
    %ge3A_13 = arith.cmpi sge, %select_n3A, %ge3A_12 : vector<16xi32>
    %sub3A_14 = arith.constant 25 : i32
    %sub3A_15 = vector.broadcast %sub3A_14 : i32 to vector<16xi32>
    %sub3A_16 = arith.subi %select_n3A, %sub3A_15 : vector<16xi32>
    %select_n3A_17 = arith.select %ge3A_13, %sub3A_16, %select_n3A : vector<16xi1>, vector<16xi32>
    %swap3A = arith.constant 0 : i32
    %swap3A_18 = arith.index_cast %swap3A : i32 to index
    %swap3A_19 = arith.constant 0 : index
    %swap3A_20 = tpu.vector_load %arg6[%swap3A_18, %swap3A_19] {strides = array<i32>} : memref<2x16xi32, #tpu.memory_space<vmem>>, vector<16xi32>,
    tpu.vector_store %arg6[%swap3A_18, %swap3A_19], %select_n3A_17 {strides = array<i32>} : memref<2x16xi32, #tpu.memory_space<vmem>>, vector<16xi32>,
    %add3A_21 = arith.constant 16 : i32
    %add3A_22 = arith.addi %add3A_21, %add3A : i32
    %add3A_23 = vector.broadcast %add3A_22 : i32 to vector<16xi32>
    %add3A_24 = arith.addi %iota3A, %add3A_23 : vector<16xi32>
    %ge3A_25 = arith.constant 25 : i32
    %ge3A_26 = vector.broadcast %ge3A_25 : i32 to vector<16xi32>
    %ge3A_27 = arith.cmpi sge, %add3A_24, %ge3A_26 : vector<16xi32>
    %sub3A_28 = arith.constant 25 : i32
    %sub3A_29 = vector.broadcast %sub3A_28 : i32 to vector<16xi32>
    %sub3A_30 = arith.subi %add3A_24, %sub3A_29 : vector<16xi32>
    %select_n3A_31 = arith.select %ge3A_27, %sub3A_30, %add3A_24 : vector<16xi1>, vector<16xi32>
    %ge3A_32 = arith.constant 25 : i32
    %ge3A_33 = vector.broadcast %ge3A_32 : i32 to vector<16xi32>
    %ge3A_34 = arith.cmpi sge, %select_n3A_31, %ge3A_33 : vector<16xi32>
    %sub3A_35 = arith.constant 25 : i32
    %sub3A_36 = vector.broadcast %sub3A_35 : i32 to vector<16xi32>
    %sub3A_37 = arith.subi %select_n3A_31, %sub3A_36 : vector<16xi32>
    %select_n3A_38 = arith.select %ge3A_34, %sub3A_37, %select_n3A_31 : vector<16xi1>, vector<16xi32>
    %swap3A_39 = arith.constant 1 : i32
    %swap3A_40 = arith.index_cast %swap3A_39 : i32 to index
    %swap3A_41 = arith.constant 0 : index
    %swap3A_42 = tpu.vector_load %arg6[%swap3A_40, %swap3A_41] {strides = array<i32>} : memref<2x16xi32, #tpu.memory_space<vmem>>, vector<16xi32>,
    tpu.vector_store %arg6[%swap3A_40, %swap3A_41], %select_n3A_38 {strides = array<i32>} : memref<2x16xi32, #tpu.memory_space<vmem>>, vector<16xi32>,
    %dma_start3A = arith.constant 0 : i32
    %dma_start3A_43 = arith.constant 0 : i32
    %dma_start3A_44 = arith.constant 0 : i32
    %dma_start3A_45 = arith.constant 0 : i32
    %dma_start3A_46 = tpu.memref_slice %arg7[%dma_start3A_43, %dma_start3A_44, %dma_start3A_45] : memref<25x8x512xi32, #tpu.memory_space<vmem>> -> memref<1x8x512xi32, #tpu.memory_space<vmem>>
    %dma_start3A_47 = arith.constant 0 : i32
    %dma_start3A_48 = tpu.memref_slice %arg6[%dma_start3A, %dma_start3A_47] : memref<2x16xi32, #tpu.memory_space<vmem>> -> memref<1x1xi32, #tpu.memory_space<vmem>>
    %dma_start3A_49 = tpu.memref_squeeze %dma_start3A_48 : memref<1x1xi32, #tpu.memory_space<vmem>> -> memref<1xi32, #tpu.memory_space<vmem>>
    %dma_start3A_50 = arith.constant 0 : i32
    %dma_start3A_51 = arith.constant 0 : i32
    %dma_start3A_52 = tpu.memref_slice %arg2[%dma_start3A_50, %dma_start3A_51, %mul3A_2] : memref<25x8x16384xi32, #tpu.memory_space<hbm>> -> memref<25x8x512xi32, #tpu.memory_space<hbm>>
    tpu.enqueue_indirect_dma source(%dma_start3A_52 : memref<25x8x512xi32, #tpu.memory_space<hbm>>) target(%dma_start3A_46 : memref<1x8x512xi32, #tpu.memory_space<vmem>>) offsets(%dma_start3A_49 : memref<1xi32, #tpu.memory_space<vmem>>) semaphore(%arg12 : memref<!tpu.dma_semaphore, #tpu.memory_space<semaphore_mem>>)
    %dma_start3A_53 = arith.constant 0 : i32
    %dma_start3A_54 = arith.constant 1 : i32
    %dma_start3A_55 = arith.constant 0 : i32
    %dma_start3A_56 = arith.constant 0 : i32
    %dma_start3A_57 = tpu.memref_slice %arg7[%dma_start3A_54, %dma_start3A_55, %dma_start3A_56] : memref<25x8x512xi32, #tpu.memory_space<vmem>> -> memref<1x8x512xi32, #tpu.memory_space<vmem>>
    %dma_start3A_58 = arith.constant 1 : i32
    %dma_start3A_59 = tpu.memref_slice %arg6[%dma_start3A_53, %dma_start3A_58] : memref<2x16xi32, #tpu.memory_space<vmem>> -> memref<1x1xi32, #tpu.memory_space<vmem>>
    %dma_start3A_60 = tpu.memref_squeeze %dma_start3A_59 : memref<1x1xi32, #tpu.memory_space<vmem>> -> memref<1xi32, #tpu.memory_space<vmem>>
    %dma_start3A_61 = arith.constant 0 : i32
    %dma_start3A_62 = arith.constant 0 : i32
    %dma_start3A_63 = tpu.memref_slice %arg2[%dma_start3A_61, %dma_start3A_62, %mul3A_2] : memref<25x8x16384xi32, #tpu.memory_space<hbm>> -> memref<25x8x512xi32, #tpu.memory_space<hbm>>
    tpu.enqueue_indirect_dma source(%dma_start3A_63 : memref<25x8x512xi32, #tpu.memory_space<hbm>>) target(%dma_start3A_57 : memref<1x8x512xi32, #tpu.memory_space<vmem>>) offsets(%dma_start3A_60 : memref<1xi32, #tpu.memory_space<vmem>>) semaphore(%arg12 : memref<!tpu.dma_semaphore, #tpu.memory_space<semaphore_mem>>)
    %dma_start3A_64 = arith.constant 0 : i32
    %dma_start3A_65 = arith.constant 2 : i32
    %dma_start3A_66 = arith.constant 0 : i32
    %dma_start3A_67 = arith.constant 0 : i32
    %dma_start3A_68 = tpu.memref_slice %arg7[%dma_start3A_65, %dma_start3A_66, %dma_start3A_67] : memref<25x8x512xi32, #tpu.memory_space<vmem>> -> memref<1x8x512xi32, #tpu.memory_space<vmem>>
    %dma_start3A_69 = arith.constant 2 : i32
    %dma_start3A_70 = tpu.memref_slice %arg6[%dma_start3A_64, %dma_start3A_69] : memref<2x16xi32, #tpu.memory_space<vmem>> -> memref<1x1xi32, #tpu.memory_space<vmem>>
    %dma_start3A_71 = tpu.memref_squeeze %dma_start3A_70 : memref<1x1xi32, #tpu.memory_space<vmem>> -> memref<1xi32, #tpu.memory_space<vmem>>
    %dma_start3A_72 = arith.constant 0 : i32
    %dma_start3A_73 = arith.constant 0 : i32
    %dma_start3A_74 = tpu.memref_slice %arg2[%dma_start3A_72, %dma_start3A_73, %mul3A_2] : memref<25x8x16384xi32, #tpu.memory_space<hbm>> -> memref<25x8x512xi32, #tpu.memory_space<hbm>>
    tpu.enqueue_indirect_dma source(%dma_start3A_74 : memref<25x8x512xi32, #tpu.memory_space<hbm>>) target(%dma_start3A_68 : memref<1x8x512xi32, #tpu.memory_space<vmem>>) offsets(%dma_start3A_71 : memref<1xi32, #tpu.memory_space<vmem>>) semaphore(%arg12 : memref<!tpu.dma_semaphore, #tpu.memory_space<semaphore_mem>>)
    %dma_start3A_75 = arith.constant 0 : i32
    %dma_start3A_76 = arith.constant 3 : i32
    %dma_start3A_77 = arith.constant 0 : i32
    %dma_start3A_78 = arith.constant 0 : i32
    %dma_start3A_79 = tpu.memref_slice %arg7[%dma_start3A_76, %dma_start3A_77, %dma_start3A_78] : memref<25x8x512xi32, #tpu.memory_space<vmem>> -> memref<1x8x512xi32, #tpu.memory_space<vmem>>
    %dma_start3A_80 = arith.constant 3 : i32
    %dma_start3A_81 = tpu.memref_slice %arg6[%dma_start3A_75, %dma_start3A_80] : memref<2x16xi32, #tpu.memory_space<vmem>> -> memref<1x1xi32, #tpu.memory_space<vmem>>
    %dma_start3A_82 = tpu.memref_squeeze %dma_start3A_81 : memref<1x1xi32, #tpu.memory_space<vmem>> -> memref<1xi32, #tpu.memory_space<vmem>>
    %dma_start3A_83 = arith.constant 0 : i32
    %dma_start3A_84 = arith.constant 0 : i32
    %dma_start3A_85 = tpu.memref_slice %arg2[%dma_start3A_83, %dma_start3A_84, %mul3A_2] : memref<25x8x16384xi32, #tpu.memory_space<hbm>> -> memref<25x8x512xi32, #tpu.memory_space<hbm>>
    tpu.enqueue_indirect_dma source(%dma_start3A_85 : memref<25x8x512xi32, #tpu.memory_space<hbm>>) target(%dma_start3A_79 : memref<1x8x512xi32, #tpu.memory_space<vmem>>) offsets(%dma_start3A_82 : memref<1xi32, #tpu.memory_space<vmem>>) semaphore(%arg12 : memref<!tpu.dma_semaphore, #tpu.memory_space<semaphore_mem>>)
    %dma_start3A_86 = arith.constant 0 : i32
    %dma_start3A_87 = arith.constant 4 : i32
    %dma_start3A_88 = arith.constant 0 : i32
    %dma_start3A_89 = arith.constant 0 : i32
    %dma_start3A_90 = tpu.memref_slice %arg7[%dma_start3A_87, %dma_start3A_88, %dma_start3A_89] : memref<25x8x512xi32, #tpu.memory_space<vmem>> -> memref<1x8x512xi32, #tpu.memory_space<vmem>>
    %dma_start3A_91 = arith.constant 4 : i32
    %dma_start3A_92 = tpu.memref_slice %arg6[%dma_start3A_86, %dma_start3A_91] : memref<2x16xi32, #tpu.memory_space<vmem>> -> memref<1x1xi32, #tpu.memory_space<vmem>>
    %dma_start3A_93 = tpu.memref_squeeze %dma_start3A_92 : memref<1x1xi32, #tpu.memory_space<vmem>> -> memref<1xi32, #tpu.memory_space<vmem>>
    %dma_start3A_94 = arith.constant 0 : i32
    %dma_start3A_95 = arith.constant 0 : i32
    %dma_start3A_96 = tpu.memref_slice %arg2[%dma_start3A_94, %dma_start3A_95, %mul3A_2] : memref<25x8x16384xi32, #tpu.memory_space<hbm>> -> memref<25x8x512xi32, #tpu.memory_space<hbm>>
    tpu.enqueue_indirect_dma source(%dma_start3A_96 : memref<25x8x512xi32, #tpu.memory_space<hbm>>) target(%dma_start3A_90 : memref<1x8x512xi32, #tpu.memory_space<vmem>>) offsets(%dma_start3A_93 : memref<1xi32, #tpu.memory_space<vmem>>) semaphore(%arg12 : memref<!tpu.dma_semaphore, #tpu.memory_space<semaphore_mem>>)
    %dma_start3A_97 = arith.constant 0 : i32
    %dma_start3A_98 = arith.constant 5 : i32
    %dma_start3A_99 = arith.constant 0 : i32
    %dma_start3A_100 = arith.constant 0 : i32
    %dma_start3A_101 = tpu.memref_slice %arg7[%dma_start3A_98, %dma_start3A_99, %dma_start3A_100] : memref<25x8x512xi32, #tpu.memory_space<vmem>> -> memref<1x8x512xi32, #tpu.memory_space<vmem>>
    %dma_start3A_102 = arith.constant 5 : i32
    %dma_start3A_103 = tpu.memref_slice %arg6[%dma_start3A_97, %dma_start3A_102] : memref<2x16xi32, #tpu.memory_space<vmem>> -> memref<1x1xi32, #tpu.memory_space<vmem>>
    %dma_start3A_104 = tpu.memref_squeeze %dma_start3A_103 : memref<1x1xi32, #tpu.memory_space<vmem>> -> memref<1xi32, #tpu.memory_space<vmem>>
    %dma_start3A_105 = arith.constant 0 : i32
    %dma_start3A_106 = arith.constant 0 : i32
    %dma_start3A_107 = tpu.memref_slice %arg2[%dma_start3A_105, %dma_start3A_106, %mul3A_2] : memref<25x8x16384xi32, #tpu.memory_space<hbm>> -> memref<25x8x512xi32, #tpu.memory_space<hbm>>
    tpu.enqueue_indirect_dma source(%dma_start3A_107 : memref<25x8x512xi32, #tpu.memory_space<hbm>>) target(%dma_start3A_101 : memref<1x8x512xi32, #tpu.memory_space<vmem>>) offsets(%dma_start3A_104 : memref<1xi32, #tpu.memory_space<vmem>>) semaphore(%arg12 : memref<!tpu.dma_semaphore, #tpu.memory_space<semaphore_mem>>)
    %dma_start3A_108 = arith.constant 0 : i32
    %dma_start3A_109 = arith.constant 6 : i32
    %dma_start3A_110 = arith.constant 0 : i32
    %dma_start3A_111 = arith.constant 0 : i32
    %dma_start3A_112 = tpu.memref_slice %arg7[%dma_start3A_109, %dma_start3A_110, %dma_start3A_111] : memref<25x8x512xi32, #tpu.memory_space<vmem>> -> memref<1x8x512xi32, #tpu.memory_space<vmem>>
    %dma_start3A_113 = arith.constant 6 : i32
    %dma_start3A_114 = tpu.memref_slice %arg6[%dma_start3A_108, %dma_start3A_113] : memref<2x16xi32, #tpu.memory_space<vmem>> -> memref<1x1xi32, #tpu.memory_space<vmem>>
    %dma_start3A_115 = tpu.memref_squeeze %dma_start3A_114 : memref<1x1xi32, #tpu.memory_space<vmem>> -> memref<1xi32, #tpu.memory_space<vmem>>
    %dma_start3A_116 = arith.constant 0 : i32
    %dma_start3A_117 = arith.constant 0 : i32
    %dma_start3A_118 = tpu.memref_slice %arg2[%dma_start3A_116, %dma_start3A_117, %mul3A_2] : memref<25x8x16384xi32, #tpu.memory_space<hbm>> -> memref<25x8x512xi32, #tpu.memory_space<hbm>>
    tpu.enqueue_indirect_dma source(%dma_start3A_118 : memref<25x8x512xi32, #tpu.memory_space<hbm>>) target(%dma_start3A_112 : memref<1x8x512xi32, #tpu.memory_space<vmem>>) offsets(%dma_start3A_115 : memref<1xi32, #tpu.memory_space<vmem>>) semaphore(%arg12 : memref<!tpu.dma_semaphore, #tpu.memory_space<semaphore_mem>>)
    %dma_start3A_119 = arith.constant 0 : i32
    %dma_start3A_120 = arith.constant 7 : i32
    %dma_start3A_121 = arith.constant 0 : i32
    %dma_start3A_122 = arith.constant 0 : i32
    %dma_start3A_123 = tpu.memref_slice %arg7[%dma_start3A_120, %dma_start3A_121, %dma_start3A_122] : memref<25x8x512xi32, #tpu.memory_space<vmem>> -> memref<1x8x512xi32, #tpu.memory_space<vmem>>
    %dma_start3A_124 = arith.constant 7 : i32
    %dma_start3A_125 = tpu.memref_slice %arg6[%dma_start3A_119, %dma_start3A_124] : memref<2x16xi32, #tpu.memory_space<vmem>> -> memref<1x1xi32, #tpu.memory_space<vmem>>
    %dma_start3A_126 = tpu.memref_squeeze %dma_start3A_125 : memref<1x1xi32, #tpu.memory_space<vmem>> -> memref<1xi32, #tpu.memory_space<vmem>>
    %dma_start3A_127 = arith.constant 0 : i32
    %dma_start3A_128 = arith.constant 0 : i32
    %dma_start3A_129 = tpu.memref_slice %arg2[%dma_start3A_127, %dma_start3A_128, %mul3A_2] : memref<25x8x16384xi32, #tpu.memory_space<hbm>> -> memref<25x8x512xi32, #tpu.memory_space<hbm>>
    tpu.enqueue_indirect_dma source(%dma_start3A_129 : memref<25x8x512xi32, #tpu.memory_space<hbm>>) target(%dma_start3A_123 : memref<1x8x512xi32, #tpu.memory_space<vmem>>) offsets(%dma_start3A_126 : memref<1xi32, #tpu.memory_space<vmem>>) semaphore(%arg12 : memref<!tpu.dma_semaphore, #tpu.memory_space<semaphore_mem>>)
    %dma_start3A_130 = arith.constant 0 : i32
    %dma_start3A_131 = arith.constant 8 : i32
    %dma_start3A_132 = arith.constant 0 : i32
    %dma_start3A_133 = arith.constant 0 : i32
    %dma_start3A_134 = tpu.memref_slice %arg7[%dma_start3A_131, %dma_start3A_132, %dma_start3A_133] : memref<25x8x512xi32, #tpu.memory_space<vmem>> -> memref<1x8x512xi32, #tpu.memory_space<vmem>>
    %dma_start3A_135 = arith.constant 8 : i32
    %dma_start3A_136 = tpu.memref_slice %arg6[%dma_start3A_130, %dma_start3A_135] : memref<2x16xi32, #tpu.memory_space<vmem>> -> memref<1x1xi32, #tpu.memory_space<vmem>>
    %dma_start3A_137 = tpu.memref_squeeze %dma_start3A_136 : memref<1x1xi32, #tpu.memory_space<vmem>> -> memref<1xi32, #tpu.memory_space<vmem>>
    %dma_start3A_138 = arith.constant 0 : i32
    %dma_start3A_139 = arith.constant 0 : i32
    %dma_start3A_140 = tpu.memref_slice %arg2[%dma_start3A_138, %dma_start3A_139, %mul3A_2] : memref<25x8x16384xi32, #tpu.memory_space<hbm>> -> memref<25x8x512xi32, #tpu.memory_space<hbm>>
    tpu.enqueue_indirect_dma source(%dma_start3A_140 : memref<25x8x512xi32, #tpu.memory_space<hbm>>) target(%dma_start3A_134 : memref<1x8x512xi32, #tpu.memory_space<vmem>>) offsets(%dma_start3A_137 : memref<1xi32, #tpu.memory_space<vmem>>) semaphore(%arg12 : memref<!tpu.dma_semaphore, #tpu.memory_space<semaphore_mem>>)
    %dma_start3A_141 = arith.constant 0 : i32
    %dma_start3A_142 = arith.constant 9 : i32
    %dma_start3A_143 = arith.constant 0 : i32
    %dma_start3A_144 = arith.constant 0 : i32
    %dma_start3A_145 = tpu.memref_slice %arg7[%dma_start3A_142, %dma_start3A_143, %dma_start3A_144] : memref<25x8x512xi32, #tpu.memory_space<vmem>> -> memref<1x8x512xi32, #tpu.memory_space<vmem>>
    %dma_start3A_146 = arith.constant 9 : i32
    %dma_start3A_147 = tpu.memref_slice %arg6[%dma_start3A_141, %dma_start3A_146] : memref<2x16xi32, #tpu.memory_space<vmem>> -> memref<1x1xi32, #tpu.memory_space<vmem>>
    %dma_start3A_148 = tpu.memref_squeeze %dma_start3A_147 : memref<1x1xi32, #tpu.memory_space<vmem>> -> memref<1xi32, #tpu.memory_space<vmem>>
    %dma_start3A_149 = arith.constant 0 : i32
    %dma_start3A_150 = arith.constant 0 : i32
    %dma_start3A_151 = tpu.memref_slice %arg2[%dma_start3A_149, %dma_start3A_150, %mul3A_2] : memref<25x8x16384xi32, #tpu.memory_space<hbm>> -> memref<25x8x512xi32, #tpu.memory_space<hbm>>
    tpu.enqueue_indirect_dma source(%dma_start3A_151 : memref<25x8x512xi32, #tpu.memory_space<hbm>>) target(%dma_start3A_145 : memref<1x8x512xi32, #tpu.memory_space<vmem>>) offsets(%dma_start3A_148 : memref<1xi32, #tpu.memory_space<vmem>>) semaphore(%arg12 : memref<!tpu.dma_semaphore, #tpu.memory_space<semaphore_mem>>)
    %dma_start3A_152 = arith.constant 0 : i32
    %dma_start3A_153 = arith.constant 10 : i32
    %dma_start3A_154 = arith.constant 0 : i32
    %dma_start3A_155 = arith.constant 0 : i32
    %dma_start3A_156 = tpu.memref_slice %arg7[%dma_start3A_153, %dma_start3A_154, %dma_start3A_155] : memref<25x8x512xi32, #tpu.memory_space<vmem>> -> memref<1x8x512xi32, #tpu.memory_space<vmem>>
    %dma_start3A_157 = arith.constant 10 : i32
    %dma_start3A_158 = tpu.memref_slice %arg6[%dma_start3A_152, %dma_start3A_157] : memref<2x16xi32, #tpu.memory_space<vmem>> -> memref<1x1xi32, #tpu.memory_space<vmem>>
    %dma_start3A_159 = tpu.memref_squeeze %dma_start3A_158 : memref<1x1xi32, #tpu.memory_space<vmem>> -> memref<1xi32, #tpu.memory_space<vmem>>
    %dma_start3A_160 = arith.constant 0 : i32
    %dma_start3A_161 = arith.constant 0 : i32
    %dma_start3A_162 = tpu.memref_slice %arg2[%dma_start3A_160, %dma_start3A_161, %mul3A_2] : memref<25x8x16384xi32, #tpu.memory_space<hbm>> -> memref<25x8x512xi32, #tpu.memory_space<hbm>>
    tpu.enqueue_indirect_dma source(%dma_start3A_162 : memref<25x8x512xi32, #tpu.memory_space<hbm>>) target(%dma_start3A_156 : memref<1x8x512xi32, #tpu.memory_space<vmem>>) offsets(%dma_start3A_159 : memref<1xi32, #tpu.memory_space<vmem>>) semaphore(%arg12 : memref<!tpu.dma_semaphore, #tpu.memory_space<semaphore_mem>>)
    %dma_start3A_163 = arith.constant 0 : i32
    %dma_start3A_164 = arith.constant 11 : i32
    %dma_start3A_165 = arith.constant 0 : i32
    %dma_start3A_166 = arith.constant 0 : i32
    %dma_start3A_167 = tpu.memref_slice %arg7[%dma_start3A_164, %dma_start3A_165, %dma_start3A_166] : memref<25x8x512xi32, #tpu.memory_space<vmem>> -> memref<1x8x512xi32, #tpu.memory_space<vmem>>
    %dma_start3A_168 = arith.constant 11 : i32
    %dma_start3A_169 = tpu.memref_slice %arg6[%dma_start3A_163, %dma_start3A_168] : memref<2x16xi32, #tpu.memory_space<vmem>> -> memref<1x1xi32, #tpu.memory_space<vmem>>
    %dma_start3A_170 = tpu.memref_squeeze %dma_start3A_169 : memref<1x1xi32, #tpu.memory_space<vmem>> -> memref<1xi32, #tpu.memory_space<vmem>>
    %dma_start3A_171 = arith.constant 0 : i32
    %dma_start3A_172 = arith.constant 0 : i32
    %dma_start3A_173 = tpu.memref_slice %arg2[%dma_start3A_171, %dma_start3A_172, %mul3A_2] : memref<25x8x16384xi32, #tpu.memory_space<hbm>> -> memref<25x8x512xi32, #tpu.memory_space<hbm>>
    tpu.enqueue_indirect_dma source(%dma_start3A_173 : memref<25x8x512xi32, #tpu.memory_space<hbm>>) target(%dma_start3A_167 : memref<1x8x512xi32, #tpu.memory_space<vmem>>) offsets(%dma_start3A_170 : memref<1xi32, #tpu.memory_space<vmem>>) semaphore(%arg12 : memref<!tpu.dma_semaphore, #tpu.memory_space<semaphore_mem>>)
    %dma_start3A_174 = arith.constant 0 : i32
    %dma_start3A_175 = arith.constant 12 : i32
    %dma_start3A_176 = arith.constant 0 : i32
    %dma_start3A_177 = arith.constant 0 : i32
    %dma_start3A_178 = tpu.memref_slice %arg7[%dma_start3A_175, %dma_start3A_176, %dma_start3A_177] : memref<25x8x512xi32, #tpu.memory_space<vmem>> -> memref<1x8x512xi32, #tpu.memory_space<vmem>>
    %dma_start3A_179 = arith.constant 12 : i32
    %dma_start3A_180 = tpu.memref_slice %arg6[%dma_start3A_174, %dma_start3A_179] : memref<2x16xi32, #tpu.memory_space<vmem>> -> memref<1x1xi32, #tpu.memory_space<vmem>>
    %dma_start3A_181 = tpu.memref_squeeze %dma_start3A_180 : memref<1x1xi32, #tpu.memory_space<vmem>> -> memref<1xi32, #tpu.memory_space<vmem>>
    %dma_start3A_182 = arith.constant 0 : i32
    %dma_start3A_183 = arith.constant 0 : i32
    %dma_start3A_184 = tpu.memref_slice %arg2[%dma_start3A_182, %dma_start3A_183, %mul3A_2] : memref<25x8x16384xi32, #tpu.memory_space<hbm>> -> memref<25x8x512xi32, #tpu.memory_space<hbm>>
    tpu.enqueue_indirect_dma source(%dma_start3A_184 : memref<25x8x512xi32, #tpu.memory_space<hbm>>) target(%dma_start3A_178 : memref<1x8x512xi32, #tpu.memory_space<vmem>>) offsets(%dma_start3A_181 : memref<1xi32, #tpu.memory_space<vmem>>) semaphore(%arg12 : memref<!tpu.dma_semaphore, #tpu.memory_space<semaphore_mem>>)
    %dma_start3A_185 = arith.constant 0 : i32
    %dma_start3A_186 = arith.constant 13 : i32
    %dma_start3A_187 = arith.constant 0 : i32
    %dma_start3A_188 = arith.constant 0 : i32
    %dma_start3A_189 = tpu.memref_slice %arg7[%dma_start3A_186, %dma_start3A_187, %dma_start3A_188] : memref<25x8x512xi32, #tpu.memory_space<vmem>> -> memref<1x8x512xi32, #tpu.memory_space<vmem>>
    %dma_start3A_190 = arith.constant 13 : i32
    %dma_start3A_191 = tpu.memref_slice %arg6[%dma_start3A_185, %dma_start3A_190] : memref<2x16xi32, #tpu.memory_space<vmem>> -> memref<1x1xi32, #tpu.memory_space<vmem>>
    %dma_start3A_192 = tpu.memref_squeeze %dma_start3A_191 : memref<1x1xi32, #tpu.memory_space<vmem>> -> memref<1xi32, #tpu.memory_space<vmem>>
    %dma_start3A_193 = arith.constant 0 : i32
    %dma_start3A_194 = arith.constant 0 : i32
    %dma_start3A_195 = tpu.memref_slice %arg2[%dma_start3A_193, %dma_start3A_194, %mul3A_2] : memref<25x8x16384xi32, #tpu.memory_space<hbm>> -> memref<25x8x512xi32, #tpu.memory_space<hbm>>
    tpu.enqueue_indirect_dma source(%dma_start3A_195 : memref<25x8x512xi32, #tpu.memory_space<hbm>>) target(%dma_start3A_189 : memref<1x8x512xi32, #tpu.memory_space<vmem>>) offsets(%dma_start3A_192 : memref<1xi32, #tpu.memory_space<vmem>>) semaphore(%arg12 : memref<!tpu.dma_semaphore, #tpu.memory_space<semaphore_mem>>)
    %dma_start3A_196 = arith.constant 0 : i32
    %dma_start3A_197 = arith.constant 14 : i32
    %dma_start3A_198 = arith.constant 0 : i32
    %dma_start3A_199 = arith.constant 0 : i32
    %dma_start3A_200 = tpu.memref_slice %arg7[%dma_start3A_197, %dma_start3A_198, %dma_start3A_199] : memref<25x8x512xi32, #tpu.memory_space<vmem>> -> memref<1x8x512xi32, #tpu.memory_space<vmem>>
    %dma_start3A_201 = arith.constant 14 : i32
    %dma_start3A_202 = tpu.memref_slice %arg6[%dma_start3A_196, %dma_start3A_201] : memref<2x16xi32, #tpu.memory_space<vmem>> -> memref<1x1xi32, #tpu.memory_space<vmem>>
    %dma_start3A_203 = tpu.memref_squeeze %dma_start3A_202 : memref<1x1xi32, #tpu.memory_space<vmem>> -> memref<1xi32, #tpu.memory_space<vmem>>
    %dma_start3A_204 = arith.constant 0 : i32
    %dma_start3A_205 = arith.constant 0 : i32
    %dma_start3A_206 = tpu.memref_slice %arg2[%dma_start3A_204, %dma_start3A_205, %mul3A_2] : memref<25x8x16384xi32, #tpu.memory_space<hbm>> -> memref<25x8x512xi32, #tpu.memory_space<hbm>>
    tpu.enqueue_indirect_dma source(%dma_start3A_206 : memref<25x8x512xi32, #tpu.memory_space<hbm>>) target(%dma_start3A_200 : memref<1x8x512xi32, #tpu.memory_space<vmem>>) offsets(%dma_start3A_203 : memref<1xi32, #tpu.memory_space<vmem>>) semaphore(%arg12 : memref<!tpu.dma_semaphore, #tpu.memory_space<semaphore_mem>>)
    %dma_start3A_207 = arith.constant 0 : i32
    %dma_start3A_208 = arith.constant 15 : i32
    %dma_start3A_209 = arith.constant 0 : i32
    %dma_start3A_210 = arith.constant 0 : i32
    %dma_start3A_211 = tpu.memref_slice %arg7[%dma_start3A_208, %dma_start3A_209, %dma_start3A_210] : memref<25x8x512xi32, #tpu.memory_space<vmem>> -> memref<1x8x512xi32, #tpu.memory_space<vmem>>
    %dma_start3A_212 = arith.constant 15 : i32
    %dma_start3A_213 = tpu.memref_slice %arg6[%dma_start3A_207, %dma_start3A_212] : memref<2x16xi32, #tpu.memory_space<vmem>> -> memref<1x1xi32, #tpu.memory_space<vmem>>
    %dma_start3A_214 = tpu.memref_squeeze %dma_start3A_213 : memref<1x1xi32, #tpu.memory_space<vmem>> -> memref<1xi32, #tpu.memory_space<vmem>>
    %dma_start3A_215 = arith.constant 0 : i32
    %dma_start3A_216 = arith.constant 0 : i32
    %dma_start3A_217 = tpu.memref_slice %arg2[%dma_start3A_215, %dma_start3A_216, %mul3A_2] : memref<25x8x16384xi32, #tpu.memory_space<hbm>> -> memref<25x8x512xi32, #tpu.memory_space<hbm>>
    tpu.enqueue_indirect_dma source(%dma_start3A_217 : memref<25x8x512xi32, #tpu.memory_space<hbm>>) target(%dma_start3A_211 : memref<1x8x512xi32, #tpu.memory_space<vmem>>) offsets(%dma_start3A_214 : memref<1xi32, #tpu.memory_space<vmem>>) semaphore(%arg12 : memref<!tpu.dma_semaphore, #tpu.memory_space<semaphore_mem>>)
    %dma_start3A_218 = arith.constant 1 : i32
    %dma_start3A_219 = arith.constant 16 : i32
    %dma_start3A_220 = arith.constant 0 : i32
    %dma_start3A_221 = arith.constant 0 : i32
    %dma_start3A_222 = tpu.memref_slice %arg7[%dma_start3A_219, %dma_start3A_220, %dma_start3A_221] : memref<25x8x512xi32, #tpu.memory_space<vmem>> -> memref<1x8x512xi32, #tpu.memory_space<vmem>>
    %dma_start3A_223 = arith.constant 0 : i32
    %dma_start3A_224 = tpu.memref_slice %arg6[%dma_start3A_218, %dma_start3A_223] : memref<2x16xi32, #tpu.memory_space<vmem>> -> memref<1x1xi32, #tpu.memory_space<vmem>>
    %dma_start3A_225 = tpu.memref_squeeze %dma_start3A_224 : memref<1x1xi32, #tpu.memory_space<vmem>> -> memref<1xi32, #tpu.memory_space<vmem>>
    %dma_start3A_226 = arith.constant 0 : i32
    %dma_start3A_227 = arith.constant 0 : i32
    %dma_start3A_228 = tpu.memref_slice %arg2[%dma_start3A_226, %dma_start3A_227, %mul3A_2] : memref<25x8x16384xi32, #tpu.memory_space<hbm>> -> memref<25x8x512xi32, #tpu.memory_space<hbm>>
    tpu.enqueue_indirect_dma source(%dma_start3A_228 : memref<25x8x512xi32, #tpu.memory_space<hbm>>) target(%dma_start3A_222 : memref<1x8x512xi32, #tpu.memory_space<vmem>>) offsets(%dma_start3A_225 : memref<1xi32, #tpu.memory_space<vmem>>) semaphore(%arg12 : memref<!tpu.dma_semaphore, #tpu.memory_space<semaphore_mem>>)
    %dma_start3A_229 = arith.constant 1 : i32
    %dma_start3A_230 = arith.constant 17 : i32
    %dma_start3A_231 = arith.constant 0 : i32
    %dma_start3A_232 = arith.constant 0 : i32
    %dma_start3A_233 = tpu.memref_slice %arg7[%dma_start3A_230, %dma_start3A_231, %dma_start3A_232] : memref<25x8x512xi32, #tpu.memory_space<vmem>> -> memref<1x8x512xi32, #tpu.memory_space<vmem>>
    %dma_start3A_234 = arith.constant 1 : i32
    %dma_start3A_235 = tpu.memref_slice %arg6[%dma_start3A_229, %dma_start3A_234] : memref<2x16xi32, #tpu.memory_space<vmem>> -> memref<1x1xi32, #tpu.memory_space<vmem>>
    %dma_start3A_236 = tpu.memref_squeeze %dma_start3A_235 : memref<1x1xi32, #tpu.memory_space<vmem>> -> memref<1xi32, #tpu.memory_space<vmem>>
    %dma_start3A_237 = arith.constant 0 : i32
    %dma_start3A_238 = arith.constant 0 : i32
    %dma_start3A_239 = tpu.memref_slice %arg2[%dma_start3A_237, %dma_start3A_238, %mul3A_2] : memref<25x8x16384xi32, #tpu.memory_space<hbm>> -> memref<25x8x512xi32, #tpu.memory_space<hbm>>
    tpu.enqueue_indirect_dma source(%dma_start3A_239 : memref<25x8x512xi32, #tpu.memory_space<hbm>>) target(%dma_start3A_233 : memref<1x8x512xi32, #tpu.memory_space<vmem>>) offsets(%dma_start3A_236 : memref<1xi32, #tpu.memory_space<vmem>>) semaphore(%arg12 : memref<!tpu.dma_semaphore, #tpu.memory_space<semaphore_mem>>)
    %dma_start3A_240 = arith.constant 1 : i32
    %dma_start3A_241 = arith.constant 18 : i32
    %dma_start3A_242 = arith.constant 0 : i32
    %dma_start3A_243 = arith.constant 0 : i32
    %dma_start3A_244 = tpu.memref_slice %arg7[%dma_start3A_241, %dma_start3A_242, %dma_start3A_243] : memref<25x8x512xi32, #tpu.memory_space<vmem>> -> memref<1x8x512xi32, #tpu.memory_space<vmem>>
    %dma_start3A_245 = arith.constant 2 : i32
    %dma_start3A_246 = tpu.memref_slice %arg6[%dma_start3A_240, %dma_start3A_245] : memref<2x16xi32, #tpu.memory_space<vmem>> -> memref<1x1xi32, #tpu.memory_space<vmem>>
    %dma_start3A_247 = tpu.memref_squeeze %dma_start3A_246 : memref<1x1xi32, #tpu.memory_space<vmem>> -> memref<1xi32, #tpu.memory_space<vmem>>
    %dma_start3A_248 = arith.constant 0 : i32
    %dma_start3A_249 = arith.constant 0 : i32
    %dma_start3A_250 = tpu.memref_slice %arg2[%dma_start3A_248, %dma_start3A_249, %mul3A_2] : memref<25x8x16384xi32, #tpu.memory_space<hbm>> -> memref<25x8x512xi32, #tpu.memory_space<hbm>>
    tpu.enqueue_indirect_dma source(%dma_start3A_250 : memref<25x8x512xi32, #tpu.memory_space<hbm>>) target(%dma_start3A_244 : memref<1x8x512xi32, #tpu.memory_space<vmem>>) offsets(%dma_start3A_247 : memref<1xi32, #tpu.memory_space<vmem>>) semaphore(%arg12 : memref<!tpu.dma_semaphore, #tpu.memory_space<semaphore_mem>>)
    %dma_start3A_251 = arith.constant 1 : i32
    %dma_start3A_252 = arith.constant 19 : i32
    %dma_start3A_253 = arith.constant 0 : i32
    %dma_start3A_254 = arith.constant 0 : i32
    %dma_start3A_255 = tpu.memref_slice %arg7[%dma_start3A_252, %dma_start3A_253, %dma_start3A_254] : memref<25x8x512xi32, #tpu.memory_space<vmem>> -> memref<1x8x512xi32, #tpu.memory_space<vmem>>
    %dma_start3A_256 = arith.constant 3 : i32
    %dma_start3A_257 = tpu.memref_slice %arg6[%dma_start3A_251, %dma_start3A_256] : memref<2x16xi32, #tpu.memory_space<vmem>> -> memref<1x1xi32, #tpu.memory_space<vmem>>
    %dma_start3A_258 = tpu.memref_squeeze %dma_start3A_257 : memref<1x1xi32, #tpu.memory_space<vmem>> -> memref<1xi32, #tpu.memory_space<vmem>>
    %dma_start3A_259 = arith.constant 0 : i32
    %dma_start3A_260 = arith.constant 0 : i32
    %dma_start3A_261 = tpu.memref_slice %arg2[%dma_start3A_259, %dma_start3A_260, %mul3A_2] : memref<25x8x16384xi32, #tpu.memory_space<hbm>> -> memref<25x8x512xi32, #tpu.memory_space<hbm>>
    tpu.enqueue_indirect_dma source(%dma_start3A_261 : memref<25x8x512xi32, #tpu.memory_space<hbm>>) target(%dma_start3A_255 : memref<1x8x512xi32, #tpu.memory_space<vmem>>) offsets(%dma_start3A_258 : memref<1xi32, #tpu.memory_space<vmem>>) semaphore(%arg12 : memref<!tpu.dma_semaphore, #tpu.memory_space<semaphore_mem>>)
    %dma_start3A_262 = arith.constant 1 : i32
    %dma_start3A_263 = arith.constant 20 : i32
    %dma_start3A_264 = arith.constant 0 : i32
    %dma_start3A_265 = arith.constant 0 : i32
    %dma_start3A_266 = tpu.memref_slice %arg7[%dma_start3A_263, %dma_start3A_264, %dma_start3A_265] : memref<25x8x512xi32, #tpu.memory_space<vmem>> -> memref<1x8x512xi32, #tpu.memory_space<vmem>>
    %dma_start3A_267 = arith.constant 4 : i32
    %dma_start3A_268 = tpu.memref_slice %arg6[%dma_start3A_262, %dma_start3A_267] : memref<2x16xi32, #tpu.memory_space<vmem>> -> memref<1x1xi32, #tpu.memory_space<vmem>>
    %dma_start3A_269 = tpu.memref_squeeze %dma_start3A_268 : memref<1x1xi32, #tpu.memory_space<vmem>> -> memref<1xi32, #tpu.memory_space<vmem>>
    %dma_start3A_270 = arith.constant 0 : i32
    %dma_start3A_271 = arith.constant 0 : i32
    %dma_start3A_272 = tpu.memref_slice %arg2[%dma_start3A_270, %dma_start3A_271, %mul3A_2] : memref<25x8x16384xi32, #tpu.memory_space<hbm>> -> memref<25x8x512xi32, #tpu.memory_space<hbm>>
    tpu.enqueue_indirect_dma source(%dma_start3A_272 : memref<25x8x512xi32, #tpu.memory_space<hbm>>) target(%dma_start3A_266 : memref<1x8x512xi32, #tpu.memory_space<vmem>>) offsets(%dma_start3A_269 : memref<1xi32, #tpu.memory_space<vmem>>) semaphore(%arg12 : memref<!tpu.dma_semaphore, #tpu.memory_space<semaphore_mem>>)
    %dma_start3A_273 = arith.constant 1 : i32
    %dma_start3A_274 = arith.constant 21 : i32
    %dma_start3A_275 = arith.constant 0 : i32
    %dma_start3A_276 = arith.constant 0 : i32
    %dma_start3A_277 = tpu.memref_slice %arg7[%dma_start3A_274, %dma_start3A_275, %dma_start3A_276] : memref<25x8x512xi32, #tpu.memory_space<vmem>> -> memref<1x8x512xi32, #tpu.memory_space<vmem>>
    %dma_start3A_278 = arith.constant 5 : i32
    %dma_start3A_279 = tpu.memref_slice %arg6[%dma_start3A_273, %dma_start3A_278] : memref<2x16xi32, #tpu.memory_space<vmem>> -> memref<1x1xi32, #tpu.memory_space<vmem>>
    %dma_start3A_280 = tpu.memref_squeeze %dma_start3A_279 : memref<1x1xi32, #tpu.memory_space<vmem>> -> memref<1xi32, #tpu.memory_space<vmem>>
    %dma_start3A_281 = arith.constant 0 : i32
    %dma_start3A_282 = arith.constant 0 : i32
    %dma_start3A_283 = tpu.memref_slice %arg2[%dma_start3A_281, %dma_start3A_282, %mul3A_2] : memref<25x8x16384xi32, #tpu.memory_space<hbm>> -> memref<25x8x512xi32, #tpu.memory_space<hbm>>
    tpu.enqueue_indirect_dma source(%dma_start3A_283 : memref<25x8x512xi32, #tpu.memory_space<hbm>>) target(%dma_start3A_277 : memref<1x8x512xi32, #tpu.memory_space<vmem>>) offsets(%dma_start3A_280 : memref<1xi32, #tpu.memory_space<vmem>>) semaphore(%arg12 : memref<!tpu.dma_semaphore, #tpu.memory_space<semaphore_mem>>)
    %dma_start3A_284 = arith.constant 1 : i32
    %dma_start3A_285 = arith.constant 22 : i32
    %dma_start3A_286 = arith.constant 0 : i32
    %dma_start3A_287 = arith.constant 0 : i32
    %dma_start3A_288 = tpu.memref_slice %arg7[%dma_start3A_285, %dma_start3A_286, %dma_start3A_287] : memref<25x8x512xi32, #tpu.memory_space<vmem>> -> memref<1x8x512xi32, #tpu.memory_space<vmem>>
    %dma_start3A_289 = arith.constant 6 : i32
    %dma_start3A_290 = tpu.memref_slice %arg6[%dma_start3A_284, %dma_start3A_289] : memref<2x16xi32, #tpu.memory_space<vmem>> -> memref<1x1xi32, #tpu.memory_space<vmem>>
    %dma_start3A_291 = tpu.memref_squeeze %dma_start3A_290 : memref<1x1xi32, #tpu.memory_space<vmem>> -> memref<1xi32, #tpu.memory_space<vmem>>
    %dma_start3A_292 = arith.constant 0 : i32
    %dma_start3A_293 = arith.constant 0 : i32
    %dma_start3A_294 = tpu.memref_slice %arg2[%dma_start3A_292, %dma_start3A_293, %mul3A_2] : memref<25x8x16384xi32, #tpu.memory_space<hbm>> -> memref<25x8x512xi32, #tpu.memory_space<hbm>>
    tpu.enqueue_indirect_dma source(%dma_start3A_294 : memref<25x8x512xi32, #tpu.memory_space<hbm>>) target(%dma_start3A_288 : memref<1x8x512xi32, #tpu.memory_space<vmem>>) offsets(%dma_start3A_291 : memref<1xi32, #tpu.memory_space<vmem>>) semaphore(%arg12 : memref<!tpu.dma_semaphore, #tpu.memory_space<semaphore_mem>>)
    %dma_start3A_295 = arith.constant 1 : i32
    %dma_start3A_296 = arith.constant 23 : i32
    %dma_start3A_297 = arith.constant 0 : i32
    %dma_start3A_298 = arith.constant 0 : i32
    %dma_start3A_299 = tpu.memref_slice %arg7[%dma_start3A_296, %dma_start3A_297, %dma_start3A_298] : memref<25x8x512xi32, #tpu.memory_space<vmem>> -> memref<1x8x512xi32, #tpu.memory_space<vmem>>
    %dma_start3A_300 = arith.constant 7 : i32
    %dma_start3A_301 = tpu.memref_slice %arg6[%dma_start3A_295, %dma_start3A_300] : memref<2x16xi32, #tpu.memory_space<vmem>> -> memref<1x1xi32, #tpu.memory_space<vmem>>
    %dma_start3A_302 = tpu.memref_squeeze %dma_start3A_301 : memref<1x1xi32, #tpu.memory_space<vmem>> -> memref<1xi32, #tpu.memory_space<vmem>>
    %dma_start3A_303 = arith.constant 0 : i32
    %dma_start3A_304 = arith.constant 0 : i32
    %dma_start3A_305 = tpu.memref_slice %arg2[%dma_start3A_303, %dma_start3A_304, %mul3A_2] : memref<25x8x16384xi32, #tpu.memory_space<hbm>> -> memref<25x8x512xi32, #tpu.memory_space<hbm>>
    tpu.enqueue_indirect_dma source(%dma_start3A_305 : memref<25x8x512xi32, #tpu.memory_space<hbm>>) target(%dma_start3A_299 : memref<1x8x512xi32, #tpu.memory_space<vmem>>) offsets(%dma_start3A_302 : memref<1xi32, #tpu.memory_space<vmem>>) semaphore(%arg12 : memref<!tpu.dma_semaphore, #tpu.memory_space<semaphore_mem>>)
    %dma_start3A_306 = arith.constant 1 : i32
    %dma_start3A_307 = arith.constant 24 : i32
    %dma_start3A_308 = arith.constant 0 : i32
    %dma_start3A_309 = arith.constant 0 : i32
    %dma_start3A_310 = tpu.memref_slice %arg7[%dma_start3A_307, %dma_start3A_308, %dma_start3A_309] : memref<25x8x512xi32, #tpu.memory_space<vmem>> -> memref<1x8x512xi32, #tpu.memory_space<vmem>>
    %dma_start3A_311 = arith.constant 8 : i32
    %dma_start3A_312 = tpu.memref_slice %arg6[%dma_start3A_306, %dma_start3A_311] : memref<2x16xi32, #tpu.memory_space<vmem>> -> memref<1x1xi32, #tpu.memory_space<vmem>>
    %dma_start3A_313 = tpu.memref_squeeze %dma_start3A_312 : memref<1x1xi32, #tpu.memory_space<vmem>> -> memref<1xi32, #tpu.memory_space<vmem>>
    %dma_start3A_314 = arith.constant 0 : i32
    %dma_start3A_315 = arith.constant 0 : i32
    %dma_start3A_316 = tpu.memref_slice %arg2[%dma_start3A_314, %dma_start3A_315, %mul3A_2] : memref<25x8x16384xi32, #tpu.memory_space<hbm>> -> memref<25x8x512xi32, #tpu.memory_space<hbm>>
    tpu.enqueue_indirect_dma source(%dma_start3A_316 : memref<25x8x512xi32, #tpu.memory_space<hbm>>) target(%dma_start3A_310 : memref<1x8x512xi32, #tpu.memory_space<vmem>>) offsets(%dma_start3A_313 : memref<1xi32, #tpu.memory_space<vmem>>) semaphore(%arg12 : memref<!tpu.dma_semaphore, #tpu.memory_space<semaphore_mem>>)
    %dma_wait3A = arith.constant 0 : i32
    %dma_wait3A_317 = arith.constant 0 : i32
    %dma_wait3A_318 = arith.constant 0 : i32
    %dma_wait3A_319 = arith.constant 0 : i32
    %dma_wait3A_320 = tpu.memref_slice %arg7[%dma_wait3A_317, %dma_wait3A_318, %dma_wait3A_319] : memref<25x8x512xi32, #tpu.memory_space<vmem>> -> memref<1x8x512xi32, #tpu.memory_space<vmem>>
    %dma_wait3A_321 = arith.constant 0 : i32
    %dma_wait3A_322 = tpu.memref_slice %arg6[%dma_wait3A, %dma_wait3A_321] : memref<2x16xi32, #tpu.memory_space<vmem>> -> memref<1x1xi32, #tpu.memory_space<vmem>>
    %dma_wait3A_323 = tpu.memref_squeeze %dma_wait3A_322 : memref<1x1xi32, #tpu.memory_space<vmem>> -> memref<1xi32, #tpu.memory_space<vmem>>
    %dma_wait3A_324 = arith.constant 0 : i32
    %dma_wait3A_325 = arith.constant 0 : i32
    %dma_wait3A_326 = tpu.memref_slice %arg2[%dma_wait3A_324, %dma_wait3A_325, %mul3A_2] : memref<25x8x16384xi32, #tpu.memory_space<hbm>> -> memref<25x8x512xi32, #tpu.memory_space<hbm>>
    tpu.wait_indirect_dma semaphore(%arg12 : memref<!tpu.dma_semaphore, #tpu.memory_space<semaphore_mem>>) src(%dma_wait3A_326 : memref<25x8x512xi32, #tpu.memory_space<hbm>>) dst(%dma_wait3A_320 : memref<1x8x512xi32, #tpu.memory_space<vmem>>)
    %parallel_loop3A = arith.constant 0 : i32
    %parallel_loop3A_327 = arith.constant 256 : i32
    %parallel_loop3A_328 = arith.constant 1 : i32
    scf.for %parallel_loop3A_1015 = %parallel_loop3A to %parallel_loop3A_327 step %parallel_loop3A_328  : i32 {
      %parallel_loop3A_1016 = arith.constant 32 : i32
      %parallel_loop3A_1017 = arith.divsi %parallel_loop3A_1015, %parallel_loop3A_1016 : i32
      %parallel_loop3A_1018 = arith.constant 0 : i32
      %parallel_loop3A_1019 = arith.cmpi sgt, %parallel_loop3A_1015, %parallel_loop3A_1018 : i32
      %parallel_loop3A_1020 = arith.extui %parallel_loop3A_1019 : i1 to i32
      %parallel_loop3A_1021 = arith.constant 0 : i32
      %parallel_loop3A_1022 = arith.cmpi slt, %parallel_loop3A_1015, %parallel_loop3A_1021 : i32
      %parallel_loop3A_1023 = arith.extui %parallel_loop3A_1022 : i1 to i32
      %parallel_loop3A_1024 = arith.subi %parallel_loop3A_1020, %parallel_loop3A_1023 : i32
      %parallel_loop3A_1025 = arith.constant 0 : i32
      %parallel_loop3A_1026 = arith.cmpi sgt, %parallel_loop3A_1016, %parallel_loop3A_1025 : i32
      %parallel_loop3A_1027 = arith.extui %parallel_loop3A_1026 : i1 to i32
      %parallel_loop3A_1028 = arith.constant 0 : i32
      %parallel_loop3A_1029 = arith.cmpi slt, %parallel_loop3A_1016, %parallel_loop3A_1028 : i32
      %parallel_loop3A_1030 = arith.extui %parallel_loop3A_1029 : i1 to i32
      %parallel_loop3A_1031 = arith.subi %parallel_loop3A_1027, %parallel_loop3A_1030 : i32
      %parallel_loop3A_1032 = arith.cmpi ne, %parallel_loop3A_1024, %parallel_loop3A_1031 : i32
      %parallel_loop3A_1033 = arith.remsi %parallel_loop3A_1015, %parallel_loop3A_1016 : i32
      %parallel_loop3A_1034 = arith.constant 0 : i32
      %parallel_loop3A_1035 = arith.cmpi ne, %parallel_loop3A_1033, %parallel_loop3A_1034 : i32
      %parallel_loop3A_1036 = arith.andi %parallel_loop3A_1032, %parallel_loop3A_1035 : i1
      %parallel_loop3A_1037 = arith.constant 1 : i32
      %parallel_loop3A_1038 = arith.subi %parallel_loop3A_1017, %parallel_loop3A_1037 : i32
      %parallel_loop3A_1039 = arith.select %parallel_loop3A_1036, %parallel_loop3A_1038, %parallel_loop3A_1017 : i32
      %parallel_loop3A_1040 = arith.constant 32 : i32
      %parallel_loop3A_1041 = arith.constant 0 : i32
      %parallel_loop3A_1042 = arith.cmpi eq, %parallel_loop3A_1040, %parallel_loop3A_1041 : i32
      %parallel_loop3A_1043 = arith.constant 1 : i32
      %parallel_loop3A_1044 = arith.select %parallel_loop3A_1042, %parallel_loop3A_1043, %parallel_loop3A_1040 : i32
      %parallel_loop3A_1045 = arith.remsi %parallel_loop3A_1015, %parallel_loop3A_1044 : i32
      %parallel_loop3A_1046 = arith.constant 0 : i32
      %parallel_loop3A_1047 = arith.cmpi ne, %parallel_loop3A_1045, %parallel_loop3A_1046 : i32
      %parallel_loop3A_1048 = arith.constant 0 : i32
      %parallel_loop3A_1049 = arith.cmpi slt, %parallel_loop3A_1045, %parallel_loop3A_1048 : i32
      %parallel_loop3A_1050 = arith.constant 0 : i32
      %parallel_loop3A_1051 = arith.cmpi slt, %parallel_loop3A_1044, %parallel_loop3A_1050 : i32
      %parallel_loop3A_1052 = arith.xori %parallel_loop3A_1049, %parallel_loop3A_1051 : i1
      %parallel_loop3A_1053 = arith.andi %parallel_loop3A_1052, %parallel_loop3A_1047 : i1
      %parallel_loop3A_1054 = arith.addi %parallel_loop3A_1045, %parallel_loop3A_1044 : i32
      %parallel_loop3A_1055 = arith.select %parallel_loop3A_1053, %parallel_loop3A_1054, %parallel_loop3A_1045 : i32
      %parallel_loop3A_1056 = arith.constant 16 : i32
      %parallel_loop3A_1057 = arith.muli %parallel_loop3A_1055, %parallel_loop3A_1056 : i32
      %parallel_loop3A_1058 = arith.constant 0 : i32
      %parallel_loop3A_1059 = arith.index_cast %parallel_loop3A_1058 : i32 to index
      %parallel_loop3A_1060 = arith.index_cast %parallel_loop3A_1039 : i32 to index
      %parallel_loop3A_1061 = arith.index_cast %parallel_loop3A_1057 : i32 to index
      %parallel_loop3A_1062 = tpu.vector_load %arg7[%parallel_loop3A_1059, %parallel_loop3A_1060, %parallel_loop3A_1061] {strides = array<i32>} : memref<25x8x512xi32, #tpu.memory_space<vmem>>, vector<16xi32>,
      %parallel_loop3A_1063 = tpu.vector_load_idx %arg5[%parallel_loop3A_1062] : memref<16xi32, #tpu.memory_space<vmem>>[vector<16xi32>], vector<16xi32>,
      %parallel_loop3A_1064 = arith.constant 0 : i32
      %parallel_loop3A_1065 = arith.index_cast %parallel_loop3A_1064 : i32 to index
      %parallel_loop3A_1066 = arith.index_cast %parallel_loop3A_1039 : i32 to index
      %parallel_loop3A_1067 = arith.index_cast %parallel_loop3A_1057 : i32 to index
      %parallel_loop3A_1068 = tpu.vector_load %arg8[%parallel_loop3A_1065, %parallel_loop3A_1066, %parallel_loop3A_1067] {strides = array<i32>} : memref<1x8x512xi32, #tpu.memory_space<vmem>>, vector<16xi32>,
      tpu.vector_store %arg8[%parallel_loop3A_1065, %parallel_loop3A_1066, %parallel_loop3A_1067], %parallel_loop3A_1063 {strides = array<i32>} : memref<1x8x512xi32, #tpu.memory_space<vmem>>, vector<16xi32>,
    } {sc.loop_unroll_factor = 8 : i64, sc.parallel_access}
    %dma_start3A_329 = arith.constant 0 : i32
    %dma_start3A_330 = arith.constant 0 : i32
    %dma_start3A_331 = tpu.memref_slice %arg6[%dma_start3A_329, %dma_start3A_330] : memref<2x16xi32, #tpu.memory_space<vmem>> -> memref<1x1xi32, #tpu.memory_space<vmem>>
    %dma_start3A_332 = tpu.memref_squeeze %dma_start3A_331 : memref<1x1xi32, #tpu.memory_space<vmem>> -> memref<1xi32, #tpu.memory_space<vmem>>
    %dma_start3A_333 = arith.constant 0 : i32
    %dma_start3A_334 = arith.constant 0 : i32
    %dma_start3A_335 = tpu.memref_slice %arg4[%dma_start3A_333, %dma_start3A_334, %mul3A_2] : memref<25x8x16384xi32, #tpu.memory_space<hbm>> -> memref<25x8x512xi32, #tpu.memory_space<hbm>>
    tpu.enqueue_indirect_dma source(%arg8 : memref<1x8x512xi32, #tpu.memory_space<vmem>>) target(%dma_start3A_335 : memref<25x8x512xi32, #tpu.memory_space<hbm>>) offsets(%dma_start3A_332 : memref<1xi32, #tpu.memory_space<vmem>>) semaphore(%arg13 : memref<!tpu.dma_semaphore, #tpu.memory_space<semaphore_mem>>)
    %dma_wait3A_336 = arith.constant 0 : i32
    %dma_wait3A_337 = arith.constant 1 : i32
    %dma_wait3A_338 = arith.constant 0 : i32
    %dma_wait3A_339 = arith.constant 0 : i32
    %dma_wait3A_340 = tpu.memref_slice %arg7[%dma_wait3A_337, %dma_wait3A_338, %dma_wait3A_339] : memref<25x8x512xi32, #tpu.memory_space<vmem>> -> memref<1x8x512xi32, #tpu.memory_space<vmem>>
    %dma_wait3A_341 = arith.constant 1 : i32
    %dma_wait3A_342 = tpu.memref_slice %arg6[%dma_wait3A_336, %dma_wait3A_341] : memref<2x16xi32, #tpu.memory_space<vmem>> -> memref<1x1xi32, #tpu.memory_space<vmem>>
    %dma_wait3A_343 = tpu.memref_squeeze %dma_wait3A_342 : memref<1x1xi32, #tpu.memory_space<vmem>> -> memref<1xi32, #tpu.memory_space<vmem>>
    %dma_wait3A_344 = arith.constant 0 : i32
    %dma_wait3A_345 = arith.constant 0 : i32
    %dma_wait3A_346 = tpu.memref_slice %arg2[%dma_wait3A_344, %dma_wait3A_345, %mul3A_2] : memref<25x8x16384xi32, #tpu.memory_space<hbm>> -> memref<25x8x512xi32, #tpu.memory_space<hbm>>
    tpu.wait_indirect_dma semaphore(%arg12 : memref<!tpu.dma_semaphore, #tpu.memory_space<semaphore_mem>>) src(%dma_wait3A_346 : memref<25x8x512xi32, #tpu.memory_space<hbm>>) dst(%dma_wait3A_340 : memref<1x8x512xi32, #tpu.memory_space<vmem>>)
    %parallel_loop3A_347 = arith.constant 0 : i32
    %parallel_loop3A_348 = arith.constant 256 : i32
    %parallel_loop3A_349 = arith.constant 1 : i32
    scf.for %parallel_loop3A_1015 = %parallel_loop3A_347 to %parallel_loop3A_348 step %parallel_loop3A_349  : i32 {
      %parallel_loop3A_1016 = arith.constant 32 : i32
      %parallel_loop3A_1017 = arith.divsi %parallel_loop3A_1015, %parallel_loop3A_1016 : i32
      %parallel_loop3A_1018 = arith.constant 0 : i32
      %parallel_loop3A_1019 = arith.cmpi sgt, %parallel_loop3A_1015, %parallel_loop3A_1018 : i32
      %parallel_loop3A_1020 = arith.extui %parallel_loop3A_1019 : i1 to i32
      %parallel_loop3A_1021 = arith.constant 0 : i32
      %parallel_loop3A_1022 = arith.cmpi slt, %parallel_loop3A_1015, %parallel_loop3A_1021 : i32
      %parallel_loop3A_1023 = arith.extui %parallel_loop3A_1022 : i1 to i32
      %parallel_loop3A_1024 = arith.subi %parallel_loop3A_1020, %parallel_loop3A_1023 : i32
      %parallel_loop3A_1025 = arith.constant 0 : i32
      %parallel_loop3A_1026 = arith.cmpi sgt, %parallel_loop3A_1016, %parallel_loop3A_1025 : i32
      %parallel_loop3A_1027 = arith.extui %parallel_loop3A_1026 : i1 to i32
      %parallel_loop3A_1028 = arith.constant 0 : i32
      %parallel_loop3A_1029 = arith.cmpi slt, %parallel_loop3A_1016, %parallel_loop3A_1028 : i32
      %parallel_loop3A_1030 = arith.extui %parallel_loop3A_1029 : i1 to i32
      %parallel_loop3A_1031 = arith.subi %parallel_loop3A_1027, %parallel_loop3A_1030 : i32
      %parallel_loop3A_1032 = arith.cmpi ne, %parallel_loop3A_1024, %parallel_loop3A_1031 : i32
      %parallel_loop3A_1033 = arith.remsi %parallel_loop3A_1015, %parallel_loop3A_1016 : i32
      %parallel_loop3A_1034 = arith.constant 0 : i32
      %parallel_loop3A_1035 = arith.cmpi ne, %parallel_loop3A_1033, %parallel_loop3A_1034 : i32
      %parallel_loop3A_1036 = arith.andi %parallel_loop3A_1032, %parallel_loop3A_1035 : i1
      %parallel_loop3A_1037 = arith.constant 1 : i32
      %parallel_loop3A_1038 = arith.subi %parallel_loop3A_1017, %parallel_loop3A_1037 : i32
      %parallel_loop3A_1039 = arith.select %parallel_loop3A_1036, %parallel_loop3A_1038, %parallel_loop3A_1017 : i32
      %parallel_loop3A_1040 = arith.constant 32 : i32
      %parallel_loop3A_1041 = arith.constant 0 : i32
      %parallel_loop3A_1042 = arith.cmpi eq, %parallel_loop3A_1040, %parallel_loop3A_1041 : i32
      %parallel_loop3A_1043 = arith.constant 1 : i32
      %parallel_loop3A_1044 = arith.select %parallel_loop3A_1042, %parallel_loop3A_1043, %parallel_loop3A_1040 : i32
      %parallel_loop3A_1045 = arith.remsi %parallel_loop3A_1015, %parallel_loop3A_1044 : i32
      %parallel_loop3A_1046 = arith.constant 0 : i32
      %parallel_loop3A_1047 = arith.cmpi ne, %parallel_loop3A_1045, %parallel_loop3A_1046 : i32
      %parallel_loop3A_1048 = arith.constant 0 : i32
      %parallel_loop3A_1049 = arith.cmpi slt, %parallel_loop3A_1045, %parallel_loop3A_1048 : i32
      %parallel_loop3A_1050 = arith.constant 0 : i32
      %parallel_loop3A_1051 = arith.cmpi slt, %parallel_loop3A_1044, %parallel_loop3A_1050 : i32
      %parallel_loop3A_1052 = arith.xori %parallel_loop3A_1049, %parallel_loop3A_1051 : i1
      %parallel_loop3A_1053 = arith.andi %parallel_loop3A_1052, %parallel_loop3A_1047 : i1
      %parallel_loop3A_1054 = arith.addi %parallel_loop3A_1045, %parallel_loop3A_1044 : i32
      %parallel_loop3A_1055 = arith.select %parallel_loop3A_1053, %parallel_loop3A_1054, %parallel_loop3A_1045 : i32
      %parallel_loop3A_1056 = arith.constant 16 : i32
      %parallel_loop3A_1057 = arith.muli %parallel_loop3A_1055, %parallel_loop3A_1056 : i32
      %parallel_loop3A_1058 = arith.constant 1 : i32
      %parallel_loop3A_1059 = arith.index_cast %parallel_loop3A_1058 : i32 to index
      %parallel_loop3A_1060 = arith.index_cast %parallel_loop3A_1039 : i32 to index
      %parallel_loop3A_1061 = arith.index_cast %parallel_loop3A_1057 : i32 to index
      %parallel_loop3A_1062 = tpu.vector_load %arg7[%parallel_loop3A_1059, %parallel_loop3A_1060, %parallel_loop3A_1061] {strides = array<i32>} : memref<25x8x512xi32, #tpu.memory_space<vmem>>, vector<16xi32>,
      %parallel_loop3A_1063 = tpu.vector_load_idx %arg5[%parallel_loop3A_1062] : memref<16xi32, #tpu.memory_space<vmem>>[vector<16xi32>], vector<16xi32>,
      %parallel_loop3A_1064 = arith.constant 0 : i32
      %parallel_loop3A_1065 = arith.index_cast %parallel_loop3A_1064 : i32 to index
      %parallel_loop3A_1066 = arith.index_cast %parallel_loop3A_1039 : i32 to index
      %parallel_loop3A_1067 = arith.index_cast %parallel_loop3A_1057 : i32 to index
      %parallel_loop3A_1068 = tpu.vector_load %arg9[%parallel_loop3A_1065, %parallel_loop3A_1066, %parallel_loop3A_1067] {strides = array<i32>} : memref<1x8x512xi32, #tpu.memory_space<vmem>>, vector<16xi32>,
      tpu.vector_store %arg9[%parallel_loop3A_1065, %parallel_loop3A_1066, %parallel_loop3A_1067], %parallel_loop3A_1063 {strides = array<i32>} : memref<1x8x512xi32, #tpu.memory_space<vmem>>, vector<16xi32>,
    } {sc.loop_unroll_factor = 8 : i64, sc.parallel_access}
    %dma_start3A_350 = arith.constant 0 : i32
    %dma_start3A_351 = arith.constant 1 : i32
    %dma_start3A_352 = tpu.memref_slice %arg6[%dma_start3A_350, %dma_start3A_351] : memref<2x16xi32, #tpu.memory_space<vmem>> -> memref<1x1xi32, #tpu.memory_space<vmem>>
    %dma_start3A_353 = tpu.memref_squeeze %dma_start3A_352 : memref<1x1xi32, #tpu.memory_space<vmem>> -> memref<1xi32, #tpu.memory_space<vmem>>
    %dma_start3A_354 = arith.constant 0 : i32
    %dma_start3A_355 = arith.constant 0 : i32
    %dma_start3A_356 = tpu.memref_slice %arg4[%dma_start3A_354, %dma_start3A_355, %mul3A_2] : memref<25x8x16384xi32, #tpu.memory_space<hbm>> -> memref<25x8x512xi32, #tpu.memory_space<hbm>>
    tpu.enqueue_indirect_dma source(%arg9 : memref<1x8x512xi32, #tpu.memory_space<vmem>>) target(%dma_start3A_356 : memref<25x8x512xi32, #tpu.memory_space<hbm>>) offsets(%dma_start3A_353 : memref<1xi32, #tpu.memory_space<vmem>>) semaphore(%arg14 : memref<!tpu.dma_semaphore, #tpu.memory_space<semaphore_mem>>)
    %dma_wait3A_357 = arith.constant 0 : i32
    %dma_wait3A_358 = arith.constant 2 : i32
    %dma_wait3A_359 = arith.constant 0 : i32
    %dma_wait3A_360 = arith.constant 0 : i32
    %dma_wait3A_361 = tpu.memref_slice %arg7[%dma_wait3A_358, %dma_wait3A_359, %dma_wait3A_360] : memref<25x8x512xi32, #tpu.memory_space<vmem>> -> memref<1x8x512xi32, #tpu.memory_space<vmem>>
    %dma_wait3A_362 = arith.constant 2 : i32
    %dma_wait3A_363 = tpu.memref_slice %arg6[%dma_wait3A_357, %dma_wait3A_362] : memref<2x16xi32, #tpu.memory_space<vmem>> -> memref<1x1xi32, #tpu.memory_space<vmem>>
    %dma_wait3A_364 = tpu.memref_squeeze %dma_wait3A_363 : memref<1x1xi32, #tpu.memory_space<vmem>> -> memref<1xi32, #tpu.memory_space<vmem>>
    %dma_wait3A_365 = arith.constant 0 : i32
    %dma_wait3A_366 = arith.constant 0 : i32
    %dma_wait3A_367 = tpu.memref_slice %arg2[%dma_wait3A_365, %dma_wait3A_366, %mul3A_2] : memref<25x8x16384xi32, #tpu.memory_space<hbm>> -> memref<25x8x512xi32, #tpu.memory_space<hbm>>
    tpu.wait_indirect_dma semaphore(%arg12 : memref<!tpu.dma_semaphore, #tpu.memory_space<semaphore_mem>>) src(%dma_wait3A_367 : memref<25x8x512xi32, #tpu.memory_space<hbm>>) dst(%dma_wait3A_361 : memref<1x8x512xi32, #tpu.memory_space<vmem>>)
    %parallel_loop3A_368 = arith.constant 0 : i32
    %parallel_loop3A_369 = arith.constant 256 : i32
    %parallel_loop3A_370 = arith.constant 1 : i32
    scf.for %parallel_loop3A_1015 = %parallel_loop3A_368 to %parallel_loop3A_369 step %parallel_loop3A_370  : i32 {
      %parallel_loop3A_1016 = arith.constant 32 : i32
      %parallel_loop3A_1017 = arith.divsi %parallel_loop3A_1015, %parallel_loop3A_1016 : i32
      %parallel_loop3A_1018 = arith.constant 0 : i32
      %parallel_loop3A_1019 = arith.cmpi sgt, %parallel_loop3A_1015, %parallel_loop3A_1018 : i32
      %parallel_loop3A_1020 = arith.extui %parallel_loop3A_1019 : i1 to i32
      %parallel_loop3A_1021 = arith.constant 0 : i32
      %parallel_loop3A_1022 = arith.cmpi slt, %parallel_loop3A_1015, %parallel_loop3A_1021 : i32
      %parallel_loop3A_1023 = arith.extui %parallel_loop3A_1022 : i1 to i32
      %parallel_loop3A_1024 = arith.subi %parallel_loop3A_1020, %parallel_loop3A_1023 : i32
      %parallel_loop3A_1025 = arith.constant 0 : i32
      %parallel_loop3A_1026 = arith.cmpi sgt, %parallel_loop3A_1016, %parallel_loop3A_1025 : i32
      %parallel_loop3A_1027 = arith.extui %parallel_loop3A_1026 : i1 to i32
      %parallel_loop3A_1028 = arith.constant 0 : i32
      %parallel_loop3A_1029 = arith.cmpi slt, %parallel_loop3A_1016, %parallel_loop3A_1028 : i32
      %parallel_loop3A_1030 = arith.extui %parallel_loop3A_1029 : i1 to i32
      %parallel_loop3A_1031 = arith.subi %parallel_loop3A_1027, %parallel_loop3A_1030 : i32
      %parallel_loop3A_1032 = arith.cmpi ne, %parallel_loop3A_1024, %parallel_loop3A_1031 : i32
      %parallel_loop3A_1033 = arith.remsi %parallel_loop3A_1015, %parallel_loop3A_1016 : i32
      %parallel_loop3A_1034 = arith.constant 0 : i32
      %parallel_loop3A_1035 = arith.cmpi ne, %parallel_loop3A_1033, %parallel_loop3A_1034 : i32
      %parallel_loop3A_1036 = arith.andi %parallel_loop3A_1032, %parallel_loop3A_1035 : i1
      %parallel_loop3A_1037 = arith.constant 1 : i32
      %parallel_loop3A_1038 = arith.subi %parallel_loop3A_1017, %parallel_loop3A_1037 : i32
      %parallel_loop3A_1039 = arith.select %parallel_loop3A_1036, %parallel_loop3A_1038, %parallel_loop3A_1017 : i32
      %parallel_loop3A_1040 = arith.constant 32 : i32
      %parallel_loop3A_1041 = arith.constant 0 : i32
      %parallel_loop3A_1042 = arith.cmpi eq, %parallel_loop3A_1040, %parallel_loop3A_1041 : i32
      %parallel_loop3A_1043 = arith.constant 1 : i32
      %parallel_loop3A_1044 = arith.select %parallel_loop3A_1042, %parallel_loop3A_1043, %parallel_loop3A_1040 : i32
      %parallel_loop3A_1045 = arith.remsi %parallel_loop3A_1015, %parallel_loop3A_1044 : i32
      %parallel_loop3A_1046 = arith.constant 0 : i32
      %parallel_loop3A_1047 = arith.cmpi ne, %parallel_loop3A_1045, %parallel_loop3A_1046 : i32
      %parallel_loop3A_1048 = arith.constant 0 : i32
      %parallel_loop3A_1049 = arith.cmpi slt, %parallel_loop3A_1045, %parallel_loop3A_1048 : i32
      %parallel_loop3A_1050 = arith.constant 0 : i32
      %parallel_loop3A_1051 = arith.cmpi slt, %parallel_loop3A_1044, %parallel_loop3A_1050 : i32
      %parallel_loop3A_1052 = arith.xori %parallel_loop3A_1049, %parallel_loop3A_1051 : i1
      %parallel_loop3A_1053 = arith.andi %parallel_loop3A_1052, %parallel_loop3A_1047 : i1
      %parallel_loop3A_1054 = arith.addi %parallel_loop3A_1045, %parallel_loop3A_1044 : i32
      %parallel_loop3A_1055 = arith.select %parallel_loop3A_1053, %parallel_loop3A_1054, %parallel_loop3A_1045 : i32
      %parallel_loop3A_1056 = arith.constant 16 : i32
      %parallel_loop3A_1057 = arith.muli %parallel_loop3A_1055, %parallel_loop3A_1056 : i32
      %parallel_loop3A_1058 = arith.constant 2 : i32
      %parallel_loop3A_1059 = arith.index_cast %parallel_loop3A_1058 : i32 to index
      %parallel_loop3A_1060 = arith.index_cast %parallel_loop3A_1039 : i32 to index
      %parallel_loop3A_1061 = arith.index_cast %parallel_loop3A_1057 : i32 to index
      %parallel_loop3A_1062 = tpu.vector_load %arg7[%parallel_loop3A_1059, %parallel_loop3A_1060, %parallel_loop3A_1061] {strides = array<i32>} : memref<25x8x512xi32, #tpu.memory_space<vmem>>, vector<16xi32>,
      %parallel_loop3A_1063 = tpu.vector_load_idx %arg5[%parallel_loop3A_1062] : memref<16xi32, #tpu.memory_space<vmem>>[vector<16xi32>], vector<16xi32>,
      %parallel_loop3A_1064 = arith.constant 0 : i32
      %parallel_loop3A_1065 = arith.index_cast %parallel_loop3A_1064 : i32 to index
      %parallel_loop3A_1066 = arith.index_cast %parallel_loop3A_1039 : i32 to index
      %parallel_loop3A_1067 = arith.index_cast %parallel_loop3A_1057 : i32 to index
      %parallel_loop3A_1068 = tpu.vector_load %arg10[%parallel_loop3A_1065, %parallel_loop3A_1066, %parallel_loop3A_1067] {strides = array<i32>} : memref<1x8x512xi32, #tpu.memory_space<vmem>>, vector<16xi32>,
      tpu.vector_store %arg10[%parallel_loop3A_1065, %parallel_loop3A_1066, %parallel_loop3A_1067], %parallel_loop3A_1063 {strides = array<i32>} : memref<1x8x512xi32, #tpu.memory_space<vmem>>, vector<16xi32>,
    } {sc.loop_unroll_factor = 8 : i64, sc.parallel_access}
    %dma_start3A_371 = arith.constant 0 : i32
    %dma_start3A_372 = arith.constant 2 : i32
    %dma_start3A_373 = tpu.memref_slice %arg6[%dma_start3A_371, %dma_start3A_372] : memref<2x16xi32, #tpu.memory_space<vmem>> -> memref<1x1xi32, #tpu.memory_space<vmem>>
    %dma_start3A_374 = tpu.memref_squeeze %dma_start3A_373 : memref<1x1xi32, #tpu.memory_space<vmem>> -> memref<1xi32, #tpu.memory_space<vmem>>
    %dma_start3A_375 = arith.constant 0 : i32
    %dma_start3A_376 = arith.constant 0 : i32
    %dma_start3A_377 = tpu.memref_slice %arg4[%dma_start3A_375, %dma_start3A_376, %mul3A_2] : memref<25x8x16384xi32, #tpu.memory_space<hbm>> -> memref<25x8x512xi32, #tpu.memory_space<hbm>>
    tpu.enqueue_indirect_dma source(%arg10 : memref<1x8x512xi32, #tpu.memory_space<vmem>>) target(%dma_start3A_377 : memref<25x8x512xi32, #tpu.memory_space<hbm>>) offsets(%dma_start3A_374 : memref<1xi32, #tpu.memory_space<vmem>>) semaphore(%arg15 : memref<!tpu.dma_semaphore, #tpu.memory_space<semaphore_mem>>)
    %dma_wait3A_378 = arith.constant 0 : i32
    %dma_wait3A_379 = arith.constant 3 : i32
    %dma_wait3A_380 = arith.constant 0 : i32
    %dma_wait3A_381 = arith.constant 0 : i32
    %dma_wait3A_382 = tpu.memref_slice %arg7[%dma_wait3A_379, %dma_wait3A_380, %dma_wait3A_381] : memref<25x8x512xi32, #tpu.memory_space<vmem>> -> memref<1x8x512xi32, #tpu.memory_space<vmem>>
    %dma_wait3A_383 = arith.constant 3 : i32
    %dma_wait3A_384 = tpu.memref_slice %arg6[%dma_wait3A_378, %dma_wait3A_383] : memref<2x16xi32, #tpu.memory_space<vmem>> -> memref<1x1xi32, #tpu.memory_space<vmem>>
    %dma_wait3A_385 = tpu.memref_squeeze %dma_wait3A_384 : memref<1x1xi32, #tpu.memory_space<vmem>> -> memref<1xi32, #tpu.memory_space<vmem>>
    %dma_wait3A_386 = arith.constant 0 : i32
    %dma_wait3A_387 = arith.constant 0 : i32
    %dma_wait3A_388 = tpu.memref_slice %arg2[%dma_wait3A_386, %dma_wait3A_387, %mul3A_2] : memref<25x8x16384xi32, #tpu.memory_space<hbm>> -> memref<25x8x512xi32, #tpu.memory_space<hbm>>
    tpu.wait_indirect_dma semaphore(%arg12 : memref<!tpu.dma_semaphore, #tpu.memory_space<semaphore_mem>>) src(%dma_wait3A_388 : memref<25x8x512xi32, #tpu.memory_space<hbm>>) dst(%dma_wait3A_382 : memref<1x8x512xi32, #tpu.memory_space<vmem>>)
    %parallel_loop3A_389 = arith.constant 0 : i32
    %parallel_loop3A_390 = arith.constant 256 : i32
    %parallel_loop3A_391 = arith.constant 1 : i32
    scf.for %parallel_loop3A_1015 = %parallel_loop3A_389 to %parallel_loop3A_390 step %parallel_loop3A_391  : i32 {
      %parallel_loop3A_1016 = arith.constant 32 : i32
      %parallel_loop3A_1017 = arith.divsi %parallel_loop3A_1015, %parallel_loop3A_1016 : i32
      %parallel_loop3A_1018 = arith.constant 0 : i32
      %parallel_loop3A_1019 = arith.cmpi sgt, %parallel_loop3A_1015, %parallel_loop3A_1018 : i32
      %parallel_loop3A_1020 = arith.extui %parallel_loop3A_1019 : i1 to i32
      %parallel_loop3A_1021 = arith.constant 0 : i32
      %parallel_loop3A_1022 = arith.cmpi slt, %parallel_loop3A_1015, %parallel_loop3A_1021 : i32
      %parallel_loop3A_1023 = arith.extui %parallel_loop3A_1022 : i1 to i32
      %parallel_loop3A_1024 = arith.subi %parallel_loop3A_1020, %parallel_loop3A_1023 : i32
      %parallel_loop3A_1025 = arith.constant 0 : i32
      %parallel_loop3A_1026 = arith.cmpi sgt, %parallel_loop3A_1016, %parallel_loop3A_1025 : i32
      %parallel_loop3A_1027 = arith.extui %parallel_loop3A_1026 : i1 to i32
      %parallel_loop3A_1028 = arith.constant 0 : i32
      %parallel_loop3A_1029 = arith.cmpi slt, %parallel_loop3A_1016, %parallel_loop3A_1028 : i32
      %parallel_loop3A_1030 = arith.extui %parallel_loop3A_1029 : i1 to i32
      %parallel_loop3A_1031 = arith.subi %parallel_loop3A_1027, %parallel_loop3A_1030 : i32
      %parallel_loop3A_1032 = arith.cmpi ne, %parallel_loop3A_1024, %parallel_loop3A_1031 : i32
      %parallel_loop3A_1033 = arith.remsi %parallel_loop3A_1015, %parallel_loop3A_1016 : i32
      %parallel_loop3A_1034 = arith.constant 0 : i32
      %parallel_loop3A_1035 = arith.cmpi ne, %parallel_loop3A_1033, %parallel_loop3A_1034 : i32
      %parallel_loop3A_1036 = arith.andi %parallel_loop3A_1032, %parallel_loop3A_1035 : i1
      %parallel_loop3A_1037 = arith.constant 1 : i32
      %parallel_loop3A_1038 = arith.subi %parallel_loop3A_1017, %parallel_loop3A_1037 : i32
      %parallel_loop3A_1039 = arith.select %parallel_loop3A_1036, %parallel_loop3A_1038, %parallel_loop3A_1017 : i32
      %parallel_loop3A_1040 = arith.constant 32 : i32
      %parallel_loop3A_1041 = arith.constant 0 : i32
      %parallel_loop3A_1042 = arith.cmpi eq, %parallel_loop3A_1040, %parallel_loop3A_1041 : i32
      %parallel_loop3A_1043 = arith.constant 1 : i32
      %parallel_loop3A_1044 = arith.select %parallel_loop3A_1042, %parallel_loop3A_1043, %parallel_loop3A_1040 : i32
      %parallel_loop3A_1045 = arith.remsi %parallel_loop3A_1015, %parallel_loop3A_1044 : i32
      %parallel_loop3A_1046 = arith.constant 0 : i32
      %parallel_loop3A_1047 = arith.cmpi ne, %parallel_loop3A_1045, %parallel_loop3A_1046 : i32
      %parallel_loop3A_1048 = arith.constant 0 : i32
      %parallel_loop3A_1049 = arith.cmpi slt, %parallel_loop3A_1045, %parallel_loop3A_1048 : i32
      %parallel_loop3A_1050 = arith.constant 0 : i32
      %parallel_loop3A_1051 = arith.cmpi slt, %parallel_loop3A_1044, %parallel_loop3A_1050 : i32
      %parallel_loop3A_1052 = arith.xori %parallel_loop3A_1049, %parallel_loop3A_1051 : i1
      %parallel_loop3A_1053 = arith.andi %parallel_loop3A_1052, %parallel_loop3A_1047 : i1
      %parallel_loop3A_1054 = arith.addi %parallel_loop3A_1045, %parallel_loop3A_1044 : i32
      %parallel_loop3A_1055 = arith.select %parallel_loop3A_1053, %parallel_loop3A_1054, %parallel_loop3A_1045 : i32
      %parallel_loop3A_1056 = arith.constant 16 : i32
      %parallel_loop3A_1057 = arith.muli %parallel_loop3A_1055, %parallel_loop3A_1056 : i32
      %parallel_loop3A_1058 = arith.constant 3 : i32
      %parallel_loop3A_1059 = arith.index_cast %parallel_loop3A_1058 : i32 to index
      %parallel_loop3A_1060 = arith.index_cast %parallel_loop3A_1039 : i32 to index
      %parallel_loop3A_1061 = arith.index_cast %parallel_loop3A_1057 : i32 to index
      %parallel_loop3A_1062 = tpu.vector_load %arg7[%parallel_loop3A_1059, %parallel_loop3A_1060, %parallel_loop3A_1061] {strides = array<i32>} : memref<25x8x512xi32, #tpu.memory_space<vmem>>, vector<16xi32>,
      %parallel_loop3A_1063 = tpu.vector_load_idx %arg5[%parallel_loop3A_1062] : memref<16xi32, #tpu.memory_space<vmem>>[vector<16xi32>], vector<16xi32>,
      %parallel_loop3A_1064 = arith.constant 0 : i32
      %parallel_loop3A_1065 = arith.index_cast %parallel_loop3A_1064 : i32 to index
      %parallel_loop3A_1066 = arith.index_cast %parallel_loop3A_1039 : i32 to index
      %parallel_loop3A_1067 = arith.index_cast %parallel_loop3A_1057 : i32 to index
      %parallel_loop3A_1068 = tpu.vector_load %arg11[%parallel_loop3A_1065, %parallel_loop3A_1066, %parallel_loop3A_1067] {strides = array<i32>} : memref<1x8x512xi32, #tpu.memory_space<vmem>>, vector<16xi32>,
      tpu.vector_store %arg11[%parallel_loop3A_1065, %parallel_loop3A_1066, %parallel_loop3A_1067], %parallel_loop3A_1063 {strides = array<i32>} : memref<1x8x512xi32, #tpu.memory_space<vmem>>, vector<16xi32>,
    } {sc.loop_unroll_factor = 8 : i64, sc.parallel_access}
    %dma_start3A_392 = arith.constant 0 : i32
    %dma_start3A_393 = arith.constant 3 : i32
    %dma_start3A_394 = tpu.memref_slice %arg6[%dma_start3A_392, %dma_start3A_393] : memref<2x16xi32, #tpu.memory_space<vmem>> -> memref<1x1xi32, #tpu.memory_space<vmem>>
    %dma_start3A_395 = tpu.memref_squeeze %dma_start3A_394 : memref<1x1xi32, #tpu.memory_space<vmem>> -> memref<1xi32, #tpu.memory_space<vmem>>
    %dma_start3A_396 = arith.constant 0 : i32
    %dma_start3A_397 = arith.constant 0 : i32
    %dma_start3A_398 = tpu.memref_slice %arg4[%dma_start3A_396, %dma_start3A_397, %mul3A_2] : memref<25x8x16384xi32, #tpu.memory_space<hbm>> -> memref<25x8x512xi32, #tpu.memory_space<hbm>>
    tpu.enqueue_indirect_dma source(%arg11 : memref<1x8x512xi32, #tpu.memory_space<vmem>>) target(%dma_start3A_398 : memref<25x8x512xi32, #tpu.memory_space<hbm>>) offsets(%dma_start3A_395 : memref<1xi32, #tpu.memory_space<vmem>>) semaphore(%arg16 : memref<!tpu.dma_semaphore, #tpu.memory_space<semaphore_mem>>)
    %dma_wait3A_399 = arith.constant 0 : i32
    %dma_wait3A_400 = arith.constant 4 : i32
    %dma_wait3A_401 = arith.constant 0 : i32
    %dma_wait3A_402 = arith.constant 0 : i32
    %dma_wait3A_403 = tpu.memref_slice %arg7[%dma_wait3A_400, %dma_wait3A_401, %dma_wait3A_402] : memref<25x8x512xi32, #tpu.memory_space<vmem>> -> memref<1x8x512xi32, #tpu.memory_space<vmem>>
    %dma_wait3A_404 = arith.constant 4 : i32
    %dma_wait3A_405 = tpu.memref_slice %arg6[%dma_wait3A_399, %dma_wait3A_404] : memref<2x16xi32, #tpu.memory_space<vmem>> -> memref<1x1xi32, #tpu.memory_space<vmem>>
    %dma_wait3A_406 = tpu.memref_squeeze %dma_wait3A_405 : memref<1x1xi32, #tpu.memory_space<vmem>> -> memref<1xi32, #tpu.memory_space<vmem>>
    %dma_wait3A_407 = arith.constant 0 : i32
    %dma_wait3A_408 = arith.constant 0 : i32
    %dma_wait3A_409 = tpu.memref_slice %arg2[%dma_wait3A_407, %dma_wait3A_408, %mul3A_2] : memref<25x8x16384xi32, #tpu.memory_space<hbm>> -> memref<25x8x512xi32, #tpu.memory_space<hbm>>
    tpu.wait_indirect_dma semaphore(%arg12 : memref<!tpu.dma_semaphore, #tpu.memory_space<semaphore_mem>>) src(%dma_wait3A_409 : memref<25x8x512xi32, #tpu.memory_space<hbm>>) dst(%dma_wait3A_403 : memref<1x8x512xi32, #tpu.memory_space<vmem>>)
    %dma_wait3A_410 = arith.constant 0 : i32
    %dma_wait3A_411 = arith.constant 0 : i32
    %dma_wait3A_412 = tpu.memref_slice %arg6[%dma_wait3A_410, %dma_wait3A_411] : memref<2x16xi32, #tpu.memory_space<vmem>> -> memref<1x1xi32, #tpu.memory_space<vmem>>
    %dma_wait3A_413 = tpu.memref_squeeze %dma_wait3A_412 : memref<1x1xi32, #tpu.memory_space<vmem>> -> memref<1xi32, #tpu.memory_space<vmem>>
    %dma_wait3A_414 = arith.constant 0 : i32
    %dma_wait3A_415 = arith.constant 0 : i32
    %dma_wait3A_416 = tpu.memref_slice %arg4[%dma_wait3A_414, %dma_wait3A_415, %mul3A_2] : memref<25x8x16384xi32, #tpu.memory_space<hbm>> -> memref<25x8x512xi32, #tpu.memory_space<hbm>>
    tpu.wait_indirect_dma semaphore(%arg13 : memref<!tpu.dma_semaphore, #tpu.memory_space<semaphore_mem>>) src(%arg8 : memref<1x8x512xi32, #tpu.memory_space<vmem>>) dst(%dma_wait3A_416 : memref<25x8x512xi32, #tpu.memory_space<hbm>>)
    %parallel_loop3A_417 = arith.constant 0 : i32
    %parallel_loop3A_418 = arith.constant 256 : i32
    %parallel_loop3A_419 = arith.constant 1 : i32
    scf.for %parallel_loop3A_1015 = %parallel_loop3A_417 to %parallel_loop3A_418 step %parallel_loop3A_419  : i32 {
      %parallel_loop3A_1016 = arith.constant 32 : i32
      %parallel_loop3A_1017 = arith.divsi %parallel_loop3A_1015, %parallel_loop3A_1016 : i32
      %parallel_loop3A_1018 = arith.constant 0 : i32
      %parallel_loop3A_1019 = arith.cmpi sgt, %parallel_loop3A_1015, %parallel_loop3A_1018 : i32
      %parallel_loop3A_1020 = arith.extui %parallel_loop3A_1019 : i1 to i32
      %parallel_loop3A_1021 = arith.constant 0 : i32
      %parallel_loop3A_1022 = arith.cmpi slt, %parallel_loop3A_1015, %parallel_loop3A_1021 : i32
      %parallel_loop3A_1023 = arith.extui %parallel_loop3A_1022 : i1 to i32
      %parallel_loop3A_1024 = arith.subi %parallel_loop3A_1020, %parallel_loop3A_1023 : i32
      %parallel_loop3A_1025 = arith.constant 0 : i32
      %parallel_loop3A_1026 = arith.cmpi sgt, %parallel_loop3A_1016, %parallel_loop3A_1025 : i32
      %parallel_loop3A_1027 = arith.extui %parallel_loop3A_1026 : i1 to i32
      %parallel_loop3A_1028 = arith.constant 0 : i32
      %parallel_loop3A_1029 = arith.cmpi slt, %parallel_loop3A_1016, %parallel_loop3A_1028 : i32
      %parallel_loop3A_1030 = arith.extui %parallel_loop3A_1029 : i1 to i32
      %parallel_loop3A_1031 = arith.subi %parallel_loop3A_1027, %parallel_loop3A_1030 : i32
      %parallel_loop3A_1032 = arith.cmpi ne, %parallel_loop3A_1024, %parallel_loop3A_1031 : i32
      %parallel_loop3A_1033 = arith.remsi %parallel_loop3A_1015, %parallel_loop3A_1016 : i32
      %parallel_loop3A_1034 = arith.constant 0 : i32
      %parallel_loop3A_1035 = arith.cmpi ne, %parallel_loop3A_1033, %parallel_loop3A_1034 : i32
      %parallel_loop3A_1036 = arith.andi %parallel_loop3A_1032, %parallel_loop3A_1035 : i1
      %parallel_loop3A_1037 = arith.constant 1 : i32
      %parallel_loop3A_1038 = arith.subi %parallel_loop3A_1017, %parallel_loop3A_1037 : i32
      %parallel_loop3A_1039 = arith.select %parallel_loop3A_1036, %parallel_loop3A_1038, %parallel_loop3A_1017 : i32
      %parallel_loop3A_1040 = arith.constant 32 : i32
      %parallel_loop3A_1041 = arith.constant 0 : i32
      %parallel_loop3A_1042 = arith.cmpi eq, %parallel_loop3A_1040, %parallel_loop3A_1041 : i32
      %parallel_loop3A_1043 = arith.constant 1 : i32
      %parallel_loop3A_1044 = arith.select %parallel_loop3A_1042, %parallel_loop3A_1043, %parallel_loop3A_1040 : i32
      %parallel_loop3A_1045 = arith.remsi %parallel_loop3A_1015, %parallel_loop3A_1044 : i32
      %parallel_loop3A_1046 = arith.constant 0 : i32
      %parallel_loop3A_1047 = arith.cmpi ne, %parallel_loop3A_1045, %parallel_loop3A_1046 : i32
      %parallel_loop3A_1048 = arith.constant 0 : i32
      %parallel_loop3A_1049 = arith.cmpi slt, %parallel_loop3A_1045, %parallel_loop3A_1048 : i32
      %parallel_loop3A_1050 = arith.constant 0 : i32
      %parallel_loop3A_1051 = arith.cmpi slt, %parallel_loop3A_1044, %parallel_loop3A_1050 : i32
      %parallel_loop3A_1052 = arith.xori %parallel_loop3A_1049, %parallel_loop3A_1051 : i1
      %parallel_loop3A_1053 = arith.andi %parallel_loop3A_1052, %parallel_loop3A_1047 : i1
      %parallel_loop3A_1054 = arith.addi %parallel_loop3A_1045, %parallel_loop3A_1044 : i32
      %parallel_loop3A_1055 = arith.select %parallel_loop3A_1053, %parallel_loop3A_1054, %parallel_loop3A_1045 : i32
      %parallel_loop3A_1056 = arith.constant 16 : i32
      %parallel_loop3A_1057 = arith.muli %parallel_loop3A_1055, %parallel_loop3A_1056 : i32
      %parallel_loop3A_1058 = arith.constant 4 : i32
      %parallel_loop3A_1059 = arith.index_cast %parallel_loop3A_1058 : i32 to index
      %parallel_loop3A_1060 = arith.index_cast %parallel_loop3A_1039 : i32 to index
      %parallel_loop3A_1061 = arith.index_cast %parallel_loop3A_1057 : i32 to index
      %parallel_loop3A_1062 = tpu.vector_load %arg7[%parallel_loop3A_1059, %parallel_loop3A_1060, %parallel_loop3A_1061] {strides = array<i32>} : memref<25x8x512xi32, #tpu.memory_space<vmem>>, vector<16xi32>,
      %parallel_loop3A_1063 = tpu.vector_load_idx %arg5[%parallel_loop3A_1062] : memref<16xi32, #tpu.memory_space<vmem>>[vector<16xi32>], vector<16xi32>,
      %parallel_loop3A_1064 = arith.constant 0 : i32
      %parallel_loop3A_1065 = arith.index_cast %parallel_loop3A_1064 : i32 to index
      %parallel_loop3A_1066 = arith.index_cast %parallel_loop3A_1039 : i32 to index
      %parallel_loop3A_1067 = arith.index_cast %parallel_loop3A_1057 : i32 to index
      %parallel_loop3A_1068 = tpu.vector_load %arg8[%parallel_loop3A_1065, %parallel_loop3A_1066, %parallel_loop3A_1067] {strides = array<i32>} : memref<1x8x512xi32, #tpu.memory_space<vmem>>, vector<16xi32>,
      tpu.vector_store %arg8[%parallel_loop3A_1065, %parallel_loop3A_1066, %parallel_loop3A_1067], %parallel_loop3A_1063 {strides = array<i32>} : memref<1x8x512xi32, #tpu.memory_space<vmem>>, vector<16xi32>,
    } {sc.loop_unroll_factor = 8 : i64, sc.parallel_access}
    %dma_start3A_420 = arith.constant 0 : i32
    %dma_start3A_421 = arith.constant 4 : i32
    %dma_start3A_422 = tpu.memref_slice %arg6[%dma_start3A_420, %dma_start3A_421] : memref<2x16xi32, #tpu.memory_space<vmem>> -> memref<1x1xi32, #tpu.memory_space<vmem>>
    %dma_start3A_423 = tpu.memref_squeeze %dma_start3A_422 : memref<1x1xi32, #tpu.memory_space<vmem>> -> memref<1xi32, #tpu.memory_space<vmem>>
    %dma_start3A_424 = arith.constant 0 : i32
    %dma_start3A_425 = arith.constant 0 : i32
    %dma_start3A_426 = tpu.memref_slice %arg4[%dma_start3A_424, %dma_start3A_425, %mul3A_2] : memref<25x8x16384xi32, #tpu.memory_space<hbm>> -> memref<25x8x512xi32, #tpu.memory_space<hbm>>
    tpu.enqueue_indirect_dma source(%arg8 : memref<1x8x512xi32, #tpu.memory_space<vmem>>) target(%dma_start3A_426 : memref<25x8x512xi32, #tpu.memory_space<hbm>>) offsets(%dma_start3A_423 : memref<1xi32, #tpu.memory_space<vmem>>) semaphore(%arg13 : memref<!tpu.dma_semaphore, #tpu.memory_space<semaphore_mem>>)
    %dma_wait3A_427 = arith.constant 0 : i32
    %dma_wait3A_428 = arith.constant 5 : i32
    %dma_wait3A_429 = arith.constant 0 : i32
    %dma_wait3A_430 = arith.constant 0 : i32
    %dma_wait3A_431 = tpu.memref_slice %arg7[%dma_wait3A_428, %dma_wait3A_429, %dma_wait3A_430] : memref<25x8x512xi32, #tpu.memory_space<vmem>> -> memref<1x8x512xi32, #tpu.memory_space<vmem>>
    %dma_wait3A_432 = arith.constant 5 : i32
    %dma_wait3A_433 = tpu.memref_slice %arg6[%dma_wait3A_427, %dma_wait3A_432] : memref<2x16xi32, #tpu.memory_space<vmem>> -> memref<1x1xi32, #tpu.memory_space<vmem>>
    %dma_wait3A_434 = tpu.memref_squeeze %dma_wait3A_433 : memref<1x1xi32, #tpu.memory_space<vmem>> -> memref<1xi32, #tpu.memory_space<vmem>>
    %dma_wait3A_435 = arith.constant 0 : i32
    %dma_wait3A_436 = arith.constant 0 : i32
    %dma_wait3A_437 = tpu.memref_slice %arg2[%dma_wait3A_435, %dma_wait3A_436, %mul3A_2] : memref<25x8x16384xi32, #tpu.memory_space<hbm>> -> memref<25x8x512xi32, #tpu.memory_space<hbm>>
    tpu.wait_indirect_dma semaphore(%arg12 : memref<!tpu.dma_semaphore, #tpu.memory_space<semaphore_mem>>) src(%dma_wait3A_437 : memref<25x8x512xi32, #tpu.memory_space<hbm>>) dst(%dma_wait3A_431 : memref<1x8x512xi32, #tpu.memory_space<vmem>>)
    %dma_wait3A_438 = arith.constant 0 : i32
    %dma_wait3A_439 = arith.constant 1 : i32
    %dma_wait3A_440 = tpu.memref_slice %arg6[%dma_wait3A_438, %dma_wait3A_439] : memref<2x16xi32, #tpu.memory_space<vmem>> -> memref<1x1xi32, #tpu.memory_space<vmem>>
    %dma_wait3A_441 = tpu.memref_squeeze %dma_wait3A_440 : memref<1x1xi32, #tpu.memory_space<vmem>> -> memref<1xi32, #tpu.memory_space<vmem>>
    %dma_wait3A_442 = arith.constant 0 : i32
    %dma_wait3A_443 = arith.constant 0 : i32
    %dma_wait3A_444 = tpu.memref_slice %arg4[%dma_wait3A_442, %dma_wait3A_443, %mul3A_2] : memref<25x8x16384xi32, #tpu.memory_space<hbm>> -> memref<25x8x512xi32, #tpu.memory_space<hbm>>
    tpu.wait_indirect_dma semaphore(%arg14 : memref<!tpu.dma_semaphore, #tpu.memory_space<semaphore_mem>>) src(%arg9 : memref<1x8x512xi32, #tpu.memory_space<vmem>>) dst(%dma_wait3A_444 : memref<25x8x512xi32, #tpu.memory_space<hbm>>)
    %parallel_loop3A_445 = arith.constant 0 : i32
    %parallel_loop3A_446 = arith.constant 256 : i32
    %parallel_loop3A_447 = arith.constant 1 : i32
    scf.for %parallel_loop3A_1015 = %parallel_loop3A_445 to %parallel_loop3A_446 step %parallel_loop3A_447  : i32 {
      %parallel_loop3A_1016 = arith.constant 32 : i32
      %parallel_loop3A_1017 = arith.divsi %parallel_loop3A_1015, %parallel_loop3A_1016 : i32
      %parallel_loop3A_1018 = arith.constant 0 : i32
      %parallel_loop3A_1019 = arith.cmpi sgt, %parallel_loop3A_1015, %parallel_loop3A_1018 : i32
      %parallel_loop3A_1020 = arith.extui %parallel_loop3A_1019 : i1 to i32
      %parallel_loop3A_1021 = arith.constant 0 : i32
      %parallel_loop3A_1022 = arith.cmpi slt, %parallel_loop3A_1015, %parallel_loop3A_1021 : i32
      %parallel_loop3A_1023 = arith.extui %parallel_loop3A_1022 : i1 to i32
      %parallel_loop3A_1024 = arith.subi %parallel_loop3A_1020, %parallel_loop3A_1023 : i32
      %parallel_loop3A_1025 = arith.constant 0 : i32
      %parallel_loop3A_1026 = arith.cmpi sgt, %parallel_loop3A_1016, %parallel_loop3A_1025 : i32
      %parallel_loop3A_1027 = arith.extui %parallel_loop3A_1026 : i1 to i32
      %parallel_loop3A_1028 = arith.constant 0 : i32
      %parallel_loop3A_1029 = arith.cmpi slt, %parallel_loop3A_1016, %parallel_loop3A_1028 : i32
      %parallel_loop3A_1030 = arith.extui %parallel_loop3A_1029 : i1 to i32
      %parallel_loop3A_1031 = arith.subi %parallel_loop3A_1027, %parallel_loop3A_1030 : i32
      %parallel_loop3A_1032 = arith.cmpi ne, %parallel_loop3A_1024, %parallel_loop3A_1031 : i32
      %parallel_loop3A_1033 = arith.remsi %parallel_loop3A_1015, %parallel_loop3A_1016 : i32
      %parallel_loop3A_1034 = arith.constant 0 : i32
      %parallel_loop3A_1035 = arith.cmpi ne, %parallel_loop3A_1033, %parallel_loop3A_1034 : i32
      %parallel_loop3A_1036 = arith.andi %parallel_loop3A_1032, %parallel_loop3A_1035 : i1
      %parallel_loop3A_1037 = arith.constant 1 : i32
      %parallel_loop3A_1038 = arith.subi %parallel_loop3A_1017, %parallel_loop3A_1037 : i32
      %parallel_loop3A_1039 = arith.select %parallel_loop3A_1036, %parallel_loop3A_1038, %parallel_loop3A_1017 : i32
      %parallel_loop3A_1040 = arith.constant 32 : i32
      %parallel_loop3A_1041 = arith.constant 0 : i32
      %parallel_loop3A_1042 = arith.cmpi eq, %parallel_loop3A_1040, %parallel_loop3A_1041 : i32
      %parallel_loop3A_1043 = arith.constant 1 : i32
      %parallel_loop3A_1044 = arith.select %parallel_loop3A_1042, %parallel_loop3A_1043, %parallel_loop3A_1040 : i32
      %parallel_loop3A_1045 = arith.remsi %parallel_loop3A_1015, %parallel_loop3A_1044 : i32
      %parallel_loop3A_1046 = arith.constant 0 : i32
      %parallel_loop3A_1047 = arith.cmpi ne, %parallel_loop3A_1045, %parallel_loop3A_1046 : i32
      %parallel_loop3A_1048 = arith.constant 0 : i32
      %parallel_loop3A_1049 = arith.cmpi slt, %parallel_loop3A_1045, %parallel_loop3A_1048 : i32
      %parallel_loop3A_1050 = arith.constant 0 : i32
      %parallel_loop3A_1051 = arith.cmpi slt, %parallel_loop3A_1044, %parallel_loop3A_1050 : i32
      %parallel_loop3A_1052 = arith.xori %parallel_loop3A_1049, %parallel_loop3A_1051 : i1
      %parallel_loop3A_1053 = arith.andi %parallel_loop3A_1052, %parallel_loop3A_1047 : i1
      %parallel_loop3A_1054 = arith.addi %parallel_loop3A_1045, %parallel_loop3A_1044 : i32
      %parallel_loop3A_1055 = arith.select %parallel_loop3A_1053, %parallel_loop3A_1054, %parallel_loop3A_1045 : i32
      %parallel_loop3A_1056 = arith.constant 16 : i32
      %parallel_loop3A_1057 = arith.muli %parallel_loop3A_1055, %parallel_loop3A_1056 : i32
      %parallel_loop3A_1058 = arith.constant 5 : i32
      %parallel_loop3A_1059 = arith.index_cast %parallel_loop3A_1058 : i32 to index
      %parallel_loop3A_1060 = arith.index_cast %parallel_loop3A_1039 : i32 to index
      %parallel_loop3A_1061 = arith.index_cast %parallel_loop3A_1057 : i32 to index
      %parallel_loop3A_1062 = tpu.vector_load %arg7[%parallel_loop3A_1059, %parallel_loop3A_1060, %parallel_loop3A_1061] {strides = array<i32>} : memref<25x8x512xi32, #tpu.memory_space<vmem>>, vector<16xi32>,
      %parallel_loop3A_1063 = tpu.vector_load_idx %arg5[%parallel_loop3A_1062] : memref<16xi32, #tpu.memory_space<vmem>>[vector<16xi32>], vector<16xi32>,
      %parallel_loop3A_1064 = arith.constant 0 : i32
      %parallel_loop3A_1065 = arith.index_cast %parallel_loop3A_1064 : i32 to index
      %parallel_loop3A_1066 = arith.index_cast %parallel_loop3A_1039 : i32 to index
      %parallel_loop3A_1067 = arith.index_cast %parallel_loop3A_1057 : i32 to index
      %parallel_loop3A_1068 = tpu.vector_load %arg9[%parallel_loop3A_1065, %parallel_loop3A_1066, %parallel_loop3A_1067] {strides = array<i32>} : memref<1x8x512xi32, #tpu.memory_space<vmem>>, vector<16xi32>,
      tpu.vector_store %arg9[%parallel_loop3A_1065, %parallel_loop3A_1066, %parallel_loop3A_1067], %parallel_loop3A_1063 {strides = array<i32>} : memref<1x8x512xi32, #tpu.memory_space<vmem>>, vector<16xi32>,
    } {sc.loop_unroll_factor = 8 : i64, sc.parallel_access}
    %dma_start3A_448 = arith.constant 0 : i32
    %dma_start3A_449 = arith.constant 5 : i32
    %dma_start3A_450 = tpu.memref_slice %arg6[%dma_start3A_448, %dma_start3A_449] : memref<2x16xi32, #tpu.memory_space<vmem>> -> memref<1x1xi32, #tpu.memory_space<vmem>>
    %dma_start3A_451 = tpu.memref_squeeze %dma_start3A_450 : memref<1x1xi32, #tpu.memory_space<vmem>> -> memref<1xi32, #tpu.memory_space<vmem>>
    %dma_start3A_452 = arith.constant 0 : i32
    %dma_start3A_453 = arith.constant 0 : i32
    %dma_start3A_454 = tpu.memref_slice %arg4[%dma_start3A_452, %dma_start3A_453, %mul3A_2] : memref<25x8x16384xi32, #tpu.memory_space<hbm>> -> memref<25x8x512xi32, #tpu.memory_space<hbm>>
    tpu.enqueue_indirect_dma source(%arg9 : memref<1x8x512xi32, #tpu.memory_space<vmem>>) target(%dma_start3A_454 : memref<25x8x512xi32, #tpu.memory_space<hbm>>) offsets(%dma_start3A_451 : memref<1xi32, #tpu.memory_space<vmem>>) semaphore(%arg14 : memref<!tpu.dma_semaphore, #tpu.memory_space<semaphore_mem>>)
    %dma_wait3A_455 = arith.constant 0 : i32
    %dma_wait3A_456 = arith.constant 6 : i32
    %dma_wait3A_457 = arith.constant 0 : i32
    %dma_wait3A_458 = arith.constant 0 : i32
    %dma_wait3A_459 = tpu.memref_slice %arg7[%dma_wait3A_456, %dma_wait3A_457, %dma_wait3A_458] : memref<25x8x512xi32, #tpu.memory_space<vmem>> -> memref<1x8x512xi32, #tpu.memory_space<vmem>>
    %dma_wait3A_460 = arith.constant 6 : i32
    %dma_wait3A_461 = tpu.memref_slice %arg6[%dma_wait3A_455, %dma_wait3A_460] : memref<2x16xi32, #tpu.memory_space<vmem>> -> memref<1x1xi32, #tpu.memory_space<vmem>>
    %dma_wait3A_462 = tpu.memref_squeeze %dma_wait3A_461 : memref<1x1xi32, #tpu.memory_space<vmem>> -> memref<1xi32, #tpu.memory_space<vmem>>
    %dma_wait3A_463 = arith.constant 0 : i32
    %dma_wait3A_464 = arith.constant 0 : i32
    %dma_wait3A_465 = tpu.memref_slice %arg2[%dma_wait3A_463, %dma_wait3A_464, %mul3A_2] : memref<25x8x16384xi32, #tpu.memory_space<hbm>> -> memref<25x8x512xi32, #tpu.memory_space<hbm>>
    tpu.wait_indirect_dma semaphore(%arg12 : memref<!tpu.dma_semaphore, #tpu.memory_space<semaphore_mem>>) src(%dma_wait3A_465 : memref<25x8x512xi32, #tpu.memory_space<hbm>>) dst(%dma_wait3A_459 : memref<1x8x512xi32, #tpu.memory_space<vmem>>)
    %dma_wait3A_466 = arith.constant 0 : i32
    %dma_wait3A_467 = arith.constant 2 : i32
    %dma_wait3A_468 = tpu.memref_slice %arg6[%dma_wait3A_466, %dma_wait3A_467] : memref<2x16xi32, #tpu.memory_space<vmem>> -> memref<1x1xi32, #tpu.memory_space<vmem>>
    %dma_wait3A_469 = tpu.memref_squeeze %dma_wait3A_468 : memref<1x1xi32, #tpu.memory_space<vmem>> -> memref<1xi32, #tpu.memory_space<vmem>>
    %dma_wait3A_470 = arith.constant 0 : i32
    %dma_wait3A_471 = arith.constant 0 : i32
    %dma_wait3A_472 = tpu.memref_slice %arg4[%dma_wait3A_470, %dma_wait3A_471, %mul3A_2] : memref<25x8x16384xi32, #tpu.memory_space<hbm>> -> memref<25x8x512xi32, #tpu.memory_space<hbm>>
    tpu.wait_indirect_dma semaphore(%arg15 : memref<!tpu.dma_semaphore, #tpu.memory_space<semaphore_mem>>) src(%arg10 : memref<1x8x512xi32, #tpu.memory_space<vmem>>) dst(%dma_wait3A_472 : memref<25x8x512xi32, #tpu.memory_space<hbm>>)
    %parallel_loop3A_473 = arith.constant 0 : i32
    %parallel_loop3A_474 = arith.constant 256 : i32
    %parallel_loop3A_475 = arith.constant 1 : i32
    scf.for %parallel_loop3A_1015 = %parallel_loop3A_473 to %parallel_loop3A_474 step %parallel_loop3A_475  : i32 {
      %parallel_loop3A_1016 = arith.constant 32 : i32
      %parallel_loop3A_1017 = arith.divsi %parallel_loop3A_1015, %parallel_loop3A_1016 : i32
      %parallel_loop3A_1018 = arith.constant 0 : i32
      %parallel_loop3A_1019 = arith.cmpi sgt, %parallel_loop3A_1015, %parallel_loop3A_1018 : i32
      %parallel_loop3A_1020 = arith.extui %parallel_loop3A_1019 : i1 to i32
      %parallel_loop3A_1021 = arith.constant 0 : i32
      %parallel_loop3A_1022 = arith.cmpi slt, %parallel_loop3A_1015, %parallel_loop3A_1021 : i32
      %parallel_loop3A_1023 = arith.extui %parallel_loop3A_1022 : i1 to i32
      %parallel_loop3A_1024 = arith.subi %parallel_loop3A_1020, %parallel_loop3A_1023 : i32
      %parallel_loop3A_1025 = arith.constant 0 : i32
      %parallel_loop3A_1026 = arith.cmpi sgt, %parallel_loop3A_1016, %parallel_loop3A_1025 : i32
      %parallel_loop3A_1027 = arith.extui %parallel_loop3A_1026 : i1 to i32
      %parallel_loop3A_1028 = arith.constant 0 : i32
      %parallel_loop3A_1029 = arith.cmpi slt, %parallel_loop3A_1016, %parallel_loop3A_1028 : i32
      %parallel_loop3A_1030 = arith.extui %parallel_loop3A_1029 : i1 to i32
      %parallel_loop3A_1031 = arith.subi %parallel_loop3A_1027, %parallel_loop3A_1030 : i32
      %parallel_loop3A_1032 = arith.cmpi ne, %parallel_loop3A_1024, %parallel_loop3A_1031 : i32
      %parallel_loop3A_1033 = arith.remsi %parallel_loop3A_1015, %parallel_loop3A_1016 : i32
      %parallel_loop3A_1034 = arith.constant 0 : i32
      %parallel_loop3A_1035 = arith.cmpi ne, %parallel_loop3A_1033, %parallel_loop3A_1034 : i32
      %parallel_loop3A_1036 = arith.andi %parallel_loop3A_1032, %parallel_loop3A_1035 : i1
      %parallel_loop3A_1037 = arith.constant 1 : i32
      %parallel_loop3A_1038 = arith.subi %parallel_loop3A_1017, %parallel_loop3A_1037 : i32
      %parallel_loop3A_1039 = arith.select %parallel_loop3A_1036, %parallel_loop3A_1038, %parallel_loop3A_1017 : i32
      %parallel_loop3A_1040 = arith.constant 32 : i32
      %parallel_loop3A_1041 = arith.constant 0 : i32
      %parallel_loop3A_1042 = arith.cmpi eq, %parallel_loop3A_1040, %parallel_loop3A_1041 : i32
      %parallel_loop3A_1043 = arith.constant 1 : i32
      %parallel_loop3A_1044 = arith.select %parallel_loop3A_1042, %parallel_loop3A_1043, %parallel_loop3A_1040 : i32
      %parallel_loop3A_1045 = arith.remsi %parallel_loop3A_1015, %parallel_loop3A_1044 : i32
      %parallel_loop3A_1046 = arith.constant 0 : i32
      %parallel_loop3A_1047 = arith.cmpi ne, %parallel_loop3A_1045, %parallel_loop3A_1046 : i32
      %parallel_loop3A_1048 = arith.constant 0 : i32
      %parallel_loop3A_1049 = arith.cmpi slt, %parallel_loop3A_1045, %parallel_loop3A_1048 : i32
      %parallel_loop3A_1050 = arith.constant 0 : i32
      %parallel_loop3A_1051 = arith.cmpi slt, %parallel_loop3A_1044, %parallel_loop3A_1050 : i32
      %parallel_loop3A_1052 = arith.xori %parallel_loop3A_1049, %parallel_loop3A_1051 : i1
      %parallel_loop3A_1053 = arith.andi %parallel_loop3A_1052, %parallel_loop3A_1047 : i1
      %parallel_loop3A_1054 = arith.addi %parallel_loop3A_1045, %parallel_loop3A_1044 : i32
      %parallel_loop3A_1055 = arith.select %parallel_loop3A_1053, %parallel_loop3A_1054, %parallel_loop3A_1045 : i32
      %parallel_loop3A_1056 = arith.constant 16 : i32
      %parallel_loop3A_1057 = arith.muli %parallel_loop3A_1055, %parallel_loop3A_1056 : i32
      %parallel_loop3A_1058 = arith.constant 6 : i32
      %parallel_loop3A_1059 = arith.index_cast %parallel_loop3A_1058 : i32 to index
      %parallel_loop3A_1060 = arith.index_cast %parallel_loop3A_1039 : i32 to index
      %parallel_loop3A_1061 = arith.index_cast %parallel_loop3A_1057 : i32 to index
      %parallel_loop3A_1062 = tpu.vector_load %arg7[%parallel_loop3A_1059, %parallel_loop3A_1060, %parallel_loop3A_1061] {strides = array<i32>} : memref<25x8x512xi32, #tpu.memory_space<vmem>>, vector<16xi32>,
      %parallel_loop3A_1063 = tpu.vector_load_idx %arg5[%parallel_loop3A_1062] : memref<16xi32, #tpu.memory_space<vmem>>[vector<16xi32>], vector<16xi32>,
      %parallel_loop3A_1064 = arith.constant 0 : i32
      %parallel_loop3A_1065 = arith.index_cast %parallel_loop3A_1064 : i32 to index
      %parallel_loop3A_1066 = arith.index_cast %parallel_loop3A_1039 : i32 to index
      %parallel_loop3A_1067 = arith.index_cast %parallel_loop3A_1057 : i32 to index
      %parallel_loop3A_1068 = tpu.vector_load %arg10[%parallel_loop3A_1065, %parallel_loop3A_1066, %parallel_loop3A_1067] {strides = array<i32>} : memref<1x8x512xi32, #tpu.memory_space<vmem>>, vector<16xi32>,
      tpu.vector_store %arg10[%parallel_loop3A_1065, %parallel_loop3A_1066, %parallel_loop3A_1067], %parallel_loop3A_1063 {strides = array<i32>} : memref<1x8x512xi32, #tpu.memory_space<vmem>>, vector<16xi32>,
    } {sc.loop_unroll_factor = 8 : i64, sc.parallel_access}
    %dma_start3A_476 = arith.constant 0 : i32
    %dma_start3A_477 = arith.constant 6 : i32
    %dma_start3A_478 = tpu.memref_slice %arg6[%dma_start3A_476, %dma_start3A_477] : memref<2x16xi32, #tpu.memory_space<vmem>> -> memref<1x1xi32, #tpu.memory_space<vmem>>
    %dma_start3A_479 = tpu.memref_squeeze %dma_start3A_478 : memref<1x1xi32, #tpu.memory_space<vmem>> -> memref<1xi32, #tpu.memory_space<vmem>>
    %dma_start3A_480 = arith.constant 0 : i32
    %dma_start3A_481 = arith.constant 0 : i32
    %dma_start3A_482 = tpu.memref_slice %arg4[%dma_start3A_480, %dma_start3A_481, %mul3A_2] : memref<25x8x16384xi32, #tpu.memory_space<hbm>> -> memref<25x8x512xi32, #tpu.memory_space<hbm>>
    tpu.enqueue_indirect_dma source(%arg10 : memref<1x8x512xi32, #tpu.memory_space<vmem>>) target(%dma_start3A_482 : memref<25x8x512xi32, #tpu.memory_space<hbm>>) offsets(%dma_start3A_479 : memref<1xi32, #tpu.memory_space<vmem>>) semaphore(%arg15 : memref<!tpu.dma_semaphore, #tpu.memory_space<semaphore_mem>>)
    %dma_wait3A_483 = arith.constant 0 : i32
    %dma_wait3A_484 = arith.constant 7 : i32
    %dma_wait3A_485 = arith.constant 0 : i32
    %dma_wait3A_486 = arith.constant 0 : i32
    %dma_wait3A_487 = tpu.memref_slice %arg7[%dma_wait3A_484, %dma_wait3A_485, %dma_wait3A_486] : memref<25x8x512xi32, #tpu.memory_space<vmem>> -> memref<1x8x512xi32, #tpu.memory_space<vmem>>
    %dma_wait3A_488 = arith.constant 7 : i32
    %dma_wait3A_489 = tpu.memref_slice %arg6[%dma_wait3A_483, %dma_wait3A_488] : memref<2x16xi32, #tpu.memory_space<vmem>> -> memref<1x1xi32, #tpu.memory_space<vmem>>
    %dma_wait3A_490 = tpu.memref_squeeze %dma_wait3A_489 : memref<1x1xi32, #tpu.memory_space<vmem>> -> memref<1xi32, #tpu.memory_space<vmem>>
    %dma_wait3A_491 = arith.constant 0 : i32
    %dma_wait3A_492 = arith.constant 0 : i32
    %dma_wait3A_493 = tpu.memref_slice %arg2[%dma_wait3A_491, %dma_wait3A_492, %mul3A_2] : memref<25x8x16384xi32, #tpu.memory_space<hbm>> -> memref<25x8x512xi32, #tpu.memory_space<hbm>>
    tpu.wait_indirect_dma semaphore(%arg12 : memref<!tpu.dma_semaphore, #tpu.memory_space<semaphore_mem>>) src(%dma_wait3A_493 : memref<25x8x512xi32, #tpu.memory_space<hbm>>) dst(%dma_wait3A_487 : memref<1x8x512xi32, #tpu.memory_space<vmem>>)
    %dma_wait3A_494 = arith.constant 0 : i32
    %dma_wait3A_495 = arith.constant 3 : i32
    %dma_wait3A_496 = tpu.memref_slice %arg6[%dma_wait3A_494, %dma_wait3A_495] : memref<2x16xi32, #tpu.memory_space<vmem>> -> memref<1x1xi32, #tpu.memory_space<vmem>>
    %dma_wait3A_497 = tpu.memref_squeeze %dma_wait3A_496 : memref<1x1xi32, #tpu.memory_space<vmem>> -> memref<1xi32, #tpu.memory_space<vmem>>
    %dma_wait3A_498 = arith.constant 0 : i32
    %dma_wait3A_499 = arith.constant 0 : i32
    %dma_wait3A_500 = tpu.memref_slice %arg4[%dma_wait3A_498, %dma_wait3A_499, %mul3A_2] : memref<25x8x16384xi32, #tpu.memory_space<hbm>> -> memref<25x8x512xi32, #tpu.memory_space<hbm>>
    tpu.wait_indirect_dma semaphore(%arg16 : memref<!tpu.dma_semaphore, #tpu.memory_space<semaphore_mem>>) src(%arg11 : memref<1x8x512xi32, #tpu.memory_space<vmem>>) dst(%dma_wait3A_500 : memref<25x8x512xi32, #tpu.memory_space<hbm>>)
    %parallel_loop3A_501 = arith.constant 0 : i32
    %parallel_loop3A_502 = arith.constant 256 : i32
    %parallel_loop3A_503 = arith.constant 1 : i32
    scf.for %parallel_loop3A_1015 = %parallel_loop3A_501 to %parallel_loop3A_502 step %parallel_loop3A_503  : i32 {
      %parallel_loop3A_1016 = arith.constant 32 : i32
      %parallel_loop3A_1017 = arith.divsi %parallel_loop3A_1015, %parallel_loop3A_1016 : i32
      %parallel_loop3A_1018 = arith.constant 0 : i32
      %parallel_loop3A_1019 = arith.cmpi sgt, %parallel_loop3A_1015, %parallel_loop3A_1018 : i32
      %parallel_loop3A_1020 = arith.extui %parallel_loop3A_1019 : i1 to i32
      %parallel_loop3A_1021 = arith.constant 0 : i32
      %parallel_loop3A_1022 = arith.cmpi slt, %parallel_loop3A_1015, %parallel_loop3A_1021 : i32
      %parallel_loop3A_1023 = arith.extui %parallel_loop3A_1022 : i1 to i32
      %parallel_loop3A_1024 = arith.subi %parallel_loop3A_1020, %parallel_loop3A_1023 : i32
      %parallel_loop3A_1025 = arith.constant 0 : i32
      %parallel_loop3A_1026 = arith.cmpi sgt, %parallel_loop3A_1016, %parallel_loop3A_1025 : i32
      %parallel_loop3A_1027 = arith.extui %parallel_loop3A_1026 : i1 to i32
      %parallel_loop3A_1028 = arith.constant 0 : i32
      %parallel_loop3A_1029 = arith.cmpi slt, %parallel_loop3A_1016, %parallel_loop3A_1028 : i32
      %parallel_loop3A_1030 = arith.extui %parallel_loop3A_1029 : i1 to i32
      %parallel_loop3A_1031 = arith.subi %parallel_loop3A_1027, %parallel_loop3A_1030 : i32
      %parallel_loop3A_1032 = arith.cmpi ne, %parallel_loop3A_1024, %parallel_loop3A_1031 : i32
      %parallel_loop3A_1033 = arith.remsi %parallel_loop3A_1015, %parallel_loop3A_1016 : i32
      %parallel_loop3A_1034 = arith.constant 0 : i32
      %parallel_loop3A_1035 = arith.cmpi ne, %parallel_loop3A_1033, %parallel_loop3A_1034 : i32
      %parallel_loop3A_1036 = arith.andi %parallel_loop3A_1032, %parallel_loop3A_1035 : i1
      %parallel_loop3A_1037 = arith.constant 1 : i32
      %parallel_loop3A_1038 = arith.subi %parallel_loop3A_1017, %parallel_loop3A_1037 : i32
      %parallel_loop3A_1039 = arith.select %parallel_loop3A_1036, %parallel_loop3A_1038, %parallel_loop3A_1017 : i32
      %parallel_loop3A_1040 = arith.constant 32 : i32
      %parallel_loop3A_1041 = arith.constant 0 : i32
      %parallel_loop3A_1042 = arith.cmpi eq, %parallel_loop3A_1040, %parallel_loop3A_1041 : i32
      %parallel_loop3A_1043 = arith.constant 1 : i32
      %parallel_loop3A_1044 = arith.select %parallel_loop3A_1042, %parallel_loop3A_1043, %parallel_loop3A_1040 : i32
      %parallel_loop3A_1045 = arith.remsi %parallel_loop3A_1015, %parallel_loop3A_1044 : i32
      %parallel_loop3A_1046 = arith.constant 0 : i32
      %parallel_loop3A_1047 = arith.cmpi ne, %parallel_loop3A_1045, %parallel_loop3A_1046 : i32
      %parallel_loop3A_1048 = arith.constant 0 : i32
      %parallel_loop3A_1049 = arith.cmpi slt, %parallel_loop3A_1045, %parallel_loop3A_1048 : i32
      %parallel_loop3A_1050 = arith.constant 0 : i32
      %parallel_loop3A_1051 = arith.cmpi slt, %parallel_loop3A_1044, %parallel_loop3A_1050 : i32
      %parallel_loop3A_1052 = arith.xori %parallel_loop3A_1049, %parallel_loop3A_1051 : i1
      %parallel_loop3A_1053 = arith.andi %parallel_loop3A_1052, %parallel_loop3A_1047 : i1
      %parallel_loop3A_1054 = arith.addi %parallel_loop3A_1045, %parallel_loop3A_1044 : i32
      %parallel_loop3A_1055 = arith.select %parallel_loop3A_1053, %parallel_loop3A_1054, %parallel_loop3A_1045 : i32
      %parallel_loop3A_1056 = arith.constant 16 : i32
      %parallel_loop3A_1057 = arith.muli %parallel_loop3A_1055, %parallel_loop3A_1056 : i32
      %parallel_loop3A_1058 = arith.constant 7 : i32
      %parallel_loop3A_1059 = arith.index_cast %parallel_loop3A_1058 : i32 to index
      %parallel_loop3A_1060 = arith.index_cast %parallel_loop3A_1039 : i32 to index
      %parallel_loop3A_1061 = arith.index_cast %parallel_loop3A_1057 : i32 to index
      %parallel_loop3A_1062 = tpu.vector_load %arg7[%parallel_loop3A_1059, %parallel_loop3A_1060, %parallel_loop3A_1061] {strides = array<i32>} : memref<25x8x512xi32, #tpu.memory_space<vmem>>, vector<16xi32>,
      %parallel_loop3A_1063 = tpu.vector_load_idx %arg5[%parallel_loop3A_1062] : memref<16xi32, #tpu.memory_space<vmem>>[vector<16xi32>], vector<16xi32>,
      %parallel_loop3A_1064 = arith.constant 0 : i32
      %parallel_loop3A_1065 = arith.index_cast %parallel_loop3A_1064 : i32 to index
      %parallel_loop3A_1066 = arith.index_cast %parallel_loop3A_1039 : i32 to index
      %parallel_loop3A_1067 = arith.index_cast %parallel_loop3A_1057 : i32 to index
      %parallel_loop3A_1068 = tpu.vector_load %arg11[%parallel_loop3A_1065, %parallel_loop3A_1066, %parallel_loop3A_1067] {strides = array<i32>} : memref<1x8x512xi32, #tpu.memory_space<vmem>>, vector<16xi32>,
      tpu.vector_store %arg11[%parallel_loop3A_1065, %parallel_loop3A_1066, %parallel_loop3A_1067], %parallel_loop3A_1063 {strides = array<i32>} : memref<1x8x512xi32, #tpu.memory_space<vmem>>, vector<16xi32>,
    } {sc.loop_unroll_factor = 8 : i64, sc.parallel_access}
    %dma_start3A_504 = arith.constant 0 : i32
    %dma_start3A_505 = arith.constant 7 : i32
    %dma_start3A_506 = tpu.memref_slice %arg6[%dma_start3A_504, %dma_start3A_505] : memref<2x16xi32, #tpu.memory_space<vmem>> -> memref<1x1xi32, #tpu.memory_space<vmem>>
    %dma_start3A_507 = tpu.memref_squeeze %dma_start3A_506 : memref<1x1xi32, #tpu.memory_space<vmem>> -> memref<1xi32, #tpu.memory_space<vmem>>
    %dma_start3A_508 = arith.constant 0 : i32
    %dma_start3A_509 = arith.constant 0 : i32
    %dma_start3A_510 = tpu.memref_slice %arg4[%dma_start3A_508, %dma_start3A_509, %mul3A_2] : memref<25x8x16384xi32, #tpu.memory_space<hbm>> -> memref<25x8x512xi32, #tpu.memory_space<hbm>>
    tpu.enqueue_indirect_dma source(%arg11 : memref<1x8x512xi32, #tpu.memory_space<vmem>>) target(%dma_start3A_510 : memref<25x8x512xi32, #tpu.memory_space<hbm>>) offsets(%dma_start3A_507 : memref<1xi32, #tpu.memory_space<vmem>>) semaphore(%arg16 : memref<!tpu.dma_semaphore, #tpu.memory_space<semaphore_mem>>)
    %dma_wait3A_511 = arith.constant 0 : i32
    %dma_wait3A_512 = arith.constant 8 : i32
    %dma_wait3A_513 = arith.constant 0 : i32
    %dma_wait3A_514 = arith.constant 0 : i32
    %dma_wait3A_515 = tpu.memref_slice %arg7[%dma_wait3A_512, %dma_wait3A_513, %dma_wait3A_514] : memref<25x8x512xi32, #tpu.memory_space<vmem>> -> memref<1x8x512xi32, #tpu.memory_space<vmem>>
    %dma_wait3A_516 = arith.constant 8 : i32
    %dma_wait3A_517 = tpu.memref_slice %arg6[%dma_wait3A_511, %dma_wait3A_516] : memref<2x16xi32, #tpu.memory_space<vmem>> -> memref<1x1xi32, #tpu.memory_space<vmem>>
    %dma_wait3A_518 = tpu.memref_squeeze %dma_wait3A_517 : memref<1x1xi32, #tpu.memory_space<vmem>> -> memref<1xi32, #tpu.memory_space<vmem>>
    %dma_wait3A_519 = arith.constant 0 : i32
    %dma_wait3A_520 = arith.constant 0 : i32
    %dma_wait3A_521 = tpu.memref_slice %arg2[%dma_wait3A_519, %dma_wait3A_520, %mul3A_2] : memref<25x8x16384xi32, #tpu.memory_space<hbm>> -> memref<25x8x512xi32, #tpu.memory_space<hbm>>
    tpu.wait_indirect_dma semaphore(%arg12 : memref<!tpu.dma_semaphore, #tpu.memory_space<semaphore_mem>>) src(%dma_wait3A_521 : memref<25x8x512xi32, #tpu.memory_space<hbm>>) dst(%dma_wait3A_515 : memref<1x8x512xi32, #tpu.memory_space<vmem>>)
    %dma_wait3A_522 = arith.constant 0 : i32
    %dma_wait3A_523 = arith.constant 4 : i32
    %dma_wait3A_524 = tpu.memref_slice %arg6[%dma_wait3A_522, %dma_wait3A_523] : memref<2x16xi32, #tpu.memory_space<vmem>> -> memref<1x1xi32, #tpu.memory_space<vmem>>
    %dma_wait3A_525 = tpu.memref_squeeze %dma_wait3A_524 : memref<1x1xi32, #tpu.memory_space<vmem>> -> memref<1xi32, #tpu.memory_space<vmem>>
    %dma_wait3A_526 = arith.constant 0 : i32
    %dma_wait3A_527 = arith.constant 0 : i32
    %dma_wait3A_528 = tpu.memref_slice %arg4[%dma_wait3A_526, %dma_wait3A_527, %mul3A_2] : memref<25x8x16384xi32, #tpu.memory_space<hbm>> -> memref<25x8x512xi32, #tpu.memory_space<hbm>>
    tpu.wait_indirect_dma semaphore(%arg13 : memref<!tpu.dma_semaphore, #tpu.memory_space<semaphore_mem>>) src(%arg8 : memref<1x8x512xi32, #tpu.memory_space<vmem>>) dst(%dma_wait3A_528 : memref<25x8x512xi32, #tpu.memory_space<hbm>>)
    %parallel_loop3A_529 = arith.constant 0 : i32
    %parallel_loop3A_530 = arith.constant 256 : i32
    %parallel_loop3A_531 = arith.constant 1 : i32
    scf.for %parallel_loop3A_1015 = %parallel_loop3A_529 to %parallel_loop3A_530 step %parallel_loop3A_531  : i32 {
      %parallel_loop3A_1016 = arith.constant 32 : i32
      %parallel_loop3A_1017 = arith.divsi %parallel_loop3A_1015, %parallel_loop3A_1016 : i32
      %parallel_loop3A_1018 = arith.constant 0 : i32
      %parallel_loop3A_1019 = arith.cmpi sgt, %parallel_loop3A_1015, %parallel_loop3A_1018 : i32
      %parallel_loop3A_1020 = arith.extui %parallel_loop3A_1019 : i1 to i32
      %parallel_loop3A_1021 = arith.constant 0 : i32
      %parallel_loop3A_1022 = arith.cmpi slt, %parallel_loop3A_1015, %parallel_loop3A_1021 : i32
      %parallel_loop3A_1023 = arith.extui %parallel_loop3A_1022 : i1 to i32
      %parallel_loop3A_1024 = arith.subi %parallel_loop3A_1020, %parallel_loop3A_1023 : i32
      %parallel_loop3A_1025 = arith.constant 0 : i32
      %parallel_loop3A_1026 = arith.cmpi sgt, %parallel_loop3A_1016, %parallel_loop3A_1025 : i32
      %parallel_loop3A_1027 = arith.extui %parallel_loop3A_1026 : i1 to i32
      %parallel_loop3A_1028 = arith.constant 0 : i32
      %parallel_loop3A_1029 = arith.cmpi slt, %parallel_loop3A_1016, %parallel_loop3A_1028 : i32
      %parallel_loop3A_1030 = arith.extui %parallel_loop3A_1029 : i1 to i32
      %parallel_loop3A_1031 = arith.subi %parallel_loop3A_1027, %parallel_loop3A_1030 : i32
      %parallel_loop3A_1032 = arith.cmpi ne, %parallel_loop3A_1024, %parallel_loop3A_1031 : i32
      %parallel_loop3A_1033 = arith.remsi %parallel_loop3A_1015, %parallel_loop3A_1016 : i32
      %parallel_loop3A_1034 = arith.constant 0 : i32
      %parallel_loop3A_1035 = arith.cmpi ne, %parallel_loop3A_1033, %parallel_loop3A_1034 : i32
      %parallel_loop3A_1036 = arith.andi %parallel_loop3A_1032, %parallel_loop3A_1035 : i1
      %parallel_loop3A_1037 = arith.constant 1 : i32
      %parallel_loop3A_1038 = arith.subi %parallel_loop3A_1017, %parallel_loop3A_1037 : i32
      %parallel_loop3A_1039 = arith.select %parallel_loop3A_1036, %parallel_loop3A_1038, %parallel_loop3A_1017 : i32
      %parallel_loop3A_1040 = arith.constant 32 : i32
      %parallel_loop3A_1041 = arith.constant 0 : i32
      %parallel_loop3A_1042 = arith.cmpi eq, %parallel_loop3A_1040, %parallel_loop3A_1041 : i32
      %parallel_loop3A_1043 = arith.constant 1 : i32
      %parallel_loop3A_1044 = arith.select %parallel_loop3A_1042, %parallel_loop3A_1043, %parallel_loop3A_1040 : i32
      %parallel_loop3A_1045 = arith.remsi %parallel_loop3A_1015, %parallel_loop3A_1044 : i32
      %parallel_loop3A_1046 = arith.constant 0 : i32
      %parallel_loop3A_1047 = arith.cmpi ne, %parallel_loop3A_1045, %parallel_loop3A_1046 : i32
      %parallel_loop3A_1048 = arith.constant 0 : i32
      %parallel_loop3A_1049 = arith.cmpi slt, %parallel_loop3A_1045, %parallel_loop3A_1048 : i32
      %parallel_loop3A_1050 = arith.constant 0 : i32
      %parallel_loop3A_1051 = arith.cmpi slt, %parallel_loop3A_1044, %parallel_loop3A_1050 : i32
      %parallel_loop3A_1052 = arith.xori %parallel_loop3A_1049, %parallel_loop3A_1051 : i1
      %parallel_loop3A_1053 = arith.andi %parallel_loop3A_1052, %parallel_loop3A_1047 : i1
      %parallel_loop3A_1054 = arith.addi %parallel_loop3A_1045, %parallel_loop3A_1044 : i32
      %parallel_loop3A_1055 = arith.select %parallel_loop3A_1053, %parallel_loop3A_1054, %parallel_loop3A_1045 : i32
      %parallel_loop3A_1056 = arith.constant 16 : i32
      %parallel_loop3A_1057 = arith.muli %parallel_loop3A_1055, %parallel_loop3A_1056 : i32
      %parallel_loop3A_1058 = arith.constant 8 : i32
      %parallel_loop3A_1059 = arith.index_cast %parallel_loop3A_1058 : i32 to index
      %parallel_loop3A_1060 = arith.index_cast %parallel_loop3A_1039 : i32 to index
      %parallel_loop3A_1061 = arith.index_cast %parallel_loop3A_1057 : i32 to index
      %parallel_loop3A_1062 = tpu.vector_load %arg7[%parallel_loop3A_1059, %parallel_loop3A_1060, %parallel_loop3A_1061] {strides = array<i32>} : memref<25x8x512xi32, #tpu.memory_space<vmem>>, vector<16xi32>,
      %parallel_loop3A_1063 = tpu.vector_load_idx %arg5[%parallel_loop3A_1062] : memref<16xi32, #tpu.memory_space<vmem>>[vector<16xi32>], vector<16xi32>,
      %parallel_loop3A_1064 = arith.constant 0 : i32
      %parallel_loop3A_1065 = arith.index_cast %parallel_loop3A_1064 : i32 to index
      %parallel_loop3A_1066 = arith.index_cast %parallel_loop3A_1039 : i32 to index
      %parallel_loop3A_1067 = arith.index_cast %parallel_loop3A_1057 : i32 to index
      %parallel_loop3A_1068 = tpu.vector_load %arg8[%parallel_loop3A_1065, %parallel_loop3A_1066, %parallel_loop3A_1067] {strides = array<i32>} : memref<1x8x512xi32, #tpu.memory_space<vmem>>, vector<16xi32>,
      tpu.vector_store %arg8[%parallel_loop3A_1065, %parallel_loop3A_1066, %parallel_loop3A_1067], %parallel_loop3A_1063 {strides = array<i32>} : memref<1x8x512xi32, #tpu.memory_space<vmem>>, vector<16xi32>,
    } {sc.loop_unroll_factor = 8 : i64, sc.parallel_access}
    %dma_start3A_532 = arith.constant 0 : i32
    %dma_start3A_533 = arith.constant 8 : i32
    %dma_start3A_534 = tpu.memref_slice %arg6[%dma_start3A_532, %dma_start3A_533] : memref<2x16xi32, #tpu.memory_space<vmem>> -> memref<1x1xi32, #tpu.memory_space<vmem>>
    %dma_start3A_535 = tpu.memref_squeeze %dma_start3A_534 : memref<1x1xi32, #tpu.memory_space<vmem>> -> memref<1xi32, #tpu.memory_space<vmem>>
    %dma_start3A_536 = arith.constant 0 : i32
    %dma_start3A_537 = arith.constant 0 : i32
    %dma_start3A_538 = tpu.memref_slice %arg4[%dma_start3A_536, %dma_start3A_537, %mul3A_2] : memref<25x8x16384xi32, #tpu.memory_space<hbm>> -> memref<25x8x512xi32, #tpu.memory_space<hbm>>
    tpu.enqueue_indirect_dma source(%arg8 : memref<1x8x512xi32, #tpu.memory_space<vmem>>) target(%dma_start3A_538 : memref<25x8x512xi32, #tpu.memory_space<hbm>>) offsets(%dma_start3A_535 : memref<1xi32, #tpu.memory_space<vmem>>) semaphore(%arg13 : memref<!tpu.dma_semaphore, #tpu.memory_space<semaphore_mem>>)
    %dma_wait3A_539 = arith.constant 0 : i32
    %dma_wait3A_540 = arith.constant 9 : i32
    %dma_wait3A_541 = arith.constant 0 : i32
    %dma_wait3A_542 = arith.constant 0 : i32
    %dma_wait3A_543 = tpu.memref_slice %arg7[%dma_wait3A_540, %dma_wait3A_541, %dma_wait3A_542] : memref<25x8x512xi32, #tpu.memory_space<vmem>> -> memref<1x8x512xi32, #tpu.memory_space<vmem>>
    %dma_wait3A_544 = arith.constant 9 : i32
    %dma_wait3A_545 = tpu.memref_slice %arg6[%dma_wait3A_539, %dma_wait3A_544] : memref<2x16xi32, #tpu.memory_space<vmem>> -> memref<1x1xi32, #tpu.memory_space<vmem>>
    %dma_wait3A_546 = tpu.memref_squeeze %dma_wait3A_545 : memref<1x1xi32, #tpu.memory_space<vmem>> -> memref<1xi32, #tpu.memory_space<vmem>>
    %dma_wait3A_547 = arith.constant 0 : i32
    %dma_wait3A_548 = arith.constant 0 : i32
    %dma_wait3A_549 = tpu.memref_slice %arg2[%dma_wait3A_547, %dma_wait3A_548, %mul3A_2] : memref<25x8x16384xi32, #tpu.memory_space<hbm>> -> memref<25x8x512xi32, #tpu.memory_space<hbm>>
    tpu.wait_indirect_dma semaphore(%arg12 : memref<!tpu.dma_semaphore, #tpu.memory_space<semaphore_mem>>) src(%dma_wait3A_549 : memref<25x8x512xi32, #tpu.memory_space<hbm>>) dst(%dma_wait3A_543 : memref<1x8x512xi32, #tpu.memory_space<vmem>>)
    %dma_wait3A_550 = arith.constant 0 : i32
    %dma_wait3A_551 = arith.constant 5 : i32
    %dma_wait3A_552 = tpu.memref_slice %arg6[%dma_wait3A_550, %dma_wait3A_551] : memref<2x16xi32, #tpu.memory_space<vmem>> -> memref<1x1xi32, #tpu.memory_space<vmem>>
    %dma_wait3A_553 = tpu.memref_squeeze %dma_wait3A_552 : memref<1x1xi32, #tpu.memory_space<vmem>> -> memref<1xi32, #tpu.memory_space<vmem>>
    %dma_wait3A_554 = arith.constant 0 : i32
    %dma_wait3A_555 = arith.constant 0 : i32
    %dma_wait3A_556 = tpu.memref_slice %arg4[%dma_wait3A_554, %dma_wait3A_555, %mul3A_2] : memref<25x8x16384xi32, #tpu.memory_space<hbm>> -> memref<25x8x512xi32, #tpu.memory_space<hbm>>
    tpu.wait_indirect_dma semaphore(%arg14 : memref<!tpu.dma_semaphore, #tpu.memory_space<semaphore_mem>>) src(%arg9 : memref<1x8x512xi32, #tpu.memory_space<vmem>>) dst(%dma_wait3A_556 : memref<25x8x512xi32, #tpu.memory_space<hbm>>)
    %parallel_loop3A_557 = arith.constant 0 : i32
    %parallel_loop3A_558 = arith.constant 256 : i32
    %parallel_loop3A_559 = arith.constant 1 : i32
    scf.for %parallel_loop3A_1015 = %parallel_loop3A_557 to %parallel_loop3A_558 step %parallel_loop3A_559  : i32 {
      %parallel_loop3A_1016 = arith.constant 32 : i32
      %parallel_loop3A_1017 = arith.divsi %parallel_loop3A_1015, %parallel_loop3A_1016 : i32
      %parallel_loop3A_1018 = arith.constant 0 : i32
      %parallel_loop3A_1019 = arith.cmpi sgt, %parallel_loop3A_1015, %parallel_loop3A_1018 : i32
      %parallel_loop3A_1020 = arith.extui %parallel_loop3A_1019 : i1 to i32
      %parallel_loop3A_1021 = arith.constant 0 : i32
      %parallel_loop3A_1022 = arith.cmpi slt, %parallel_loop3A_1015, %parallel_loop3A_1021 : i32
      %parallel_loop3A_1023 = arith.extui %parallel_loop3A_1022 : i1 to i32
      %parallel_loop3A_1024 = arith.subi %parallel_loop3A_1020, %parallel_loop3A_1023 : i32
      %parallel_loop3A_1025 = arith.constant 0 : i32
      %parallel_loop3A_1026 = arith.cmpi sgt, %parallel_loop3A_1016, %parallel_loop3A_1025 : i32
      %parallel_loop3A_1027 = arith.extui %parallel_loop3A_1026 : i1 to i32
      %parallel_loop3A_1028 = arith.constant 0 : i32
      %parallel_loop3A_1029 = arith.cmpi slt, %parallel_loop3A_1016, %parallel_loop3A_1028 : i32
      %parallel_loop3A_1030 = arith.extui %parallel_loop3A_1029 : i1 to i32
      %parallel_loop3A_1031 = arith.subi %parallel_loop3A_1027, %parallel_loop3A_1030 : i32
      %parallel_loop3A_1032 = arith.cmpi ne, %parallel_loop3A_1024, %parallel_loop3A_1031 : i32
      %parallel_loop3A_1033 = arith.remsi %parallel_loop3A_1015, %parallel_loop3A_1016 : i32
      %parallel_loop3A_1034 = arith.constant 0 : i32
      %parallel_loop3A_1035 = arith.cmpi ne, %parallel_loop3A_1033, %parallel_loop3A_1034 : i32
      %parallel_loop3A_1036 = arith.andi %parallel_loop3A_1032, %parallel_loop3A_1035 : i1
      %parallel_loop3A_1037 = arith.constant 1 : i32
      %parallel_loop3A_1038 = arith.subi %parallel_loop3A_1017, %parallel_loop3A_1037 : i32
      %parallel_loop3A_1039 = arith.select %parallel_loop3A_1036, %parallel_loop3A_1038, %parallel_loop3A_1017 : i32
      %parallel_loop3A_1040 = arith.constant 32 : i32
      %parallel_loop3A_1041 = arith.constant 0 : i32
      %parallel_loop3A_1042 = arith.cmpi eq, %parallel_loop3A_1040, %parallel_loop3A_1041 : i32
      %parallel_loop3A_1043 = arith.constant 1 : i32
      %parallel_loop3A_1044 = arith.select %parallel_loop3A_1042, %parallel_loop3A_1043, %parallel_loop3A_1040 : i32
      %parallel_loop3A_1045 = arith.remsi %parallel_loop3A_1015, %parallel_loop3A_1044 : i32
      %parallel_loop3A_1046 = arith.constant 0 : i32
      %parallel_loop3A_1047 = arith.cmpi ne, %parallel_loop3A_1045, %parallel_loop3A_1046 : i32
      %parallel_loop3A_1048 = arith.constant 0 : i32
      %parallel_loop3A_1049 = arith.cmpi slt, %parallel_loop3A_1045, %parallel_loop3A_1048 : i32
      %parallel_loop3A_1050 = arith.constant 0 : i32
      %parallel_loop3A_1051 = arith.cmpi slt, %parallel_loop3A_1044, %parallel_loop3A_1050 : i32
      %parallel_loop3A_1052 = arith.xori %parallel_loop3A_1049, %parallel_loop3A_1051 : i1
      %parallel_loop3A_1053 = arith.andi %parallel_loop3A_1052, %parallel_loop3A_1047 : i1
      %parallel_loop3A_1054 = arith.addi %parallel_loop3A_1045, %parallel_loop3A_1044 : i32
      %parallel_loop3A_1055 = arith.select %parallel_loop3A_1053, %parallel_loop3A_1054, %parallel_loop3A_1045 : i32
      %parallel_loop3A_1056 = arith.constant 16 : i32
      %parallel_loop3A_1057 = arith.muli %parallel_loop3A_1055, %parallel_loop3A_1056 : i32
      %parallel_loop3A_1058 = arith.constant 9 : i32
      %parallel_loop3A_1059 = arith.index_cast %parallel_loop3A_1058 : i32 to index
      %parallel_loop3A_1060 = arith.index_cast %parallel_loop3A_1039 : i32 to index
      %parallel_loop3A_1061 = arith.index_cast %parallel_loop3A_1057 : i32 to index
      %parallel_loop3A_1062 = tpu.vector_load %arg7[%parallel_loop3A_1059, %parallel_loop3A_1060, %parallel_loop3A_1061] {strides = array<i32>} : memref<25x8x512xi32, #tpu.memory_space<vmem>>, vector<16xi32>,
      %parallel_loop3A_1063 = tpu.vector_load_idx %arg5[%parallel_loop3A_1062] : memref<16xi32, #tpu.memory_space<vmem>>[vector<16xi32>], vector<16xi32>,
      %parallel_loop3A_1064 = arith.constant 0 : i32
      %parallel_loop3A_1065 = arith.index_cast %parallel_loop3A_1064 : i32 to index
      %parallel_loop3A_1066 = arith.index_cast %parallel_loop3A_1039 : i32 to index
      %parallel_loop3A_1067 = arith.index_cast %parallel_loop3A_1057 : i32 to index
      %parallel_loop3A_1068 = tpu.vector_load %arg9[%parallel_loop3A_1065, %parallel_loop3A_1066, %parallel_loop3A_1067] {strides = array<i32>} : memref<1x8x512xi32, #tpu.memory_space<vmem>>, vector<16xi32>,
      tpu.vector_store %arg9[%parallel_loop3A_1065, %parallel_loop3A_1066, %parallel_loop3A_1067], %parallel_loop3A_1063 {strides = array<i32>} : memref<1x8x512xi32, #tpu.memory_space<vmem>>, vector<16xi32>,
    } {sc.loop_unroll_factor = 8 : i64, sc.parallel_access}
    %dma_start3A_560 = arith.constant 0 : i32
    %dma_start3A_561 = arith.constant 9 : i32
    %dma_start3A_562 = tpu.memref_slice %arg6[%dma_start3A_560, %dma_start3A_561] : memref<2x16xi32, #tpu.memory_space<vmem>> -> memref<1x1xi32, #tpu.memory_space<vmem>>
    %dma_start3A_563 = tpu.memref_squeeze %dma_start3A_562 : memref<1x1xi32, #tpu.memory_space<vmem>> -> memref<1xi32, #tpu.memory_space<vmem>>
    %dma_start3A_564 = arith.constant 0 : i32
    %dma_start3A_565 = arith.constant 0 : i32
    %dma_start3A_566 = tpu.memref_slice %arg4[%dma_start3A_564, %dma_start3A_565, %mul3A_2] : memref<25x8x16384xi32, #tpu.memory_space<hbm>> -> memref<25x8x512xi32, #tpu.memory_space<hbm>>
    tpu.enqueue_indirect_dma source(%arg9 : memref<1x8x512xi32, #tpu.memory_space<vmem>>) target(%dma_start3A_566 : memref<25x8x512xi32, #tpu.memory_space<hbm>>) offsets(%dma_start3A_563 : memref<1xi32, #tpu.memory_space<vmem>>) semaphore(%arg14 : memref<!tpu.dma_semaphore, #tpu.memory_space<semaphore_mem>>)
    %dma_wait3A_567 = arith.constant 0 : i32
    %dma_wait3A_568 = arith.constant 10 : i32
    %dma_wait3A_569 = arith.constant 0 : i32
    %dma_wait3A_570 = arith.constant 0 : i32
    %dma_wait3A_571 = tpu.memref_slice %arg7[%dma_wait3A_568, %dma_wait3A_569, %dma_wait3A_570] : memref<25x8x512xi32, #tpu.memory_space<vmem>> -> memref<1x8x512xi32, #tpu.memory_space<vmem>>
    %dma_wait3A_572 = arith.constant 10 : i32
    %dma_wait3A_573 = tpu.memref_slice %arg6[%dma_wait3A_567, %dma_wait3A_572] : memref<2x16xi32, #tpu.memory_space<vmem>> -> memref<1x1xi32, #tpu.memory_space<vmem>>
    %dma_wait3A_574 = tpu.memref_squeeze %dma_wait3A_573 : memref<1x1xi32, #tpu.memory_space<vmem>> -> memref<1xi32, #tpu.memory_space<vmem>>
    %dma_wait3A_575 = arith.constant 0 : i32
    %dma_wait3A_576 = arith.constant 0 : i32
    %dma_wait3A_577 = tpu.memref_slice %arg2[%dma_wait3A_575, %dma_wait3A_576, %mul3A_2] : memref<25x8x16384xi32, #tpu.memory_space<hbm>> -> memref<25x8x512xi32, #tpu.memory_space<hbm>>
    tpu.wait_indirect_dma semaphore(%arg12 : memref<!tpu.dma_semaphore, #tpu.memory_space<semaphore_mem>>) src(%dma_wait3A_577 : memref<25x8x512xi32, #tpu.memory_space<hbm>>) dst(%dma_wait3A_571 : memref<1x8x512xi32, #tpu.memory_space<vmem>>)
    %dma_wait3A_578 = arith.constant 0 : i32
    %dma_wait3A_579 = arith.constant 6 : i32
    %dma_wait3A_580 = tpu.memref_slice %arg6[%dma_wait3A_578, %dma_wait3A_579] : memref<2x16xi32, #tpu.memory_space<vmem>> -> memref<1x1xi32, #tpu.memory_space<vmem>>
    %dma_wait3A_581 = tpu.memref_squeeze %dma_wait3A_580 : memref<1x1xi32, #tpu.memory_space<vmem>> -> memref<1xi32, #tpu.memory_space<vmem>>
    %dma_wait3A_582 = arith.constant 0 : i32
    %dma_wait3A_583 = arith.constant 0 : i32
    %dma_wait3A_584 = tpu.memref_slice %arg4[%dma_wait3A_582, %dma_wait3A_583, %mul3A_2] : memref<25x8x16384xi32, #tpu.memory_space<hbm>> -> memref<25x8x512xi32, #tpu.memory_space<hbm>>
    tpu.wait_indirect_dma semaphore(%arg15 : memref<!tpu.dma_semaphore, #tpu.memory_space<semaphore_mem>>) src(%arg10 : memref<1x8x512xi32, #tpu.memory_space<vmem>>) dst(%dma_wait3A_584 : memref<25x8x512xi32, #tpu.memory_space<hbm>>)
    %parallel_loop3A_585 = arith.constant 0 : i32
    %parallel_loop3A_586 = arith.constant 256 : i32
    %parallel_loop3A_587 = arith.constant 1 : i32
    scf.for %parallel_loop3A_1015 = %parallel_loop3A_585 to %parallel_loop3A_586 step %parallel_loop3A_587  : i32 {
      %parallel_loop3A_1016 = arith.constant 32 : i32
      %parallel_loop3A_1017 = arith.divsi %parallel_loop3A_1015, %parallel_loop3A_1016 : i32
      %parallel_loop3A_1018 = arith.constant 0 : i32
      %parallel_loop3A_1019 = arith.cmpi sgt, %parallel_loop3A_1015, %parallel_loop3A_1018 : i32
      %parallel_loop3A_1020 = arith.extui %parallel_loop3A_1019 : i1 to i32
      %parallel_loop3A_1021 = arith.constant 0 : i32
      %parallel_loop3A_1022 = arith.cmpi slt, %parallel_loop3A_1015, %parallel_loop3A_1021 : i32
      %parallel_loop3A_1023 = arith.extui %parallel_loop3A_1022 : i1 to i32
      %parallel_loop3A_1024 = arith.subi %parallel_loop3A_1020, %parallel_loop3A_1023 : i32
      %parallel_loop3A_1025 = arith.constant 0 : i32
      %parallel_loop3A_1026 = arith.cmpi sgt, %parallel_loop3A_1016, %parallel_loop3A_1025 : i32
      %parallel_loop3A_1027 = arith.extui %parallel_loop3A_1026 : i1 to i32
      %parallel_loop3A_1028 = arith.constant 0 : i32
      %parallel_loop3A_1029 = arith.cmpi slt, %parallel_loop3A_1016, %parallel_loop3A_1028 : i32
      %parallel_loop3A_1030 = arith.extui %parallel_loop3A_1029 : i1 to i32
      %parallel_loop3A_1031 = arith.subi %parallel_loop3A_1027, %parallel_loop3A_1030 : i32
      %parallel_loop3A_1032 = arith.cmpi ne, %parallel_loop3A_1024, %parallel_loop3A_1031 : i32
      %parallel_loop3A_1033 = arith.remsi %parallel_loop3A_1015, %parallel_loop3A_1016 : i32
      %parallel_loop3A_1034 = arith.constant 0 : i32
      %parallel_loop3A_1035 = arith.cmpi ne, %parallel_loop3A_1033, %parallel_loop3A_1034 : i32
      %parallel_loop3A_1036 = arith.andi %parallel_loop3A_1032, %parallel_loop3A_1035 : i1
      %parallel_loop3A_1037 = arith.constant 1 : i32
      %parallel_loop3A_1038 = arith.subi %parallel_loop3A_1017, %parallel_loop3A_1037 : i32
      %parallel_loop3A_1039 = arith.select %parallel_loop3A_1036, %parallel_loop3A_1038, %parallel_loop3A_1017 : i32
      %parallel_loop3A_1040 = arith.constant 32 : i32
      %parallel_loop3A_1041 = arith.constant 0 : i32
      %parallel_loop3A_1042 = arith.cmpi eq, %parallel_loop3A_1040, %parallel_loop3A_1041 : i32
      %parallel_loop3A_1043 = arith.constant 1 : i32
      %parallel_loop3A_1044 = arith.select %parallel_loop3A_1042, %parallel_loop3A_1043, %parallel_loop3A_1040 : i32
      %parallel_loop3A_1045 = arith.remsi %parallel_loop3A_1015, %parallel_loop3A_1044 : i32
      %parallel_loop3A_1046 = arith.constant 0 : i32
      %parallel_loop3A_1047 = arith.cmpi ne, %parallel_loop3A_1045, %parallel_loop3A_1046 : i32
      %parallel_loop3A_1048 = arith.constant 0 : i32
      %parallel_loop3A_1049 = arith.cmpi slt, %parallel_loop3A_1045, %parallel_loop3A_1048 : i32
      %parallel_loop3A_1050 = arith.constant 0 : i32
      %parallel_loop3A_1051 = arith.cmpi slt, %parallel_loop3A_1044, %parallel_loop3A_1050 : i32
      %parallel_loop3A_1052 = arith.xori %parallel_loop3A_1049, %parallel_loop3A_1051 : i1
      %parallel_loop3A_1053 = arith.andi %parallel_loop3A_1052, %parallel_loop3A_1047 : i1
      %parallel_loop3A_1054 = arith.addi %parallel_loop3A_1045, %parallel_loop3A_1044 : i32
      %parallel_loop3A_1055 = arith.select %parallel_loop3A_1053, %parallel_loop3A_1054, %parallel_loop3A_1045 : i32
      %parallel_loop3A_1056 = arith.constant 16 : i32
      %parallel_loop3A_1057 = arith.muli %parallel_loop3A_1055, %parallel_loop3A_1056 : i32
      %parallel_loop3A_1058 = arith.constant 10 : i32
      %parallel_loop3A_1059 = arith.index_cast %parallel_loop3A_1058 : i32 to index
      %parallel_loop3A_1060 = arith.index_cast %parallel_loop3A_1039 : i32 to index
      %parallel_loop3A_1061 = arith.index_cast %parallel_loop3A_1057 : i32 to index
      %parallel_loop3A_1062 = tpu.vector_load %arg7[%parallel_loop3A_1059, %parallel_loop3A_1060, %parallel_loop3A_1061] {strides = array<i32>} : memref<25x8x512xi32, #tpu.memory_space<vmem>>, vector<16xi32>,
      %parallel_loop3A_1063 = tpu.vector_load_idx %arg5[%parallel_loop3A_1062] : memref<16xi32, #tpu.memory_space<vmem>>[vector<16xi32>], vector<16xi32>,
      %parallel_loop3A_1064 = arith.constant 0 : i32
      %parallel_loop3A_1065 = arith.index_cast %parallel_loop3A_1064 : i32 to index
      %parallel_loop3A_1066 = arith.index_cast %parallel_loop3A_1039 : i32 to index
      %parallel_loop3A_1067 = arith.index_cast %parallel_loop3A_1057 : i32 to index
      %parallel_loop3A_1068 = tpu.vector_load %arg10[%parallel_loop3A_1065, %parallel_loop3A_1066, %parallel_loop3A_1067] {strides = array<i32>} : memref<1x8x512xi32, #tpu.memory_space<vmem>>, vector<16xi32>,
      tpu.vector_store %arg10[%parallel_loop3A_1065, %parallel_loop3A_1066, %parallel_loop3A_1067], %parallel_loop3A_1063 {strides = array<i32>} : memref<1x8x512xi32, #tpu.memory_space<vmem>>, vector<16xi32>,
    } {sc.loop_unroll_factor = 8 : i64, sc.parallel_access}
    %dma_start3A_588 = arith.constant 0 : i32
    %dma_start3A_589 = arith.constant 10 : i32
    %dma_start3A_590 = tpu.memref_slice %arg6[%dma_start3A_588, %dma_start3A_589] : memref<2x16xi32, #tpu.memory_space<vmem>> -> memref<1x1xi32, #tpu.memory_space<vmem>>
    %dma_start3A_591 = tpu.memref_squeeze %dma_start3A_590 : memref<1x1xi32, #tpu.memory_space<vmem>> -> memref<1xi32, #tpu.memory_space<vmem>>
    %dma_start3A_592 = arith.constant 0 : i32
    %dma_start3A_593 = arith.constant 0 : i32
    %dma_start3A_594 = tpu.memref_slice %arg4[%dma_start3A_592, %dma_start3A_593, %mul3A_2] : memref<25x8x16384xi32, #tpu.memory_space<hbm>> -> memref<25x8x512xi32, #tpu.memory_space<hbm>>
    tpu.enqueue_indirect_dma source(%arg10 : memref<1x8x512xi32, #tpu.memory_space<vmem>>) target(%dma_start3A_594 : memref<25x8x512xi32, #tpu.memory_space<hbm>>) offsets(%dma_start3A_591 : memref<1xi32, #tpu.memory_space<vmem>>) semaphore(%arg15 : memref<!tpu.dma_semaphore, #tpu.memory_space<semaphore_mem>>)
    %dma_wait3A_595 = arith.constant 0 : i32
    %dma_wait3A_596 = arith.constant 11 : i32
    %dma_wait3A_597 = arith.constant 0 : i32
    %dma_wait3A_598 = arith.constant 0 : i32
    %dma_wait3A_599 = tpu.memref_slice %arg7[%dma_wait3A_596, %dma_wait3A_597, %dma_wait3A_598] : memref<25x8x512xi32, #tpu.memory_space<vmem>> -> memref<1x8x512xi32, #tpu.memory_space<vmem>>
    %dma_wait3A_600 = arith.constant 11 : i32
    %dma_wait3A_601 = tpu.memref_slice %arg6[%dma_wait3A_595, %dma_wait3A_600] : memref<2x16xi32, #tpu.memory_space<vmem>> -> memref<1x1xi32, #tpu.memory_space<vmem>>
    %dma_wait3A_602 = tpu.memref_squeeze %dma_wait3A_601 : memref<1x1xi32, #tpu.memory_space<vmem>> -> memref<1xi32, #tpu.memory_space<vmem>>
    %dma_wait3A_603 = arith.constant 0 : i32
    %dma_wait3A_604 = arith.constant 0 : i32
    %dma_wait3A_605 = tpu.memref_slice %arg2[%dma_wait3A_603, %dma_wait3A_604, %mul3A_2] : memref<25x8x16384xi32, #tpu.memory_space<hbm>> -> memref<25x8x512xi32, #tpu.memory_space<hbm>>
    tpu.wait_indirect_dma semaphore(%arg12 : memref<!tpu.dma_semaphore, #tpu.memory_space<semaphore_mem>>) src(%dma_wait3A_605 : memref<25x8x512xi32, #tpu.memory_space<hbm>>) dst(%dma_wait3A_599 : memref<1x8x512xi32, #tpu.memory_space<vmem>>)
    %dma_wait3A_606 = arith.constant 0 : i32
    %dma_wait3A_607 = arith.constant 7 : i32
    %dma_wait3A_608 = tpu.memref_slice %arg6[%dma_wait3A_606, %dma_wait3A_607] : memref<2x16xi32, #tpu.memory_space<vmem>> -> memref<1x1xi32, #tpu.memory_space<vmem>>
    %dma_wait3A_609 = tpu.memref_squeeze %dma_wait3A_608 : memref<1x1xi32, #tpu.memory_space<vmem>> -> memref<1xi32, #tpu.memory_space<vmem>>
    %dma_wait3A_610 = arith.constant 0 : i32
    %dma_wait3A_611 = arith.constant 0 : i32
    %dma_wait3A_612 = tpu.memref_slice %arg4[%dma_wait3A_610, %dma_wait3A_611, %mul3A_2] : memref<25x8x16384xi32, #tpu.memory_space<hbm>> -> memref<25x8x512xi32, #tpu.memory_space<hbm>>
    tpu.wait_indirect_dma semaphore(%arg16 : memref<!tpu.dma_semaphore, #tpu.memory_space<semaphore_mem>>) src(%arg11 : memref<1x8x512xi32, #tpu.memory_space<vmem>>) dst(%dma_wait3A_612 : memref<25x8x512xi32, #tpu.memory_space<hbm>>)
    %parallel_loop3A_613 = arith.constant 0 : i32
    %parallel_loop3A_614 = arith.constant 256 : i32
    %parallel_loop3A_615 = arith.constant 1 : i32
    scf.for %parallel_loop3A_1015 = %parallel_loop3A_613 to %parallel_loop3A_614 step %parallel_loop3A_615  : i32 {
      %parallel_loop3A_1016 = arith.constant 32 : i32
      %parallel_loop3A_1017 = arith.divsi %parallel_loop3A_1015, %parallel_loop3A_1016 : i32
      %parallel_loop3A_1018 = arith.constant 0 : i32
      %parallel_loop3A_1019 = arith.cmpi sgt, %parallel_loop3A_1015, %parallel_loop3A_1018 : i32
      %parallel_loop3A_1020 = arith.extui %parallel_loop3A_1019 : i1 to i32
      %parallel_loop3A_1021 = arith.constant 0 : i32
      %parallel_loop3A_1022 = arith.cmpi slt, %parallel_loop3A_1015, %parallel_loop3A_1021 : i32
      %parallel_loop3A_1023 = arith.extui %parallel_loop3A_1022 : i1 to i32
      %parallel_loop3A_1024 = arith.subi %parallel_loop3A_1020, %parallel_loop3A_1023 : i32
      %parallel_loop3A_1025 = arith.constant 0 : i32
      %parallel_loop3A_1026 = arith.cmpi sgt, %parallel_loop3A_1016, %parallel_loop3A_1025 : i32
      %parallel_loop3A_1027 = arith.extui %parallel_loop3A_1026 : i1 to i32
      %parallel_loop3A_1028 = arith.constant 0 : i32
      %parallel_loop3A_1029 = arith.cmpi slt, %parallel_loop3A_1016, %parallel_loop3A_1028 : i32
      %parallel_loop3A_1030 = arith.extui %parallel_loop3A_1029 : i1 to i32
      %parallel_loop3A_1031 = arith.subi %parallel_loop3A_1027, %parallel_loop3A_1030 : i32
      %parallel_loop3A_1032 = arith.cmpi ne, %parallel_loop3A_1024, %parallel_loop3A_1031 : i32
      %parallel_loop3A_1033 = arith.remsi %parallel_loop3A_1015, %parallel_loop3A_1016 : i32
      %parallel_loop3A_1034 = arith.constant 0 : i32
      %parallel_loop3A_1035 = arith.cmpi ne, %parallel_loop3A_1033, %parallel_loop3A_1034 : i32
      %parallel_loop3A_1036 = arith.andi %parallel_loop3A_1032, %parallel_loop3A_1035 : i1
      %parallel_loop3A_1037 = arith.constant 1 : i32
      %parallel_loop3A_1038 = arith.subi %parallel_loop3A_1017, %parallel_loop3A_1037 : i32
      %parallel_loop3A_1039 = arith.select %parallel_loop3A_1036, %parallel_loop3A_1038, %parallel_loop3A_1017 : i32
      %parallel_loop3A_1040 = arith.constant 32 : i32
      %parallel_loop3A_1041 = arith.constant 0 : i32
      %parallel_loop3A_1042 = arith.cmpi eq, %parallel_loop3A_1040, %parallel_loop3A_1041 : i32
      %parallel_loop3A_1043 = arith.constant 1 : i32
      %parallel_loop3A_1044 = arith.select %parallel_loop3A_1042, %parallel_loop3A_1043, %parallel_loop3A_1040 : i32
      %parallel_loop3A_1045 = arith.remsi %parallel_loop3A_1015, %parallel_loop3A_1044 : i32
      %parallel_loop3A_1046 = arith.constant 0 : i32
      %parallel_loop3A_1047 = arith.cmpi ne, %parallel_loop3A_1045, %parallel_loop3A_1046 : i32
      %parallel_loop3A_1048 = arith.constant 0 : i32
      %parallel_loop3A_1049 = arith.cmpi slt, %parallel_loop3A_1045, %parallel_loop3A_1048 : i32
      %parallel_loop3A_1050 = arith.constant 0 : i32
      %parallel_loop3A_1051 = arith.cmpi slt, %parallel_loop3A_1044, %parallel_loop3A_1050 : i32
      %parallel_loop3A_1052 = arith.xori %parallel_loop3A_1049, %parallel_loop3A_1051 : i1
      %parallel_loop3A_1053 = arith.andi %parallel_loop3A_1052, %parallel_loop3A_1047 : i1
      %parallel_loop3A_1054 = arith.addi %parallel_loop3A_1045, %parallel_loop3A_1044 : i32
      %parallel_loop3A_1055 = arith.select %parallel_loop3A_1053, %parallel_loop3A_1054, %parallel_loop3A_1045 : i32
      %parallel_loop3A_1056 = arith.constant 16 : i32
      %parallel_loop3A_1057 = arith.muli %parallel_loop3A_1055, %parallel_loop3A_1056 : i32
      %parallel_loop3A_1058 = arith.constant 11 : i32
      %parallel_loop3A_1059 = arith.index_cast %parallel_loop3A_1058 : i32 to index
      %parallel_loop3A_1060 = arith.index_cast %parallel_loop3A_1039 : i32 to index
      %parallel_loop3A_1061 = arith.index_cast %parallel_loop3A_1057 : i32 to index
      %parallel_loop3A_1062 = tpu.vector_load %arg7[%parallel_loop3A_1059, %parallel_loop3A_1060, %parallel_loop3A_1061] {strides = array<i32>} : memref<25x8x512xi32, #tpu.memory_space<vmem>>, vector<16xi32>,
      %parallel_loop3A_1063 = tpu.vector_load_idx %arg5[%parallel_loop3A_1062] : memref<16xi32, #tpu.memory_space<vmem>>[vector<16xi32>], vector<16xi32>,
      %parallel_loop3A_1064 = arith.constant 0 : i32
      %parallel_loop3A_1065 = arith.index_cast %parallel_loop3A_1064 : i32 to index
      %parallel_loop3A_1066 = arith.index_cast %parallel_loop3A_1039 : i32 to index
      %parallel_loop3A_1067 = arith.index_cast %parallel_loop3A_1057 : i32 to index
      %parallel_loop3A_1068 = tpu.vector_load %arg11[%parallel_loop3A_1065, %parallel_loop3A_1066, %parallel_loop3A_1067] {strides = array<i32>} : memref<1x8x512xi32, #tpu.memory_space<vmem>>, vector<16xi32>,
      tpu.vector_store %arg11[%parallel_loop3A_1065, %parallel_loop3A_1066, %parallel_loop3A_1067], %parallel_loop3A_1063 {strides = array<i32>} : memref<1x8x512xi32, #tpu.memory_space<vmem>>, vector<16xi32>,
    } {sc.loop_unroll_factor = 8 : i64, sc.parallel_access}
    %dma_start3A_616 = arith.constant 0 : i32
    %dma_start3A_617 = arith.constant 11 : i32
    %dma_start3A_618 = tpu.memref_slice %arg6[%dma_start3A_616, %dma_start3A_617] : memref<2x16xi32, #tpu.memory_space<vmem>> -> memref<1x1xi32, #tpu.memory_space<vmem>>
    %dma_start3A_619 = tpu.memref_squeeze %dma_start3A_618 : memref<1x1xi32, #tpu.memory_space<vmem>> -> memref<1xi32, #tpu.memory_space<vmem>>
    %dma_start3A_620 = arith.constant 0 : i32
    %dma_start3A_621 = arith.constant 0 : i32
    %dma_start3A_622 = tpu.memref_slice %arg4[%dma_start3A_620, %dma_start3A_621, %mul3A_2] : memref<25x8x16384xi32, #tpu.memory_space<hbm>> -> memref<25x8x512xi32, #tpu.memory_space<hbm>>
    tpu.enqueue_indirect_dma source(%arg11 : memref<1x8x512xi32, #tpu.memory_space<vmem>>) target(%dma_start3A_622 : memref<25x8x512xi32, #tpu.memory_space<hbm>>) offsets(%dma_start3A_619 : memref<1xi32, #tpu.memory_space<vmem>>) semaphore(%arg16 : memref<!tpu.dma_semaphore, #tpu.memory_space<semaphore_mem>>)
    %dma_wait3A_623 = arith.constant 0 : i32
    %dma_wait3A_624 = arith.constant 12 : i32
    %dma_wait3A_625 = arith.constant 0 : i32
    %dma_wait3A_626 = arith.constant 0 : i32
    %dma_wait3A_627 = tpu.memref_slice %arg7[%dma_wait3A_624, %dma_wait3A_625, %dma_wait3A_626] : memref<25x8x512xi32, #tpu.memory_space<vmem>> -> memref<1x8x512xi32, #tpu.memory_space<vmem>>
    %dma_wait3A_628 = arith.constant 12 : i32
    %dma_wait3A_629 = tpu.memref_slice %arg6[%dma_wait3A_623, %dma_wait3A_628] : memref<2x16xi32, #tpu.memory_space<vmem>> -> memref<1x1xi32, #tpu.memory_space<vmem>>
    %dma_wait3A_630 = tpu.memref_squeeze %dma_wait3A_629 : memref<1x1xi32, #tpu.memory_space<vmem>> -> memref<1xi32, #tpu.memory_space<vmem>>
    %dma_wait3A_631 = arith.constant 0 : i32
    %dma_wait3A_632 = arith.constant 0 : i32
    %dma_wait3A_633 = tpu.memref_slice %arg2[%dma_wait3A_631, %dma_wait3A_632, %mul3A_2] : memref<25x8x16384xi32, #tpu.memory_space<hbm>> -> memref<25x8x512xi32, #tpu.memory_space<hbm>>
    tpu.wait_indirect_dma semaphore(%arg12 : memref<!tpu.dma_semaphore, #tpu.memory_space<semaphore_mem>>) src(%dma_wait3A_633 : memref<25x8x512xi32, #tpu.memory_space<hbm>>) dst(%dma_wait3A_627 : memref<1x8x512xi32, #tpu.memory_space<vmem>>)
    %dma_wait3A_634 = arith.constant 0 : i32
    %dma_wait3A_635 = arith.constant 8 : i32
    %dma_wait3A_636 = tpu.memref_slice %arg6[%dma_wait3A_634, %dma_wait3A_635] : memref<2x16xi32, #tpu.memory_space<vmem>> -> memref<1x1xi32, #tpu.memory_space<vmem>>
    %dma_wait3A_637 = tpu.memref_squeeze %dma_wait3A_636 : memref<1x1xi32, #tpu.memory_space<vmem>> -> memref<1xi32, #tpu.memory_space<vmem>>
    %dma_wait3A_638 = arith.constant 0 : i32
    %dma_wait3A_639 = arith.constant 0 : i32
    %dma_wait3A_640 = tpu.memref_slice %arg4[%dma_wait3A_638, %dma_wait3A_639, %mul3A_2] : memref<25x8x16384xi32, #tpu.memory_space<hbm>> -> memref<25x8x512xi32, #tpu.memory_space<hbm>>
    tpu.wait_indirect_dma semaphore(%arg13 : memref<!tpu.dma_semaphore, #tpu.memory_space<semaphore_mem>>) src(%arg8 : memref<1x8x512xi32, #tpu.memory_space<vmem>>) dst(%dma_wait3A_640 : memref<25x8x512xi32, #tpu.memory_space<hbm>>)
    %parallel_loop3A_641 = arith.constant 0 : i32
    %parallel_loop3A_642 = arith.constant 256 : i32
    %parallel_loop3A_643 = arith.constant 1 : i32
    scf.for %parallel_loop3A_1015 = %parallel_loop3A_641 to %parallel_loop3A_642 step %parallel_loop3A_643  : i32 {
      %parallel_loop3A_1016 = arith.constant 32 : i32
      %parallel_loop3A_1017 = arith.divsi %parallel_loop3A_1015, %parallel_loop3A_1016 : i32
      %parallel_loop3A_1018 = arith.constant 0 : i32
      %parallel_loop3A_1019 = arith.cmpi sgt, %parallel_loop3A_1015, %parallel_loop3A_1018 : i32
      %parallel_loop3A_1020 = arith.extui %parallel_loop3A_1019 : i1 to i32
      %parallel_loop3A_1021 = arith.constant 0 : i32
      %parallel_loop3A_1022 = arith.cmpi slt, %parallel_loop3A_1015, %parallel_loop3A_1021 : i32
      %parallel_loop3A_1023 = arith.extui %parallel_loop3A_1022 : i1 to i32
      %parallel_loop3A_1024 = arith.subi %parallel_loop3A_1020, %parallel_loop3A_1023 : i32
      %parallel_loop3A_1025 = arith.constant 0 : i32
      %parallel_loop3A_1026 = arith.cmpi sgt, %parallel_loop3A_1016, %parallel_loop3A_1025 : i32
      %parallel_loop3A_1027 = arith.extui %parallel_loop3A_1026 : i1 to i32
      %parallel_loop3A_1028 = arith.constant 0 : i32
      %parallel_loop3A_1029 = arith.cmpi slt, %parallel_loop3A_1016, %parallel_loop3A_1028 : i32
      %parallel_loop3A_1030 = arith.extui %parallel_loop3A_1029 : i1 to i32
      %parallel_loop3A_1031 = arith.subi %parallel_loop3A_1027, %parallel_loop3A_1030 : i32
      %parallel_loop3A_1032 = arith.cmpi ne, %parallel_loop3A_1024, %parallel_loop3A_1031 : i32
      %parallel_loop3A_1033 = arith.remsi %parallel_loop3A_1015, %parallel_loop3A_1016 : i32
      %parallel_loop3A_1034 = arith.constant 0 : i32
      %parallel_loop3A_1035 = arith.cmpi ne, %parallel_loop3A_1033, %parallel_loop3A_1034 : i32
      %parallel_loop3A_1036 = arith.andi %parallel_loop3A_1032, %parallel_loop3A_1035 : i1
      %parallel_loop3A_1037 = arith.constant 1 : i32
      %parallel_loop3A_1038 = arith.subi %parallel_loop3A_1017, %parallel_loop3A_1037 : i32
      %parallel_loop3A_1039 = arith.select %parallel_loop3A_1036, %parallel_loop3A_1038, %parallel_loop3A_1017 : i32
      %parallel_loop3A_1040 = arith.constant 32 : i32
      %parallel_loop3A_1041 = arith.constant 0 : i32
      %parallel_loop3A_1042 = arith.cmpi eq, %parallel_loop3A_1040, %parallel_loop3A_1041 : i32
      %parallel_loop3A_1043 = arith.constant 1 : i32
      %parallel_loop3A_1044 = arith.select %parallel_loop3A_1042, %parallel_loop3A_1043, %parallel_loop3A_1040 : i32
      %parallel_loop3A_1045 = arith.remsi %parallel_loop3A_1015, %parallel_loop3A_1044 : i32
      %parallel_loop3A_1046 = arith.constant 0 : i32
      %parallel_loop3A_1047 = arith.cmpi ne, %parallel_loop3A_1045, %parallel_loop3A_1046 : i32
      %parallel_loop3A_1048 = arith.constant 0 : i32
      %parallel_loop3A_1049 = arith.cmpi slt, %parallel_loop3A_1045, %parallel_loop3A_1048 : i32
      %parallel_loop3A_1050 = arith.constant 0 : i32
      %parallel_loop3A_1051 = arith.cmpi slt, %parallel_loop3A_1044, %parallel_loop3A_1050 : i32
      %parallel_loop3A_1052 = arith.xori %parallel_loop3A_1049, %parallel_loop3A_1051 : i1
      %parallel_loop3A_1053 = arith.andi %parallel_loop3A_1052, %parallel_loop3A_1047 : i1
      %parallel_loop3A_1054 = arith.addi %parallel_loop3A_1045, %parallel_loop3A_1044 : i32
      %parallel_loop3A_1055 = arith.select %parallel_loop3A_1053, %parallel_loop3A_1054, %parallel_loop3A_1045 : i32
      %parallel_loop3A_1056 = arith.constant 16 : i32
      %parallel_loop3A_1057 = arith.muli %parallel_loop3A_1055, %parallel_loop3A_1056 : i32
      %parallel_loop3A_1058 = arith.constant 12 : i32
      %parallel_loop3A_1059 = arith.index_cast %parallel_loop3A_1058 : i32 to index
      %parallel_loop3A_1060 = arith.index_cast %parallel_loop3A_1039 : i32 to index
      %parallel_loop3A_1061 = arith.index_cast %parallel_loop3A_1057 : i32 to index
      %parallel_loop3A_1062 = tpu.vector_load %arg7[%parallel_loop3A_1059, %parallel_loop3A_1060, %parallel_loop3A_1061] {strides = array<i32>} : memref<25x8x512xi32, #tpu.memory_space<vmem>>, vector<16xi32>,
      %parallel_loop3A_1063 = tpu.vector_load_idx %arg5[%parallel_loop3A_1062] : memref<16xi32, #tpu.memory_space<vmem>>[vector<16xi32>], vector<16xi32>,
      %parallel_loop3A_1064 = arith.constant 0 : i32
      %parallel_loop3A_1065 = arith.index_cast %parallel_loop3A_1064 : i32 to index
      %parallel_loop3A_1066 = arith.index_cast %parallel_loop3A_1039 : i32 to index
      %parallel_loop3A_1067 = arith.index_cast %parallel_loop3A_1057 : i32 to index
      %parallel_loop3A_1068 = tpu.vector_load %arg8[%parallel_loop3A_1065, %parallel_loop3A_1066, %parallel_loop3A_1067] {strides = array<i32>} : memref<1x8x512xi32, #tpu.memory_space<vmem>>, vector<16xi32>,
      tpu.vector_store %arg8[%parallel_loop3A_1065, %parallel_loop3A_1066, %parallel_loop3A_1067], %parallel_loop3A_1063 {strides = array<i32>} : memref<1x8x512xi32, #tpu.memory_space<vmem>>, vector<16xi32>,
    } {sc.loop_unroll_factor = 8 : i64, sc.parallel_access}
    %dma_start3A_644 = arith.constant 0 : i32
    %dma_start3A_645 = arith.constant 12 : i32
    %dma_start3A_646 = tpu.memref_slice %arg6[%dma_start3A_644, %dma_start3A_645] : memref<2x16xi32, #tpu.memory_space<vmem>> -> memref<1x1xi32, #tpu.memory_space<vmem>>
    %dma_start3A_647 = tpu.memref_squeeze %dma_start3A_646 : memref<1x1xi32, #tpu.memory_space<vmem>> -> memref<1xi32, #tpu.memory_space<vmem>>
    %dma_start3A_648 = arith.constant 0 : i32
    %dma_start3A_649 = arith.constant 0 : i32
    %dma_start3A_650 = tpu.memref_slice %arg4[%dma_start3A_648, %dma_start3A_649, %mul3A_2] : memref<25x8x16384xi32, #tpu.memory_space<hbm>> -> memref<25x8x512xi32, #tpu.memory_space<hbm>>
    tpu.enqueue_indirect_dma source(%arg8 : memref<1x8x512xi32, #tpu.memory_space<vmem>>) target(%dma_start3A_650 : memref<25x8x512xi32, #tpu.memory_space<hbm>>) offsets(%dma_start3A_647 : memref<1xi32, #tpu.memory_space<vmem>>) semaphore(%arg13 : memref<!tpu.dma_semaphore, #tpu.memory_space<semaphore_mem>>)
    %dma_wait3A_651 = arith.constant 0 : i32
    %dma_wait3A_652 = arith.constant 13 : i32
    %dma_wait3A_653 = arith.constant 0 : i32
    %dma_wait3A_654 = arith.constant 0 : i32
    %dma_wait3A_655 = tpu.memref_slice %arg7[%dma_wait3A_652, %dma_wait3A_653, %dma_wait3A_654] : memref<25x8x512xi32, #tpu.memory_space<vmem>> -> memref<1x8x512xi32, #tpu.memory_space<vmem>>
    %dma_wait3A_656 = arith.constant 13 : i32
    %dma_wait3A_657 = tpu.memref_slice %arg6[%dma_wait3A_651, %dma_wait3A_656] : memref<2x16xi32, #tpu.memory_space<vmem>> -> memref<1x1xi32, #tpu.memory_space<vmem>>
    %dma_wait3A_658 = tpu.memref_squeeze %dma_wait3A_657 : memref<1x1xi32, #tpu.memory_space<vmem>> -> memref<1xi32, #tpu.memory_space<vmem>>
    %dma_wait3A_659 = arith.constant 0 : i32
    %dma_wait3A_660 = arith.constant 0 : i32
    %dma_wait3A_661 = tpu.memref_slice %arg2[%dma_wait3A_659, %dma_wait3A_660, %mul3A_2] : memref<25x8x16384xi32, #tpu.memory_space<hbm>> -> memref<25x8x512xi32, #tpu.memory_space<hbm>>
    tpu.wait_indirect_dma semaphore(%arg12 : memref<!tpu.dma_semaphore, #tpu.memory_space<semaphore_mem>>) src(%dma_wait3A_661 : memref<25x8x512xi32, #tpu.memory_space<hbm>>) dst(%dma_wait3A_655 : memref<1x8x512xi32, #tpu.memory_space<vmem>>)
    %dma_wait3A_662 = arith.constant 0 : i32
    %dma_wait3A_663 = arith.constant 9 : i32
    %dma_wait3A_664 = tpu.memref_slice %arg6[%dma_wait3A_662, %dma_wait3A_663] : memref<2x16xi32, #tpu.memory_space<vmem>> -> memref<1x1xi32, #tpu.memory_space<vmem>>
    %dma_wait3A_665 = tpu.memref_squeeze %dma_wait3A_664 : memref<1x1xi32, #tpu.memory_space<vmem>> -> memref<1xi32, #tpu.memory_space<vmem>>
    %dma_wait3A_666 = arith.constant 0 : i32
    %dma_wait3A_667 = arith.constant 0 : i32
    %dma_wait3A_668 = tpu.memref_slice %arg4[%dma_wait3A_666, %dma_wait3A_667, %mul3A_2] : memref<25x8x16384xi32, #tpu.memory_space<hbm>> -> memref<25x8x512xi32, #tpu.memory_space<hbm>>
    tpu.wait_indirect_dma semaphore(%arg14 : memref<!tpu.dma_semaphore, #tpu.memory_space<semaphore_mem>>) src(%arg9 : memref<1x8x512xi32, #tpu.memory_space<vmem>>) dst(%dma_wait3A_668 : memref<25x8x512xi32, #tpu.memory_space<hbm>>)
    %parallel_loop3A_669 = arith.constant 0 : i32
    %parallel_loop3A_670 = arith.constant 256 : i32
    %parallel_loop3A_671 = arith.constant 1 : i32
    scf.for %parallel_loop3A_1015 = %parallel_loop3A_669 to %parallel_loop3A_670 step %parallel_loop3A_671  : i32 {
      %parallel_loop3A_1016 = arith.constant 32 : i32
      %parallel_loop3A_1017 = arith.divsi %parallel_loop3A_1015, %parallel_loop3A_1016 : i32
      %parallel_loop3A_1018 = arith.constant 0 : i32
      %parallel_loop3A_1019 = arith.cmpi sgt, %parallel_loop3A_1015, %parallel_loop3A_1018 : i32
      %parallel_loop3A_1020 = arith.extui %parallel_loop3A_1019 : i1 to i32
      %parallel_loop3A_1021 = arith.constant 0 : i32
      %parallel_loop3A_1022 = arith.cmpi slt, %parallel_loop3A_1015, %parallel_loop3A_1021 : i32
      %parallel_loop3A_1023 = arith.extui %parallel_loop3A_1022 : i1 to i32
      %parallel_loop3A_1024 = arith.subi %parallel_loop3A_1020, %parallel_loop3A_1023 : i32
      %parallel_loop3A_1025 = arith.constant 0 : i32
      %parallel_loop3A_1026 = arith.cmpi sgt, %parallel_loop3A_1016, %parallel_loop3A_1025 : i32
      %parallel_loop3A_1027 = arith.extui %parallel_loop3A_1026 : i1 to i32
      %parallel_loop3A_1028 = arith.constant 0 : i32
      %parallel_loop3A_1029 = arith.cmpi slt, %parallel_loop3A_1016, %parallel_loop3A_1028 : i32
      %parallel_loop3A_1030 = arith.extui %parallel_loop3A_1029 : i1 to i32
      %parallel_loop3A_1031 = arith.subi %parallel_loop3A_1027, %parallel_loop3A_1030 : i32
      %parallel_loop3A_1032 = arith.cmpi ne, %parallel_loop3A_1024, %parallel_loop3A_1031 : i32
      %parallel_loop3A_1033 = arith.remsi %parallel_loop3A_1015, %parallel_loop3A_1016 : i32
      %parallel_loop3A_1034 = arith.constant 0 : i32
      %parallel_loop3A_1035 = arith.cmpi ne, %parallel_loop3A_1033, %parallel_loop3A_1034 : i32
      %parallel_loop3A_1036 = arith.andi %parallel_loop3A_1032, %parallel_loop3A_1035 : i1
      %parallel_loop3A_1037 = arith.constant 1 : i32
      %parallel_loop3A_1038 = arith.subi %parallel_loop3A_1017, %parallel_loop3A_1037 : i32
      %parallel_loop3A_1039 = arith.select %parallel_loop3A_1036, %parallel_loop3A_1038, %parallel_loop3A_1017 : i32
      %parallel_loop3A_1040 = arith.constant 32 : i32
      %parallel_loop3A_1041 = arith.constant 0 : i32
      %parallel_loop3A_1042 = arith.cmpi eq, %parallel_loop3A_1040, %parallel_loop3A_1041 : i32
      %parallel_loop3A_1043 = arith.constant 1 : i32
      %parallel_loop3A_1044 = arith.select %parallel_loop3A_1042, %parallel_loop3A_1043, %parallel_loop3A_1040 : i32
      %parallel_loop3A_1045 = arith.remsi %parallel_loop3A_1015, %parallel_loop3A_1044 : i32
      %parallel_loop3A_1046 = arith.constant 0 : i32
      %parallel_loop3A_1047 = arith.cmpi ne, %parallel_loop3A_1045, %parallel_loop3A_1046 : i32
      %parallel_loop3A_1048 = arith.constant 0 : i32
      %parallel_loop3A_1049 = arith.cmpi slt, %parallel_loop3A_1045, %parallel_loop3A_1048 : i32
      %parallel_loop3A_1050 = arith.constant 0 : i32
      %parallel_loop3A_1051 = arith.cmpi slt, %parallel_loop3A_1044, %parallel_loop3A_1050 : i32
      %parallel_loop3A_1052 = arith.xori %parallel_loop3A_1049, %parallel_loop3A_1051 : i1
      %parallel_loop3A_1053 = arith.andi %parallel_loop3A_1052, %parallel_loop3A_1047 : i1
      %parallel_loop3A_1054 = arith.addi %parallel_loop3A_1045, %parallel_loop3A_1044 : i32
      %parallel_loop3A_1055 = arith.select %parallel_loop3A_1053, %parallel_loop3A_1054, %parallel_loop3A_1045 : i32
      %parallel_loop3A_1056 = arith.constant 16 : i32
      %parallel_loop3A_1057 = arith.muli %parallel_loop3A_1055, %parallel_loop3A_1056 : i32
      %parallel_loop3A_1058 = arith.constant 13 : i32
      %parallel_loop3A_1059 = arith.index_cast %parallel_loop3A_1058 : i32 to index
      %parallel_loop3A_1060 = arith.index_cast %parallel_loop3A_1039 : i32 to index
      %parallel_loop3A_1061 = arith.index_cast %parallel_loop3A_1057 : i32 to index
      %parallel_loop3A_1062 = tpu.vector_load %arg7[%parallel_loop3A_1059, %parallel_loop3A_1060, %parallel_loop3A_1061] {strides = array<i32>} : memref<25x8x512xi32, #tpu.memory_space<vmem>>, vector<16xi32>,
      %parallel_loop3A_1063 = tpu.vector_load_idx %arg5[%parallel_loop3A_1062] : memref<16xi32, #tpu.memory_space<vmem>>[vector<16xi32>], vector<16xi32>,
      %parallel_loop3A_1064 = arith.constant 0 : i32
      %parallel_loop3A_1065 = arith.index_cast %parallel_loop3A_1064 : i32 to index
      %parallel_loop3A_1066 = arith.index_cast %parallel_loop3A_1039 : i32 to index
      %parallel_loop3A_1067 = arith.index_cast %parallel_loop3A_1057 : i32 to index
      %parallel_loop3A_1068 = tpu.vector_load %arg9[%parallel_loop3A_1065, %parallel_loop3A_1066, %parallel_loop3A_1067] {strides = array<i32>} : memref<1x8x512xi32, #tpu.memory_space<vmem>>, vector<16xi32>,
      tpu.vector_store %arg9[%parallel_loop3A_1065, %parallel_loop3A_1066, %parallel_loop3A_1067], %parallel_loop3A_1063 {strides = array<i32>} : memref<1x8x512xi32, #tpu.memory_space<vmem>>, vector<16xi32>,
    } {sc.loop_unroll_factor = 8 : i64, sc.parallel_access}
    %dma_start3A_672 = arith.constant 0 : i32
    %dma_start3A_673 = arith.constant 13 : i32
    %dma_start3A_674 = tpu.memref_slice %arg6[%dma_start3A_672, %dma_start3A_673] : memref<2x16xi32, #tpu.memory_space<vmem>> -> memref<1x1xi32, #tpu.memory_space<vmem>>
    %dma_start3A_675 = tpu.memref_squeeze %dma_start3A_674 : memref<1x1xi32, #tpu.memory_space<vmem>> -> memref<1xi32, #tpu.memory_space<vmem>>
    %dma_start3A_676 = arith.constant 0 : i32
    %dma_start3A_677 = arith.constant 0 : i32
    %dma_start3A_678 = tpu.memref_slice %arg4[%dma_start3A_676, %dma_start3A_677, %mul3A_2] : memref<25x8x16384xi32, #tpu.memory_space<hbm>> -> memref<25x8x512xi32, #tpu.memory_space<hbm>>
    tpu.enqueue_indirect_dma source(%arg9 : memref<1x8x512xi32, #tpu.memory_space<vmem>>) target(%dma_start3A_678 : memref<25x8x512xi32, #tpu.memory_space<hbm>>) offsets(%dma_start3A_675 : memref<1xi32, #tpu.memory_space<vmem>>) semaphore(%arg14 : memref<!tpu.dma_semaphore, #tpu.memory_space<semaphore_mem>>)
    %dma_wait3A_679 = arith.constant 0 : i32
    %dma_wait3A_680 = arith.constant 14 : i32
    %dma_wait3A_681 = arith.constant 0 : i32
    %dma_wait3A_682 = arith.constant 0 : i32
    %dma_wait3A_683 = tpu.memref_slice %arg7[%dma_wait3A_680, %dma_wait3A_681, %dma_wait3A_682] : memref<25x8x512xi32, #tpu.memory_space<vmem>> -> memref<1x8x512xi32, #tpu.memory_space<vmem>>
    %dma_wait3A_684 = arith.constant 14 : i32
    %dma_wait3A_685 = tpu.memref_slice %arg6[%dma_wait3A_679, %dma_wait3A_684] : memref<2x16xi32, #tpu.memory_space<vmem>> -> memref<1x1xi32, #tpu.memory_space<vmem>>
    %dma_wait3A_686 = tpu.memref_squeeze %dma_wait3A_685 : memref<1x1xi32, #tpu.memory_space<vmem>> -> memref<1xi32, #tpu.memory_space<vmem>>
    %dma_wait3A_687 = arith.constant 0 : i32
    %dma_wait3A_688 = arith.constant 0 : i32
    %dma_wait3A_689 = tpu.memref_slice %arg2[%dma_wait3A_687, %dma_wait3A_688, %mul3A_2] : memref<25x8x16384xi32, #tpu.memory_space<hbm>> -> memref<25x8x512xi32, #tpu.memory_space<hbm>>
    tpu.wait_indirect_dma semaphore(%arg12 : memref<!tpu.dma_semaphore, #tpu.memory_space<semaphore_mem>>) src(%dma_wait3A_689 : memref<25x8x512xi32, #tpu.memory_space<hbm>>) dst(%dma_wait3A_683 : memref<1x8x512xi32, #tpu.memory_space<vmem>>)
    %dma_wait3A_690 = arith.constant 0 : i32
    %dma_wait3A_691 = arith.constant 10 : i32
    %dma_wait3A_692 = tpu.memref_slice %arg6[%dma_wait3A_690, %dma_wait3A_691] : memref<2x16xi32, #tpu.memory_space<vmem>> -> memref<1x1xi32, #tpu.memory_space<vmem>>
    %dma_wait3A_693 = tpu.memref_squeeze %dma_wait3A_692 : memref<1x1xi32, #tpu.memory_space<vmem>> -> memref<1xi32, #tpu.memory_space<vmem>>
    %dma_wait3A_694 = arith.constant 0 : i32
    %dma_wait3A_695 = arith.constant 0 : i32
    %dma_wait3A_696 = tpu.memref_slice %arg4[%dma_wait3A_694, %dma_wait3A_695, %mul3A_2] : memref<25x8x16384xi32, #tpu.memory_space<hbm>> -> memref<25x8x512xi32, #tpu.memory_space<hbm>>
    tpu.wait_indirect_dma semaphore(%arg15 : memref<!tpu.dma_semaphore, #tpu.memory_space<semaphore_mem>>) src(%arg10 : memref<1x8x512xi32, #tpu.memory_space<vmem>>) dst(%dma_wait3A_696 : memref<25x8x512xi32, #tpu.memory_space<hbm>>)
    %parallel_loop3A_697 = arith.constant 0 : i32
    %parallel_loop3A_698 = arith.constant 256 : i32
    %parallel_loop3A_699 = arith.constant 1 : i32
    scf.for %parallel_loop3A_1015 = %parallel_loop3A_697 to %parallel_loop3A_698 step %parallel_loop3A_699  : i32 {
      %parallel_loop3A_1016 = arith.constant 32 : i32
      %parallel_loop3A_1017 = arith.divsi %parallel_loop3A_1015, %parallel_loop3A_1016 : i32
      %parallel_loop3A_1018 = arith.constant 0 : i32
      %parallel_loop3A_1019 = arith.cmpi sgt, %parallel_loop3A_1015, %parallel_loop3A_1018 : i32
      %parallel_loop3A_1020 = arith.extui %parallel_loop3A_1019 : i1 to i32
      %parallel_loop3A_1021 = arith.constant 0 : i32
      %parallel_loop3A_1022 = arith.cmpi slt, %parallel_loop3A_1015, %parallel_loop3A_1021 : i32
      %parallel_loop3A_1023 = arith.extui %parallel_loop3A_1022 : i1 to i32
      %parallel_loop3A_1024 = arith.subi %parallel_loop3A_1020, %parallel_loop3A_1023 : i32
      %parallel_loop3A_1025 = arith.constant 0 : i32
      %parallel_loop3A_1026 = arith.cmpi sgt, %parallel_loop3A_1016, %parallel_loop3A_1025 : i32
      %parallel_loop3A_1027 = arith.extui %parallel_loop3A_1026 : i1 to i32
      %parallel_loop3A_1028 = arith.constant 0 : i32
      %parallel_loop3A_1029 = arith.cmpi slt, %parallel_loop3A_1016, %parallel_loop3A_1028 : i32
      %parallel_loop3A_1030 = arith.extui %parallel_loop3A_1029 : i1 to i32
      %parallel_loop3A_1031 = arith.subi %parallel_loop3A_1027, %parallel_loop3A_1030 : i32
      %parallel_loop3A_1032 = arith.cmpi ne, %parallel_loop3A_1024, %parallel_loop3A_1031 : i32
      %parallel_loop3A_1033 = arith.remsi %parallel_loop3A_1015, %parallel_loop3A_1016 : i32
      %parallel_loop3A_1034 = arith.constant 0 : i32
      %parallel_loop3A_1035 = arith.cmpi ne, %parallel_loop3A_1033, %parallel_loop3A_1034 : i32
      %parallel_loop3A_1036 = arith.andi %parallel_loop3A_1032, %parallel_loop3A_1035 : i1
      %parallel_loop3A_1037 = arith.constant 1 : i32
      %parallel_loop3A_1038 = arith.subi %parallel_loop3A_1017, %parallel_loop3A_1037 : i32
      %parallel_loop3A_1039 = arith.select %parallel_loop3A_1036, %parallel_loop3A_1038, %parallel_loop3A_1017 : i32
      %parallel_loop3A_1040 = arith.constant 32 : i32
      %parallel_loop3A_1041 = arith.constant 0 : i32
      %parallel_loop3A_1042 = arith.cmpi eq, %parallel_loop3A_1040, %parallel_loop3A_1041 : i32
      %parallel_loop3A_1043 = arith.constant 1 : i32
      %parallel_loop3A_1044 = arith.select %parallel_loop3A_1042, %parallel_loop3A_1043, %parallel_loop3A_1040 : i32
      %parallel_loop3A_1045 = arith.remsi %parallel_loop3A_1015, %parallel_loop3A_1044 : i32
      %parallel_loop3A_1046 = arith.constant 0 : i32
      %parallel_loop3A_1047 = arith.cmpi ne, %parallel_loop3A_1045, %parallel_loop3A_1046 : i32
      %parallel_loop3A_1048 = arith.constant 0 : i32
      %parallel_loop3A_1049 = arith.cmpi slt, %parallel_loop3A_1045, %parallel_loop3A_1048 : i32
      %parallel_loop3A_1050 = arith.constant 0 : i32
      %parallel_loop3A_1051 = arith.cmpi slt, %parallel_loop3A_1044, %parallel_loop3A_1050 : i32
      %parallel_loop3A_1052 = arith.xori %parallel_loop3A_1049, %parallel_loop3A_1051 : i1
      %parallel_loop3A_1053 = arith.andi %parallel_loop3A_1052, %parallel_loop3A_1047 : i1
      %parallel_loop3A_1054 = arith.addi %parallel_loop3A_1045, %parallel_loop3A_1044 : i32
      %parallel_loop3A_1055 = arith.select %parallel_loop3A_1053, %parallel_loop3A_1054, %parallel_loop3A_1045 : i32
      %parallel_loop3A_1056 = arith.constant 16 : i32
      %parallel_loop3A_1057 = arith.muli %parallel_loop3A_1055, %parallel_loop3A_1056 : i32
      %parallel_loop3A_1058 = arith.constant 14 : i32
      %parallel_loop3A_1059 = arith.index_cast %parallel_loop3A_1058 : i32 to index
      %parallel_loop3A_1060 = arith.index_cast %parallel_loop3A_1039 : i32 to index
      %parallel_loop3A_1061 = arith.index_cast %parallel_loop3A_1057 : i32 to index
      %parallel_loop3A_1062 = tpu.vector_load %arg7[%parallel_loop3A_1059, %parallel_loop3A_1060, %parallel_loop3A_1061] {strides = array<i32>} : memref<25x8x512xi32, #tpu.memory_space<vmem>>, vector<16xi32>,
      %parallel_loop3A_1063 = tpu.vector_load_idx %arg5[%parallel_loop3A_1062] : memref<16xi32, #tpu.memory_space<vmem>>[vector<16xi32>], vector<16xi32>,
      %parallel_loop3A_1064 = arith.constant 0 : i32
      %parallel_loop3A_1065 = arith.index_cast %parallel_loop3A_1064 : i32 to index
      %parallel_loop3A_1066 = arith.index_cast %parallel_loop3A_1039 : i32 to index
      %parallel_loop3A_1067 = arith.index_cast %parallel_loop3A_1057 : i32 to index
      %parallel_loop3A_1068 = tpu.vector_load %arg10[%parallel_loop3A_1065, %parallel_loop3A_1066, %parallel_loop3A_1067] {strides = array<i32>} : memref<1x8x512xi32, #tpu.memory_space<vmem>>, vector<16xi32>,
      tpu.vector_store %arg10[%parallel_loop3A_1065, %parallel_loop3A_1066, %parallel_loop3A_1067], %parallel_loop3A_1063 {strides = array<i32>} : memref<1x8x512xi32, #tpu.memory_space<vmem>>, vector<16xi32>,
    } {sc.loop_unroll_factor = 8 : i64, sc.parallel_access}
    %dma_start3A_700 = arith.constant 0 : i32
    %dma_start3A_701 = arith.constant 14 : i32
    %dma_start3A_702 = tpu.memref_slice %arg6[%dma_start3A_700, %dma_start3A_701] : memref<2x16xi32, #tpu.memory_space<vmem>> -> memref<1x1xi32, #tpu.memory_space<vmem>>
    %dma_start3A_703 = tpu.memref_squeeze %dma_start3A_702 : memref<1x1xi32, #tpu.memory_space<vmem>> -> memref<1xi32, #tpu.memory_space<vmem>>
    %dma_start3A_704 = arith.constant 0 : i32
    %dma_start3A_705 = arith.constant 0 : i32
    %dma_start3A_706 = tpu.memref_slice %arg4[%dma_start3A_704, %dma_start3A_705, %mul3A_2] : memref<25x8x16384xi32, #tpu.memory_space<hbm>> -> memref<25x8x512xi32, #tpu.memory_space<hbm>>
    tpu.enqueue_indirect_dma source(%arg10 : memref<1x8x512xi32, #tpu.memory_space<vmem>>) target(%dma_start3A_706 : memref<25x8x512xi32, #tpu.memory_space<hbm>>) offsets(%dma_start3A_703 : memref<1xi32, #tpu.memory_space<vmem>>) semaphore(%arg15 : memref<!tpu.dma_semaphore, #tpu.memory_space<semaphore_mem>>)
    %dma_wait3A_707 = arith.constant 0 : i32
    %dma_wait3A_708 = arith.constant 15 : i32
    %dma_wait3A_709 = arith.constant 0 : i32
    %dma_wait3A_710 = arith.constant 0 : i32
    %dma_wait3A_711 = tpu.memref_slice %arg7[%dma_wait3A_708, %dma_wait3A_709, %dma_wait3A_710] : memref<25x8x512xi32, #tpu.memory_space<vmem>> -> memref<1x8x512xi32, #tpu.memory_space<vmem>>
    %dma_wait3A_712 = arith.constant 15 : i32
    %dma_wait3A_713 = tpu.memref_slice %arg6[%dma_wait3A_707, %dma_wait3A_712] : memref<2x16xi32, #tpu.memory_space<vmem>> -> memref<1x1xi32, #tpu.memory_space<vmem>>
    %dma_wait3A_714 = tpu.memref_squeeze %dma_wait3A_713 : memref<1x1xi32, #tpu.memory_space<vmem>> -> memref<1xi32, #tpu.memory_space<vmem>>
    %dma_wait3A_715 = arith.constant 0 : i32
    %dma_wait3A_716 = arith.constant 0 : i32
    %dma_wait3A_717 = tpu.memref_slice %arg2[%dma_wait3A_715, %dma_wait3A_716, %mul3A_2] : memref<25x8x16384xi32, #tpu.memory_space<hbm>> -> memref<25x8x512xi32, #tpu.memory_space<hbm>>
    tpu.wait_indirect_dma semaphore(%arg12 : memref<!tpu.dma_semaphore, #tpu.memory_space<semaphore_mem>>) src(%dma_wait3A_717 : memref<25x8x512xi32, #tpu.memory_space<hbm>>) dst(%dma_wait3A_711 : memref<1x8x512xi32, #tpu.memory_space<vmem>>)
    %dma_wait3A_718 = arith.constant 0 : i32
    %dma_wait3A_719 = arith.constant 11 : i32
    %dma_wait3A_720 = tpu.memref_slice %arg6[%dma_wait3A_718, %dma_wait3A_719] : memref<2x16xi32, #tpu.memory_space<vmem>> -> memref<1x1xi32, #tpu.memory_space<vmem>>
    %dma_wait3A_721 = tpu.memref_squeeze %dma_wait3A_720 : memref<1x1xi32, #tpu.memory_space<vmem>> -> memref<1xi32, #tpu.memory_space<vmem>>
    %dma_wait3A_722 = arith.constant 0 : i32
    %dma_wait3A_723 = arith.constant 0 : i32
    %dma_wait3A_724 = tpu.memref_slice %arg4[%dma_wait3A_722, %dma_wait3A_723, %mul3A_2] : memref<25x8x16384xi32, #tpu.memory_space<hbm>> -> memref<25x8x512xi32, #tpu.memory_space<hbm>>
    tpu.wait_indirect_dma semaphore(%arg16 : memref<!tpu.dma_semaphore, #tpu.memory_space<semaphore_mem>>) src(%arg11 : memref<1x8x512xi32, #tpu.memory_space<vmem>>) dst(%dma_wait3A_724 : memref<25x8x512xi32, #tpu.memory_space<hbm>>)
    %parallel_loop3A_725 = arith.constant 0 : i32
    %parallel_loop3A_726 = arith.constant 256 : i32
    %parallel_loop3A_727 = arith.constant 1 : i32
    scf.for %parallel_loop3A_1015 = %parallel_loop3A_725 to %parallel_loop3A_726 step %parallel_loop3A_727  : i32 {
      %parallel_loop3A_1016 = arith.constant 32 : i32
      %parallel_loop3A_1017 = arith.divsi %parallel_loop3A_1015, %parallel_loop3A_1016 : i32
      %parallel_loop3A_1018 = arith.constant 0 : i32
      %parallel_loop3A_1019 = arith.cmpi sgt, %parallel_loop3A_1015, %parallel_loop3A_1018 : i32
      %parallel_loop3A_1020 = arith.extui %parallel_loop3A_1019 : i1 to i32
      %parallel_loop3A_1021 = arith.constant 0 : i32
      %parallel_loop3A_1022 = arith.cmpi slt, %parallel_loop3A_1015, %parallel_loop3A_1021 : i32
      %parallel_loop3A_1023 = arith.extui %parallel_loop3A_1022 : i1 to i32
      %parallel_loop3A_1024 = arith.subi %parallel_loop3A_1020, %parallel_loop3A_1023 : i32
      %parallel_loop3A_1025 = arith.constant 0 : i32
      %parallel_loop3A_1026 = arith.cmpi sgt, %parallel_loop3A_1016, %parallel_loop3A_1025 : i32
      %parallel_loop3A_1027 = arith.extui %parallel_loop3A_1026 : i1 to i32
      %parallel_loop3A_1028 = arith.constant 0 : i32
      %parallel_loop3A_1029 = arith.cmpi slt, %parallel_loop3A_1016, %parallel_loop3A_1028 : i32
      %parallel_loop3A_1030 = arith.extui %parallel_loop3A_1029 : i1 to i32
      %parallel_loop3A_1031 = arith.subi %parallel_loop3A_1027, %parallel_loop3A_1030 : i32
      %parallel_loop3A_1032 = arith.cmpi ne, %parallel_loop3A_1024, %parallel_loop3A_1031 : i32
      %parallel_loop3A_1033 = arith.remsi %parallel_loop3A_1015, %parallel_loop3A_1016 : i32
      %parallel_loop3A_1034 = arith.constant 0 : i32
      %parallel_loop3A_1035 = arith.cmpi ne, %parallel_loop3A_1033, %parallel_loop3A_1034 : i32
      %parallel_loop3A_1036 = arith.andi %parallel_loop3A_1032, %parallel_loop3A_1035 : i1
      %parallel_loop3A_1037 = arith.constant 1 : i32
      %parallel_loop3A_1038 = arith.subi %parallel_loop3A_1017, %parallel_loop3A_1037 : i32
      %parallel_loop3A_1039 = arith.select %parallel_loop3A_1036, %parallel_loop3A_1038, %parallel_loop3A_1017 : i32
      %parallel_loop3A_1040 = arith.constant 32 : i32
      %parallel_loop3A_1041 = arith.constant 0 : i32
      %parallel_loop3A_1042 = arith.cmpi eq, %parallel_loop3A_1040, %parallel_loop3A_1041 : i32
      %parallel_loop3A_1043 = arith.constant 1 : i32
      %parallel_loop3A_1044 = arith.select %parallel_loop3A_1042, %parallel_loop3A_1043, %parallel_loop3A_1040 : i32
      %parallel_loop3A_1045 = arith.remsi %parallel_loop3A_1015, %parallel_loop3A_1044 : i32
      %parallel_loop3A_1046 = arith.constant 0 : i32
      %parallel_loop3A_1047 = arith.cmpi ne, %parallel_loop3A_1045, %parallel_loop3A_1046 : i32
      %parallel_loop3A_1048 = arith.constant 0 : i32
      %parallel_loop3A_1049 = arith.cmpi slt, %parallel_loop3A_1045, %parallel_loop3A_1048 : i32
      %parallel_loop3A_1050 = arith.constant 0 : i32
      %parallel_loop3A_1051 = arith.cmpi slt, %parallel_loop3A_1044, %parallel_loop3A_1050 : i32
      %parallel_loop3A_1052 = arith.xori %parallel_loop3A_1049, %parallel_loop3A_1051 : i1
      %parallel_loop3A_1053 = arith.andi %parallel_loop3A_1052, %parallel_loop3A_1047 : i1
      %parallel_loop3A_1054 = arith.addi %parallel_loop3A_1045, %parallel_loop3A_1044 : i32
      %parallel_loop3A_1055 = arith.select %parallel_loop3A_1053, %parallel_loop3A_1054, %parallel_loop3A_1045 : i32
      %parallel_loop3A_1056 = arith.constant 16 : i32
      %parallel_loop3A_1057 = arith.muli %parallel_loop3A_1055, %parallel_loop3A_1056 : i32
      %parallel_loop3A_1058 = arith.constant 15 : i32
      %parallel_loop3A_1059 = arith.index_cast %parallel_loop3A_1058 : i32 to index
      %parallel_loop3A_1060 = arith.index_cast %parallel_loop3A_1039 : i32 to index
      %parallel_loop3A_1061 = arith.index_cast %parallel_loop3A_1057 : i32 to index
      %parallel_loop3A_1062 = tpu.vector_load %arg7[%parallel_loop3A_1059, %parallel_loop3A_1060, %parallel_loop3A_1061] {strides = array<i32>} : memref<25x8x512xi32, #tpu.memory_space<vmem>>, vector<16xi32>,
      %parallel_loop3A_1063 = tpu.vector_load_idx %arg5[%parallel_loop3A_1062] : memref<16xi32, #tpu.memory_space<vmem>>[vector<16xi32>], vector<16xi32>,
      %parallel_loop3A_1064 = arith.constant 0 : i32
      %parallel_loop3A_1065 = arith.index_cast %parallel_loop3A_1064 : i32 to index
      %parallel_loop3A_1066 = arith.index_cast %parallel_loop3A_1039 : i32 to index
      %parallel_loop3A_1067 = arith.index_cast %parallel_loop3A_1057 : i32 to index
      %parallel_loop3A_1068 = tpu.vector_load %arg11[%parallel_loop3A_1065, %parallel_loop3A_1066, %parallel_loop3A_1067] {strides = array<i32>} : memref<1x8x512xi32, #tpu.memory_space<vmem>>, vector<16xi32>,
      tpu.vector_store %arg11[%parallel_loop3A_1065, %parallel_loop3A_1066, %parallel_loop3A_1067], %parallel_loop3A_1063 {strides = array<i32>} : memref<1x8x512xi32, #tpu.memory_space<vmem>>, vector<16xi32>,
    } {sc.loop_unroll_factor = 8 : i64, sc.parallel_access}
    %dma_start3A_728 = arith.constant 0 : i32
    %dma_start3A_729 = arith.constant 15 : i32
    %dma_start3A_730 = tpu.memref_slice %arg6[%dma_start3A_728, %dma_start3A_729] : memref<2x16xi32, #tpu.memory_space<vmem>> -> memref<1x1xi32, #tpu.memory_space<vmem>>
    %dma_start3A_731 = tpu.memref_squeeze %dma_start3A_730 : memref<1x1xi32, #tpu.memory_space<vmem>> -> memref<1xi32, #tpu.memory_space<vmem>>
    %dma_start3A_732 = arith.constant 0 : i32
    %dma_start3A_733 = arith.constant 0 : i32
    %dma_start3A_734 = tpu.memref_slice %arg4[%dma_start3A_732, %dma_start3A_733, %mul3A_2] : memref<25x8x16384xi32, #tpu.memory_space<hbm>> -> memref<25x8x512xi32, #tpu.memory_space<hbm>>
    tpu.enqueue_indirect_dma source(%arg11 : memref<1x8x512xi32, #tpu.memory_space<vmem>>) target(%dma_start3A_734 : memref<25x8x512xi32, #tpu.memory_space<hbm>>) offsets(%dma_start3A_731 : memref<1xi32, #tpu.memory_space<vmem>>) semaphore(%arg16 : memref<!tpu.dma_semaphore, #tpu.memory_space<semaphore_mem>>)
    %dma_wait3A_735 = arith.constant 1 : i32
    %dma_wait3A_736 = arith.constant 16 : i32
    %dma_wait3A_737 = arith.constant 0 : i32
    %dma_wait3A_738 = arith.constant 0 : i32
    %dma_wait3A_739 = tpu.memref_slice %arg7[%dma_wait3A_736, %dma_wait3A_737, %dma_wait3A_738] : memref<25x8x512xi32, #tpu.memory_space<vmem>> -> memref<1x8x512xi32, #tpu.memory_space<vmem>>
    %dma_wait3A_740 = arith.constant 0 : i32
    %dma_wait3A_741 = tpu.memref_slice %arg6[%dma_wait3A_735, %dma_wait3A_740] : memref<2x16xi32, #tpu.memory_space<vmem>> -> memref<1x1xi32, #tpu.memory_space<vmem>>
    %dma_wait3A_742 = tpu.memref_squeeze %dma_wait3A_741 : memref<1x1xi32, #tpu.memory_space<vmem>> -> memref<1xi32, #tpu.memory_space<vmem>>
    %dma_wait3A_743 = arith.constant 0 : i32
    %dma_wait3A_744 = arith.constant 0 : i32
    %dma_wait3A_745 = tpu.memref_slice %arg2[%dma_wait3A_743, %dma_wait3A_744, %mul3A_2] : memref<25x8x16384xi32, #tpu.memory_space<hbm>> -> memref<25x8x512xi32, #tpu.memory_space<hbm>>
    tpu.wait_indirect_dma semaphore(%arg12 : memref<!tpu.dma_semaphore, #tpu.memory_space<semaphore_mem>>) src(%dma_wait3A_745 : memref<25x8x512xi32, #tpu.memory_space<hbm>>) dst(%dma_wait3A_739 : memref<1x8x512xi32, #tpu.memory_space<vmem>>)
    %dma_wait3A_746 = arith.constant 0 : i32
    %dma_wait3A_747 = arith.constant 12 : i32
    %dma_wait3A_748 = tpu.memref_slice %arg6[%dma_wait3A_746, %dma_wait3A_747] : memref<2x16xi32, #tpu.memory_space<vmem>> -> memref<1x1xi32, #tpu.memory_space<vmem>>
    %dma_wait3A_749 = tpu.memref_squeeze %dma_wait3A_748 : memref<1x1xi32, #tpu.memory_space<vmem>> -> memref<1xi32, #tpu.memory_space<vmem>>
    %dma_wait3A_750 = arith.constant 0 : i32
    %dma_wait3A_751 = arith.constant 0 : i32
    %dma_wait3A_752 = tpu.memref_slice %arg4[%dma_wait3A_750, %dma_wait3A_751, %mul3A_2] : memref<25x8x16384xi32, #tpu.memory_space<hbm>> -> memref<25x8x512xi32, #tpu.memory_space<hbm>>
    tpu.wait_indirect_dma semaphore(%arg13 : memref<!tpu.dma_semaphore, #tpu.memory_space<semaphore_mem>>) src(%arg8 : memref<1x8x512xi32, #tpu.memory_space<vmem>>) dst(%dma_wait3A_752 : memref<25x8x512xi32, #tpu.memory_space<hbm>>)
    %parallel_loop3A_753 = arith.constant 0 : i32
    %parallel_loop3A_754 = arith.constant 256 : i32
    %parallel_loop3A_755 = arith.constant 1 : i32
    scf.for %parallel_loop3A_1015 = %parallel_loop3A_753 to %parallel_loop3A_754 step %parallel_loop3A_755  : i32 {
      %parallel_loop3A_1016 = arith.constant 32 : i32
      %parallel_loop3A_1017 = arith.divsi %parallel_loop3A_1015, %parallel_loop3A_1016 : i32
      %parallel_loop3A_1018 = arith.constant 0 : i32
      %parallel_loop3A_1019 = arith.cmpi sgt, %parallel_loop3A_1015, %parallel_loop3A_1018 : i32
      %parallel_loop3A_1020 = arith.extui %parallel_loop3A_1019 : i1 to i32
      %parallel_loop3A_1021 = arith.constant 0 : i32
      %parallel_loop3A_1022 = arith.cmpi slt, %parallel_loop3A_1015, %parallel_loop3A_1021 : i32
      %parallel_loop3A_1023 = arith.extui %parallel_loop3A_1022 : i1 to i32
      %parallel_loop3A_1024 = arith.subi %parallel_loop3A_1020, %parallel_loop3A_1023 : i32
      %parallel_loop3A_1025 = arith.constant 0 : i32
      %parallel_loop3A_1026 = arith.cmpi sgt, %parallel_loop3A_1016, %parallel_loop3A_1025 : i32
      %parallel_loop3A_1027 = arith.extui %parallel_loop3A_1026 : i1 to i32
      %parallel_loop3A_1028 = arith.constant 0 : i32
      %parallel_loop3A_1029 = arith.cmpi slt, %parallel_loop3A_1016, %parallel_loop3A_1028 : i32
      %parallel_loop3A_1030 = arith.extui %parallel_loop3A_1029 : i1 to i32
      %parallel_loop3A_1031 = arith.subi %parallel_loop3A_1027, %parallel_loop3A_1030 : i32
      %parallel_loop3A_1032 = arith.cmpi ne, %parallel_loop3A_1024, %parallel_loop3A_1031 : i32
      %parallel_loop3A_1033 = arith.remsi %parallel_loop3A_1015, %parallel_loop3A_1016 : i32
      %parallel_loop3A_1034 = arith.constant 0 : i32
      %parallel_loop3A_1035 = arith.cmpi ne, %parallel_loop3A_1033, %parallel_loop3A_1034 : i32
      %parallel_loop3A_1036 = arith.andi %parallel_loop3A_1032, %parallel_loop3A_1035 : i1
      %parallel_loop3A_1037 = arith.constant 1 : i32
      %parallel_loop3A_1038 = arith.subi %parallel_loop3A_1017, %parallel_loop3A_1037 : i32
      %parallel_loop3A_1039 = arith.select %parallel_loop3A_1036, %parallel_loop3A_1038, %parallel_loop3A_1017 : i32
      %parallel_loop3A_1040 = arith.constant 32 : i32
      %parallel_loop3A_1041 = arith.constant 0 : i32
      %parallel_loop3A_1042 = arith.cmpi eq, %parallel_loop3A_1040, %parallel_loop3A_1041 : i32
      %parallel_loop3A_1043 = arith.constant 1 : i32
      %parallel_loop3A_1044 = arith.select %parallel_loop3A_1042, %parallel_loop3A_1043, %parallel_loop3A_1040 : i32
      %parallel_loop3A_1045 = arith.remsi %parallel_loop3A_1015, %parallel_loop3A_1044 : i32
      %parallel_loop3A_1046 = arith.constant 0 : i32
      %parallel_loop3A_1047 = arith.cmpi ne, %parallel_loop3A_1045, %parallel_loop3A_1046 : i32
      %parallel_loop3A_1048 = arith.constant 0 : i32
      %parallel_loop3A_1049 = arith.cmpi slt, %parallel_loop3A_1045, %parallel_loop3A_1048 : i32
      %parallel_loop3A_1050 = arith.constant 0 : i32
      %parallel_loop3A_1051 = arith.cmpi slt, %parallel_loop3A_1044, %parallel_loop3A_1050 : i32
      %parallel_loop3A_1052 = arith.xori %parallel_loop3A_1049, %parallel_loop3A_1051 : i1
      %parallel_loop3A_1053 = arith.andi %parallel_loop3A_1052, %parallel_loop3A_1047 : i1
      %parallel_loop3A_1054 = arith.addi %parallel_loop3A_1045, %parallel_loop3A_1044 : i32
      %parallel_loop3A_1055 = arith.select %parallel_loop3A_1053, %parallel_loop3A_1054, %parallel_loop3A_1045 : i32
      %parallel_loop3A_1056 = arith.constant 16 : i32
      %parallel_loop3A_1057 = arith.muli %parallel_loop3A_1055, %parallel_loop3A_1056 : i32
      %parallel_loop3A_1058 = arith.constant 16 : i32
      %parallel_loop3A_1059 = arith.index_cast %parallel_loop3A_1058 : i32 to index
      %parallel_loop3A_1060 = arith.index_cast %parallel_loop3A_1039 : i32 to index
      %parallel_loop3A_1061 = arith.index_cast %parallel_loop3A_1057 : i32 to index
      %parallel_loop3A_1062 = tpu.vector_load %arg7[%parallel_loop3A_1059, %parallel_loop3A_1060, %parallel_loop3A_1061] {strides = array<i32>} : memref<25x8x512xi32, #tpu.memory_space<vmem>>, vector<16xi32>,
      %parallel_loop3A_1063 = tpu.vector_load_idx %arg5[%parallel_loop3A_1062] : memref<16xi32, #tpu.memory_space<vmem>>[vector<16xi32>], vector<16xi32>,
      %parallel_loop3A_1064 = arith.constant 0 : i32
      %parallel_loop3A_1065 = arith.index_cast %parallel_loop3A_1064 : i32 to index
      %parallel_loop3A_1066 = arith.index_cast %parallel_loop3A_1039 : i32 to index
      %parallel_loop3A_1067 = arith.index_cast %parallel_loop3A_1057 : i32 to index
      %parallel_loop3A_1068 = tpu.vector_load %arg8[%parallel_loop3A_1065, %parallel_loop3A_1066, %parallel_loop3A_1067] {strides = array<i32>} : memref<1x8x512xi32, #tpu.memory_space<vmem>>, vector<16xi32>,
      tpu.vector_store %arg8[%parallel_loop3A_1065, %parallel_loop3A_1066, %parallel_loop3A_1067], %parallel_loop3A_1063 {strides = array<i32>} : memref<1x8x512xi32, #tpu.memory_space<vmem>>, vector<16xi32>,
    } {sc.loop_unroll_factor = 8 : i64, sc.parallel_access}
    %dma_start3A_756 = arith.constant 1 : i32
    %dma_start3A_757 = arith.constant 0 : i32
    %dma_start3A_758 = tpu.memref_slice %arg6[%dma_start3A_756, %dma_start3A_757] : memref<2x16xi32, #tpu.memory_space<vmem>> -> memref<1x1xi32, #tpu.memory_space<vmem>>
    %dma_start3A_759 = tpu.memref_squeeze %dma_start3A_758 : memref<1x1xi32, #tpu.memory_space<vmem>> -> memref<1xi32, #tpu.memory_space<vmem>>
    %dma_start3A_760 = arith.constant 0 : i32
    %dma_start3A_761 = arith.constant 0 : i32
    %dma_start3A_762 = tpu.memref_slice %arg4[%dma_start3A_760, %dma_start3A_761, %mul3A_2] : memref<25x8x16384xi32, #tpu.memory_space<hbm>> -> memref<25x8x512xi32, #tpu.memory_space<hbm>>
    tpu.enqueue_indirect_dma source(%arg8 : memref<1x8x512xi32, #tpu.memory_space<vmem>>) target(%dma_start3A_762 : memref<25x8x512xi32, #tpu.memory_space<hbm>>) offsets(%dma_start3A_759 : memref<1xi32, #tpu.memory_space<vmem>>) semaphore(%arg13 : memref<!tpu.dma_semaphore, #tpu.memory_space<semaphore_mem>>)
    %dma_wait3A_763 = arith.constant 1 : i32
    %dma_wait3A_764 = arith.constant 17 : i32
    %dma_wait3A_765 = arith.constant 0 : i32
    %dma_wait3A_766 = arith.constant 0 : i32
    %dma_wait3A_767 = tpu.memref_slice %arg7[%dma_wait3A_764, %dma_wait3A_765, %dma_wait3A_766] : memref<25x8x512xi32, #tpu.memory_space<vmem>> -> memref<1x8x512xi32, #tpu.memory_space<vmem>>
    %dma_wait3A_768 = arith.constant 1 : i32
    %dma_wait3A_769 = tpu.memref_slice %arg6[%dma_wait3A_763, %dma_wait3A_768] : memref<2x16xi32, #tpu.memory_space<vmem>> -> memref<1x1xi32, #tpu.memory_space<vmem>>
    %dma_wait3A_770 = tpu.memref_squeeze %dma_wait3A_769 : memref<1x1xi32, #tpu.memory_space<vmem>> -> memref<1xi32, #tpu.memory_space<vmem>>
    %dma_wait3A_771 = arith.constant 0 : i32
    %dma_wait3A_772 = arith.constant 0 : i32
    %dma_wait3A_773 = tpu.memref_slice %arg2[%dma_wait3A_771, %dma_wait3A_772, %mul3A_2] : memref<25x8x16384xi32, #tpu.memory_space<hbm>> -> memref<25x8x512xi32, #tpu.memory_space<hbm>>
    tpu.wait_indirect_dma semaphore(%arg12 : memref<!tpu.dma_semaphore, #tpu.memory_space<semaphore_mem>>) src(%dma_wait3A_773 : memref<25x8x512xi32, #tpu.memory_space<hbm>>) dst(%dma_wait3A_767 : memref<1x8x512xi32, #tpu.memory_space<vmem>>)
    %dma_wait3A_774 = arith.constant 0 : i32
    %dma_wait3A_775 = arith.constant 13 : i32
    %dma_wait3A_776 = tpu.memref_slice %arg6[%dma_wait3A_774, %dma_wait3A_775] : memref<2x16xi32, #tpu.memory_space<vmem>> -> memref<1x1xi32, #tpu.memory_space<vmem>>
    %dma_wait3A_777 = tpu.memref_squeeze %dma_wait3A_776 : memref<1x1xi32, #tpu.memory_space<vmem>> -> memref<1xi32, #tpu.memory_space<vmem>>
    %dma_wait3A_778 = arith.constant 0 : i32
    %dma_wait3A_779 = arith.constant 0 : i32
    %dma_wait3A_780 = tpu.memref_slice %arg4[%dma_wait3A_778, %dma_wait3A_779, %mul3A_2] : memref<25x8x16384xi32, #tpu.memory_space<hbm>> -> memref<25x8x512xi32, #tpu.memory_space<hbm>>
    tpu.wait_indirect_dma semaphore(%arg14 : memref<!tpu.dma_semaphore, #tpu.memory_space<semaphore_mem>>) src(%arg9 : memref<1x8x512xi32, #tpu.memory_space<vmem>>) dst(%dma_wait3A_780 : memref<25x8x512xi32, #tpu.memory_space<hbm>>)
    %parallel_loop3A_781 = arith.constant 0 : i32
    %parallel_loop3A_782 = arith.constant 256 : i32
    %parallel_loop3A_783 = arith.constant 1 : i32
    scf.for %parallel_loop3A_1015 = %parallel_loop3A_781 to %parallel_loop3A_782 step %parallel_loop3A_783  : i32 {
      %parallel_loop3A_1016 = arith.constant 32 : i32
      %parallel_loop3A_1017 = arith.divsi %parallel_loop3A_1015, %parallel_loop3A_1016 : i32
      %parallel_loop3A_1018 = arith.constant 0 : i32
      %parallel_loop3A_1019 = arith.cmpi sgt, %parallel_loop3A_1015, %parallel_loop3A_1018 : i32
      %parallel_loop3A_1020 = arith.extui %parallel_loop3A_1019 : i1 to i32
      %parallel_loop3A_1021 = arith.constant 0 : i32
      %parallel_loop3A_1022 = arith.cmpi slt, %parallel_loop3A_1015, %parallel_loop3A_1021 : i32
      %parallel_loop3A_1023 = arith.extui %parallel_loop3A_1022 : i1 to i32
      %parallel_loop3A_1024 = arith.subi %parallel_loop3A_1020, %parallel_loop3A_1023 : i32
      %parallel_loop3A_1025 = arith.constant 0 : i32
      %parallel_loop3A_1026 = arith.cmpi sgt, %parallel_loop3A_1016, %parallel_loop3A_1025 : i32
      %parallel_loop3A_1027 = arith.extui %parallel_loop3A_1026 : i1 to i32
      %parallel_loop3A_1028 = arith.constant 0 : i32
      %parallel_loop3A_1029 = arith.cmpi slt, %parallel_loop3A_1016, %parallel_loop3A_1028 : i32
      %parallel_loop3A_1030 = arith.extui %parallel_loop3A_1029 : i1 to i32
      %parallel_loop3A_1031 = arith.subi %parallel_loop3A_1027, %parallel_loop3A_1030 : i32
      %parallel_loop3A_1032 = arith.cmpi ne, %parallel_loop3A_1024, %parallel_loop3A_1031 : i32
      %parallel_loop3A_1033 = arith.remsi %parallel_loop3A_1015, %parallel_loop3A_1016 : i32
      %parallel_loop3A_1034 = arith.constant 0 : i32
      %parallel_loop3A_1035 = arith.cmpi ne, %parallel_loop3A_1033, %parallel_loop3A_1034 : i32
      %parallel_loop3A_1036 = arith.andi %parallel_loop3A_1032, %parallel_loop3A_1035 : i1
      %parallel_loop3A_1037 = arith.constant 1 : i32
      %parallel_loop3A_1038 = arith.subi %parallel_loop3A_1017, %parallel_loop3A_1037 : i32
      %parallel_loop3A_1039 = arith.select %parallel_loop3A_1036, %parallel_loop3A_1038, %parallel_loop3A_1017 : i32
      %parallel_loop3A_1040 = arith.constant 32 : i32
      %parallel_loop3A_1041 = arith.constant 0 : i32
      %parallel_loop3A_1042 = arith.cmpi eq, %parallel_loop3A_1040, %parallel_loop3A_1041 : i32
      %parallel_loop3A_1043 = arith.constant 1 : i32
      %parallel_loop3A_1044 = arith.select %parallel_loop3A_1042, %parallel_loop3A_1043, %parallel_loop3A_1040 : i32
      %parallel_loop3A_1045 = arith.remsi %parallel_loop3A_1015, %parallel_loop3A_1044 : i32
      %parallel_loop3A_1046 = arith.constant 0 : i32
      %parallel_loop3A_1047 = arith.cmpi ne, %parallel_loop3A_1045, %parallel_loop3A_1046 : i32
      %parallel_loop3A_1048 = arith.constant 0 : i32
      %parallel_loop3A_1049 = arith.cmpi slt, %parallel_loop3A_1045, %parallel_loop3A_1048 : i32
      %parallel_loop3A_1050 = arith.constant 0 : i32
      %parallel_loop3A_1051 = arith.cmpi slt, %parallel_loop3A_1044, %parallel_loop3A_1050 : i32
      %parallel_loop3A_1052 = arith.xori %parallel_loop3A_1049, %parallel_loop3A_1051 : i1
      %parallel_loop3A_1053 = arith.andi %parallel_loop3A_1052, %parallel_loop3A_1047 : i1
      %parallel_loop3A_1054 = arith.addi %parallel_loop3A_1045, %parallel_loop3A_1044 : i32
      %parallel_loop3A_1055 = arith.select %parallel_loop3A_1053, %parallel_loop3A_1054, %parallel_loop3A_1045 : i32
      %parallel_loop3A_1056 = arith.constant 16 : i32
      %parallel_loop3A_1057 = arith.muli %parallel_loop3A_1055, %parallel_loop3A_1056 : i32
      %parallel_loop3A_1058 = arith.constant 17 : i32
      %parallel_loop3A_1059 = arith.index_cast %parallel_loop3A_1058 : i32 to index
      %parallel_loop3A_1060 = arith.index_cast %parallel_loop3A_1039 : i32 to index
      %parallel_loop3A_1061 = arith.index_cast %parallel_loop3A_1057 : i32 to index
      %parallel_loop3A_1062 = tpu.vector_load %arg7[%parallel_loop3A_1059, %parallel_loop3A_1060, %parallel_loop3A_1061] {strides = array<i32>} : memref<25x8x512xi32, #tpu.memory_space<vmem>>, vector<16xi32>,
      %parallel_loop3A_1063 = tpu.vector_load_idx %arg5[%parallel_loop3A_1062] : memref<16xi32, #tpu.memory_space<vmem>>[vector<16xi32>], vector<16xi32>,
      %parallel_loop3A_1064 = arith.constant 0 : i32
      %parallel_loop3A_1065 = arith.index_cast %parallel_loop3A_1064 : i32 to index
      %parallel_loop3A_1066 = arith.index_cast %parallel_loop3A_1039 : i32 to index
      %parallel_loop3A_1067 = arith.index_cast %parallel_loop3A_1057 : i32 to index
      %parallel_loop3A_1068 = tpu.vector_load %arg9[%parallel_loop3A_1065, %parallel_loop3A_1066, %parallel_loop3A_1067] {strides = array<i32>} : memref<1x8x512xi32, #tpu.memory_space<vmem>>, vector<16xi32>,
      tpu.vector_store %arg9[%parallel_loop3A_1065, %parallel_loop3A_1066, %parallel_loop3A_1067], %parallel_loop3A_1063 {strides = array<i32>} : memref<1x8x512xi32, #tpu.memory_space<vmem>>, vector<16xi32>,
    } {sc.loop_unroll_factor = 8 : i64, sc.parallel_access}
    %dma_start3A_784 = arith.constant 1 : i32
    %dma_start3A_785 = arith.constant 1 : i32
    %dma_start3A_786 = tpu.memref_slice %arg6[%dma_start3A_784, %dma_start3A_785] : memref<2x16xi32, #tpu.memory_space<vmem>> -> memref<1x1xi32, #tpu.memory_space<vmem>>
    %dma_start3A_787 = tpu.memref_squeeze %dma_start3A_786 : memref<1x1xi32, #tpu.memory_space<vmem>> -> memref<1xi32, #tpu.memory_space<vmem>>
    %dma_start3A_788 = arith.constant 0 : i32
    %dma_start3A_789 = arith.constant 0 : i32
    %dma_start3A_790 = tpu.memref_slice %arg4[%dma_start3A_788, %dma_start3A_789, %mul3A_2] : memref<25x8x16384xi32, #tpu.memory_space<hbm>> -> memref<25x8x512xi32, #tpu.memory_space<hbm>>
    tpu.enqueue_indirect_dma source(%arg9 : memref<1x8x512xi32, #tpu.memory_space<vmem>>) target(%dma_start3A_790 : memref<25x8x512xi32, #tpu.memory_space<hbm>>) offsets(%dma_start3A_787 : memref<1xi32, #tpu.memory_space<vmem>>) semaphore(%arg14 : memref<!tpu.dma_semaphore, #tpu.memory_space<semaphore_mem>>)
    %dma_wait3A_791 = arith.constant 1 : i32
    %dma_wait3A_792 = arith.constant 18 : i32
    %dma_wait3A_793 = arith.constant 0 : i32
    %dma_wait3A_794 = arith.constant 0 : i32
    %dma_wait3A_795 = tpu.memref_slice %arg7[%dma_wait3A_792, %dma_wait3A_793, %dma_wait3A_794] : memref<25x8x512xi32, #tpu.memory_space<vmem>> -> memref<1x8x512xi32, #tpu.memory_space<vmem>>
    %dma_wait3A_796 = arith.constant 2 : i32
    %dma_wait3A_797 = tpu.memref_slice %arg6[%dma_wait3A_791, %dma_wait3A_796] : memref<2x16xi32, #tpu.memory_space<vmem>> -> memref<1x1xi32, #tpu.memory_space<vmem>>
    %dma_wait3A_798 = tpu.memref_squeeze %dma_wait3A_797 : memref<1x1xi32, #tpu.memory_space<vmem>> -> memref<1xi32, #tpu.memory_space<vmem>>
    %dma_wait3A_799 = arith.constant 0 : i32
    %dma_wait3A_800 = arith.constant 0 : i32
    %dma_wait3A_801 = tpu.memref_slice %arg2[%dma_wait3A_799, %dma_wait3A_800, %mul3A_2] : memref<25x8x16384xi32, #tpu.memory_space<hbm>> -> memref<25x8x512xi32, #tpu.memory_space<hbm>>
    tpu.wait_indirect_dma semaphore(%arg12 : memref<!tpu.dma_semaphore, #tpu.memory_space<semaphore_mem>>) src(%dma_wait3A_801 : memref<25x8x512xi32, #tpu.memory_space<hbm>>) dst(%dma_wait3A_795 : memref<1x8x512xi32, #tpu.memory_space<vmem>>)
    %dma_wait3A_802 = arith.constant 0 : i32
    %dma_wait3A_803 = arith.constant 14 : i32
    %dma_wait3A_804 = tpu.memref_slice %arg6[%dma_wait3A_802, %dma_wait3A_803] : memref<2x16xi32, #tpu.memory_space<vmem>> -> memref<1x1xi32, #tpu.memory_space<vmem>>
    %dma_wait3A_805 = tpu.memref_squeeze %dma_wait3A_804 : memref<1x1xi32, #tpu.memory_space<vmem>> -> memref<1xi32, #tpu.memory_space<vmem>>
    %dma_wait3A_806 = arith.constant 0 : i32
    %dma_wait3A_807 = arith.constant 0 : i32
    %dma_wait3A_808 = tpu.memref_slice %arg4[%dma_wait3A_806, %dma_wait3A_807, %mul3A_2] : memref<25x8x16384xi32, #tpu.memory_space<hbm>> -> memref<25x8x512xi32, #tpu.memory_space<hbm>>
    tpu.wait_indirect_dma semaphore(%arg15 : memref<!tpu.dma_semaphore, #tpu.memory_space<semaphore_mem>>) src(%arg10 : memref<1x8x512xi32, #tpu.memory_space<vmem>>) dst(%dma_wait3A_808 : memref<25x8x512xi32, #tpu.memory_space<hbm>>)
    %parallel_loop3A_809 = arith.constant 0 : i32
    %parallel_loop3A_810 = arith.constant 256 : i32
    %parallel_loop3A_811 = arith.constant 1 : i32
    scf.for %parallel_loop3A_1015 = %parallel_loop3A_809 to %parallel_loop3A_810 step %parallel_loop3A_811  : i32 {
      %parallel_loop3A_1016 = arith.constant 32 : i32
      %parallel_loop3A_1017 = arith.divsi %parallel_loop3A_1015, %parallel_loop3A_1016 : i32
      %parallel_loop3A_1018 = arith.constant 0 : i32
      %parallel_loop3A_1019 = arith.cmpi sgt, %parallel_loop3A_1015, %parallel_loop3A_1018 : i32
      %parallel_loop3A_1020 = arith.extui %parallel_loop3A_1019 : i1 to i32
      %parallel_loop3A_1021 = arith.constant 0 : i32
      %parallel_loop3A_1022 = arith.cmpi slt, %parallel_loop3A_1015, %parallel_loop3A_1021 : i32
      %parallel_loop3A_1023 = arith.extui %parallel_loop3A_1022 : i1 to i32
      %parallel_loop3A_1024 = arith.subi %parallel_loop3A_1020, %parallel_loop3A_1023 : i32
      %parallel_loop3A_1025 = arith.constant 0 : i32
      %parallel_loop3A_1026 = arith.cmpi sgt, %parallel_loop3A_1016, %parallel_loop3A_1025 : i32
      %parallel_loop3A_1027 = arith.extui %parallel_loop3A_1026 : i1 to i32
      %parallel_loop3A_1028 = arith.constant 0 : i32
      %parallel_loop3A_1029 = arith.cmpi slt, %parallel_loop3A_1016, %parallel_loop3A_1028 : i32
      %parallel_loop3A_1030 = arith.extui %parallel_loop3A_1029 : i1 to i32
      %parallel_loop3A_1031 = arith.subi %parallel_loop3A_1027, %parallel_loop3A_1030 : i32
      %parallel_loop3A_1032 = arith.cmpi ne, %parallel_loop3A_1024, %parallel_loop3A_1031 : i32
      %parallel_loop3A_1033 = arith.remsi %parallel_loop3A_1015, %parallel_loop3A_1016 : i32
      %parallel_loop3A_1034 = arith.constant 0 : i32
      %parallel_loop3A_1035 = arith.cmpi ne, %parallel_loop3A_1033, %parallel_loop3A_1034 : i32
      %parallel_loop3A_1036 = arith.andi %parallel_loop3A_1032, %parallel_loop3A_1035 : i1
      %parallel_loop3A_1037 = arith.constant 1 : i32
      %parallel_loop3A_1038 = arith.subi %parallel_loop3A_1017, %parallel_loop3A_1037 : i32
      %parallel_loop3A_1039 = arith.select %parallel_loop3A_1036, %parallel_loop3A_1038, %parallel_loop3A_1017 : i32
      %parallel_loop3A_1040 = arith.constant 32 : i32
      %parallel_loop3A_1041 = arith.constant 0 : i32
      %parallel_loop3A_1042 = arith.cmpi eq, %parallel_loop3A_1040, %parallel_loop3A_1041 : i32
      %parallel_loop3A_1043 = arith.constant 1 : i32
      %parallel_loop3A_1044 = arith.select %parallel_loop3A_1042, %parallel_loop3A_1043, %parallel_loop3A_1040 : i32
      %parallel_loop3A_1045 = arith.remsi %parallel_loop3A_1015, %parallel_loop3A_1044 : i32
      %parallel_loop3A_1046 = arith.constant 0 : i32
      %parallel_loop3A_1047 = arith.cmpi ne, %parallel_loop3A_1045, %parallel_loop3A_1046 : i32
      %parallel_loop3A_1048 = arith.constant 0 : i32
      %parallel_loop3A_1049 = arith.cmpi slt, %parallel_loop3A_1045, %parallel_loop3A_1048 : i32
      %parallel_loop3A_1050 = arith.constant 0 : i32
      %parallel_loop3A_1051 = arith.cmpi slt, %parallel_loop3A_1044, %parallel_loop3A_1050 : i32
      %parallel_loop3A_1052 = arith.xori %parallel_loop3A_1049, %parallel_loop3A_1051 : i1
      %parallel_loop3A_1053 = arith.andi %parallel_loop3A_1052, %parallel_loop3A_1047 : i1
      %parallel_loop3A_1054 = arith.addi %parallel_loop3A_1045, %parallel_loop3A_1044 : i32
      %parallel_loop3A_1055 = arith.select %parallel_loop3A_1053, %parallel_loop3A_1054, %parallel_loop3A_1045 : i32
      %parallel_loop3A_1056 = arith.constant 16 : i32
      %parallel_loop3A_1057 = arith.muli %parallel_loop3A_1055, %parallel_loop3A_1056 : i32
      %parallel_loop3A_1058 = arith.constant 18 : i32
      %parallel_loop3A_1059 = arith.index_cast %parallel_loop3A_1058 : i32 to index
      %parallel_loop3A_1060 = arith.index_cast %parallel_loop3A_1039 : i32 to index
      %parallel_loop3A_1061 = arith.index_cast %parallel_loop3A_1057 : i32 to index
      %parallel_loop3A_1062 = tpu.vector_load %arg7[%parallel_loop3A_1059, %parallel_loop3A_1060, %parallel_loop3A_1061] {strides = array<i32>} : memref<25x8x512xi32, #tpu.memory_space<vmem>>, vector<16xi32>,
      %parallel_loop3A_1063 = tpu.vector_load_idx %arg5[%parallel_loop3A_1062] : memref<16xi32, #tpu.memory_space<vmem>>[vector<16xi32>], vector<16xi32>,
      %parallel_loop3A_1064 = arith.constant 0 : i32
      %parallel_loop3A_1065 = arith.index_cast %parallel_loop3A_1064 : i32 to index
      %parallel_loop3A_1066 = arith.index_cast %parallel_loop3A_1039 : i32 to index
      %parallel_loop3A_1067 = arith.index_cast %parallel_loop3A_1057 : i32 to index
      %parallel_loop3A_1068 = tpu.vector_load %arg10[%parallel_loop3A_1065, %parallel_loop3A_1066, %parallel_loop3A_1067] {strides = array<i32>} : memref<1x8x512xi32, #tpu.memory_space<vmem>>, vector<16xi32>,
      tpu.vector_store %arg10[%parallel_loop3A_1065, %parallel_loop3A_1066, %parallel_loop3A_1067], %parallel_loop3A_1063 {strides = array<i32>} : memref<1x8x512xi32, #tpu.memory_space<vmem>>, vector<16xi32>,
    } {sc.loop_unroll_factor = 8 : i64, sc.parallel_access}
    %dma_start3A_812 = arith.constant 1 : i32
    %dma_start3A_813 = arith.constant 2 : i32
    %dma_start3A_814 = tpu.memref_slice %arg6[%dma_start3A_812, %dma_start3A_813] : memref<2x16xi32, #tpu.memory_space<vmem>> -> memref<1x1xi32, #tpu.memory_space<vmem>>
    %dma_start3A_815 = tpu.memref_squeeze %dma_start3A_814 : memref<1x1xi32, #tpu.memory_space<vmem>> -> memref<1xi32, #tpu.memory_space<vmem>>
    %dma_start3A_816 = arith.constant 0 : i32
    %dma_start3A_817 = arith.constant 0 : i32
    %dma_start3A_818 = tpu.memref_slice %arg4[%dma_start3A_816, %dma_start3A_817, %mul3A_2] : memref<25x8x16384xi32, #tpu.memory_space<hbm>> -> memref<25x8x512xi32, #tpu.memory_space<hbm>>
    tpu.enqueue_indirect_dma source(%arg10 : memref<1x8x512xi32, #tpu.memory_space<vmem>>) target(%dma_start3A_818 : memref<25x8x512xi32, #tpu.memory_space<hbm>>) offsets(%dma_start3A_815 : memref<1xi32, #tpu.memory_space<vmem>>) semaphore(%arg15 : memref<!tpu.dma_semaphore, #tpu.memory_space<semaphore_mem>>)
    %dma_wait3A_819 = arith.constant 1 : i32
    %dma_wait3A_820 = arith.constant 19 : i32
    %dma_wait3A_821 = arith.constant 0 : i32
    %dma_wait3A_822 = arith.constant 0 : i32
    %dma_wait3A_823 = tpu.memref_slice %arg7[%dma_wait3A_820, %dma_wait3A_821, %dma_wait3A_822] : memref<25x8x512xi32, #tpu.memory_space<vmem>> -> memref<1x8x512xi32, #tpu.memory_space<vmem>>
    %dma_wait3A_824 = arith.constant 3 : i32
    %dma_wait3A_825 = tpu.memref_slice %arg6[%dma_wait3A_819, %dma_wait3A_824] : memref<2x16xi32, #tpu.memory_space<vmem>> -> memref<1x1xi32, #tpu.memory_space<vmem>>
    %dma_wait3A_826 = tpu.memref_squeeze %dma_wait3A_825 : memref<1x1xi32, #tpu.memory_space<vmem>> -> memref<1xi32, #tpu.memory_space<vmem>>
    %dma_wait3A_827 = arith.constant 0 : i32
    %dma_wait3A_828 = arith.constant 0 : i32
    %dma_wait3A_829 = tpu.memref_slice %arg2[%dma_wait3A_827, %dma_wait3A_828, %mul3A_2] : memref<25x8x16384xi32, #tpu.memory_space<hbm>> -> memref<25x8x512xi32, #tpu.memory_space<hbm>>
    tpu.wait_indirect_dma semaphore(%arg12 : memref<!tpu.dma_semaphore, #tpu.memory_space<semaphore_mem>>) src(%dma_wait3A_829 : memref<25x8x512xi32, #tpu.memory_space<hbm>>) dst(%dma_wait3A_823 : memref<1x8x512xi32, #tpu.memory_space<vmem>>)
    %dma_wait3A_830 = arith.constant 0 : i32
    %dma_wait3A_831 = arith.constant 15 : i32
    %dma_wait3A_832 = tpu.memref_slice %arg6[%dma_wait3A_830, %dma_wait3A_831] : memref<2x16xi32, #tpu.memory_space<vmem>> -> memref<1x1xi32, #tpu.memory_space<vmem>>
    %dma_wait3A_833 = tpu.memref_squeeze %dma_wait3A_832 : memref<1x1xi32, #tpu.memory_space<vmem>> -> memref<1xi32, #tpu.memory_space<vmem>>
    %dma_wait3A_834 = arith.constant 0 : i32
    %dma_wait3A_835 = arith.constant 0 : i32
    %dma_wait3A_836 = tpu.memref_slice %arg4[%dma_wait3A_834, %dma_wait3A_835, %mul3A_2] : memref<25x8x16384xi32, #tpu.memory_space<hbm>> -> memref<25x8x512xi32, #tpu.memory_space<hbm>>
    tpu.wait_indirect_dma semaphore(%arg16 : memref<!tpu.dma_semaphore, #tpu.memory_space<semaphore_mem>>) src(%arg11 : memref<1x8x512xi32, #tpu.memory_space<vmem>>) dst(%dma_wait3A_836 : memref<25x8x512xi32, #tpu.memory_space<hbm>>)
    %parallel_loop3A_837 = arith.constant 0 : i32
    %parallel_loop3A_838 = arith.constant 256 : i32
    %parallel_loop3A_839 = arith.constant 1 : i32
    scf.for %parallel_loop3A_1015 = %parallel_loop3A_837 to %parallel_loop3A_838 step %parallel_loop3A_839  : i32 {
      %parallel_loop3A_1016 = arith.constant 32 : i32
      %parallel_loop3A_1017 = arith.divsi %parallel_loop3A_1015, %parallel_loop3A_1016 : i32
      %parallel_loop3A_1018 = arith.constant 0 : i32
      %parallel_loop3A_1019 = arith.cmpi sgt, %parallel_loop3A_1015, %parallel_loop3A_1018 : i32
      %parallel_loop3A_1020 = arith.extui %parallel_loop3A_1019 : i1 to i32
      %parallel_loop3A_1021 = arith.constant 0 : i32
      %parallel_loop3A_1022 = arith.cmpi slt, %parallel_loop3A_1015, %parallel_loop3A_1021 : i32
      %parallel_loop3A_1023 = arith.extui %parallel_loop3A_1022 : i1 to i32
      %parallel_loop3A_1024 = arith.subi %parallel_loop3A_1020, %parallel_loop3A_1023 : i32
      %parallel_loop3A_1025 = arith.constant 0 : i32
      %parallel_loop3A_1026 = arith.cmpi sgt, %parallel_loop3A_1016, %parallel_loop3A_1025 : i32
      %parallel_loop3A_1027 = arith.extui %parallel_loop3A_1026 : i1 to i32
      %parallel_loop3A_1028 = arith.constant 0 : i32
      %parallel_loop3A_1029 = arith.cmpi slt, %parallel_loop3A_1016, %parallel_loop3A_1028 : i32
      %parallel_loop3A_1030 = arith.extui %parallel_loop3A_1029 : i1 to i32
      %parallel_loop3A_1031 = arith.subi %parallel_loop3A_1027, %parallel_loop3A_1030 : i32
      %parallel_loop3A_1032 = arith.cmpi ne, %parallel_loop3A_1024, %parallel_loop3A_1031 : i32
      %parallel_loop3A_1033 = arith.remsi %parallel_loop3A_1015, %parallel_loop3A_1016 : i32
      %parallel_loop3A_1034 = arith.constant 0 : i32
      %parallel_loop3A_1035 = arith.cmpi ne, %parallel_loop3A_1033, %parallel_loop3A_1034 : i32
      %parallel_loop3A_1036 = arith.andi %parallel_loop3A_1032, %parallel_loop3A_1035 : i1
      %parallel_loop3A_1037 = arith.constant 1 : i32
      %parallel_loop3A_1038 = arith.subi %parallel_loop3A_1017, %parallel_loop3A_1037 : i32
      %parallel_loop3A_1039 = arith.select %parallel_loop3A_1036, %parallel_loop3A_1038, %parallel_loop3A_1017 : i32
      %parallel_loop3A_1040 = arith.constant 32 : i32
      %parallel_loop3A_1041 = arith.constant 0 : i32
      %parallel_loop3A_1042 = arith.cmpi eq, %parallel_loop3A_1040, %parallel_loop3A_1041 : i32
      %parallel_loop3A_1043 = arith.constant 1 : i32
      %parallel_loop3A_1044 = arith.select %parallel_loop3A_1042, %parallel_loop3A_1043, %parallel_loop3A_1040 : i32
      %parallel_loop3A_1045 = arith.remsi %parallel_loop3A_1015, %parallel_loop3A_1044 : i32
      %parallel_loop3A_1046 = arith.constant 0 : i32
      %parallel_loop3A_1047 = arith.cmpi ne, %parallel_loop3A_1045, %parallel_loop3A_1046 : i32
      %parallel_loop3A_1048 = arith.constant 0 : i32
      %parallel_loop3A_1049 = arith.cmpi slt, %parallel_loop3A_1045, %parallel_loop3A_1048 : i32
      %parallel_loop3A_1050 = arith.constant 0 : i32
      %parallel_loop3A_1051 = arith.cmpi slt, %parallel_loop3A_1044, %parallel_loop3A_1050 : i32
      %parallel_loop3A_1052 = arith.xori %parallel_loop3A_1049, %parallel_loop3A_1051 : i1
      %parallel_loop3A_1053 = arith.andi %parallel_loop3A_1052, %parallel_loop3A_1047 : i1
      %parallel_loop3A_1054 = arith.addi %parallel_loop3A_1045, %parallel_loop3A_1044 : i32
      %parallel_loop3A_1055 = arith.select %parallel_loop3A_1053, %parallel_loop3A_1054, %parallel_loop3A_1045 : i32
      %parallel_loop3A_1056 = arith.constant 16 : i32
      %parallel_loop3A_1057 = arith.muli %parallel_loop3A_1055, %parallel_loop3A_1056 : i32
      %parallel_loop3A_1058 = arith.constant 19 : i32
      %parallel_loop3A_1059 = arith.index_cast %parallel_loop3A_1058 : i32 to index
      %parallel_loop3A_1060 = arith.index_cast %parallel_loop3A_1039 : i32 to index
      %parallel_loop3A_1061 = arith.index_cast %parallel_loop3A_1057 : i32 to index
      %parallel_loop3A_1062 = tpu.vector_load %arg7[%parallel_loop3A_1059, %parallel_loop3A_1060, %parallel_loop3A_1061] {strides = array<i32>} : memref<25x8x512xi32, #tpu.memory_space<vmem>>, vector<16xi32>,
      %parallel_loop3A_1063 = tpu.vector_load_idx %arg5[%parallel_loop3A_1062] : memref<16xi32, #tpu.memory_space<vmem>>[vector<16xi32>], vector<16xi32>,
      %parallel_loop3A_1064 = arith.constant 0 : i32
      %parallel_loop3A_1065 = arith.index_cast %parallel_loop3A_1064 : i32 to index
      %parallel_loop3A_1066 = arith.index_cast %parallel_loop3A_1039 : i32 to index
      %parallel_loop3A_1067 = arith.index_cast %parallel_loop3A_1057 : i32 to index
      %parallel_loop3A_1068 = tpu.vector_load %arg11[%parallel_loop3A_1065, %parallel_loop3A_1066, %parallel_loop3A_1067] {strides = array<i32>} : memref<1x8x512xi32, #tpu.memory_space<vmem>>, vector<16xi32>,
      tpu.vector_store %arg11[%parallel_loop3A_1065, %parallel_loop3A_1066, %parallel_loop3A_1067], %parallel_loop3A_1063 {strides = array<i32>} : memref<1x8x512xi32, #tpu.memory_space<vmem>>, vector<16xi32>,
    } {sc.loop_unroll_factor = 8 : i64, sc.parallel_access}
    %dma_start3A_840 = arith.constant 1 : i32
    %dma_start3A_841 = arith.constant 3 : i32
    %dma_start3A_842 = tpu.memref_slice %arg6[%dma_start3A_840, %dma_start3A_841] : memref<2x16xi32, #tpu.memory_space<vmem>> -> memref<1x1xi32, #tpu.memory_space<vmem>>
    %dma_start3A_843 = tpu.memref_squeeze %dma_start3A_842 : memref<1x1xi32, #tpu.memory_space<vmem>> -> memref<1xi32, #tpu.memory_space<vmem>>
    %dma_start3A_844 = arith.constant 0 : i32
    %dma_start3A_845 = arith.constant 0 : i32
    %dma_start3A_846 = tpu.memref_slice %arg4[%dma_start3A_844, %dma_start3A_845, %mul3A_2] : memref<25x8x16384xi32, #tpu.memory_space<hbm>> -> memref<25x8x512xi32, #tpu.memory_space<hbm>>
    tpu.enqueue_indirect_dma source(%arg11 : memref<1x8x512xi32, #tpu.memory_space<vmem>>) target(%dma_start3A_846 : memref<25x8x512xi32, #tpu.memory_space<hbm>>) offsets(%dma_start3A_843 : memref<1xi32, #tpu.memory_space<vmem>>) semaphore(%arg16 : memref<!tpu.dma_semaphore, #tpu.memory_space<semaphore_mem>>)
    %dma_wait3A_847 = arith.constant 1 : i32
    %dma_wait3A_848 = arith.constant 20 : i32
    %dma_wait3A_849 = arith.constant 0 : i32
    %dma_wait3A_850 = arith.constant 0 : i32
    %dma_wait3A_851 = tpu.memref_slice %arg7[%dma_wait3A_848, %dma_wait3A_849, %dma_wait3A_850] : memref<25x8x512xi32, #tpu.memory_space<vmem>> -> memref<1x8x512xi32, #tpu.memory_space<vmem>>
    %dma_wait3A_852 = arith.constant 4 : i32
    %dma_wait3A_853 = tpu.memref_slice %arg6[%dma_wait3A_847, %dma_wait3A_852] : memref<2x16xi32, #tpu.memory_space<vmem>> -> memref<1x1xi32, #tpu.memory_space<vmem>>
    %dma_wait3A_854 = tpu.memref_squeeze %dma_wait3A_853 : memref<1x1xi32, #tpu.memory_space<vmem>> -> memref<1xi32, #tpu.memory_space<vmem>>
    %dma_wait3A_855 = arith.constant 0 : i32
    %dma_wait3A_856 = arith.constant 0 : i32
    %dma_wait3A_857 = tpu.memref_slice %arg2[%dma_wait3A_855, %dma_wait3A_856, %mul3A_2] : memref<25x8x16384xi32, #tpu.memory_space<hbm>> -> memref<25x8x512xi32, #tpu.memory_space<hbm>>
    tpu.wait_indirect_dma semaphore(%arg12 : memref<!tpu.dma_semaphore, #tpu.memory_space<semaphore_mem>>) src(%dma_wait3A_857 : memref<25x8x512xi32, #tpu.memory_space<hbm>>) dst(%dma_wait3A_851 : memref<1x8x512xi32, #tpu.memory_space<vmem>>)
    %dma_wait3A_858 = arith.constant 1 : i32
    %dma_wait3A_859 = arith.constant 0 : i32
    %dma_wait3A_860 = tpu.memref_slice %arg6[%dma_wait3A_858, %dma_wait3A_859] : memref<2x16xi32, #tpu.memory_space<vmem>> -> memref<1x1xi32, #tpu.memory_space<vmem>>
    %dma_wait3A_861 = tpu.memref_squeeze %dma_wait3A_860 : memref<1x1xi32, #tpu.memory_space<vmem>> -> memref<1xi32, #tpu.memory_space<vmem>>
    %dma_wait3A_862 = arith.constant 0 : i32
    %dma_wait3A_863 = arith.constant 0 : i32
    %dma_wait3A_864 = tpu.memref_slice %arg4[%dma_wait3A_862, %dma_wait3A_863, %mul3A_2] : memref<25x8x16384xi32, #tpu.memory_space<hbm>> -> memref<25x8x512xi32, #tpu.memory_space<hbm>>
    tpu.wait_indirect_dma semaphore(%arg13 : memref<!tpu.dma_semaphore, #tpu.memory_space<semaphore_mem>>) src(%arg8 : memref<1x8x512xi32, #tpu.memory_space<vmem>>) dst(%dma_wait3A_864 : memref<25x8x512xi32, #tpu.memory_space<hbm>>)
    %parallel_loop3A_865 = arith.constant 0 : i32
    %parallel_loop3A_866 = arith.constant 256 : i32
    %parallel_loop3A_867 = arith.constant 1 : i32
    scf.for %parallel_loop3A_1015 = %parallel_loop3A_865 to %parallel_loop3A_866 step %parallel_loop3A_867  : i32 {
      %parallel_loop3A_1016 = arith.constant 32 : i32
      %parallel_loop3A_1017 = arith.divsi %parallel_loop3A_1015, %parallel_loop3A_1016 : i32
      %parallel_loop3A_1018 = arith.constant 0 : i32
      %parallel_loop3A_1019 = arith.cmpi sgt, %parallel_loop3A_1015, %parallel_loop3A_1018 : i32
      %parallel_loop3A_1020 = arith.extui %parallel_loop3A_1019 : i1 to i32
      %parallel_loop3A_1021 = arith.constant 0 : i32
      %parallel_loop3A_1022 = arith.cmpi slt, %parallel_loop3A_1015, %parallel_loop3A_1021 : i32
      %parallel_loop3A_1023 = arith.extui %parallel_loop3A_1022 : i1 to i32
      %parallel_loop3A_1024 = arith.subi %parallel_loop3A_1020, %parallel_loop3A_1023 : i32
      %parallel_loop3A_1025 = arith.constant 0 : i32
      %parallel_loop3A_1026 = arith.cmpi sgt, %parallel_loop3A_1016, %parallel_loop3A_1025 : i32
      %parallel_loop3A_1027 = arith.extui %parallel_loop3A_1026 : i1 to i32
      %parallel_loop3A_1028 = arith.constant 0 : i32
      %parallel_loop3A_1029 = arith.cmpi slt, %parallel_loop3A_1016, %parallel_loop3A_1028 : i32
      %parallel_loop3A_1030 = arith.extui %parallel_loop3A_1029 : i1 to i32
      %parallel_loop3A_1031 = arith.subi %parallel_loop3A_1027, %parallel_loop3A_1030 : i32
      %parallel_loop3A_1032 = arith.cmpi ne, %parallel_loop3A_1024, %parallel_loop3A_1031 : i32
      %parallel_loop3A_1033 = arith.remsi %parallel_loop3A_1015, %parallel_loop3A_1016 : i32
      %parallel_loop3A_1034 = arith.constant 0 : i32
      %parallel_loop3A_1035 = arith.cmpi ne, %parallel_loop3A_1033, %parallel_loop3A_1034 : i32
      %parallel_loop3A_1036 = arith.andi %parallel_loop3A_1032, %parallel_loop3A_1035 : i1
      %parallel_loop3A_1037 = arith.constant 1 : i32
      %parallel_loop3A_1038 = arith.subi %parallel_loop3A_1017, %parallel_loop3A_1037 : i32
      %parallel_loop3A_1039 = arith.select %parallel_loop3A_1036, %parallel_loop3A_1038, %parallel_loop3A_1017 : i32
      %parallel_loop3A_1040 = arith.constant 32 : i32
      %parallel_loop3A_1041 = arith.constant 0 : i32
      %parallel_loop3A_1042 = arith.cmpi eq, %parallel_loop3A_1040, %parallel_loop3A_1041 : i32
      %parallel_loop3A_1043 = arith.constant 1 : i32
      %parallel_loop3A_1044 = arith.select %parallel_loop3A_1042, %parallel_loop3A_1043, %parallel_loop3A_1040 : i32
      %parallel_loop3A_1045 = arith.remsi %parallel_loop3A_1015, %parallel_loop3A_1044 : i32
      %parallel_loop3A_1046 = arith.constant 0 : i32
      %parallel_loop3A_1047 = arith.cmpi ne, %parallel_loop3A_1045, %parallel_loop3A_1046 : i32
      %parallel_loop3A_1048 = arith.constant 0 : i32
      %parallel_loop3A_1049 = arith.cmpi slt, %parallel_loop3A_1045, %parallel_loop3A_1048 : i32
      %parallel_loop3A_1050 = arith.constant 0 : i32
      %parallel_loop3A_1051 = arith.cmpi slt, %parallel_loop3A_1044, %parallel_loop3A_1050 : i32
      %parallel_loop3A_1052 = arith.xori %parallel_loop3A_1049, %parallel_loop3A_1051 : i1
      %parallel_loop3A_1053 = arith.andi %parallel_loop3A_1052, %parallel_loop3A_1047 : i1
      %parallel_loop3A_1054 = arith.addi %parallel_loop3A_1045, %parallel_loop3A_1044 : i32
      %parallel_loop3A_1055 = arith.select %parallel_loop3A_1053, %parallel_loop3A_1054, %parallel_loop3A_1045 : i32
      %parallel_loop3A_1056 = arith.constant 16 : i32
      %parallel_loop3A_1057 = arith.muli %parallel_loop3A_1055, %parallel_loop3A_1056 : i32
      %parallel_loop3A_1058 = arith.constant 20 : i32
      %parallel_loop3A_1059 = arith.index_cast %parallel_loop3A_1058 : i32 to index
      %parallel_loop3A_1060 = arith.index_cast %parallel_loop3A_1039 : i32 to index
      %parallel_loop3A_1061 = arith.index_cast %parallel_loop3A_1057 : i32 to index
      %parallel_loop3A_1062 = tpu.vector_load %arg7[%parallel_loop3A_1059, %parallel_loop3A_1060, %parallel_loop3A_1061] {strides = array<i32>} : memref<25x8x512xi32, #tpu.memory_space<vmem>>, vector<16xi32>,
      %parallel_loop3A_1063 = tpu.vector_load_idx %arg5[%parallel_loop3A_1062] : memref<16xi32, #tpu.memory_space<vmem>>[vector<16xi32>], vector<16xi32>,
      %parallel_loop3A_1064 = arith.constant 0 : i32
      %parallel_loop3A_1065 = arith.index_cast %parallel_loop3A_1064 : i32 to index
      %parallel_loop3A_1066 = arith.index_cast %parallel_loop3A_1039 : i32 to index
      %parallel_loop3A_1067 = arith.index_cast %parallel_loop3A_1057 : i32 to index
      %parallel_loop3A_1068 = tpu.vector_load %arg8[%parallel_loop3A_1065, %parallel_loop3A_1066, %parallel_loop3A_1067] {strides = array<i32>} : memref<1x8x512xi32, #tpu.memory_space<vmem>>, vector<16xi32>,
      tpu.vector_store %arg8[%parallel_loop3A_1065, %parallel_loop3A_1066, %parallel_loop3A_1067], %parallel_loop3A_1063 {strides = array<i32>} : memref<1x8x512xi32, #tpu.memory_space<vmem>>, vector<16xi32>,
    } {sc.loop_unroll_factor = 8 : i64, sc.parallel_access}
    %dma_start3A_868 = arith.constant 1 : i32
    %dma_start3A_869 = arith.constant 4 : i32
    %dma_start3A_870 = tpu.memref_slice %arg6[%dma_start3A_868, %dma_start3A_869] : memref<2x16xi32, #tpu.memory_space<vmem>> -> memref<1x1xi32, #tpu.memory_space<vmem>>
    %dma_start3A_871 = tpu.memref_squeeze %dma_start3A_870 : memref<1x1xi32, #tpu.memory_space<vmem>> -> memref<1xi32, #tpu.memory_space<vmem>>
    %dma_start3A_872 = arith.constant 0 : i32
    %dma_start3A_873 = arith.constant 0 : i32
    %dma_start3A_874 = tpu.memref_slice %arg4[%dma_start3A_872, %dma_start3A_873, %mul3A_2] : memref<25x8x16384xi32, #tpu.memory_space<hbm>> -> memref<25x8x512xi32, #tpu.memory_space<hbm>>
    tpu.enqueue_indirect_dma source(%arg8 : memref<1x8x512xi32, #tpu.memory_space<vmem>>) target(%dma_start3A_874 : memref<25x8x512xi32, #tpu.memory_space<hbm>>) offsets(%dma_start3A_871 : memref<1xi32, #tpu.memory_space<vmem>>) semaphore(%arg13 : memref<!tpu.dma_semaphore, #tpu.memory_space<semaphore_mem>>)
    %dma_wait3A_875 = arith.constant 1 : i32
    %dma_wait3A_876 = arith.constant 21 : i32
    %dma_wait3A_877 = arith.constant 0 : i32
    %dma_wait3A_878 = arith.constant 0 : i32
    %dma_wait3A_879 = tpu.memref_slice %arg7[%dma_wait3A_876, %dma_wait3A_877, %dma_wait3A_878] : memref<25x8x512xi32, #tpu.memory_space<vmem>> -> memref<1x8x512xi32, #tpu.memory_space<vmem>>
    %dma_wait3A_880 = arith.constant 5 : i32
    %dma_wait3A_881 = tpu.memref_slice %arg6[%dma_wait3A_875, %dma_wait3A_880] : memref<2x16xi32, #tpu.memory_space<vmem>> -> memref<1x1xi32, #tpu.memory_space<vmem>>
    %dma_wait3A_882 = tpu.memref_squeeze %dma_wait3A_881 : memref<1x1xi32, #tpu.memory_space<vmem>> -> memref<1xi32, #tpu.memory_space<vmem>>
    %dma_wait3A_883 = arith.constant 0 : i32
    %dma_wait3A_884 = arith.constant 0 : i32
    %dma_wait3A_885 = tpu.memref_slice %arg2[%dma_wait3A_883, %dma_wait3A_884, %mul3A_2] : memref<25x8x16384xi32, #tpu.memory_space<hbm>> -> memref<25x8x512xi32, #tpu.memory_space<hbm>>
    tpu.wait_indirect_dma semaphore(%arg12 : memref<!tpu.dma_semaphore, #tpu.memory_space<semaphore_mem>>) src(%dma_wait3A_885 : memref<25x8x512xi32, #tpu.memory_space<hbm>>) dst(%dma_wait3A_879 : memref<1x8x512xi32, #tpu.memory_space<vmem>>)
    %dma_wait3A_886 = arith.constant 1 : i32
    %dma_wait3A_887 = arith.constant 1 : i32
    %dma_wait3A_888 = tpu.memref_slice %arg6[%dma_wait3A_886, %dma_wait3A_887] : memref<2x16xi32, #tpu.memory_space<vmem>> -> memref<1x1xi32, #tpu.memory_space<vmem>>
    %dma_wait3A_889 = tpu.memref_squeeze %dma_wait3A_888 : memref<1x1xi32, #tpu.memory_space<vmem>> -> memref<1xi32, #tpu.memory_space<vmem>>
    %dma_wait3A_890 = arith.constant 0 : i32
    %dma_wait3A_891 = arith.constant 0 : i32
    %dma_wait3A_892 = tpu.memref_slice %arg4[%dma_wait3A_890, %dma_wait3A_891, %mul3A_2] : memref<25x8x16384xi32, #tpu.memory_space<hbm>> -> memref<25x8x512xi32, #tpu.memory_space<hbm>>
    tpu.wait_indirect_dma semaphore(%arg14 : memref<!tpu.dma_semaphore, #tpu.memory_space<semaphore_mem>>) src(%arg9 : memref<1x8x512xi32, #tpu.memory_space<vmem>>) dst(%dma_wait3A_892 : memref<25x8x512xi32, #tpu.memory_space<hbm>>)
    %parallel_loop3A_893 = arith.constant 0 : i32
    %parallel_loop3A_894 = arith.constant 256 : i32
    %parallel_loop3A_895 = arith.constant 1 : i32
    scf.for %parallel_loop3A_1015 = %parallel_loop3A_893 to %parallel_loop3A_894 step %parallel_loop3A_895  : i32 {
      %parallel_loop3A_1016 = arith.constant 32 : i32
      %parallel_loop3A_1017 = arith.divsi %parallel_loop3A_1015, %parallel_loop3A_1016 : i32
      %parallel_loop3A_1018 = arith.constant 0 : i32
      %parallel_loop3A_1019 = arith.cmpi sgt, %parallel_loop3A_1015, %parallel_loop3A_1018 : i32
      %parallel_loop3A_1020 = arith.extui %parallel_loop3A_1019 : i1 to i32
      %parallel_loop3A_1021 = arith.constant 0 : i32
      %parallel_loop3A_1022 = arith.cmpi slt, %parallel_loop3A_1015, %parallel_loop3A_1021 : i32
      %parallel_loop3A_1023 = arith.extui %parallel_loop3A_1022 : i1 to i32
      %parallel_loop3A_1024 = arith.subi %parallel_loop3A_1020, %parallel_loop3A_1023 : i32
      %parallel_loop3A_1025 = arith.constant 0 : i32
      %parallel_loop3A_1026 = arith.cmpi sgt, %parallel_loop3A_1016, %parallel_loop3A_1025 : i32
      %parallel_loop3A_1027 = arith.extui %parallel_loop3A_1026 : i1 to i32
      %parallel_loop3A_1028 = arith.constant 0 : i32
      %parallel_loop3A_1029 = arith.cmpi slt, %parallel_loop3A_1016, %parallel_loop3A_1028 : i32
      %parallel_loop3A_1030 = arith.extui %parallel_loop3A_1029 : i1 to i32
      %parallel_loop3A_1031 = arith.subi %parallel_loop3A_1027, %parallel_loop3A_1030 : i32
      %parallel_loop3A_1032 = arith.cmpi ne, %parallel_loop3A_1024, %parallel_loop3A_1031 : i32
      %parallel_loop3A_1033 = arith.remsi %parallel_loop3A_1015, %parallel_loop3A_1016 : i32
      %parallel_loop3A_1034 = arith.constant 0 : i32
      %parallel_loop3A_1035 = arith.cmpi ne, %parallel_loop3A_1033, %parallel_loop3A_1034 : i32
      %parallel_loop3A_1036 = arith.andi %parallel_loop3A_1032, %parallel_loop3A_1035 : i1
      %parallel_loop3A_1037 = arith.constant 1 : i32
      %parallel_loop3A_1038 = arith.subi %parallel_loop3A_1017, %parallel_loop3A_1037 : i32
      %parallel_loop3A_1039 = arith.select %parallel_loop3A_1036, %parallel_loop3A_1038, %parallel_loop3A_1017 : i32
      %parallel_loop3A_1040 = arith.constant 32 : i32
      %parallel_loop3A_1041 = arith.constant 0 : i32
      %parallel_loop3A_1042 = arith.cmpi eq, %parallel_loop3A_1040, %parallel_loop3A_1041 : i32
      %parallel_loop3A_1043 = arith.constant 1 : i32
      %parallel_loop3A_1044 = arith.select %parallel_loop3A_1042, %parallel_loop3A_1043, %parallel_loop3A_1040 : i32
      %parallel_loop3A_1045 = arith.remsi %parallel_loop3A_1015, %parallel_loop3A_1044 : i32
      %parallel_loop3A_1046 = arith.constant 0 : i32
      %parallel_loop3A_1047 = arith.cmpi ne, %parallel_loop3A_1045, %parallel_loop3A_1046 : i32
      %parallel_loop3A_1048 = arith.constant 0 : i32
      %parallel_loop3A_1049 = arith.cmpi slt, %parallel_loop3A_1045, %parallel_loop3A_1048 : i32
      %parallel_loop3A_1050 = arith.constant 0 : i32
      %parallel_loop3A_1051 = arith.cmpi slt, %parallel_loop3A_1044, %parallel_loop3A_1050 : i32
      %parallel_loop3A_1052 = arith.xori %parallel_loop3A_1049, %parallel_loop3A_1051 : i1
      %parallel_loop3A_1053 = arith.andi %parallel_loop3A_1052, %parallel_loop3A_1047 : i1
      %parallel_loop3A_1054 = arith.addi %parallel_loop3A_1045, %parallel_loop3A_1044 : i32
      %parallel_loop3A_1055 = arith.select %parallel_loop3A_1053, %parallel_loop3A_1054, %parallel_loop3A_1045 : i32
      %parallel_loop3A_1056 = arith.constant 16 : i32
      %parallel_loop3A_1057 = arith.muli %parallel_loop3A_1055, %parallel_loop3A_1056 : i32
      %parallel_loop3A_1058 = arith.constant 21 : i32
      %parallel_loop3A_1059 = arith.index_cast %parallel_loop3A_1058 : i32 to index
      %parallel_loop3A_1060 = arith.index_cast %parallel_loop3A_1039 : i32 to index
      %parallel_loop3A_1061 = arith.index_cast %parallel_loop3A_1057 : i32 to index
      %parallel_loop3A_1062 = tpu.vector_load %arg7[%parallel_loop3A_1059, %parallel_loop3A_1060, %parallel_loop3A_1061] {strides = array<i32>} : memref<25x8x512xi32, #tpu.memory_space<vmem>>, vector<16xi32>,
      %parallel_loop3A_1063 = tpu.vector_load_idx %arg5[%parallel_loop3A_1062] : memref<16xi32, #tpu.memory_space<vmem>>[vector<16xi32>], vector<16xi32>,
      %parallel_loop3A_1064 = arith.constant 0 : i32
      %parallel_loop3A_1065 = arith.index_cast %parallel_loop3A_1064 : i32 to index
      %parallel_loop3A_1066 = arith.index_cast %parallel_loop3A_1039 : i32 to index
      %parallel_loop3A_1067 = arith.index_cast %parallel_loop3A_1057 : i32 to index
      %parallel_loop3A_1068 = tpu.vector_load %arg9[%parallel_loop3A_1065, %parallel_loop3A_1066, %parallel_loop3A_1067] {strides = array<i32>} : memref<1x8x512xi32, #tpu.memory_space<vmem>>, vector<16xi32>,
      tpu.vector_store %arg9[%parallel_loop3A_1065, %parallel_loop3A_1066, %parallel_loop3A_1067], %parallel_loop3A_1063 {strides = array<i32>} : memref<1x8x512xi32, #tpu.memory_space<vmem>>, vector<16xi32>,
    } {sc.loop_unroll_factor = 8 : i64, sc.parallel_access}
    %dma_start3A_896 = arith.constant 1 : i32
    %dma_start3A_897 = arith.constant 5 : i32
    %dma_start3A_898 = tpu.memref_slice %arg6[%dma_start3A_896, %dma_start3A_897] : memref<2x16xi32, #tpu.memory_space<vmem>> -> memref<1x1xi32, #tpu.memory_space<vmem>>
    %dma_start3A_899 = tpu.memref_squeeze %dma_start3A_898 : memref<1x1xi32, #tpu.memory_space<vmem>> -> memref<1xi32, #tpu.memory_space<vmem>>
    %dma_start3A_900 = arith.constant 0 : i32
    %dma_start3A_901 = arith.constant 0 : i32
    %dma_start3A_902 = tpu.memref_slice %arg4[%dma_start3A_900, %dma_start3A_901, %mul3A_2] : memref<25x8x16384xi32, #tpu.memory_space<hbm>> -> memref<25x8x512xi32, #tpu.memory_space<hbm>>
    tpu.enqueue_indirect_dma source(%arg9 : memref<1x8x512xi32, #tpu.memory_space<vmem>>) target(%dma_start3A_902 : memref<25x8x512xi32, #tpu.memory_space<hbm>>) offsets(%dma_start3A_899 : memref<1xi32, #tpu.memory_space<vmem>>) semaphore(%arg14 : memref<!tpu.dma_semaphore, #tpu.memory_space<semaphore_mem>>)
    %dma_wait3A_903 = arith.constant 1 : i32
    %dma_wait3A_904 = arith.constant 22 : i32
    %dma_wait3A_905 = arith.constant 0 : i32
    %dma_wait3A_906 = arith.constant 0 : i32
    %dma_wait3A_907 = tpu.memref_slice %arg7[%dma_wait3A_904, %dma_wait3A_905, %dma_wait3A_906] : memref<25x8x512xi32, #tpu.memory_space<vmem>> -> memref<1x8x512xi32, #tpu.memory_space<vmem>>
    %dma_wait3A_908 = arith.constant 6 : i32
    %dma_wait3A_909 = tpu.memref_slice %arg6[%dma_wait3A_903, %dma_wait3A_908] : memref<2x16xi32, #tpu.memory_space<vmem>> -> memref<1x1xi32, #tpu.memory_space<vmem>>
    %dma_wait3A_910 = tpu.memref_squeeze %dma_wait3A_909 : memref<1x1xi32, #tpu.memory_space<vmem>> -> memref<1xi32, #tpu.memory_space<vmem>>
    %dma_wait3A_911 = arith.constant 0 : i32
    %dma_wait3A_912 = arith.constant 0 : i32
    %dma_wait3A_913 = tpu.memref_slice %arg2[%dma_wait3A_911, %dma_wait3A_912, %mul3A_2] : memref<25x8x16384xi32, #tpu.memory_space<hbm>> -> memref<25x8x512xi32, #tpu.memory_space<hbm>>
    tpu.wait_indirect_dma semaphore(%arg12 : memref<!tpu.dma_semaphore, #tpu.memory_space<semaphore_mem>>) src(%dma_wait3A_913 : memref<25x8x512xi32, #tpu.memory_space<hbm>>) dst(%dma_wait3A_907 : memref<1x8x512xi32, #tpu.memory_space<vmem>>)
    %dma_wait3A_914 = arith.constant 1 : i32
    %dma_wait3A_915 = arith.constant 2 : i32
    %dma_wait3A_916 = tpu.memref_slice %arg6[%dma_wait3A_914, %dma_wait3A_915] : memref<2x16xi32, #tpu.memory_space<vmem>> -> memref<1x1xi32, #tpu.memory_space<vmem>>
    %dma_wait3A_917 = tpu.memref_squeeze %dma_wait3A_916 : memref<1x1xi32, #tpu.memory_space<vmem>> -> memref<1xi32, #tpu.memory_space<vmem>>
    %dma_wait3A_918 = arith.constant 0 : i32
    %dma_wait3A_919 = arith.constant 0 : i32
    %dma_wait3A_920 = tpu.memref_slice %arg4[%dma_wait3A_918, %dma_wait3A_919, %mul3A_2] : memref<25x8x16384xi32, #tpu.memory_space<hbm>> -> memref<25x8x512xi32, #tpu.memory_space<hbm>>
    tpu.wait_indirect_dma semaphore(%arg15 : memref<!tpu.dma_semaphore, #tpu.memory_space<semaphore_mem>>) src(%arg10 : memref<1x8x512xi32, #tpu.memory_space<vmem>>) dst(%dma_wait3A_920 : memref<25x8x512xi32, #tpu.memory_space<hbm>>)
    %parallel_loop3A_921 = arith.constant 0 : i32
    %parallel_loop3A_922 = arith.constant 256 : i32
    %parallel_loop3A_923 = arith.constant 1 : i32
    scf.for %parallel_loop3A_1015 = %parallel_loop3A_921 to %parallel_loop3A_922 step %parallel_loop3A_923  : i32 {
      %parallel_loop3A_1016 = arith.constant 32 : i32
      %parallel_loop3A_1017 = arith.divsi %parallel_loop3A_1015, %parallel_loop3A_1016 : i32
      %parallel_loop3A_1018 = arith.constant 0 : i32
      %parallel_loop3A_1019 = arith.cmpi sgt, %parallel_loop3A_1015, %parallel_loop3A_1018 : i32
      %parallel_loop3A_1020 = arith.extui %parallel_loop3A_1019 : i1 to i32
      %parallel_loop3A_1021 = arith.constant 0 : i32
      %parallel_loop3A_1022 = arith.cmpi slt, %parallel_loop3A_1015, %parallel_loop3A_1021 : i32
      %parallel_loop3A_1023 = arith.extui %parallel_loop3A_1022 : i1 to i32
      %parallel_loop3A_1024 = arith.subi %parallel_loop3A_1020, %parallel_loop3A_1023 : i32
      %parallel_loop3A_1025 = arith.constant 0 : i32
      %parallel_loop3A_1026 = arith.cmpi sgt, %parallel_loop3A_1016, %parallel_loop3A_1025 : i32
      %parallel_loop3A_1027 = arith.extui %parallel_loop3A_1026 : i1 to i32
      %parallel_loop3A_1028 = arith.constant 0 : i32
      %parallel_loop3A_1029 = arith.cmpi slt, %parallel_loop3A_1016, %parallel_loop3A_1028 : i32
      %parallel_loop3A_1030 = arith.extui %parallel_loop3A_1029 : i1 to i32
      %parallel_loop3A_1031 = arith.subi %parallel_loop3A_1027, %parallel_loop3A_1030 : i32
      %parallel_loop3A_1032 = arith.cmpi ne, %parallel_loop3A_1024, %parallel_loop3A_1031 : i32
      %parallel_loop3A_1033 = arith.remsi %parallel_loop3A_1015, %parallel_loop3A_1016 : i32
      %parallel_loop3A_1034 = arith.constant 0 : i32
      %parallel_loop3A_1035 = arith.cmpi ne, %parallel_loop3A_1033, %parallel_loop3A_1034 : i32
      %parallel_loop3A_1036 = arith.andi %parallel_loop3A_1032, %parallel_loop3A_1035 : i1
      %parallel_loop3A_1037 = arith.constant 1 : i32
      %parallel_loop3A_1038 = arith.subi %parallel_loop3A_1017, %parallel_loop3A_1037 : i32
      %parallel_loop3A_1039 = arith.select %parallel_loop3A_1036, %parallel_loop3A_1038, %parallel_loop3A_1017 : i32
      %parallel_loop3A_1040 = arith.constant 32 : i32
      %parallel_loop3A_1041 = arith.constant 0 : i32
      %parallel_loop3A_1042 = arith.cmpi eq, %parallel_loop3A_1040, %parallel_loop3A_1041 : i32
      %parallel_loop3A_1043 = arith.constant 1 : i32
      %parallel_loop3A_1044 = arith.select %parallel_loop3A_1042, %parallel_loop3A_1043, %parallel_loop3A_1040 : i32
      %parallel_loop3A_1045 = arith.remsi %parallel_loop3A_1015, %parallel_loop3A_1044 : i32
      %parallel_loop3A_1046 = arith.constant 0 : i32
      %parallel_loop3A_1047 = arith.cmpi ne, %parallel_loop3A_1045, %parallel_loop3A_1046 : i32
      %parallel_loop3A_1048 = arith.constant 0 : i32
      %parallel_loop3A_1049 = arith.cmpi slt, %parallel_loop3A_1045, %parallel_loop3A_1048 : i32
      %parallel_loop3A_1050 = arith.constant 0 : i32
      %parallel_loop3A_1051 = arith.cmpi slt, %parallel_loop3A_1044, %parallel_loop3A_1050 : i32
      %parallel_loop3A_1052 = arith.xori %parallel_loop3A_1049, %parallel_loop3A_1051 : i1
      %parallel_loop3A_1053 = arith.andi %parallel_loop3A_1052, %parallel_loop3A_1047 : i1
      %parallel_loop3A_1054 = arith.addi %parallel_loop3A_1045, %parallel_loop3A_1044 : i32
      %parallel_loop3A_1055 = arith.select %parallel_loop3A_1053, %parallel_loop3A_1054, %parallel_loop3A_1045 : i32
      %parallel_loop3A_1056 = arith.constant 16 : i32
      %parallel_loop3A_1057 = arith.muli %parallel_loop3A_1055, %parallel_loop3A_1056 : i32
      %parallel_loop3A_1058 = arith.constant 22 : i32
      %parallel_loop3A_1059 = arith.index_cast %parallel_loop3A_1058 : i32 to index
      %parallel_loop3A_1060 = arith.index_cast %parallel_loop3A_1039 : i32 to index
      %parallel_loop3A_1061 = arith.index_cast %parallel_loop3A_1057 : i32 to index
      %parallel_loop3A_1062 = tpu.vector_load %arg7[%parallel_loop3A_1059, %parallel_loop3A_1060, %parallel_loop3A_1061] {strides = array<i32>} : memref<25x8x512xi32, #tpu.memory_space<vmem>>, vector<16xi32>,
      %parallel_loop3A_1063 = tpu.vector_load_idx %arg5[%parallel_loop3A_1062] : memref<16xi32, #tpu.memory_space<vmem>>[vector<16xi32>], vector<16xi32>,
      %parallel_loop3A_1064 = arith.constant 0 : i32
      %parallel_loop3A_1065 = arith.index_cast %parallel_loop3A_1064 : i32 to index
      %parallel_loop3A_1066 = arith.index_cast %parallel_loop3A_1039 : i32 to index
      %parallel_loop3A_1067 = arith.index_cast %parallel_loop3A_1057 : i32 to index
      %parallel_loop3A_1068 = tpu.vector_load %arg10[%parallel_loop3A_1065, %parallel_loop3A_1066, %parallel_loop3A_1067] {strides = array<i32>} : memref<1x8x512xi32, #tpu.memory_space<vmem>>, vector<16xi32>,
      tpu.vector_store %arg10[%parallel_loop3A_1065, %parallel_loop3A_1066, %parallel_loop3A_1067], %parallel_loop3A_1063 {strides = array<i32>} : memref<1x8x512xi32, #tpu.memory_space<vmem>>, vector<16xi32>,
    } {sc.loop_unroll_factor = 8 : i64, sc.parallel_access}
    %dma_start3A_924 = arith.constant 1 : i32
    %dma_start3A_925 = arith.constant 6 : i32
    %dma_start3A_926 = tpu.memref_slice %arg6[%dma_start3A_924, %dma_start3A_925] : memref<2x16xi32, #tpu.memory_space<vmem>> -> memref<1x1xi32, #tpu.memory_space<vmem>>
    %dma_start3A_927 = tpu.memref_squeeze %dma_start3A_926 : memref<1x1xi32, #tpu.memory_space<vmem>> -> memref<1xi32, #tpu.memory_space<vmem>>
    %dma_start3A_928 = arith.constant 0 : i32
    %dma_start3A_929 = arith.constant 0 : i32
    %dma_start3A_930 = tpu.memref_slice %arg4[%dma_start3A_928, %dma_start3A_929, %mul3A_2] : memref<25x8x16384xi32, #tpu.memory_space<hbm>> -> memref<25x8x512xi32, #tpu.memory_space<hbm>>
    tpu.enqueue_indirect_dma source(%arg10 : memref<1x8x512xi32, #tpu.memory_space<vmem>>) target(%dma_start3A_930 : memref<25x8x512xi32, #tpu.memory_space<hbm>>) offsets(%dma_start3A_927 : memref<1xi32, #tpu.memory_space<vmem>>) semaphore(%arg15 : memref<!tpu.dma_semaphore, #tpu.memory_space<semaphore_mem>>)
    %dma_wait3A_931 = arith.constant 1 : i32
    %dma_wait3A_932 = arith.constant 23 : i32
    %dma_wait3A_933 = arith.constant 0 : i32
    %dma_wait3A_934 = arith.constant 0 : i32
    %dma_wait3A_935 = tpu.memref_slice %arg7[%dma_wait3A_932, %dma_wait3A_933, %dma_wait3A_934] : memref<25x8x512xi32, #tpu.memory_space<vmem>> -> memref<1x8x512xi32, #tpu.memory_space<vmem>>
    %dma_wait3A_936 = arith.constant 7 : i32
    %dma_wait3A_937 = tpu.memref_slice %arg6[%dma_wait3A_931, %dma_wait3A_936] : memref<2x16xi32, #tpu.memory_space<vmem>> -> memref<1x1xi32, #tpu.memory_space<vmem>>
    %dma_wait3A_938 = tpu.memref_squeeze %dma_wait3A_937 : memref<1x1xi32, #tpu.memory_space<vmem>> -> memref<1xi32, #tpu.memory_space<vmem>>
    %dma_wait3A_939 = arith.constant 0 : i32
    %dma_wait3A_940 = arith.constant 0 : i32
    %dma_wait3A_941 = tpu.memref_slice %arg2[%dma_wait3A_939, %dma_wait3A_940, %mul3A_2] : memref<25x8x16384xi32, #tpu.memory_space<hbm>> -> memref<25x8x512xi32, #tpu.memory_space<hbm>>
    tpu.wait_indirect_dma semaphore(%arg12 : memref<!tpu.dma_semaphore, #tpu.memory_space<semaphore_mem>>) src(%dma_wait3A_941 : memref<25x8x512xi32, #tpu.memory_space<hbm>>) dst(%dma_wait3A_935 : memref<1x8x512xi32, #tpu.memory_space<vmem>>)
    %dma_wait3A_942 = arith.constant 1 : i32
    %dma_wait3A_943 = arith.constant 3 : i32
    %dma_wait3A_944 = tpu.memref_slice %arg6[%dma_wait3A_942, %dma_wait3A_943] : memref<2x16xi32, #tpu.memory_space<vmem>> -> memref<1x1xi32, #tpu.memory_space<vmem>>
    %dma_wait3A_945 = tpu.memref_squeeze %dma_wait3A_944 : memref<1x1xi32, #tpu.memory_space<vmem>> -> memref<1xi32, #tpu.memory_space<vmem>>
    %dma_wait3A_946 = arith.constant 0 : i32
    %dma_wait3A_947 = arith.constant 0 : i32
    %dma_wait3A_948 = tpu.memref_slice %arg4[%dma_wait3A_946, %dma_wait3A_947, %mul3A_2] : memref<25x8x16384xi32, #tpu.memory_space<hbm>> -> memref<25x8x512xi32, #tpu.memory_space<hbm>>
    tpu.wait_indirect_dma semaphore(%arg16 : memref<!tpu.dma_semaphore, #tpu.memory_space<semaphore_mem>>) src(%arg11 : memref<1x8x512xi32, #tpu.memory_space<vmem>>) dst(%dma_wait3A_948 : memref<25x8x512xi32, #tpu.memory_space<hbm>>)
    %parallel_loop3A_949 = arith.constant 0 : i32
    %parallel_loop3A_950 = arith.constant 256 : i32
    %parallel_loop3A_951 = arith.constant 1 : i32
    scf.for %parallel_loop3A_1015 = %parallel_loop3A_949 to %parallel_loop3A_950 step %parallel_loop3A_951  : i32 {
      %parallel_loop3A_1016 = arith.constant 32 : i32
      %parallel_loop3A_1017 = arith.divsi %parallel_loop3A_1015, %parallel_loop3A_1016 : i32
      %parallel_loop3A_1018 = arith.constant 0 : i32
      %parallel_loop3A_1019 = arith.cmpi sgt, %parallel_loop3A_1015, %parallel_loop3A_1018 : i32
      %parallel_loop3A_1020 = arith.extui %parallel_loop3A_1019 : i1 to i32
      %parallel_loop3A_1021 = arith.constant 0 : i32
      %parallel_loop3A_1022 = arith.cmpi slt, %parallel_loop3A_1015, %parallel_loop3A_1021 : i32
      %parallel_loop3A_1023 = arith.extui %parallel_loop3A_1022 : i1 to i32
      %parallel_loop3A_1024 = arith.subi %parallel_loop3A_1020, %parallel_loop3A_1023 : i32
      %parallel_loop3A_1025 = arith.constant 0 : i32
      %parallel_loop3A_1026 = arith.cmpi sgt, %parallel_loop3A_1016, %parallel_loop3A_1025 : i32
      %parallel_loop3A_1027 = arith.extui %parallel_loop3A_1026 : i1 to i32
      %parallel_loop3A_1028 = arith.constant 0 : i32
      %parallel_loop3A_1029 = arith.cmpi slt, %parallel_loop3A_1016, %parallel_loop3A_1028 : i32
      %parallel_loop3A_1030 = arith.extui %parallel_loop3A_1029 : i1 to i32
      %parallel_loop3A_1031 = arith.subi %parallel_loop3A_1027, %parallel_loop3A_1030 : i32
      %parallel_loop3A_1032 = arith.cmpi ne, %parallel_loop3A_1024, %parallel_loop3A_1031 : i32
      %parallel_loop3A_1033 = arith.remsi %parallel_loop3A_1015, %parallel_loop3A_1016 : i32
      %parallel_loop3A_1034 = arith.constant 0 : i32
      %parallel_loop3A_1035 = arith.cmpi ne, %parallel_loop3A_1033, %parallel_loop3A_1034 : i32
      %parallel_loop3A_1036 = arith.andi %parallel_loop3A_1032, %parallel_loop3A_1035 : i1
      %parallel_loop3A_1037 = arith.constant 1 : i32
      %parallel_loop3A_1038 = arith.subi %parallel_loop3A_1017, %parallel_loop3A_1037 : i32
      %parallel_loop3A_1039 = arith.select %parallel_loop3A_1036, %parallel_loop3A_1038, %parallel_loop3A_1017 : i32
      %parallel_loop3A_1040 = arith.constant 32 : i32
      %parallel_loop3A_1041 = arith.constant 0 : i32
      %parallel_loop3A_1042 = arith.cmpi eq, %parallel_loop3A_1040, %parallel_loop3A_1041 : i32
      %parallel_loop3A_1043 = arith.constant 1 : i32
      %parallel_loop3A_1044 = arith.select %parallel_loop3A_1042, %parallel_loop3A_1043, %parallel_loop3A_1040 : i32
      %parallel_loop3A_1045 = arith.remsi %parallel_loop3A_1015, %parallel_loop3A_1044 : i32
      %parallel_loop3A_1046 = arith.constant 0 : i32
      %parallel_loop3A_1047 = arith.cmpi ne, %parallel_loop3A_1045, %parallel_loop3A_1046 : i32
      %parallel_loop3A_1048 = arith.constant 0 : i32
      %parallel_loop3A_1049 = arith.cmpi slt, %parallel_loop3A_1045, %parallel_loop3A_1048 : i32
      %parallel_loop3A_1050 = arith.constant 0 : i32
      %parallel_loop3A_1051 = arith.cmpi slt, %parallel_loop3A_1044, %parallel_loop3A_1050 : i32
      %parallel_loop3A_1052 = arith.xori %parallel_loop3A_1049, %parallel_loop3A_1051 : i1
      %parallel_loop3A_1053 = arith.andi %parallel_loop3A_1052, %parallel_loop3A_1047 : i1
      %parallel_loop3A_1054 = arith.addi %parallel_loop3A_1045, %parallel_loop3A_1044 : i32
      %parallel_loop3A_1055 = arith.select %parallel_loop3A_1053, %parallel_loop3A_1054, %parallel_loop3A_1045 : i32
      %parallel_loop3A_1056 = arith.constant 16 : i32
      %parallel_loop3A_1057 = arith.muli %parallel_loop3A_1055, %parallel_loop3A_1056 : i32
      %parallel_loop3A_1058 = arith.constant 23 : i32
      %parallel_loop3A_1059 = arith.index_cast %parallel_loop3A_1058 : i32 to index
      %parallel_loop3A_1060 = arith.index_cast %parallel_loop3A_1039 : i32 to index
      %parallel_loop3A_1061 = arith.index_cast %parallel_loop3A_1057 : i32 to index
      %parallel_loop3A_1062 = tpu.vector_load %arg7[%parallel_loop3A_1059, %parallel_loop3A_1060, %parallel_loop3A_1061] {strides = array<i32>} : memref<25x8x512xi32, #tpu.memory_space<vmem>>, vector<16xi32>,
      %parallel_loop3A_1063 = tpu.vector_load_idx %arg5[%parallel_loop3A_1062] : memref<16xi32, #tpu.memory_space<vmem>>[vector<16xi32>], vector<16xi32>,
      %parallel_loop3A_1064 = arith.constant 0 : i32
      %parallel_loop3A_1065 = arith.index_cast %parallel_loop3A_1064 : i32 to index
      %parallel_loop3A_1066 = arith.index_cast %parallel_loop3A_1039 : i32 to index
      %parallel_loop3A_1067 = arith.index_cast %parallel_loop3A_1057 : i32 to index
      %parallel_loop3A_1068 = tpu.vector_load %arg11[%parallel_loop3A_1065, %parallel_loop3A_1066, %parallel_loop3A_1067] {strides = array<i32>} : memref<1x8x512xi32, #tpu.memory_space<vmem>>, vector<16xi32>,
      tpu.vector_store %arg11[%parallel_loop3A_1065, %parallel_loop3A_1066, %parallel_loop3A_1067], %parallel_loop3A_1063 {strides = array<i32>} : memref<1x8x512xi32, #tpu.memory_space<vmem>>, vector<16xi32>,
    } {sc.loop_unroll_factor = 8 : i64, sc.parallel_access}
    %dma_start3A_952 = arith.constant 1 : i32
    %dma_start3A_953 = arith.constant 7 : i32
    %dma_start3A_954 = tpu.memref_slice %arg6[%dma_start3A_952, %dma_start3A_953] : memref<2x16xi32, #tpu.memory_space<vmem>> -> memref<1x1xi32, #tpu.memory_space<vmem>>
    %dma_start3A_955 = tpu.memref_squeeze %dma_start3A_954 : memref<1x1xi32, #tpu.memory_space<vmem>> -> memref<1xi32, #tpu.memory_space<vmem>>
    %dma_start3A_956 = arith.constant 0 : i32
    %dma_start3A_957 = arith.constant 0 : i32
    %dma_start3A_958 = tpu.memref_slice %arg4[%dma_start3A_956, %dma_start3A_957, %mul3A_2] : memref<25x8x16384xi32, #tpu.memory_space<hbm>> -> memref<25x8x512xi32, #tpu.memory_space<hbm>>
    tpu.enqueue_indirect_dma source(%arg11 : memref<1x8x512xi32, #tpu.memory_space<vmem>>) target(%dma_start3A_958 : memref<25x8x512xi32, #tpu.memory_space<hbm>>) offsets(%dma_start3A_955 : memref<1xi32, #tpu.memory_space<vmem>>) semaphore(%arg16 : memref<!tpu.dma_semaphore, #tpu.memory_space<semaphore_mem>>)
    %dma_wait3A_959 = arith.constant 1 : i32
    %dma_wait3A_960 = arith.constant 24 : i32
    %dma_wait3A_961 = arith.constant 0 : i32
    %dma_wait3A_962 = arith.constant 0 : i32
    %dma_wait3A_963 = tpu.memref_slice %arg7[%dma_wait3A_960, %dma_wait3A_961, %dma_wait3A_962] : memref<25x8x512xi32, #tpu.memory_space<vmem>> -> memref<1x8x512xi32, #tpu.memory_space<vmem>>
    %dma_wait3A_964 = arith.constant 8 : i32
    %dma_wait3A_965 = tpu.memref_slice %arg6[%dma_wait3A_959, %dma_wait3A_964] : memref<2x16xi32, #tpu.memory_space<vmem>> -> memref<1x1xi32, #tpu.memory_space<vmem>>
    %dma_wait3A_966 = tpu.memref_squeeze %dma_wait3A_965 : memref<1x1xi32, #tpu.memory_space<vmem>> -> memref<1xi32, #tpu.memory_space<vmem>>
    %dma_wait3A_967 = arith.constant 0 : i32
    %dma_wait3A_968 = arith.constant 0 : i32
    %dma_wait3A_969 = tpu.memref_slice %arg2[%dma_wait3A_967, %dma_wait3A_968, %mul3A_2] : memref<25x8x16384xi32, #tpu.memory_space<hbm>> -> memref<25x8x512xi32, #tpu.memory_space<hbm>>
    tpu.wait_indirect_dma semaphore(%arg12 : memref<!tpu.dma_semaphore, #tpu.memory_space<semaphore_mem>>) src(%dma_wait3A_969 : memref<25x8x512xi32, #tpu.memory_space<hbm>>) dst(%dma_wait3A_963 : memref<1x8x512xi32, #tpu.memory_space<vmem>>)
    %dma_wait3A_970 = arith.constant 1 : i32
    %dma_wait3A_971 = arith.constant 4 : i32
    %dma_wait3A_972 = tpu.memref_slice %arg6[%dma_wait3A_970, %dma_wait3A_971] : memref<2x16xi32, #tpu.memory_space<vmem>> -> memref<1x1xi32, #tpu.memory_space<vmem>>
    %dma_wait3A_973 = tpu.memref_squeeze %dma_wait3A_972 : memref<1x1xi32, #tpu.memory_space<vmem>> -> memref<1xi32, #tpu.memory_space<vmem>>
    %dma_wait3A_974 = arith.constant 0 : i32
    %dma_wait3A_975 = arith.constant 0 : i32
    %dma_wait3A_976 = tpu.memref_slice %arg4[%dma_wait3A_974, %dma_wait3A_975, %mul3A_2] : memref<25x8x16384xi32, #tpu.memory_space<hbm>> -> memref<25x8x512xi32, #tpu.memory_space<hbm>>
    tpu.wait_indirect_dma semaphore(%arg13 : memref<!tpu.dma_semaphore, #tpu.memory_space<semaphore_mem>>) src(%arg8 : memref<1x8x512xi32, #tpu.memory_space<vmem>>) dst(%dma_wait3A_976 : memref<25x8x512xi32, #tpu.memory_space<hbm>>)
    %parallel_loop3A_977 = arith.constant 0 : i32
    %parallel_loop3A_978 = arith.constant 256 : i32
    %parallel_loop3A_979 = arith.constant 1 : i32
    scf.for %parallel_loop3A_1015 = %parallel_loop3A_977 to %parallel_loop3A_978 step %parallel_loop3A_979  : i32 {
      %parallel_loop3A_1016 = arith.constant 32 : i32
      %parallel_loop3A_1017 = arith.divsi %parallel_loop3A_1015, %parallel_loop3A_1016 : i32
      %parallel_loop3A_1018 = arith.constant 0 : i32
      %parallel_loop3A_1019 = arith.cmpi sgt, %parallel_loop3A_1015, %parallel_loop3A_1018 : i32
      %parallel_loop3A_1020 = arith.extui %parallel_loop3A_1019 : i1 to i32
      %parallel_loop3A_1021 = arith.constant 0 : i32
      %parallel_loop3A_1022 = arith.cmpi slt, %parallel_loop3A_1015, %parallel_loop3A_1021 : i32
      %parallel_loop3A_1023 = arith.extui %parallel_loop3A_1022 : i1 to i32
      %parallel_loop3A_1024 = arith.subi %parallel_loop3A_1020, %parallel_loop3A_1023 : i32
      %parallel_loop3A_1025 = arith.constant 0 : i32
      %parallel_loop3A_1026 = arith.cmpi sgt, %parallel_loop3A_1016, %parallel_loop3A_1025 : i32
      %parallel_loop3A_1027 = arith.extui %parallel_loop3A_1026 : i1 to i32
      %parallel_loop3A_1028 = arith.constant 0 : i32
      %parallel_loop3A_1029 = arith.cmpi slt, %parallel_loop3A_1016, %parallel_loop3A_1028 : i32
      %parallel_loop3A_1030 = arith.extui %parallel_loop3A_1029 : i1 to i32
      %parallel_loop3A_1031 = arith.subi %parallel_loop3A_1027, %parallel_loop3A_1030 : i32
      %parallel_loop3A_1032 = arith.cmpi ne, %parallel_loop3A_1024, %parallel_loop3A_1031 : i32
      %parallel_loop3A_1033 = arith.remsi %parallel_loop3A_1015, %parallel_loop3A_1016 : i32
      %parallel_loop3A_1034 = arith.constant 0 : i32
      %parallel_loop3A_1035 = arith.cmpi ne, %parallel_loop3A_1033, %parallel_loop3A_1034 : i32
      %parallel_loop3A_1036 = arith.andi %parallel_loop3A_1032, %parallel_loop3A_1035 : i1
      %parallel_loop3A_1037 = arith.constant 1 : i32
      %parallel_loop3A_1038 = arith.subi %parallel_loop3A_1017, %parallel_loop3A_1037 : i32
      %parallel_loop3A_1039 = arith.select %parallel_loop3A_1036, %parallel_loop3A_1038, %parallel_loop3A_1017 : i32
      %parallel_loop3A_1040 = arith.constant 32 : i32
      %parallel_loop3A_1041 = arith.constant 0 : i32
      %parallel_loop3A_1042 = arith.cmpi eq, %parallel_loop3A_1040, %parallel_loop3A_1041 : i32
      %parallel_loop3A_1043 = arith.constant 1 : i32
      %parallel_loop3A_1044 = arith.select %parallel_loop3A_1042, %parallel_loop3A_1043, %parallel_loop3A_1040 : i32
      %parallel_loop3A_1045 = arith.remsi %parallel_loop3A_1015, %parallel_loop3A_1044 : i32
      %parallel_loop3A_1046 = arith.constant 0 : i32
      %parallel_loop3A_1047 = arith.cmpi ne, %parallel_loop3A_1045, %parallel_loop3A_1046 : i32
      %parallel_loop3A_1048 = arith.constant 0 : i32
      %parallel_loop3A_1049 = arith.cmpi slt, %parallel_loop3A_1045, %parallel_loop3A_1048 : i32
      %parallel_loop3A_1050 = arith.constant 0 : i32
      %parallel_loop3A_1051 = arith.cmpi slt, %parallel_loop3A_1044, %parallel_loop3A_1050 : i32
      %parallel_loop3A_1052 = arith.xori %parallel_loop3A_1049, %parallel_loop3A_1051 : i1
      %parallel_loop3A_1053 = arith.andi %parallel_loop3A_1052, %parallel_loop3A_1047 : i1
      %parallel_loop3A_1054 = arith.addi %parallel_loop3A_1045, %parallel_loop3A_1044 : i32
      %parallel_loop3A_1055 = arith.select %parallel_loop3A_1053, %parallel_loop3A_1054, %parallel_loop3A_1045 : i32
      %parallel_loop3A_1056 = arith.constant 16 : i32
      %parallel_loop3A_1057 = arith.muli %parallel_loop3A_1055, %parallel_loop3A_1056 : i32
      %parallel_loop3A_1058 = arith.constant 24 : i32
      %parallel_loop3A_1059 = arith.index_cast %parallel_loop3A_1058 : i32 to index
      %parallel_loop3A_1060 = arith.index_cast %parallel_loop3A_1039 : i32 to index
      %parallel_loop3A_1061 = arith.index_cast %parallel_loop3A_1057 : i32 to index
      %parallel_loop3A_1062 = tpu.vector_load %arg7[%parallel_loop3A_1059, %parallel_loop3A_1060, %parallel_loop3A_1061] {strides = array<i32>} : memref<25x8x512xi32, #tpu.memory_space<vmem>>, vector<16xi32>,
      %parallel_loop3A_1063 = tpu.vector_load_idx %arg5[%parallel_loop3A_1062] : memref<16xi32, #tpu.memory_space<vmem>>[vector<16xi32>], vector<16xi32>,
      %parallel_loop3A_1064 = arith.constant 0 : i32
      %parallel_loop3A_1065 = arith.index_cast %parallel_loop3A_1064 : i32 to index
      %parallel_loop3A_1066 = arith.index_cast %parallel_loop3A_1039 : i32 to index
      %parallel_loop3A_1067 = arith.index_cast %parallel_loop3A_1057 : i32 to index
      %parallel_loop3A_1068 = tpu.vector_load %arg8[%parallel_loop3A_1065, %parallel_loop3A_1066, %parallel_loop3A_1067] {strides = array<i32>} : memref<1x8x512xi32, #tpu.memory_space<vmem>>, vector<16xi32>,
      tpu.vector_store %arg8[%parallel_loop3A_1065, %parallel_loop3A_1066, %parallel_loop3A_1067], %parallel_loop3A_1063 {strides = array<i32>} : memref<1x8x512xi32, #tpu.memory_space<vmem>>, vector<16xi32>,
    } {sc.loop_unroll_factor = 8 : i64, sc.parallel_access}
    %dma_start3A_980 = arith.constant 1 : i32
    %dma_start3A_981 = arith.constant 8 : i32
    %dma_start3A_982 = tpu.memref_slice %arg6[%dma_start3A_980, %dma_start3A_981] : memref<2x16xi32, #tpu.memory_space<vmem>> -> memref<1x1xi32, #tpu.memory_space<vmem>>
    %dma_start3A_983 = tpu.memref_squeeze %dma_start3A_982 : memref<1x1xi32, #tpu.memory_space<vmem>> -> memref<1xi32, #tpu.memory_space<vmem>>
    %dma_start3A_984 = arith.constant 0 : i32
    %dma_start3A_985 = arith.constant 0 : i32
    %dma_start3A_986 = tpu.memref_slice %arg4[%dma_start3A_984, %dma_start3A_985, %mul3A_2] : memref<25x8x16384xi32, #tpu.memory_space<hbm>> -> memref<25x8x512xi32, #tpu.memory_space<hbm>>
    tpu.enqueue_indirect_dma source(%arg8 : memref<1x8x512xi32, #tpu.memory_space<vmem>>) target(%dma_start3A_986 : memref<25x8x512xi32, #tpu.memory_space<hbm>>) offsets(%dma_start3A_983 : memref<1xi32, #tpu.memory_space<vmem>>) semaphore(%arg13 : memref<!tpu.dma_semaphore, #tpu.memory_space<semaphore_mem>>)
    %dma_wait3A_987 = arith.constant 1 : i32
    %dma_wait3A_988 = arith.constant 5 : i32
    %dma_wait3A_989 = tpu.memref_slice %arg6[%dma_wait3A_987, %dma_wait3A_988] : memref<2x16xi32, #tpu.memory_space<vmem>> -> memref<1x1xi32, #tpu.memory_space<vmem>>
    %dma_wait3A_990 = tpu.memref_squeeze %dma_wait3A_989 : memref<1x1xi32, #tpu.memory_space<vmem>> -> memref<1xi32, #tpu.memory_space<vmem>>
    %dma_wait3A_991 = arith.constant 0 : i32
    %dma_wait3A_992 = arith.constant 0 : i32
    %dma_wait3A_993 = tpu.memref_slice %arg4[%dma_wait3A_991, %dma_wait3A_992, %mul3A_2] : memref<25x8x16384xi32, #tpu.memory_space<hbm>> -> memref<25x8x512xi32, #tpu.memory_space<hbm>>
    tpu.wait_indirect_dma semaphore(%arg14 : memref<!tpu.dma_semaphore, #tpu.memory_space<semaphore_mem>>) src(%arg9 : memref<1x8x512xi32, #tpu.memory_space<vmem>>) dst(%dma_wait3A_993 : memref<25x8x512xi32, #tpu.memory_space<hbm>>)
    %dma_wait3A_994 = arith.constant 1 : i32
    %dma_wait3A_995 = arith.constant 6 : i32
    %dma_wait3A_996 = tpu.memref_slice %arg6[%dma_wait3A_994, %dma_wait3A_995] : memref<2x16xi32, #tpu.memory_space<vmem>> -> memref<1x1xi32, #tpu.memory_space<vmem>>
    %dma_wait3A_997 = tpu.memref_squeeze %dma_wait3A_996 : memref<1x1xi32, #tpu.memory_space<vmem>> -> memref<1xi32, #tpu.memory_space<vmem>>
    %dma_wait3A_998 = arith.constant 0 : i32
    %dma_wait3A_999 = arith.constant 0 : i32
    %dma_wait3A_1000 = tpu.memref_slice %arg4[%dma_wait3A_998, %dma_wait3A_999, %mul3A_2] : memref<25x8x16384xi32, #tpu.memory_space<hbm>> -> memref<25x8x512xi32, #tpu.memory_space<hbm>>
    tpu.wait_indirect_dma semaphore(%arg15 : memref<!tpu.dma_semaphore, #tpu.memory_space<semaphore_mem>>) src(%arg10 : memref<1x8x512xi32, #tpu.memory_space<vmem>>) dst(%dma_wait3A_1000 : memref<25x8x512xi32, #tpu.memory_space<hbm>>)
    %dma_wait3A_1001 = arith.constant 1 : i32
    %dma_wait3A_1002 = arith.constant 7 : i32
    %dma_wait3A_1003 = tpu.memref_slice %arg6[%dma_wait3A_1001, %dma_wait3A_1002] : memref<2x16xi32, #tpu.memory_space<vmem>> -> memref<1x1xi32, #tpu.memory_space<vmem>>
    %dma_wait3A_1004 = tpu.memref_squeeze %dma_wait3A_1003 : memref<1x1xi32, #tpu.memory_space<vmem>> -> memref<1xi32, #tpu.memory_space<vmem>>
    %dma_wait3A_1005 = arith.constant 0 : i32
    %dma_wait3A_1006 = arith.constant 0 : i32
    %dma_wait3A_1007 = tpu.memref_slice %arg4[%dma_wait3A_1005, %dma_wait3A_1006, %mul3A_2] : memref<25x8x16384xi32, #tpu.memory_space<hbm>> -> memref<25x8x512xi32, #tpu.memory_space<hbm>>
    tpu.wait_indirect_dma semaphore(%arg16 : memref<!tpu.dma_semaphore, #tpu.memory_space<semaphore_mem>>) src(%arg11 : memref<1x8x512xi32, #tpu.memory_space<vmem>>) dst(%dma_wait3A_1007 : memref<25x8x512xi32, #tpu.memory_space<hbm>>)
    %dma_wait3A_1008 = arith.constant 1 : i32
    %dma_wait3A_1009 = arith.constant 8 : i32
    %dma_wait3A_1010 = tpu.memref_slice %arg6[%dma_wait3A_1008, %dma_wait3A_1009] : memref<2x16xi32, #tpu.memory_space<vmem>> -> memref<1x1xi32, #tpu.memory_space<vmem>>
    %dma_wait3A_1011 = tpu.memref_squeeze %dma_wait3A_1010 : memref<1x1xi32, #tpu.memory_space<vmem>> -> memref<1xi32, #tpu.memory_space<vmem>>
    %dma_wait3A_1012 = arith.constant 0 : i32
    %dma_wait3A_1013 = arith.constant 0 : i32
    %dma_wait3A_1014 = tpu.memref_slice %arg4[%dma_wait3A_1012, %dma_wait3A_1013, %mul3A_2] : memref<25x8x16384xi32, #tpu.memory_space<hbm>> -> memref<25x8x512xi32, #tpu.memory_space<hbm>>
    tpu.wait_indirect_dma semaphore(%arg13 : memref<!tpu.dma_semaphore, #tpu.memory_space<semaphore_mem>>) src(%arg8 : memref<1x8x512xi32, #tpu.memory_space<vmem>>) dst(%dma_wait3A_1014 : memref<25x8x512xi32, #tpu.memory_space<hbm>>)
    return
  }
}

</mosaic_0001>

<sc_bundles>
// kernel: kernel.3.cloned.1.call-start
scs
__scs_entry_jumppad:
0x0: {  	(pc) =	sbr.rel $0x88, $3  }
0x1: {  	(tag) =	ssettag $0x0;
	lr =	simm.s32 $0x1  }
0x2: {  	[smem:$0x3F9F] =	sst lr;
	_ =	strace $0xD0000000  }
0x3: {  	_ = 	snop  }
0x4: {  	_ = 	snop  }
0x5: {  	_ = 	snop  }
0x6: {  	_ = 	snop  }
0x7: {  	_ = 	snop  }
__scs_overlays_trampoline_lowered:
0x8: {  	[smem:$0x3FAE] =	sst s0  }
0x9: {  	[smem:$0x3FAF] =	sst s1  }
0xa: {  	[smem:$0x3FB0] =	sst s2  }
0xb: {  	[smem:$0x3FB1] =	sst s3  }
0xc: {  	[smem:$0x3FB2] =	sst s4  }
0xd: {  	[smem:$0x3FB3] =	sst s5  }
0xe: {  	[smem:$0x3FB4] =	sst s6  }
0xf: {  	[smem:$0x3FB5] =	sst s7  }
0x10: {  	[smem:$0x3FB6] =	sst s8  }
0x11: {  	[smem:$0x3FB7] =	sst s9;
	s0 =	simm.s32 @!p0 $0x0  }
0x12: {  	s1 =	sld [smem:$0x3F9D];
	s0 =	simm.s32 @p0 $0x1  }
0x13: {  	[smem:$0x3FB8] =	sst s0;
	s0 =	simm.s32 @!p1 $0x0  }
0x14: {  	s2 =	sld [smem:$0x3F9C];
	s0 =	simm.s32 @p1 $0x1  }
0x15: {  	[smem:$0x3FB9] =	sst s0;
	s0 =	simm.s32 @!p2 $0x0  }
0x16: {  	s3 =	sld [smem:$0x3FDB];
	s0 =	simm.s32 @p2 $0x1  }
0x17: {  	s4 =	simm.s32 $0x1BF5;
	[smem:$0x3FBB] =	sst s0  }
0x18: {  	s0 =	sld [smem:$0x3F9E];
	_ =	swait.ge [sflag:s4], $0x0  }
0x19: {  	s7 =	sld [smem:$0x3F9F]  }
0x1a: {  	s8 =	sadd.s32 $0xFFFFE003, lr  }
0x1b: {  	s9 =	sadd.s32 $0xFFFFFEF7, lr;
	s5 =	simm.s32 $0xFFFFFFFF;
	p2 =	slt.u32 s8, $0xFFFFF086  }
0x1c: {  	p1 =	slt.u32 s9, $0xF7A;
	s5 =	simm.s32 @!p2 $0x0  }
0x1d: {  	s5 =	simm.s32 @p1 $0x1;
	p0 =	seq.s32 s7, s2  }
0x1e: {  	s7 =	smul.u32 @!p0 $0xF7A, s2;
	p2 =	seq.s32 @!p0 s5, $0x0  }
0x1f: {  	s9 =	smul.u32 $0xF7A, s1;
	s8 =	simm.s32 @!p0 $0x1BF5;
	p2 =	por !p2, p0  }
0x20: {  	[sflag:s8] =	ssyncset.s32 @!p0 $0xFFFFF086;
	s6 =	sadd.s32 @!p0 s3, s7;
	s7 =	simm.s32 @!p0 $0x108  }
0x21: {  	s3 =	sadd.s32 s3, s9;
	s6 =	sadd.s32 @!p0 $0x88, s6;
	s7 =	simm.s32 @p2 $0x1082  }
0x22: {  	[simem:s7], [sflag:s8] =	dma.local @!p0 [hbm:s6], $0xF7A  }
0x23: {  	s9 =	sor.u32 $0xD0000000, s2;
	s6 =	simm.s32 $0x108;
	_ =	swait.ge @!p0 [sflag:s8], $0x0  }
0x24: {  	s3 =	sadd.s32 $0x88, s3;
	s6 =	simm.s32 @!p1 $0x1082;
	[sflag:s4] =	ssyncset.s32 $0xFFFFF086  }
0x25: {  	[simem:s6], [sflag:s4] =	dma.local [hbm:s3], $0xF7A  }
0x26: {  	[smem:$0x3F9F] =	sst s1;
	(tag) =	ssettag s2;
	_ =	strace s9  }
0x27: {  	s1 =	sld [smem:$0x3FAF]  }
0x28: {  	s2 =	sld [smem:$0x3FB0]  }
0x29: {  	s4 =	sld [smem:$0x3FB2]  }
0x2a: {  	p0 =	seq.s32 s5, $0x0;
	s5 =	sld [smem:$0x3FB3]  }
0x2b: {  	s6 =	sld [smem:$0x3FB4]  }
0x2c: {  	s7 =	sld [smem:$0x3FB5]  }
0x2d: {  	s3 =	simm.s32 $0x108;
	s8 =	sld [smem:$0x3FB6]  }
0x2e: {  	s3 =	simm.s32 @!p0 $0x1082;
	s9 =	sld [smem:$0x3FB7]  }
0x2f: {  	lr =	sadd.s32 s0, s3;
	s0 =	sld [smem:$0x3FAE]  }
0x30: {  	s3 =	sld [smem:$0x3FB1]  }
0x31: {  	[smem:$0x3FBA] =	sst s10  }
0x32: {  	s10 =	sld [smem:$0x3FB8];
	_ =	sdelay $0x3  }
0x33: {  	p0 =	seq.s32 s10, $0x1;
	s10 =	sld [smem:$0x3FBA];
	_ =	sdelay $0x3  }
0x34: {  	[smem:$0x3FBA] =	sst s10  }
0x35: {  	s10 =	sld [smem:$0x3FB9];
	_ =	sdelay $0x3  }
0x36: {  	p1 =	seq.s32 s10, $0x1;
	s10 =	sld [smem:$0x3FBA];
	_ =	sdelay $0x3  }
0x37: {  	[smem:$0x3FBA] =	sst s10  }
0x38: {  	s10 =	sld [smem:$0x3FBB]  }
0x39: {  	_ = 	snop;
	(pc) =	sbr.ind lr, $3  }
0x3a: {  	_ = 	snop  }
0x3b: {  	_ = 	snop  }
0x3c: {  	p2 =	seq.s32 s10, $0x1;
	s10 =	sld [smem:$0x3FBA]  }
0x3d: {  	_ =	shalt  }
0x3e: {  	_ =	shalt  }
0x3f: {  	_ =	shalt  }
0x40: {  	_ =	shalt  }
0x41: {  	_ =	shalt  }
0x42: {  	_ =	shalt  }
0x43: {  	_ =	shalt  }
0x44: {  	_ =	shalt  }
0x45: {  	_ =	shalt  }
0x46: {  	_ =	shalt  }
0x47: {  	_ =	shalt  }
0x48: {  	_ =	shalt  }
0x49: {  	_ =	shalt  }
0x4a: {  	_ =	shalt  }
0x4b: {  	_ =	shalt  }
0x4c: {  	_ =	shalt  }
0x4d: {  	_ =	shalt  }
0x4e: {  	_ =	shalt  }
0x4f: {  	_ =	shalt  }
0x50: {  	_ =	shalt  }
0x51: {  	_ =	shalt  }
0x52: {  	_ =	shalt  }
0x53: {  	_ =	shalt  }
0x54: {  	_ =	shalt  }
0x55: {  	_ =	shalt  }
0x56: {  	_ =	shalt  }
0x57: {  	_ =	shalt  }
0x58: {  	_ =	shalt  }
0x59: {  	_ =	shalt  }
0x5a: {  	_ =	shalt  }
0x5b: {  	_ =	shalt  }
0x5c: {  	_ =	shalt  }
0x5d: {  	_ =	shalt  }
0x5e: {  	_ =	shalt  }
0x5f: {  	_ =	shalt  }
0x60: {  	_ =	shalt  }
0x61: {  	_ =	shalt  }
0x62: {  	_ =	shalt  }
0x63: {  	_ =	shalt  }
0x64: {  	_ =	shalt  }
0x65: {  	_ =	shalt  }
0x66: {  	_ =	shalt  }
0x67: {  	_ =	shalt  }
0x68: {  	_ =	shalt  }
0x69: {  	_ =	shalt  }
0x6a: {  	_ =	shalt  }
0x6b: {  	_ =	shalt  }
0x6c: {  	_ =	shalt  }
0x6d: {  	_ =	shalt  }
0x6e: {  	_ =	shalt  }
0x6f: {  	_ =	shalt  }
0x70: {  	_ =	shalt  }
0x71: {  	_ =	shalt  }
0x72: {  	_ =	shalt  }
0x73: {  	_ =	shalt  }
0x74: {  	_ =	shalt  }
0x75: {  	_ =	shalt  }
0x76: {  	_ =	shalt  }
0x77: {  	_ =	shalt  }
0x78: {  	_ =	shalt  }
0x79: {  	_ =	shalt  }
0x7a: {  	_ =	shalt  }
0x7b: {  	_ =	shalt  }
0x7c: {  	_ =	shalt  }
0x7d: {  	_ =	shalt  }
0x7e: {  	_ =	shalt  }
0x7f: {  	_ =	shalt  }
0x80: {  	_ =	shalt  }
0x81: {  	_ =	shalt  }
0x82: {  	_ =	shalt  }
0x83: {  	_ =	shalt  }
0x84: {  	_ =	shalt  }
0x85: {  	_ =	shalt  }
0x86: {  	_ =	shalt  }
0x87: {  	_ =	shalt  }
.Lfunc_end0:
.L_simem_size_0:
called_computation_lowered:
.L_overlay_start_0:
0x88: {  	s2 =	sld [smem:$0x3FD9]  }
0x89: {  	s3 =	sld [smem:$0x3FFE];
	_ =	sdelay $0x1  }
0x8a: {  	s1 =	srdreg.scid  }
0x8b: {  	s0 =	sand.u32 $0x1, s1  }
0x8c: {  	s17 =	sshll.u32 s0, $0xA;
	s2 =	sadd.s32 s3, s2  }
0x8d: {  	s2 =	sadd.s32 s2, s17  }
0x8e: {  	[smem:$0x3FC6] =	sst s2  }
0x8f: {  	_ = 	snop  }
0x90: {  	s2 =	sld [smem:$0x3FC9]  }
0x91: {  	s18 =	sld [smem:$0x3FD0];
	(tm) =	ssettm $0x1  }
0x92: {  	s4 =	sld [smem:$0x3FFB];
	_ =	sdelay $0x3  }
0x93: {  	_ =	strace s4  }
0x94: {  	s4 =	sld [smem:$0x3FFC];
	_ =	sdelay $0x3  }
0x95: {  	_ =	strace s4  }
0x96: {  	s4 =	sld [smem:$0x3FFD];
	_ =	sdelay $0x3  }
0x97: {  	_ =	strace s4  }
0x98: {  	_ =	strace $0x8FFFFFFF  }
0x99: {  	s19 =	sld [smem:$0x3FDB];
	_ =	sdelay $0x1  }
0x9a: {  	s5 =	simm.s32 $_scs_section_size  }
0x9b: {  	s6 =	simm.s32 $_size__tile_overlayer_lowered;
	s7 =	simm.s32 $_tile_overlayer_lowered  }
0x9c: {  	s22 =	simm.s32 $0x1BFF;
	s21 =	sshll.u32 s7, $0x1;
	s4 =	sadd.s32 s5, s19  }
0x9d: {  	s8 =	simm.s32 $0x0;
	s20 =	sshll.u32 s6, $0x1;
	s6 =	sadd.s32 s21, s4  }
0x9e: {  	[timem:s8], [sflag:s22] =	dma.local [hbm:s6], s20  }
0x9f: {  	_ =	swait.ge [sflag:s22], s20  }
0xa0: {  	s5 =	ssub.s32 $0x0, s20;
	[sflag:s22] =	ssyncset.done $0x0  }
0xa1: {  	[sflag:s22] =	ssyncadd.s32 s5;
	_ =	sdelay $0x1  }
0xa2: {  	s23 =	simm.s32 $0x1B8B  }
0xa3: {  	_ =	swait.ge [sflag:s23], $0x1  }
0xa4: {  	[sflag:s23] =	ssyncset.done $0x0  }
0xa5: {  	s25 =	simm.s32 $0x1B8E;
	s24 =	sld [smem:$0x3FFE];
	[sflag:s23] =	ssyncadd.s32 $0xFFFFFFFF  }
0xa6: {  	s26 =	simm.s32 $execute0_lowered;
	[smem:$0x3FD2] =	sst s25  }
0xa7: {  	s6 =	sshll.u32 s26, $0x1;
	_ =	strace $0x80000046;
	[dreg:$0x1] =	wrdreg $0xFFFFFFFF  }
0xa8: {  	s28 =	simm.s32 $_size_execute0_lowered;
	s4 =	sadd.s32 s4, s6;
	[dreg:$0x0] =	wrdreg $0x0  }
0xa9: {  	s6 =	sshll.u32 s28, $0x1;
	[dreg:$0x2] =	wrdreg s4  }
0xaa: {  	[dreg:$0x3] =	wrdreg s6  }
0xab: {  	[dreg:$0x4] =	wrdreg $0xC0  }
0xac: {  	_ =	task [dreg:s8], $0x5FFFF  }
0xad: {  	[dreg:$0x1] =	wrdreg $0xFFFFFFFF  }
0xae: {  	[dreg:$0x0] =	wrdreg $0x60  }
0xaf: {  	[dreg:$0x2] =	wrdreg s2  }
0xb0: {  	[dreg:$0x3] =	wrdreg s24  }
0xb1: {  	[dreg:$0x4] =	wrdreg s18  }
0xb2: {  	[dreg:$0x5] =	wrdreg $0x9  }
0xb3: {  	_ =	task.clear_ibuf [dreg:s8], $0x6FFFF;
	_ =	strace $0x90000046  }
0xb4: {  	s29 =	simm.s32 $0x9;
	_ =	strace $0x80000048  }
0xb5: {  	_ =	swait.ge [sflag:s29], $0x1  }
0xb6: {  	[sflag:s29] =	ssyncadd.s32 $0xFFFFFFFF  }
0xb7: {  	_ =	strace $0x90000048  }
0xb8: {  	_ =	sfence  }
0xb9: {  	s30 =	sld [smem:$0x0];
	_ =	sdelay $0x2  }
0xba: {  	s31 =	sshll.u32 s1, $0xD;
	s1 =	sshrl.u32 s1, $0x2  }
0xbb: {  	s3 =	sand.u32 $0x4000, s31;
	s1 =	sadd.s32 s1, s30  }
0xbc: {  	s0 =	sor.u32 s3, s0;
	s1 =	sshll.u32 s1, $0x11  }
0xbd: {  	s0 =	sor.u32 s1, s0  }
0xbe: {  	s0 =	sadd.s32 $0x8F2B, s0  }
0xbf: {  	[sflag:s0] =	ssyncadd.remote.s32 $0x1  }
0xc0: {  	_ =	sfence.sel $0xFFFF  }
0xc1: {  	[dreg:$0x0] =	wrdreg $0xFFFFFFFF;
	(pc) =	sbr.abs _section_cstart, $3  }
0xc2: {  	[dreg:$0x1] =	wrdreg $0xFFFFFFFF  }
0xc3: {  	_ =	task.clear_ibuf [dreg:s8], $0x2FFFF;
	_ =	strace $0x9FFFFFFF  }
0xc4: {  	(tm) =	ssettm $0x7FFFFFFF  }
0xc5: {  	_ =	shalt  }
tec
execute0_lowered:
.L_overlay_start_1:
0x0: {  	(tag) =	ssettag $0x1  }
0x1: {  	s0 =	rddreg [dreg:$0x0]  }
0x2: {  	s1 =	rddreg [dreg:$0x1]  }
0x3: {  	s5 =	rddreg [dreg:$0x2]  }
0x4: {  	s2 =	simm.s32 $0x0;
	s3 =	srdreg.scid;
	s7 =	stileid.u32  }
0x5: {  	s29 =	simm.s32 $0x14180;
	s30 =	simm.s32 $0x15180;
	s31 =	simm.s32 $0x16180  }
0x6: {  	s10 =	simm.s32 $0x1A180;
	s11 =	simm.s32 $0x1B180;
	s12 =	simm.s32 $0x1C180  }
0x7: {  	s13 =	simm.s32 $0x2;
	s4 =	sand.u32 $0x1, s3;
	s7 =	sshll.u32 s7, $0x1  }
0x8: {  	v0 =	vlaneseq.u32;
	s14 =	simm.s32 $0x3;
	s15 =	simm.s32 $0x4;
	s8 =	sor.u32 s4, s7  }
0x9: {  	s16 =	simm.s32 $0x5;
	s17 =	simm.s32 $0x0;
	v2 =	vadd.s32 $0xFFFFFFE7, v0;
	s9 =	sadd.s32 $0x10, s8;
	v1 =	vadd.s32 s8, v0  }
0xa: {  	[smem:$0x7FF] =	sst s2;
	s3 =	sadd.s32 $0x400, s1;
	s6 =	ssub.s32 $0x2, s4;
	v3 =	vadd.s32 s8, v2;
	vm0 =	vgt.u32 v1, $0x18;
	v4 =	vadd.s32 s9, v0  }
0xb: {  	_ =	strace $0x80000047;
	s7 =	simm.s32 $0x6;
	s26 =	sshrl.u32 s6, $0x1;
	v2 =	vadd.s32 s9, v2;
	v1 =	vsel vm0, v3, v1;
	vm0 =	vgt.u32 v4, $0x18  }
0xc: {  	s28 =	sshll.u32 s8, $0x9;
	s8 =	simm.s32 $0x1;
	s1 =	ssub.s32 s6, s26;
	vm1 =	vgt.s32 v1, $0x18;
	v2 =	vsel vm0, v2, v4  }
0xd: {  	s4 =	sadd.s32 s0, s28;
	s5 =	sadd.s32 s5, s28;
	s0 =	simm.s32 $0x17180;
	v3 =	vadd.s32 $0xFFFFFFE7, v1;
	vm0 =	vgt.s32 v2, $0x18;
	v4 =	vadd.s32 $0xFFFFFFE7, v2  }
0xe: {  	s9 =	simm.s32 $0x19180;
	s6 =	smax.u32 s1, $0x1;
	s1 =	simm.s32 $0x18180;
	v1 =	vsel vm1, v3, v1;
	v2 =	vsel vm0, v4, v2;
	vm0 =	vmmov $0x1  }
.LBB2_1:
0xf: {  	[tilespmem:s2], [sflag:$0x6] =	stream.linear.gather [hbm4b:s3+s2], $0x80, $0x38;
	[tilespmem:$0x1D180] =	vst v63  }
0x10: {  	_ =	swait.ge [sflag:s7], $0x80  }
0x11: {  	[sflag:s7] =	ssyncset.done $0x0  }
0x12: {  	[sflag:s7] =	ssyncadd.s32 $0xFFFFFF80  }
0x13: {  	[tilespmem:$0x80] =	vst v1  }
0x14: {  	v3 =	vld.msk [tilespmem:$0x80], $0x1;
	_ =	sdelay $0x4  }
0x15: {  	v3 =	vshll.u32 v3, $0x11  }
0x16: {  	v3 =	vperm.xlane v3, v0;
	_ =	sdelay $0x4  }
0x17: {  	s18 =	simm.s32 $0x180;
	[tilespmem:$0x100] =	vst v2  }
0x18: {  	[tilespmem:s18], [sflag:$0x1] =	stream.indirect_vreg.gather [hbm4b:s4+s2], $0x1000, v3, vm0, $0x38;
	[tilespmem:$0x1D180] =	vst v63  }
0x19: {  	v3 =	vld.msk [tilespmem:$0x81], $0x1;
	_ =	sdelay $0x4  }
0x1a: {  	v3 =	vshll.u32 v3, $0x11  }
0x1b: {  	v3 =	vperm.xlane v3, v0;
	_ =	sdelay $0x4  }
0x1c: {  	s26 =	simm.s32 $0x1180  }
0x1d: {  	[tilespmem:s26], [sflag:$0x1] =	stream.indirect_vreg.gather [hbm4b:s4+s2], $0x1000, v3, vm0, $0x38;
	[tilespmem:$0x1D180] =	vst v63  }
0x1e: {  	v3 =	vld.msk [tilespmem:$0x82], $0x1;
	_ =	sdelay $0x4  }
0x1f: {  	v3 =	vshll.u32 v3, $0x11  }
0x20: {  	v3 =	vperm.xlane v3, v0;
	_ =	sdelay $0x4  }
0x21: {  	s28 =	simm.s32 $0x2180  }
0x22: {  	[tilespmem:s28], [sflag:$0x1] =	stream.indirect_vreg.gather [hbm4b:s4+s2], $0x1000, v3, vm0, $0x38;
	[tilespmem:$0x1D180] =	vst v63  }
0x23: {  	v3 =	vld.msk [tilespmem:$0x83], $0x1;
	_ =	sdelay $0x4  }
0x24: {  	v3 =	vshll.u32 v3, $0x11  }
0x25: {  	v3 =	vperm.xlane v3, v0;
	_ =	sdelay $0x4  }
0x26: {  	s19 =	simm.s32 $0x3180  }
0x27: {  	[tilespmem:s19], [sflag:$0x1] =	stream.indirect_vreg.gather [hbm4b:s4+s2], $0x1000, v3, vm0, $0x38;
	[tilespmem:$0x1D180] =	vst v63  }
0x28: {  	v3 =	vld.msk [tilespmem:$0x84], $0x1;
	_ =	sdelay $0x4  }
0x29: {  	v3 =	vshll.u32 v3, $0x11  }
0x2a: {  	v3 =	vperm.xlane v3, v0;
	_ =	sdelay $0x4  }
0x2b: {  	s20 =	simm.s32 $0x4180  }
0x2c: {  	[tilespmem:s20], [sflag:$0x1] =	stream.indirect_vreg.gather [hbm4b:s4+s2], $0x1000, v3, vm0, $0x38;
	[tilespmem:$0x1D180] =	vst v63  }
0x2d: {  	v3 =	vld.msk [tilespmem:$0x85], $0x1;
	_ =	sdelay $0x4  }
0x2e: {  	v3 =	vshll.u32 v3, $0x11  }
0x2f: {  	v3 =	vperm.xlane v3, v0;
	_ =	sdelay $0x4  }
0x30: {  	s21 =	simm.s32 $0x5180  }
0x31: {  	[tilespmem:s21], [sflag:$0x1] =	stream.indirect_vreg.gather [hbm4b:s4+s2], $0x1000, v3, vm0, $0x38;
	[tilespmem:$0x1D180] =	vst v63  }
0x32: {  	v3 =	vld.msk [tilespmem:$0x86], $0x1;
	_ =	sdelay $0x4  }
0x33: {  	v3 =	vshll.u32 v3, $0x11  }
0x34: {  	v3 =	vperm.xlane v3, v0;
	_ =	sdelay $0x4  }
0x35: {  	s22 =	simm.s32 $0x6180  }
0x36: {  	[tilespmem:s22], [sflag:$0x1] =	stream.indirect_vreg.gather [hbm4b:s4+s2], $0x1000, v3, vm0, $0x38;
	[tilespmem:$0x1D180] =	vst v63  }
0x37: {  	v3 =	vld.msk [tilespmem:$0x87], $0x1;
	_ =	sdelay $0x4  }
0x38: {  	v3 =	vshll.u32 v3, $0x11  }
0x39: {  	v3 =	vperm.xlane v3, v0;
	_ =	sdelay $0x4  }
0x3a: {  	s23 =	simm.s32 $0x7180  }
0x3b: {  	[tilespmem:s23], [sflag:$0x1] =	stream.indirect_vreg.gather [hbm4b:s4+s2], $0x1000, v3, vm0, $0x38;
	[tilespmem:$0x1D180] =	vst v63  }
0x3c: {  	v3 =	vld.msk [tilespmem:$0x88], $0x1;
	_ =	sdelay $0x4  }
0x3d: {  	v3 =	vshll.u32 v3, $0x11  }
0x3e: {  	v3 =	vperm.xlane v3, v0;
	_ =	sdelay $0x4  }
0x3f: {  	s24 =	simm.s32 $0x8180  }
0x40: {  	[tilespmem:s24], [sflag:$0x1] =	stream.indirect_vreg.gather [hbm4b:s4+s2], $0x1000, v3, vm0, $0x38;
	[tilespmem:$0x1D180] =	vst v63  }
0x41: {  	v3 =	vld.msk [tilespmem:$0x89], $0x1;
	_ =	sdelay $0x4  }
0x42: {  	v3 =	vshll.u32 v3, $0x11  }
0x43: {  	v3 =	vperm.xlane v3, v0;
	_ =	sdelay $0x4  }
0x44: {  	s25 =	simm.s32 $0x9180  }
0x45: {  	[tilespmem:s25], [sflag:$0x1] =	stream.indirect_vreg.gather [hbm4b:s4+s2], $0x1000, v3, vm0, $0x38;
	[tilespmem:$0x1D180] =	vst v63  }
0x46: {  	v3 =	vld.msk [tilespmem:$0x8A], $0x1;
	_ =	sdelay $0x4  }
0x47: {  	v3 =	vshll.u32 v3, $0x11  }
0x48: {  	v3 =	vperm.xlane v3, v0;
	_ =	sdelay $0x4  }
0x49: {  	s26 =	simm.s32 $0xA180  }
0x4a: {  	[tilespmem:s26], [sflag:$0x1] =	stream.indirect_vreg.gather [hbm4b:s4+s2], $0x1000, v3, vm0, $0x38;
	[tilespmem:$0x1D180] =	vst v63  }
0x4b: {  	v3 =	vld.msk [tilespmem:$0x8B], $0x1;
	_ =	sdelay $0x4  }
0x4c: {  	v3 =	vshll.u32 v3, $0x11  }
0x4d: {  	v3 =	vperm.xlane v3, v0;
	_ =	sdelay $0x4  }
0x4e: {  	s28 =	simm.s32 $0xB180  }
0x4f: {  	[tilespmem:s28], [sflag:$0x1] =	stream.indirect_vreg.gather [hbm4b:s4+s2], $0x1000, v3, vm0, $0x38;
	[tilespmem:$0x1D180] =	vst v63  }
0x50: {  	v3 =	vld.msk [tilespmem:$0x8C], $0x1;
	_ =	sdelay $0x4  }
0x51: {  	v3 =	vshll.u32 v3, $0x11  }
0x52: {  	v3 =	vperm.xlane v3, v0;
	_ =	sdelay $0x4  }
0x53: {  	s19 =	simm.s32 $0xC180  }
0x54: {  	[tilespmem:s19], [sflag:$0x1] =	stream.indirect_vreg.gather [hbm4b:s4+s2], $0x1000, v3, vm0, $0x38;
	[tilespmem:$0x1D180] =	vst v63  }
0x55: {  	v3 =	vld.msk [tilespmem:$0x8D], $0x1;
	_ =	sdelay $0x4  }
0x56: {  	v3 =	vshll.u32 v3, $0x11  }
0x57: {  	v3 =	vperm.xlane v3, v0;
	_ =	sdelay $0x4  }
0x58: {  	s20 =	simm.s32 $0xD180  }
0x59: {  	[tilespmem:s20], [sflag:$0x1] =	stream.indirect_vreg.gather [hbm4b:s4+s2], $0x1000, v3, vm0, $0x38;
	[tilespmem:$0x1D180] =	vst v63  }
0x5a: {  	v3 =	vld.msk [tilespmem:$0x8E], $0x1;
	_ =	sdelay $0x4  }
0x5b: {  	v3 =	vshll.u32 v3, $0x11  }
0x5c: {  	v3 =	vperm.xlane v3, v0;
	_ =	sdelay $0x4  }
0x5d: {  	s21 =	simm.s32 $0xE180  }
0x5e: {  	[tilespmem:s21], [sflag:$0x1] =	stream.indirect_vreg.gather [hbm4b:s4+s2], $0x1000, v3, vm0, $0x38;
	[tilespmem:$0x1D180] =	vst v63  }
0x5f: {  	v3 =	vld.msk [tilespmem:$0x8F], $0x1;
	_ =	sdelay $0x4  }
0x60: {  	v3 =	vshll.u32 v3, $0x11  }
0x61: {  	v3 =	vperm.xlane v3, v0;
	_ =	sdelay $0x4  }
0x62: {  	s22 =	simm.s32 $0xF180  }
0x63: {  	[tilespmem:s22], [sflag:$0x1] =	stream.indirect_vreg.gather [hbm4b:s4+s2], $0x1000, v3, vm0, $0x38;
	[tilespmem:$0x1D180] =	vst v63  }
0x64: {  	v3 =	vld.msk [tilespmem:$0x100], $0x1;
	_ =	sdelay $0x4  }
0x65: {  	v3 =	vshll.u32 v3, $0x11  }
0x66: {  	v3 =	vperm.xlane v3, v0;
	_ =	sdelay $0x4  }
0x67: {  	s23 =	simm.s32 $0x10180  }
0x68: {  	[tilespmem:s23], [sflag:$0x1] =	stream.indirect_vreg.gather [hbm4b:s4+s2], $0x1000, v3, vm0, $0x38;
	[tilespmem:$0x1D180] =	vst v63  }
0x69: {  	v3 =	vld.msk [tilespmem:$0x101], $0x1;
	_ =	sdelay $0x4  }
0x6a: {  	v3 =	vshll.u32 v3, $0x11  }
0x6b: {  	v3 =	vperm.xlane v3, v0;
	_ =	sdelay $0x4  }
0x6c: {  	s24 =	simm.s32 $0x11180  }
0x6d: {  	[tilespmem:s24], [sflag:$0x1] =	stream.indirect_vreg.gather [hbm4b:s4+s2], $0x1000, v3, vm0, $0x38;
	[tilespmem:$0x1D180] =	vst v63  }
0x6e: {  	v3 =	vld.msk [tilespmem:$0x102], $0x1;
	_ =	sdelay $0x4  }
0x6f: {  	v3 =	vshll.u32 v3, $0x11  }
0x70: {  	v3 =	vperm.xlane v3, v0;
	_ =	sdelay $0x4  }
0x71: {  	s25 =	simm.s32 $0x12180  }
0x72: {  	[tilespmem:s25], [sflag:$0x1] =	stream.indirect_vreg.gather [hbm4b:s4+s2], $0x1000, v3, vm0, $0x38;
	[tilespmem:$0x1D180] =	vst v63  }
0x73: {  	v3 =	vld.msk [tilespmem:$0x103], $0x1;
	_ =	sdelay $0x4  }
0x74: {  	v3 =	vshll.u32 v3, $0x11  }
0x75: {  	v3 =	vperm.xlane v3, v0;
	_ =	sdelay $0x4  }
0x76: {  	s26 =	simm.s32 $0x13180  }
0x77: {  	[tilespmem:s26], [sflag:$0x1] =	stream.indirect_vreg.gather [hbm4b:s4+s2], $0x1000, v3, vm0, $0x38;
	[tilespmem:$0x1D180] =	vst v63  }
0x78: {  	v3 =	vld.msk [tilespmem:$0x104], $0x1;
	_ =	sdelay $0x4  }
0x79: {  	v3 =	vshll.u32 v3, $0x11  }
0x7a: {  	v3 =	vperm.xlane v3, v0;
	_ =	sdelay $0x5  }
0x7b: {  	[tilespmem:s29], [sflag:$0x1] =	stream.indirect_vreg.gather [hbm4b:s4+s2], $0x1000, v3, vm0, $0x38;
	[tilespmem:$0x1D180] =	vst v63  }
0x7c: {  	v3 =	vld.msk [tilespmem:$0x105], $0x1;
	_ =	sdelay $0x4  }
0x7d: {  	v3 =	vshll.u32 v3, $0x11  }
0x7e: {  	v3 =	vperm.xlane v3, v0;
	_ =	sdelay $0x5  }
0x7f: {  	[tilespmem:s30], [sflag:$0x1] =	stream.indirect_vreg.gather [hbm4b:s4+s2], $0x1000, v3, vm0, $0x38;
	[tilespmem:$0x1D180] =	vst v63  }
0x80: {  	v3 =	vld.msk [tilespmem:$0x106], $0x1;
	_ =	sdelay $0x4  }
0x81: {  	v3 =	vshll.u32 v3, $0x11  }
0x82: {  	v3 =	vperm.xlane v3, v0;
	_ =	sdelay $0x5  }
0x83: {  	[tilespmem:s31], [sflag:$0x1] =	stream.indirect_vreg.gather [hbm4b:s4+s2], $0x1000, v3, vm0, $0x38;
	[tilespmem:$0x1D180] =	vst v63  }
0x84: {  	v3 =	vld.msk [tilespmem:$0x107], $0x1;
	_ =	sdelay $0x4  }
0x85: {  	v3 =	vshll.u32 v3, $0x11  }
0x86: {  	v3 =	vperm.xlane v3, v0;
	_ =	sdelay $0x5  }
0x87: {  	[tilespmem:s0], [sflag:$0x1] =	stream.indirect_vreg.gather [hbm4b:s4+s2], $0x1000, v3, vm0, $0x38;
	[tilespmem:$0x1D180] =	vst v63  }
0x88: {  	v3 =	vld.msk [tilespmem:$0x108], $0x1;
	_ =	sdelay $0x4  }
0x89: {  	v3 =	vshll.u32 v3, $0x11  }
0x8a: {  	v3 =	vperm.xlane v3, v0;
	_ =	sdelay $0x4  }
0x8b: {  	s28 =	sand.u32 $0x3, s2  }
0x8c: {  	[tilespmem:s1], [sflag:$0x1] =	stream.indirect_vreg.gather [hbm4b:s4+s2], $0x1000, v3, vm0, $0x38;
	[tilespmem:$0x1D180] =	vst v63  }
0x8d: {  	s18 =	sshll.u32 s28, $0xA;
	_ =	swait.ge [sflag:s8], $0x1000  }
0x8e: {  	s18 =	sadd.s32 $0x0, s18;
	[sflag:s8] =	ssyncset.done $0x0  }
0x8f: {  	s20 =	sor.u32 $0x70, s18;
	[sflag:s8] =	ssyncadd.s32 $0xFFFFF000  }
0x90: {  	s19 =	sor.u32 $0x60, s18;
	s21 =	sand.u32 $0xC00, s2;
	s22 =	sand.u32 $0x380, s2;
	v4 =	vld [tilespmem:s20+$0x180]  }
0x91: {  	s18 =	sor.u32 s22, s21;
	v6 =	vld [tilespmem:s19+$0x180]  }
0x92: {  	v11 =	vld [tilespmem:s18+$0x180]  }
0x93: {  	v12 =	vld [tilespmem:s18+$0x190]  }
0x94: {  	v9 =	vld [tilespmem:s18+$0x1A0]  }
0x95: {  	v8 =	vld [tilespmem:s18+$0x1B0]  }
0x96: {  	v5 =	vld [tilespmem:s18+$0x1C0]  }
0x97: {  	v3 =	vld [tilespmem:s18+$0x1D0]  }
0x98: {  	v10 =	vld.idx.msk [tilespmem:v4+s2+$0x0], $0xffff  }
0x99: {  	v7 =	vld.idx.msk [tilespmem:v6+s2+$0x0], $0xffff  }
0x9a: {  	s21 =	simm.s32 $0x0;
	v6 =	vld.idx.msk [tilespmem:v11+s2+$0x0], $0xffff  }
0x9b: {  	s22 =	simm.s32 $0x1;
	s23 =	simm.s32 $0x0;
	s24 =	simm.s32 $0x0;
	v4 =	vld.idx.msk [tilespmem:v12+s2+$0x0], $0xffff  }
.LBB2_2:
0x9c: {  	s25 =	sand.u32 $0x3, s22;
	s21 =	sadd.s32 $0x8, s21;
	v9 =	vld.idx.msk [tilespmem:v9+s2+$0x0], $0xffff;
	s23 =	sadd.s32 $0x400, s23  }
0x9d: {  	s24 =	sadd.s32 $0x20, s24;
	s25 =	sshll.u32 s25, $0xA;
	p0 =	slt.u32 s21, $0xF8;
	v8 =	vld.idx.msk [tilespmem:v8+s2+$0x0], $0xffff  }
0x9e: {  	s26 =	sand.u32 $0xC00, s23;
	s28 =	sand.u32 $0x380, s24;
	s25 =	sadd.s32 s25, s24;
	v5 =	vld.idx.msk [tilespmem:v5+s2+$0x0], $0xffff;
	[tilespmem:s20+$0x19180] =	vst v10  }
0x9f: {  	s26 =	sor.u32 s28, s26;
	s20 =	sor.u32 $0x70, s25;
	v3 =	vld.idx.msk [tilespmem:v3+s2+$0x0], $0xffff;
	[tilespmem:s19+$0x19180] =	vst v7;
	s19 =	sor.u32 $0x60, s25  }
0xa0: {  	v7 =	vld [tilespmem:s20+$0x180];
	[tilespmem:s18+$0x19180] =	vst v6  }
0xa1: {  	v6 =	vld [tilespmem:s19+$0x180];
	[tilespmem:s18+$0x19190] =	vst v4  }
0xa2: {  	v4 =	vld [tilespmem:s26+$0x180];
	[tilespmem:s18+$0x191A0] =	vst v9  }
0xa3: {  	v11 =	vld [tilespmem:s26+$0x190];
	[tilespmem:s18+$0x191B0] =	vst v8  }
0xa4: {  	v9 =	vld [tilespmem:s26+$0x1A0];
	[tilespmem:s18+$0x191C0] =	vst v5  }
0xa5: {  	v8 =	vld [tilespmem:s26+$0x1B0];
	[tilespmem:s18+$0x191D0] =	vst v3;
	s18 =	smov.u32 s26  }
0xa6: {  	v5 =	vld [tilespmem:s18+$0x1C0]  }
.Ltmp0:
0xa7: {  	v3 =	vld [tilespmem:s18+$0x1D0];
	(pc) =	sbr.rel @p0 .LBB2_2-.Ltmp0, $4  }
0xa8: {  	v10 =	vld.idx.msk [tilespmem:v7+s2+$0x0], $0xffff  }
0xa9: {  	v7 =	vld.idx.msk [tilespmem:v6+s2+$0x0], $0xffff  }
0xaa: {  	v6 =	vld.idx.msk [tilespmem:v4+s2+$0x0], $0xffff  }
0xab: {  	s22 =	sadd.s32 $0x1, s22;
	v4 =	vld.idx.msk [tilespmem:v11+s2+$0x0], $0xffff  }
0xac: {  	_ =	sdelay $0x3  }
0xad: {  	v9 =	vld.idx.msk [tilespmem:v9+s2+$0x0], $0xffff  }
0xae: {  	v8 =	vld.idx.msk [tilespmem:v8+s2+$0x0], $0xffff;
	[tilespmem:s20+$0x19180] =	vst v10  }
0xaf: {  	v5 =	vld.idx.msk [tilespmem:v5+s2+$0x0], $0xffff;
	[tilespmem:s19+$0x19180] =	vst v7  }
0xb0: {  	v3 =	vld.idx.msk [tilespmem:v3+s2+$0x0], $0xffff;
	[tilespmem:s18+$0x19180] =	vst v6  }
0xb1: {  	[tilespmem:s18+$0x19190] =	vst v4  }
0xb2: {  	[tilespmem:s18+$0x191A0] =	vst v9  }
0xb3: {  	[tilespmem:s18+$0x191B0] =	vst v8  }
0xb4: {  	[tilespmem:s18+$0x191C0] =	vst v5  }
0xb5: {  	[tilespmem:s18+$0x191D0] =	vst v3  }
0xb6: {  	v3 =	vld.msk [tilespmem:$0x80], $0x1;
	_ =	sdelay $0x4  }
0xb7: {  	v3 =	vshll.u32 v3, $0x11  }
0xb8: {  	v3 =	vperm.xlane v3, v0;
	_ =	sdelay $0x4  }
0xb9: {  	s26 =	simm.s32 $0x0  }
0xba: {  	[hbm4b:s5+s26] =	stream.indirect_vreg.scatter [tilespmem:s9], [sflag:$0x2], $0x1000, v3, vm0, $0x38;
	[tilespmem:$0x1D180] =	vst v63  }
0xbb: {  	_ =	swait.ge [sflag:s8], $0x1000  }
0xbc: {  	s28 =	sand.u32 $0xC00, s26;
	s18 =	sand.u32 $0x380, s26;
	[sflag:s8] =	ssyncset.done $0x0  }
0xbd: {  	s18 =	sor.u32 s18, s28;
	[sflag:s8] =	ssyncadd.s32 $0xFFFFF000  }
0xbe: {  	v4 =	vld [tilespmem:s18+$0x11F0]  }
0xbf: {  	v5 =	vld [tilespmem:s18+$0x1180]  }
0xc0: {  	v7 =	vld [tilespmem:s18+$0x1190]  }
0xc1: {  	v8 =	vld [tilespmem:s18+$0x11A0]  }
0xc2: {  	v11 =	vld [tilespmem:s18+$0x11B0]  }
0xc3: {  	v12 =	vld [tilespmem:s18+$0x11C0]  }
0xc4: {  	v6 =	vld [tilespmem:s18+$0x11D0]  }
0xc5: {  	v3 =	vld [tilespmem:s18+$0x11E0]  }
0xc6: {  	v10 =	vld.idx.msk [tilespmem:v4+s2+$0x0], $0xffff  }
0xc7: {  	v9 =	vld.idx.msk [tilespmem:v5+s2+$0x0], $0xffff  }
0xc8: {  	v7 =	vld.idx.msk [tilespmem:v7+s2+$0x0], $0xffff  }
0xc9: {  	v4 =	vld.idx.msk [tilespmem:v8+s2+$0x0], $0xffff  }
0xca: {  	s21 =	simm.s32 $0x20;
	v5 =	vld.idx.msk [tilespmem:v11+s2+$0x0], $0xffff  }
0xcb: {  	s20 =	simm.s32 $0x400;
	s19 =	simm.s32 $0x0;
	s22 =	sadd.s32 $0x1A180, s18;
	v8 =	vld.idx.msk [tilespmem:v12+s2+$0x0], $0xffff  }
.LBB2_4:
0xcc: {  	s23 =	sand.u32 $0xC00, s20;
	s24 =	sand.u32 $0x380, s21;
	s19 =	sadd.s32 $0x8, s19;
	v6 =	vld.idx.msk [tilespmem:v6+s2+$0x0], $0xffff;
	[tilespmem:s22+$0x70] =	vst v10  }
0xcd: {  	p0 =	slt.u32 s19, $0xF8;
	[tilespmem:s18+$0x1A180] =	vst v9;
	s18 =	sor.u32 s24, s23;
	v3 =	vld.idx.msk [tilespmem:v3+s2+$0x0], $0xffff  }
0xce: {  	v9 =	vld [tilespmem:s18+$0x11F0];
	[tilespmem:s22+$0x10] =	vst v7  }
0xcf: {  	v7 =	vld [tilespmem:s18+$0x1180];
	[tilespmem:s22+$0x20] =	vst v4  }
0xd0: {  	v4 =	vld [tilespmem:s18+$0x1190];
	[tilespmem:s22+$0x30] =	vst v5  }
0xd1: {  	v5 =	vld [tilespmem:s18+$0x11A0];
	[tilespmem:s22+$0x40] =	vst v8  }
0xd2: {  	v8 =	vld [tilespmem:s18+$0x11B0];
	[tilespmem:s22+$0x50] =	vst v6  }
0xd3: {  	v11 =	vld [tilespmem:s18+$0x11C0];
	[tilespmem:s22+$0x60] =	vst v3  }
0xd4: {  	v6 =	vld [tilespmem:s18+$0x11D0]  }
0xd5: {  	v3 =	vld [tilespmem:s18+$0x11E0]  }
0xd6: {  	v10 =	vld.idx.msk [tilespmem:v9+s2+$0x0], $0xffff  }
.Ltmp1:
0xd7: {  	v9 =	vld.idx.msk [tilespmem:v7+s2+$0x0], $0xffff;
	(pc) =	sbr.rel @p0 .LBB2_4-.Ltmp1, $4  }
0xd8: {  	v7 =	vld.idx.msk [tilespmem:v4+s2+$0x0], $0xffff  }
0xd9: {  	v4 =	vld.idx.msk [tilespmem:v5+s2+$0x0], $0xffff  }
0xda: {  	v5 =	vld.idx.msk [tilespmem:v8+s2+$0x0], $0xffff  }
0xdb: {  	s20 =	sadd.s32 $0x400, s20;
	s21 =	sadd.s32 $0x20, s21;
	s22 =	sadd.s32 $0x1A180, s18;
	v8 =	vld.idx.msk [tilespmem:v11+s2+$0x0], $0xffff  }
0xdc: {  	_ =	sdelay $0x2  }
0xdd: {  	[tilespmem:s22+$0x70] =	vst v10  }
0xde: {  	v6 =	vld.idx.msk [tilespmem:v6+s2+$0x0], $0xffff;
	[tilespmem:s18+$0x1A180] =	vst v9  }
0xdf: {  	v3 =	vld.idx.msk [tilespmem:v3+s2+$0x0], $0xffff;
	[tilespmem:s22+$0x10] =	vst v7  }
0xe0: {  	[tilespmem:s22+$0x20] =	vst v4  }
0xe1: {  	[tilespmem:s22+$0x30] =	vst v5  }
0xe2: {  	[tilespmem:s22+$0x40] =	vst v8  }
0xe3: {  	[tilespmem:s22+$0x50] =	vst v6  }
0xe4: {  	[tilespmem:s22+$0x60] =	vst v3  }
0xe5: {  	v3 =	vld.msk [tilespmem:$0x81], $0x1;
	_ =	sdelay $0x4  }
0xe6: {  	v3 =	vshll.u32 v3, $0x11  }
0xe7: {  	v3 =	vperm.xlane v3, v0;
	_ =	sdelay $0x4  }
0xe8: {  	s28 =	simm.s32 $0x0  }
0xe9: {  	[hbm4b:s5+s28] =	stream.indirect_vreg.scatter [tilespmem:s10], [sflag:$0x3], $0x1000, v3, vm0, $0x38;
	[tilespmem:$0x1D180] =	vst v63  }
0xea: {  	_ =	swait.ge [sflag:s8], $0x1000  }
0xeb: {  	s19 =	sand.u32 $0xC00, s28;
	s18 =	sand.u32 $0x380, s28;
	[sflag:s8] =	ssyncset.done $0x0  }
0xec: {  	s18 =	sor.u32 s18, s19;
	[sflag:s8] =	ssyncadd.s32 $0xFFFFF000  }
0xed: {  	v4 =	vld [tilespmem:s18+$0x21F0]  }
0xee: {  	v5 =	vld [tilespmem:s18+$0x2180]  }
0xef: {  	v7 =	vld [tilespmem:s18+$0x2190]  }
0xf0: {  	v8 =	vld [tilespmem:s18+$0x21A0]  }
0xf1: {  	v11 =	vld [tilespmem:s18+$0x21B0]  }
0xf2: {  	v12 =	vld [tilespmem:s18+$0x21C0]  }
0xf3: {  	v6 =	vld [tilespmem:s18+$0x21D0]  }
0xf4: {  	v3 =	vld [tilespmem:s18+$0x21E0]  }
0xf5: {  	v10 =	vld.idx.msk [tilespmem:v4+s2+$0x0], $0xffff  }
0xf6: {  	v9 =	vld.idx.msk [tilespmem:v5+s2+$0x0], $0xffff  }
0xf7: {  	v7 =	vld.idx.msk [tilespmem:v7+s2+$0x0], $0xffff  }
0xf8: {  	v4 =	vld.idx.msk [tilespmem:v8+s2+$0x0], $0xffff  }
0xf9: {  	s20 =	simm.s32 $0x400;
	v5 =	vld.idx.msk [tilespmem:v11+s2+$0x0], $0xffff  }
0xfa: {  	s21 =	simm.s32 $0x20;
	s19 =	simm.s32 $0x0;
	s22 =	sadd.s32 $0x1B180, s18;
	v8 =	vld.idx.msk [tilespmem:v12+s2+$0x0], $0xffff  }
.LBB2_6:
0xfb: {  	s23 =	sand.u32 $0xC00, s20;
	s24 =	sand.u32 $0x380, s21;
	s19 =	sadd.s32 $0x8, s19;
	v6 =	vld.idx.msk [tilespmem:v6+s2+$0x0], $0xffff;
	[tilespmem:s22+$0x70] =	vst v10  }
0xfc: {  	p0 =	slt.u32 s19, $0xF8;
	[tilespmem:s18+$0x1B180] =	vst v9;
	s18 =	sor.u32 s24, s23;
	v3 =	vld.idx.msk [tilespmem:v3+s2+$0x0], $0xffff  }
0xfd: {  	v9 =	vld [tilespmem:s18+$0x21F0];
	[tilespmem:s22+$0x10] =	vst v7  }
0xfe: {  	v7 =	vld [tilespmem:s18+$0x2180];
	[tilespmem:s22+$0x20] =	vst v4  }
0xff: {  	v4 =	vld [tilespmem:s18+$0x2190];
	[tilespmem:s22+$0x30] =	vst v5  }
0x100: {  	v5 =	vld [tilespmem:s18+$0x21A0];
	[tilespmem:s22+$0x40] =	vst v8  }
0x101: {  	v8 =	vld [tilespmem:s18+$0x21B0];
	[tilespmem:s22+$0x50] =	vst v6  }
0x102: {  	v11 =	vld [tilespmem:s18+$0x21C0];
	[tilespmem:s22+$0x60] =	vst v3  }
0x103: {  	v6 =	vld [tilespmem:s18+$0x21D0]  }
0x104: {  	v3 =	vld [tilespmem:s18+$0x21E0]  }
0x105: {  	v10 =	vld.idx.msk [tilespmem:v9+s2+$0x0], $0xffff  }
.Ltmp2:
0x106: {  	v9 =	vld.idx.msk [tilespmem:v7+s2+$0x0], $0xffff;
	(pc) =	sbr.rel @p0 .LBB2_6-.Ltmp2, $4  }
0x107: {  	v7 =	vld.idx.msk [tilespmem:v4+s2+$0x0], $0xffff  }
0x108: {  	v4 =	vld.idx.msk [tilespmem:v5+s2+$0x0], $0xffff  }
0x109: {  	v5 =	vld.idx.msk [tilespmem:v8+s2+$0x0], $0xffff  }
0x10a: {  	s20 =	sadd.s32 $0x400, s20;
	s21 =	sadd.s32 $0x20, s21;
	s22 =	sadd.s32 $0x1B180, s18;
	v8 =	vld.idx.msk [tilespmem:v11+s2+$0x0], $0xffff  }
0x10b: {  	_ =	sdelay $0x2  }
0x10c: {  	[tilespmem:s22+$0x70] =	vst v10  }
0x10d: {  	v6 =	vld.idx.msk [tilespmem:v6+s2+$0x0], $0xffff;
	[tilespmem:s18+$0x1B180] =	vst v9  }
0x10e: {  	v3 =	vld.idx.msk [tilespmem:v3+s2+$0x0], $0xffff;
	[tilespmem:s22+$0x10] =	vst v7  }
0x10f: {  	[tilespmem:s22+$0x20] =	vst v4  }
0x110: {  	[tilespmem:s22+$0x30] =	vst v5  }
0x111: {  	[tilespmem:s22+$0x40] =	vst v8  }
0x112: {  	[tilespmem:s22+$0x50] =	vst v6  }
0x113: {  	[tilespmem:s22+$0x60] =	vst v3  }
0x114: {  	v3 =	vld.msk [tilespmem:$0x82], $0x1;
	_ =	sdelay $0x4  }
0x115: {  	v3 =	vshll.u32 v3, $0x11  }
0x116: {  	v3 =	vperm.xlane v3, v0;
	_ =	sdelay $0x4  }
0x117: {  	s28 =	simm.s32 $0x0  }
0x118: {  	[hbm4b:s5+s28] =	stream.indirect_vreg.scatter [tilespmem:s11], [sflag:$0x4], $0x1000, v3, vm0, $0x38;
	[tilespmem:$0x1D180] =	vst v63  }
0x119: {  	_ =	swait.ge [sflag:s8], $0x1000  }
0x11a: {  	s19 =	sand.u32 $0xC00, s28;
	s18 =	sand.u32 $0x380, s28;
	[sflag:s8] =	ssyncset.done $0x0  }
0x11b: {  	s18 =	sor.u32 s18, s19;
	[sflag:s8] =	ssyncadd.s32 $0xFFFFF000  }
0x11c: {  	v4 =	vld [tilespmem:s18+$0x31F0]  }
0x11d: {  	v5 =	vld [tilespmem:s18+$0x3180]  }
0x11e: {  	v7 =	vld [tilespmem:s18+$0x3190]  }
0x11f: {  	v8 =	vld [tilespmem:s18+$0x31A0]  }
0x120: {  	v11 =	vld [tilespmem:s18+$0x31B0]  }
0x121: {  	v12 =	vld [tilespmem:s18+$0x31C0]  }
0x122: {  	v6 =	vld [tilespmem:s18+$0x31D0]  }
0x123: {  	v3 =	vld [tilespmem:s18+$0x31E0]  }
0x124: {  	v10 =	vld.idx.msk [tilespmem:v4+s2+$0x0], $0xffff  }
0x125: {  	v9 =	vld.idx.msk [tilespmem:v5+s2+$0x0], $0xffff  }
0x126: {  	v7 =	vld.idx.msk [tilespmem:v7+s2+$0x0], $0xffff  }
0x127: {  	v4 =	vld.idx.msk [tilespmem:v8+s2+$0x0], $0xffff  }
0x128: {  	s20 =	simm.s32 $0x400;
	v5 =	vld.idx.msk [tilespmem:v11+s2+$0x0], $0xffff  }
0x129: {  	s21 =	simm.s32 $0x20;
	s19 =	simm.s32 $0x0;
	s22 =	sadd.s32 $0x1C180, s18;
	v8 =	vld.idx.msk [tilespmem:v12+s2+$0x0], $0xffff  }
.LBB2_8:
0x12a: {  	s23 =	sand.u32 $0xC00, s20;
	s24 =	sand.u32 $0x380, s21;
	s19 =	sadd.s32 $0x8, s19;
	v6 =	vld.idx.msk [tilespmem:v6+s2+$0x0], $0xffff;
	[tilespmem:s22+$0x70] =	vst v10  }
0x12b: {  	p0 =	slt.u32 s19, $0xF8;
	[tilespmem:s18+$0x1C180] =	vst v9;
	s18 =	sor.u32 s24, s23;
	v3 =	vld.idx.msk [tilespmem:v3+s2+$0x0], $0xffff  }
0x12c: {  	v9 =	vld [tilespmem:s18+$0x31F0];
	[tilespmem:s22+$0x10] =	vst v7  }
0x12d: {  	v7 =	vld [tilespmem:s18+$0x3180];
	[tilespmem:s22+$0x20] =	vst v4  }
0x12e: {  	v4 =	vld [tilespmem:s18+$0x3190];
	[tilespmem:s22+$0x30] =	vst v5  }
0x12f: {  	v5 =	vld [tilespmem:s18+$0x31A0];
	[tilespmem:s22+$0x40] =	vst v8  }
0x130: {  	v8 =	vld [tilespmem:s18+$0x31B0];
	[tilespmem:s22+$0x50] =	vst v6  }
0x131: {  	v11 =	vld [tilespmem:s18+$0x31C0];
	[tilespmem:s22+$0x60] =	vst v3  }
0x132: {  	v6 =	vld [tilespmem:s18+$0x31D0]  }
0x133: {  	v3 =	vld [tilespmem:s18+$0x31E0]  }
0x134: {  	v10 =	vld.idx.msk [tilespmem:v9+s2+$0x0], $0xffff  }
.Ltmp3:
0x135: {  	v9 =	vld.idx.msk [tilespmem:v7+s2+$0x0], $0xffff;
	(pc) =	sbr.rel @p0 .LBB2_8-.Ltmp3, $4  }
0x136: {  	v7 =	vld.idx.msk [tilespmem:v4+s2+$0x0], $0xffff  }
0x137: {  	v4 =	vld.idx.msk [tilespmem:v5+s2+$0x0], $0xffff  }
0x138: {  	v5 =	vld.idx.msk [tilespmem:v8+s2+$0x0], $0xffff  }
0x139: {  	s20 =	sadd.s32 $0x400, s20;
	s21 =	sadd.s32 $0x20, s21;
	s22 =	sadd.s32 $0x1C180, s18;
	v8 =	vld.idx.msk [tilespmem:v11+s2+$0x0], $0xffff  }
0x13a: {  	_ =	sdelay $0x2  }
0x13b: {  	[tilespmem:s22+$0x70] =	vst v10  }
0x13c: {  	v6 =	vld.idx.msk [tilespmem:v6+s2+$0x0], $0xffff;
	[tilespmem:s18+$0x1C180] =	vst v9  }
0x13d: {  	v3 =	vld.idx.msk [tilespmem:v3+s2+$0x0], $0xffff;
	[tilespmem:s22+$0x10] =	vst v7  }
0x13e: {  	[tilespmem:s22+$0x20] =	vst v4  }
0x13f: {  	[tilespmem:s22+$0x30] =	vst v5  }
0x140: {  	[tilespmem:s22+$0x40] =	vst v8  }
0x141: {  	[tilespmem:s22+$0x50] =	vst v6  }
0x142: {  	[tilespmem:s22+$0x60] =	vst v3  }
0x143: {  	v3 =	vld.msk [tilespmem:$0x83], $0x1;
	_ =	sdelay $0x4  }
0x144: {  	v3 =	vshll.u32 v3, $0x11  }
0x145: {  	v3 =	vperm.xlane v3, v0;
	_ =	sdelay $0x4  }
0x146: {  	s28 =	simm.s32 $0x0  }
0x147: {  	[hbm4b:s5+s28] =	stream.indirect_vreg.scatter [tilespmem:s12], [sflag:$0x5], $0x1000, v3, vm0, $0x38;
	[tilespmem:$0x1D180] =	vst v63  }
0x148: {  	_ =	swait.ge [sflag:s8], $0x1000  }
0x149: {  	[sflag:s8] =	ssyncset.done $0x0  }
0x14a: {  	[sflag:s8] =	ssyncadd.s32 $0xFFFFF000  }
0x14b: {  	_ =	swait.ge [sflag:s13], $0x1000  }
0x14c: {  	s19 =	sand.u32 $0xC00, s28;
	s18 =	sand.u32 $0x380, s28;
	[sflag:s13] =	ssyncset.done $0x0  }
0x14d: {  	s18 =	sor.u32 s18, s19;
	[sflag:s13] =	ssyncadd.s32 $0xFFFFF000  }
0x14e: {  	v4 =	vld [tilespmem:s18+$0x41F0]  }
0x14f: {  	v5 =	vld [tilespmem:s18+$0x4180]  }
0x150: {  	v7 =	vld [tilespmem:s18+$0x4190]  }
0x151: {  	v8 =	vld [tilespmem:s18+$0x41A0]  }
0x152: {  	v11 =	vld [tilespmem:s18+$0x41B0]  }
0x153: {  	v12 =	vld [tilespmem:s18+$0x41C0]  }
0x154: {  	v6 =	vld [tilespmem:s18+$0x41D0]  }
0x155: {  	v3 =	vld [tilespmem:s18+$0x41E0]  }
0x156: {  	v10 =	vld.idx.msk [tilespmem:v4+s2+$0x0], $0xffff  }
0x157: {  	v9 =	vld.idx.msk [tilespmem:v5+s2+$0x0], $0xffff  }
0x158: {  	v7 =	vld.idx.msk [tilespmem:v7+s2+$0x0], $0xffff  }
0x159: {  	v4 =	vld.idx.msk [tilespmem:v8+s2+$0x0], $0xffff  }
0x15a: {  	s20 =	simm.s32 $0x400;
	v5 =	vld.idx.msk [tilespmem:v11+s2+$0x0], $0xffff  }
0x15b: {  	s21 =	simm.s32 $0x20;
	s19 =	simm.s32 $0x0;
	s22 =	sadd.s32 $0x19180, s18;
	v8 =	vld.idx.msk [tilespmem:v12+s2+$0x0], $0xffff  }
.LBB2_10:
0x15c: {  	s23 =	sand.u32 $0xC00, s20;
	s24 =	sand.u32 $0x380, s21;
	s19 =	sadd.s32 $0x8, s19;
	v6 =	vld.idx.msk [tilespmem:v6+s2+$0x0], $0xffff;
	[tilespmem:s22+$0x70] =	vst v10  }
0x15d: {  	p0 =	slt.u32 s19, $0xF8;
	[tilespmem:s18+$0x19180] =	vst v9;
	s18 =	sor.u32 s24, s23;
	v3 =	vld.idx.msk [tilespmem:v3+s2+$0x0], $0xffff  }
0x15e: {  	v9 =	vld [tilespmem:s18+$0x41F0];
	[tilespmem:s22+$0x10] =	vst v7  }
0x15f: {  	v7 =	vld [tilespmem:s18+$0x4180];
	[tilespmem:s22+$0x20] =	vst v4  }
0x160: {  	v4 =	vld [tilespmem:s18+$0x4190];
	[tilespmem:s22+$0x30] =	vst v5  }
0x161: {  	v5 =	vld [tilespmem:s18+$0x41A0];
	[tilespmem:s22+$0x40] =	vst v8  }
0x162: {  	v8 =	vld [tilespmem:s18+$0x41B0];
	[tilespmem:s22+$0x50] =	vst v6  }
0x163: {  	v11 =	vld [tilespmem:s18+$0x41C0];
	[tilespmem:s22+$0x60] =	vst v3  }
0x164: {  	v6 =	vld [tilespmem:s18+$0x41D0]  }
0x165: {  	v3 =	vld [tilespmem:s18+$0x41E0]  }
0x166: {  	v10 =	vld.idx.msk [tilespmem:v9+s2+$0x0], $0xffff  }
.Ltmp4:
0x167: {  	v9 =	vld.idx.msk [tilespmem:v7+s2+$0x0], $0xffff;
	(pc) =	sbr.rel @p0 .LBB2_10-.Ltmp4, $4  }
0x168: {  	v7 =	vld.idx.msk [tilespmem:v4+s2+$0x0], $0xffff  }
0x169: {  	v4 =	vld.idx.msk [tilespmem:v5+s2+$0x0], $0xffff  }
0x16a: {  	v5 =	vld.idx.msk [tilespmem:v8+s2+$0x0], $0xffff  }
0x16b: {  	s20 =	sadd.s32 $0x400, s20;
	s21 =	sadd.s32 $0x20, s21;
	s22 =	sadd.s32 $0x19180, s18;
	v8 =	vld.idx.msk [tilespmem:v11+s2+$0x0], $0xffff  }
0x16c: {  	_ =	sdelay $0x2  }
0x16d: {  	[tilespmem:s22+$0x70] =	vst v10  }
0x16e: {  	v6 =	vld.idx.msk [tilespmem:v6+s2+$0x0], $0xffff;
	[tilespmem:s18+$0x19180] =	vst v9  }
0x16f: {  	v3 =	vld.idx.msk [tilespmem:v3+s2+$0x0], $0xffff;
	[tilespmem:s22+$0x10] =	vst v7  }
0x170: {  	[tilespmem:s22+$0x20] =	vst v4  }
0x171: {  	[tilespmem:s22+$0x30] =	vst v5  }
0x172: {  	[tilespmem:s22+$0x40] =	vst v8  }
0x173: {  	[tilespmem:s22+$0x50] =	vst v6  }
0x174: {  	[tilespmem:s22+$0x60] =	vst v3  }
0x175: {  	v3 =	vld.msk [tilespmem:$0x84], $0x1;
	_ =	sdelay $0x4  }
0x176: {  	v3 =	vshll.u32 v3, $0x11  }
0x177: {  	v3 =	vperm.xlane v3, v0;
	_ =	sdelay $0x4  }
0x178: {  	s28 =	simm.s32 $0x0  }
0x179: {  	[hbm4b:s5+s28] =	stream.indirect_vreg.scatter [tilespmem:s9], [sflag:$0x2], $0x1000, v3, vm0, $0x38;
	[tilespmem:$0x1D180] =	vst v63  }
0x17a: {  	_ =	swait.ge [sflag:s8], $0x1000  }
0x17b: {  	[sflag:s8] =	ssyncset.done $0x0  }
0x17c: {  	[sflag:s8] =	ssyncadd.s32 $0xFFFFF000  }
0x17d: {  	_ =	swait.ge [sflag:s14], $0x1000  }
0x17e: {  	s19 =	sand.u32 $0xC00, s28;
	s18 =	sand.u32 $0x380, s28;
	[sflag:s14] =	ssyncset.done $0x0  }
0x17f: {  	s18 =	sor.u32 s18, s19;
	[sflag:s14] =	ssyncadd.s32 $0xFFFFF000  }
0x180: {  	v4 =	vld [tilespmem:s18+$0x51F0]  }
0x181: {  	v5 =	vld [tilespmem:s18+$0x5180]  }
0x182: {  	v7 =	vld [tilespmem:s18+$0x5190]  }
0x183: {  	v8 =	vld [tilespmem:s18+$0x51A0]  }
0x184: {  	v11 =	vld [tilespmem:s18+$0x51B0]  }
0x185: {  	v12 =	vld [tilespmem:s18+$0x51C0]  }
0x186: {  	v6 =	vld [tilespmem:s18+$0x51D0]  }
0x187: {  	v3 =	vld [tilespmem:s18+$0x51E0]  }
0x188: {  	v10 =	vld.idx.msk [tilespmem:v4+s2+$0x0], $0xffff  }
0x189: {  	v9 =	vld.idx.msk [tilespmem:v5+s2+$0x0], $0xffff  }
0x18a: {  	v7 =	vld.idx.msk [tilespmem:v7+s2+$0x0], $0xffff  }
0x18b: {  	v4 =	vld.idx.msk [tilespmem:v8+s2+$0x0], $0xffff  }
0x18c: {  	s20 =	simm.s32 $0x400;
	v5 =	vld.idx.msk [tilespmem:v11+s2+$0x0], $0xffff  }
0x18d: {  	s21 =	simm.s32 $0x20;
	s19 =	simm.s32 $0x0;
	s22 =	sadd.s32 $0x1A180, s18;
	v8 =	vld.idx.msk [tilespmem:v12+s2+$0x0], $0xffff  }
.LBB2_12:
0x18e: {  	s23 =	sand.u32 $0xC00, s20;
	s24 =	sand.u32 $0x380, s21;
	s19 =	sadd.s32 $0x8, s19;
	v6 =	vld.idx.msk [tilespmem:v6+s2+$0x0], $0xffff;
	[tilespmem:s22+$0x70] =	vst v10  }
0x18f: {  	p0 =	slt.u32 s19, $0xF8;
	[tilespmem:s18+$0x1A180] =	vst v9;
	s18 =	sor.u32 s24, s23;
	v3 =	vld.idx.msk [tilespmem:v3+s2+$0x0], $0xffff  }
0x190: {  	v9 =	vld [tilespmem:s18+$0x51F0];
	[tilespmem:s22+$0x10] =	vst v7  }
0x191: {  	v7 =	vld [tilespmem:s18+$0x5180];
	[tilespmem:s22+$0x20] =	vst v4  }
0x192: {  	v4 =	vld [tilespmem:s18+$0x5190];
	[tilespmem:s22+$0x30] =	vst v5  }
0x193: {  	v5 =	vld [tilespmem:s18+$0x51A0];
	[tilespmem:s22+$0x40] =	vst v8  }
0x194: {  	v8 =	vld [tilespmem:s18+$0x51B0];
	[tilespmem:s22+$0x50] =	vst v6  }
0x195: {  	v11 =	vld [tilespmem:s18+$0x51C0];
	[tilespmem:s22+$0x60] =	vst v3  }
0x196: {  	v6 =	vld [tilespmem:s18+$0x51D0]  }
0x197: {  	v3 =	vld [tilespmem:s18+$0x51E0]  }
0x198: {  	v10 =	vld.idx.msk [tilespmem:v9+s2+$0x0], $0xffff  }
.Ltmp5:
0x199: {  	v9 =	vld.idx.msk [tilespmem:v7+s2+$0x0], $0xffff;
	(pc) =	sbr.rel @p0 .LBB2_12-.Ltmp5, $4  }
0x19a: {  	v7 =	vld.idx.msk [tilespmem:v4+s2+$0x0], $0xffff  }
0x19b: {  	v4 =	vld.idx.msk [tilespmem:v5+s2+$0x0], $0xffff  }
0x19c: {  	v5 =	vld.idx.msk [tilespmem:v8+s2+$0x0], $0xffff  }
0x19d: {  	s20 =	sadd.s32 $0x400, s20;
	s21 =	sadd.s32 $0x20, s21;
	s22 =	sadd.s32 $0x1A180, s18;
	v8 =	vld.idx.msk [tilespmem:v11+s2+$0x0], $0xffff  }
0x19e: {  	_ =	sdelay $0x2  }
0x19f: {  	[tilespmem:s22+$0x70] =	vst v10  }
0x1a0: {  	v6 =	vld.idx.msk [tilespmem:v6+s2+$0x0], $0xffff;
	[tilespmem:s18+$0x1A180] =	vst v9  }
0x1a1: {  	v3 =	vld.idx.msk [tilespmem:v3+s2+$0x0], $0xffff;
	[tilespmem:s22+$0x10] =	vst v7  }
0x1a2: {  	[tilespmem:s22+$0x20] =	vst v4  }
0x1a3: {  	[tilespmem:s22+$0x30] =	vst v5  }
0x1a4: {  	[tilespmem:s22+$0x40] =	vst v8  }
0x1a5: {  	[tilespmem:s22+$0x50] =	vst v6  }
0x1a6: {  	[tilespmem:s22+$0x60] =	vst v3  }
0x1a7: {  	v3 =	vld.msk [tilespmem:$0x85], $0x1;
	_ =	sdelay $0x4  }
0x1a8: {  	v3 =	vshll.u32 v3, $0x11  }
0x1a9: {  	v3 =	vperm.xlane v3, v0;
	_ =	sdelay $0x4  }
0x1aa: {  	s28 =	simm.s32 $0x0  }
0x1ab: {  	[hbm4b:s5+s28] =	stream.indirect_vreg.scatter [tilespmem:s10], [sflag:$0x3], $0x1000, v3, vm0, $0x38;
	[tilespmem:$0x1D180] =	vst v63  }
0x1ac: {  	_ =	swait.ge [sflag:s8], $0x1000  }
0x1ad: {  	[sflag:s8] =	ssyncset.done $0x0  }
0x1ae: {  	[sflag:s8] =	ssyncadd.s32 $0xFFFFF000  }
0x1af: {  	_ =	swait.ge [sflag:s15], $0x1000  }
0x1b0: {  	s19 =	sand.u32 $0xC00, s28;
	s18 =	sand.u32 $0x380, s28;
	[sflag:s15] =	ssyncset.done $0x0  }
0x1b1: {  	s18 =	sor.u32 s18, s19;
	[sflag:s15] =	ssyncadd.s32 $0xFFFFF000  }
0x1b2: {  	v4 =	vld [tilespmem:s18+$0x61F0]  }
0x1b3: {  	v5 =	vld [tilespmem:s18+$0x6180]  }
0x1b4: {  	v7 =	vld [tilespmem:s18+$0x6190]  }
0x1b5: {  	v8 =	vld [tilespmem:s18+$0x61A0]  }
0x1b6: {  	v11 =	vld [tilespmem:s18+$0x61B0]  }
0x1b7: {  	v12 =	vld [tilespmem:s18+$0x61C0]  }
0x1b8: {  	v6 =	vld [tilespmem:s18+$0x61D0]  }
0x1b9: {  	v3 =	vld [tilespmem:s18+$0x61E0]  }
0x1ba: {  	v10 =	vld.idx.msk [tilespmem:v4+s2+$0x0], $0xffff  }
0x1bb: {  	v9 =	vld.idx.msk [tilespmem:v5+s2+$0x0], $0xffff  }
0x1bc: {  	v7 =	vld.idx.msk [tilespmem:v7+s2+$0x0], $0xffff  }
0x1bd: {  	v4 =	vld.idx.msk [tilespmem:v8+s2+$0x0], $0xffff  }
0x1be: {  	s20 =	simm.s32 $0x400;
	v5 =	vld.idx.msk [tilespmem:v11+s2+$0x0], $0xffff  }
0x1bf: {  	s21 =	simm.s32 $0x20;
	s19 =	simm.s32 $0x0;
	s22 =	sadd.s32 $0x1B180, s18;
	v8 =	vld.idx.msk [tilespmem:v12+s2+$0x0], $0xffff  }
.LBB2_14:
0x1c0: {  	s23 =	sand.u32 $0xC00, s20;
	s24 =	sand.u32 $0x380, s21;
	s19 =	sadd.s32 $0x8, s19;
	v6 =	vld.idx.msk [tilespmem:v6+s2+$0x0], $0xffff;
	[tilespmem:s22+$0x70] =	vst v10  }
0x1c1: {  	p0 =	slt.u32 s19, $0xF8;
	[tilespmem:s18+$0x1B180] =	vst v9;
	s18 =	sor.u32 s24, s23;
	v3 =	vld.idx.msk [tilespmem:v3+s2+$0x0], $0xffff  }
0x1c2: {  	v9 =	vld [tilespmem:s18+$0x61F0];
	[tilespmem:s22+$0x10] =	vst v7  }
0x1c3: {  	v7 =	vld [tilespmem:s18+$0x6180];
	[tilespmem:s22+$0x20] =	vst v4  }
0x1c4: {  	v4 =	vld [tilespmem:s18+$0x6190];
	[tilespmem:s22+$0x30] =	vst v5  }
0x1c5: {  	v5 =	vld [tilespmem:s18+$0x61A0];
	[tilespmem:s22+$0x40] =	vst v8  }
0x1c6: {  	v8 =	vld [tilespmem:s18+$0x61B0];
	[tilespmem:s22+$0x50] =	vst v6  }
0x1c7: {  	v11 =	vld [tilespmem:s18+$0x61C0];
	[tilespmem:s22+$0x60] =	vst v3  }
0x1c8: {  	v6 =	vld [tilespmem:s18+$0x61D0]  }
0x1c9: {  	v3 =	vld [tilespmem:s18+$0x61E0]  }
0x1ca: {  	v10 =	vld.idx.msk [tilespmem:v9+s2+$0x0], $0xffff  }
.Ltmp6:
0x1cb: {  	v9 =	vld.idx.msk [tilespmem:v7+s2+$0x0], $0xffff;
	(pc) =	sbr.rel @p0 .LBB2_14-.Ltmp6, $4  }
0x1cc: {  	v7 =	vld.idx.msk [tilespmem:v4+s2+$0x0], $0xffff  }
0x1cd: {  	v4 =	vld.idx.msk [tilespmem:v5+s2+$0x0], $0xffff  }
0x1ce: {  	v5 =	vld.idx.msk [tilespmem:v8+s2+$0x0], $0xffff  }
0x1cf: {  	s20 =	sadd.s32 $0x400, s20;
	s21 =	sadd.s32 $0x20, s21;
	s22 =	sadd.s32 $0x1B180, s18;
	v8 =	vld.idx.msk [tilespmem:v11+s2+$0x0], $0xffff  }
0x1d0: {  	_ =	sdelay $0x2  }
0x1d1: {  	[tilespmem:s22+$0x70] =	vst v10  }
0x1d2: {  	v6 =	vld.idx.msk [tilespmem:v6+s2+$0x0], $0xffff;
	[tilespmem:s18+$0x1B180] =	vst v9  }
0x1d3: {  	v3 =	vld.idx.msk [tilespmem:v3+s2+$0x0], $0xffff;
	[tilespmem:s22+$0x10] =	vst v7  }
0x1d4: {  	[tilespmem:s22+$0x20] =	vst v4  }
0x1d5: {  	[tilespmem:s22+$0x30] =	vst v5  }
0x1d6: {  	[tilespmem:s22+$0x40] =	vst v8  }
0x1d7: {  	[tilespmem:s22+$0x50] =	vst v6  }
0x1d8: {  	[tilespmem:s22+$0x60] =	vst v3  }
0x1d9: {  	v3 =	vld.msk [tilespmem:$0x86], $0x1;
	_ =	sdelay $0x4  }
0x1da: {  	v3 =	vshll.u32 v3, $0x11  }
0x1db: {  	v3 =	vperm.xlane v3, v0;
	_ =	sdelay $0x4  }
0x1dc: {  	s28 =	simm.s32 $0x0  }
0x1dd: {  	[hbm4b:s5+s28] =	stream.indirect_vreg.scatter [tilespmem:s11], [sflag:$0x4], $0x1000, v3, vm0, $0x38;
	[tilespmem:$0x1D180] =	vst v63  }
0x1de: {  	_ =	swait.ge [sflag:s8], $0x1000  }
0x1df: {  	[sflag:s8] =	ssyncset.done $0x0  }
0x1e0: {  	[sflag:s8] =	ssyncadd.s32 $0xFFFFF000  }
0x1e1: {  	_ =	swait.ge [sflag:s16], $0x1000  }
0x1e2: {  	s19 =	sand.u32 $0xC00, s28;
	s18 =	sand.u32 $0x380, s28;
	[sflag:s16] =	ssyncset.done $0x0  }
0x1e3: {  	s18 =	sor.u32 s18, s19;
	[sflag:s16] =	ssyncadd.s32 $0xFFFFF000  }
0x1e4: {  	v4 =	vld [tilespmem:s18+$0x71F0]  }
0x1e5: {  	v5 =	vld [tilespmem:s18+$0x7180]  }
0x1e6: {  	v7 =	vld [tilespmem:s18+$0x7190]  }
0x1e7: {  	v8 =	vld [tilespmem:s18+$0x71A0]  }
0x1e8: {  	v11 =	vld [tilespmem:s18+$0x71B0]  }
0x1e9: {  	v12 =	vld [tilespmem:s18+$0x71C0]  }
0x1ea: {  	v6 =	vld [tilespmem:s18+$0x71D0]  }
0x1eb: {  	v3 =	vld [tilespmem:s18+$0x71E0]  }
0x1ec: {  	v10 =	vld.idx.msk [tilespmem:v4+s2+$0x0], $0xffff  }
0x1ed: {  	v9 =	vld.idx.msk [tilespmem:v5+s2+$0x0], $0xffff  }
0x1ee: {  	v7 =	vld.idx.msk [tilespmem:v7+s2+$0x0], $0xffff  }
0x1ef: {  	v4 =	vld.idx.msk [tilespmem:v8+s2+$0x0], $0xffff  }
0x1f0: {  	s20 =	simm.s32 $0x400;
	v5 =	vld.idx.msk [tilespmem:v11+s2+$0x0], $0xffff  }
0x1f1: {  	s21 =	simm.s32 $0x20;
	s19 =	simm.s32 $0x0;
	s22 =	sadd.s32 $0x1C180, s18;
	v8 =	vld.idx.msk [tilespmem:v12+s2+$0x0], $0xffff  }
.LBB2_16:
0x1f2: {  	s23 =	sand.u32 $0xC00, s20;
	s24 =	sand.u32 $0x380, s21;
	s19 =	sadd.s32 $0x8, s19;
	v6 =	vld.idx.msk [tilespmem:v6+s2+$0x0], $0xffff;
	[tilespmem:s22+$0x70] =	vst v10  }
0x1f3: {  	p0 =	slt.u32 s19, $0xF8;
	[tilespmem:s18+$0x1C180] =	vst v9;
	s18 =	sor.u32 s24, s23;
	v3 =	vld.idx.msk [tilespmem:v3+s2+$0x0], $0xffff  }
0x1f4: {  	v9 =	vld [tilespmem:s18+$0x71F0];
	[tilespmem:s22+$0x10] =	vst v7  }
0x1f5: {  	v7 =	vld [tilespmem:s18+$0x7180];
	[tilespmem:s22+$0x20] =	vst v4  }
0x1f6: {  	v4 =	vld [tilespmem:s18+$0x7190];
	[tilespmem:s22+$0x30] =	vst v5  }
0x1f7: {  	v5 =	vld [tilespmem:s18+$0x71A0];
	[tilespmem:s22+$0x40] =	vst v8  }
0x1f8: {  	v8 =	vld [tilespmem:s18+$0x71B0];
	[tilespmem:s22+$0x50] =	vst v6  }
0x1f9: {  	v11 =	vld [tilespmem:s18+$0x71C0];
	[tilespmem:s22+$0x60] =	vst v3  }
0x1fa: {  	v6 =	vld [tilespmem:s18+$0x71D0]  }
0x1fb: {  	v3 =	vld [tilespmem:s18+$0x71E0]  }
0x1fc: {  	v10 =	vld.idx.msk [tilespmem:v9+s2+$0x0], $0xffff  }
.Ltmp7:
0x1fd: {  	v9 =	vld.idx.msk [tilespmem:v7+s2+$0x0], $0xffff;
	(pc) =	sbr.rel @p0 .LBB2_16-.Ltmp7, $4  }
0x1fe: {  	v7 =	vld.idx.msk [tilespmem:v4+s2+$0x0], $0xffff  }
0x1ff: {  	v4 =	vld.idx.msk [tilespmem:v5+s2+$0x0], $0xffff  }
0x200: {  	v5 =	vld.idx.msk [tilespmem:v8+s2+$0x0], $0xffff  }
0x201: {  	s20 =	sadd.s32 $0x400, s20;
	s21 =	sadd.s32 $0x20, s21;
	s22 =	sadd.s32 $0x1C180, s18;
	v8 =	vld.idx.msk [tilespmem:v11+s2+$0x0], $0xffff  }
0x202: {  	_ =	sdelay $0x2  }
0x203: {  	[tilespmem:s22+$0x70] =	vst v10  }
0x204: {  	v6 =	vld.idx.msk [tilespmem:v6+s2+$0x0], $0xffff;
	[tilespmem:s18+$0x1C180] =	vst v9  }
0x205: {  	v3 =	vld.idx.msk [tilespmem:v3+s2+$0x0], $0xffff;
	[tilespmem:s22+$0x10] =	vst v7  }
0x206: {  	[tilespmem:s22+$0x20] =	vst v4  }
0x207: {  	[tilespmem:s22+$0x30] =	vst v5  }
0x208: {  	[tilespmem:s22+$0x40] =	vst v8  }
0x209: {  	[tilespmem:s22+$0x50] =	vst v6  }
0x20a: {  	[tilespmem:s22+$0x60] =	vst v3  }
0x20b: {  	v3 =	vld.msk [tilespmem:$0x87], $0x1;
	_ =	sdelay $0x4  }
0x20c: {  	v3 =	vshll.u32 v3, $0x11  }
0x20d: {  	v3 =	vperm.xlane v3, v0;
	_ =	sdelay $0x4  }
0x20e: {  	s28 =	simm.s32 $0x0  }
0x20f: {  	[hbm4b:s5+s28] =	stream.indirect_vreg.scatter [tilespmem:s12], [sflag:$0x5], $0x1000, v3, vm0, $0x38;
	[tilespmem:$0x1D180] =	vst v63  }
0x210: {  	_ =	swait.ge [sflag:s8], $0x1000  }
0x211: {  	[sflag:s8] =	ssyncset.done $0x0  }
0x212: {  	[sflag:s8] =	ssyncadd.s32 $0xFFFFF000  }
0x213: {  	_ =	swait.ge [sflag:s13], $0x1000  }
0x214: {  	s19 =	sand.u32 $0xC00, s28;
	s18 =	sand.u32 $0x380, s28;
	[sflag:s13] =	ssyncset.done $0x0  }
0x215: {  	s18 =	sor.u32 s18, s19;
	[sflag:s13] =	ssyncadd.s32 $0xFFFFF000  }
0x216: {  	v4 =	vld [tilespmem:s18+$0x81F0]  }
0x217: {  	v5 =	vld [tilespmem:s18+$0x8180]  }
0x218: {  	v7 =	vld [tilespmem:s18+$0x8190]  }
0x219: {  	v8 =	vld [tilespmem:s18+$0x81A0]  }
0x21a: {  	v11 =	vld [tilespmem:s18+$0x81B0]  }
0x21b: {  	v12 =	vld [tilespmem:s18+$0x81C0]  }
0x21c: {  	v6 =	vld [tilespmem:s18+$0x81D0]  }
0x21d: {  	v3 =	vld [tilespmem:s18+$0x81E0]  }
0x21e: {  	v10 =	vld.idx.msk [tilespmem:v4+s2+$0x0], $0xffff  }
0x21f: {  	v9 =	vld.idx.msk [tilespmem:v5+s2+$0x0], $0xffff  }
0x220: {  	v7 =	vld.idx.msk [tilespmem:v7+s2+$0x0], $0xffff  }
0x221: {  	v4 =	vld.idx.msk [tilespmem:v8+s2+$0x0], $0xffff  }
0x222: {  	s20 =	simm.s32 $0x400;
	v5 =	vld.idx.msk [tilespmem:v11+s2+$0x0], $0xffff  }
0x223: {  	s21 =	simm.s32 $0x20;
	s19 =	simm.s32 $0x0;
	s22 =	sadd.s32 $0x19180, s18;
	v8 =	vld.idx.msk [tilespmem:v12+s2+$0x0], $0xffff  }
.LBB2_18:
0x224: {  	s23 =	sand.u32 $0xC00, s20;
	s24 =	sand.u32 $0x380, s21;
	s19 =	sadd.s32 $0x8, s19;
	v6 =	vld.idx.msk [tilespmem:v6+s2+$0x0], $0xffff;
	[tilespmem:s22+$0x70] =	vst v10  }
0x225: {  	p0 =	slt.u32 s19, $0xF8;
	[tilespmem:s18+$0x19180] =	vst v9;
	s18 =	sor.u32 s24, s23;
	v3 =	vld.idx.msk [tilespmem:v3+s2+$0x0], $0xffff  }
0x226: {  	v9 =	vld [tilespmem:s18+$0x81F0];
	[tilespmem:s22+$0x10] =	vst v7  }
0x227: {  	v7 =	vld [tilespmem:s18+$0x8180];
	[tilespmem:s22+$0x20] =	vst v4  }
0x228: {  	v4 =	vld [tilespmem:s18+$0x8190];
	[tilespmem:s22+$0x30] =	vst v5  }
0x229: {  	v5 =	vld [tilespmem:s18+$0x81A0];
	[tilespmem:s22+$0x40] =	vst v8  }
0x22a: {  	v8 =	vld [tilespmem:s18+$0x81B0];
	[tilespmem:s22+$0x50] =	vst v6  }
0x22b: {  	v11 =	vld [tilespmem:s18+$0x81C0];
	[tilespmem:s22+$0x60] =	vst v3  }
0x22c: {  	v6 =	vld [tilespmem:s18+$0x81D0]  }
0x22d: {  	v3 =	vld [tilespmem:s18+$0x81E0]  }
0x22e: {  	v10 =	vld.idx.msk [tilespmem:v9+s2+$0x0], $0xffff  }
.Ltmp8:
0x22f: {  	v9 =	vld.idx.msk [tilespmem:v7+s2+$0x0], $0xffff;
	(pc) =	sbr.rel @p0 .LBB2_18-.Ltmp8, $4  }
0x230: {  	v7 =	vld.idx.msk [tilespmem:v4+s2+$0x0], $0xffff  }
0x231: {  	v4 =	vld.idx.msk [tilespmem:v5+s2+$0x0], $0xffff  }
0x232: {  	v5 =	vld.idx.msk [tilespmem:v8+s2+$0x0], $0xffff  }
0x233: {  	s20 =	sadd.s32 $0x400, s20;
	s21 =	sadd.s32 $0x20, s21;
	s22 =	sadd.s32 $0x19180, s18;
	v8 =	vld.idx.msk [tilespmem:v11+s2+$0x0], $0xffff  }
0x234: {  	_ =	sdelay $0x2  }
0x235: {  	[tilespmem:s22+$0x70] =	vst v10  }
0x236: {  	v6 =	vld.idx.msk [tilespmem:v6+s2+$0x0], $0xffff;
	[tilespmem:s18+$0x19180] =	vst v9  }
0x237: {  	v3 =	vld.idx.msk [tilespmem:v3+s2+$0x0], $0xffff;
	[tilespmem:s22+$0x10] =	vst v7  }
0x238: {  	[tilespmem:s22+$0x20] =	vst v4  }
0x239: {  	[tilespmem:s22+$0x30] =	vst v5  }
0x23a: {  	[tilespmem:s22+$0x40] =	vst v8  }
0x23b: {  	[tilespmem:s22+$0x50] =	vst v6  }
0x23c: {  	[tilespmem:s22+$0x60] =	vst v3  }
0x23d: {  	v3 =	vld.msk [tilespmem:$0x88], $0x1;
	_ =	sdelay $0x4  }
0x23e: {  	v3 =	vshll.u32 v3, $0x11  }
0x23f: {  	v3 =	vperm.xlane v3, v0;
	_ =	sdelay $0x4  }
0x240: {  	s28 =	simm.s32 $0x0  }
0x241: {  	[hbm4b:s5+s28] =	stream.indirect_vreg.scatter [tilespmem:s9], [sflag:$0x2], $0x1000, v3, vm0, $0x38;
	[tilespmem:$0x1D180] =	vst v63  }
0x242: {  	_ =	swait.ge [sflag:s8], $0x1000  }
0x243: {  	[sflag:s8] =	ssyncset.done $0x0  }
0x244: {  	[sflag:s8] =	ssyncadd.s32 $0xFFFFF000  }
0x245: {  	_ =	swait.ge [sflag:s14], $0x1000  }
0x246: {  	s19 =	sand.u32 $0xC00, s28;
	s18 =	sand.u32 $0x380, s28;
	[sflag:s14] =	ssyncset.done $0x0  }
0x247: {  	s18 =	sor.u32 s18, s19;
	[sflag:s14] =	ssyncadd.s32 $0xFFFFF000  }
0x248: {  	v4 =	vld [tilespmem:s18+$0x91F0]  }
0x249: {  	v5 =	vld [tilespmem:s18+$0x9180]  }
0x24a: {  	v7 =	vld [tilespmem:s18+$0x9190]  }
0x24b: {  	v8 =	vld [tilespmem:s18+$0x91A0]  }
0x24c: {  	v11 =	vld [tilespmem:s18+$0x91B0]  }
0x24d: {  	v12 =	vld [tilespmem:s18+$0x91C0]  }
0x24e: {  	v6 =	vld [tilespmem:s18+$0x91D0]  }
0x24f: {  	v3 =	vld [tilespmem:s18+$0x91E0]  }
0x250: {  	v10 =	vld.idx.msk [tilespmem:v4+s2+$0x0], $0xffff  }
0x251: {  	v9 =	vld.idx.msk [tilespmem:v5+s2+$0x0], $0xffff  }
0x252: {  	v7 =	vld.idx.msk [tilespmem:v7+s2+$0x0], $0xffff  }
0x253: {  	v4 =	vld.idx.msk [tilespmem:v8+s2+$0x0], $0xffff  }
0x254: {  	s20 =	simm.s32 $0x400;
	v5 =	vld.idx.msk [tilespmem:v11+s2+$0x0], $0xffff  }
0x255: {  	s21 =	simm.s32 $0x20;
	s19 =	simm.s32 $0x0;
	s22 =	sadd.s32 $0x1A180, s18;
	v8 =	vld.idx.msk [tilespmem:v12+s2+$0x0], $0xffff  }
.LBB2_20:
0x256: {  	s23 =	sand.u32 $0xC00, s20;
	s24 =	sand.u32 $0x380, s21;
	s19 =	sadd.s32 $0x8, s19;
	v6 =	vld.idx.msk [tilespmem:v6+s2+$0x0], $0xffff;
	[tilespmem:s22+$0x70] =	vst v10  }
0x257: {  	p0 =	slt.u32 s19, $0xF8;
	[tilespmem:s18+$0x1A180] =	vst v9;
	s18 =	sor.u32 s24, s23;
	v3 =	vld.idx.msk [tilespmem:v3+s2+$0x0], $0xffff  }
0x258: {  	v9 =	vld [tilespmem:s18+$0x91F0];
	[tilespmem:s22+$0x10] =	vst v7  }
0x259: {  	v7 =	vld [tilespmem:s18+$0x9180];
	[tilespmem:s22+$0x20] =	vst v4  }
0x25a: {  	v4 =	vld [tilespmem:s18+$0x9190];
	[tilespmem:s22+$0x30] =	vst v5  }
0x25b: {  	v5 =	vld [tilespmem:s18+$0x91A0];
	[tilespmem:s22+$0x40] =	vst v8  }
0x25c: {  	v8 =	vld [tilespmem:s18+$0x91B0];
	[tilespmem:s22+$0x50] =	vst v6  }
0x25d: {  	v11 =	vld [tilespmem:s18+$0x91C0];
	[tilespmem:s22+$0x60] =	vst v3  }
0x25e: {  	v6 =	vld [tilespmem:s18+$0x91D0]  }
0x25f: {  	v3 =	vld [tilespmem:s18+$0x91E0]  }
0x260: {  	v10 =	vld.idx.msk [tilespmem:v9+s2+$0x0], $0xffff  }
.Ltmp9:
0x261: {  	v9 =	vld.idx.msk [tilespmem:v7+s2+$0x0], $0xffff;
	(pc) =	sbr.rel @p0 .LBB2_20-.Ltmp9, $4  }
0x262: {  	v7 =	vld.idx.msk [tilespmem:v4+s2+$0x0], $0xffff  }
0x263: {  	v4 =	vld.idx.msk [tilespmem:v5+s2+$0x0], $0xffff  }
0x264: {  	v5 =	vld.idx.msk [tilespmem:v8+s2+$0x0], $0xffff  }
0x265: {  	s20 =	sadd.s32 $0x400, s20;
	s21 =	sadd.s32 $0x20, s21;
	s22 =	sadd.s32 $0x1A180, s18;
	v8 =	vld.idx.msk [tilespmem:v11+s2+$0x0], $0xffff  }
0x266: {  	_ =	sdelay $0x2  }
0x267: {  	[tilespmem:s22+$0x70] =	vst v10  }
0x268: {  	v6 =	vld.idx.msk [tilespmem:v6+s2+$0x0], $0xffff;
	[tilespmem:s18+$0x1A180] =	vst v9  }
0x269: {  	v3 =	vld.idx.msk [tilespmem:v3+s2+$0x0], $0xffff;
	[tilespmem:s22+$0x10] =	vst v7  }
0x26a: {  	[tilespmem:s22+$0x20] =	vst v4  }
0x26b: {  	[tilespmem:s22+$0x30] =	vst v5  }
0x26c: {  	[tilespmem:s22+$0x40] =	vst v8  }
0x26d: {  	[tilespmem:s22+$0x50] =	vst v6  }
0x26e: {  	[tilespmem:s22+$0x60] =	vst v3  }
0x26f: {  	v3 =	vld.msk [tilespmem:$0x89], $0x1;
	_ =	sdelay $0x4  }
0x270: {  	v3 =	vshll.u32 v3, $0x11  }
0x271: {  	v3 =	vperm.xlane v3, v0;
	_ =	sdelay $0x4  }
0x272: {  	s28 =	simm.s32 $0x0  }
0x273: {  	[hbm4b:s5+s28] =	stream.indirect_vreg.scatter [tilespmem:s10], [sflag:$0x3], $0x1000, v3, vm0, $0x38;
	[tilespmem:$0x1D180] =	vst v63  }
0x274: {  	_ =	swait.ge [sflag:s8], $0x1000  }
0x275: {  	[sflag:s8] =	ssyncset.done $0x0  }
0x276: {  	[sflag:s8] =	ssyncadd.s32 $0xFFFFF000  }
0x277: {  	_ =	swait.ge [sflag:s15], $0x1000  }
0x278: {  	s19 =	sand.u32 $0xC00, s28;
	s18 =	sand.u32 $0x380, s28;
	[sflag:s15] =	ssyncset.done $0x0  }
0x279: {  	s18 =	sor.u32 s18, s19;
	[sflag:s15] =	ssyncadd.s32 $0xFFFFF000  }
0x27a: {  	v4 =	vld [tilespmem:s18+$0xA1F0]  }
0x27b: {  	v5 =	vld [tilespmem:s18+$0xA180]  }
0x27c: {  	v7 =	vld [tilespmem:s18+$0xA190]  }
0x27d: {  	v8 =	vld [tilespmem:s18+$0xA1A0]  }
0x27e: {  	v11 =	vld [tilespmem:s18+$0xA1B0]  }
0x27f: {  	v12 =	vld [tilespmem:s18+$0xA1C0]  }
0x280: {  	v6 =	vld [tilespmem:s18+$0xA1D0]  }
0x281: {  	v3 =	vld [tilespmem:s18+$0xA1E0]  }
0x282: {  	v10 =	vld.idx.msk [tilespmem:v4+s2+$0x0], $0xffff  }
0x283: {  	v9 =	vld.idx.msk [tilespmem:v5+s2+$0x0], $0xffff  }
0x284: {  	v7 =	vld.idx.msk [tilespmem:v7+s2+$0x0], $0xffff  }
0x285: {  	v4 =	vld.idx.msk [tilespmem:v8+s2+$0x0], $0xffff  }
0x286: {  	s20 =	simm.s32 $0x400;
	v5 =	vld.idx.msk [tilespmem:v11+s2+$0x0], $0xffff  }
0x287: {  	s21 =	simm.s32 $0x20;
	s19 =	simm.s32 $0x0;
	s22 =	sadd.s32 $0x1B180, s18;
	v8 =	vld.idx.msk [tilespmem:v12+s2+$0x0], $0xffff  }
.LBB2_22:
0x288: {  	s23 =	sand.u32 $0xC00, s20;
	s24 =	sand.u32 $0x380, s21;
	s19 =	sadd.s32 $0x8, s19;
	v6 =	vld.idx.msk [tilespmem:v6+s2+$0x0], $0xffff;
	[tilespmem:s22+$0x70] =	vst v10  }
0x289: {  	p0 =	slt.u32 s19, $0xF8;
	[tilespmem:s18+$0x1B180] =	vst v9;
	s18 =	sor.u32 s24, s23;
	v3 =	vld.idx.msk [tilespmem:v3+s2+$0x0], $0xffff  }
0x28a: {  	v9 =	vld [tilespmem:s18+$0xA1F0];
	[tilespmem:s22+$0x10] =	vst v7  }
0x28b: {  	v7 =	vld [tilespmem:s18+$0xA180];
	[tilespmem:s22+$0x20] =	vst v4  }
0x28c: {  	v4 =	vld [tilespmem:s18+$0xA190];
	[tilespmem:s22+$0x30] =	vst v5  }
0x28d: {  	v5 =	vld [tilespmem:s18+$0xA1A0];
	[tilespmem:s22+$0x40] =	vst v8  }
0x28e: {  	v8 =	vld [tilespmem:s18+$0xA1B0];
	[tilespmem:s22+$0x50] =	vst v6  }
0x28f: {  	v11 =	vld [tilespmem:s18+$0xA1C0];
	[tilespmem:s22+$0x60] =	vst v3  }
0x290: {  	v6 =	vld [tilespmem:s18+$0xA1D0]  }
0x291: {  	v3 =	vld [tilespmem:s18+$0xA1E0]  }
0x292: {  	v10 =	vld.idx.msk [tilespmem:v9+s2+$0x0], $0xffff  }
.Ltmp10:
0x293: {  	v9 =	vld.idx.msk [tilespmem:v7+s2+$0x0], $0xffff;
	(pc) =	sbr.rel @p0 .LBB2_22-.Ltmp10, $4  }
0x294: {  	v7 =	vld.idx.msk [tilespmem:v4+s2+$0x0], $0xffff  }
0x295: {  	v4 =	vld.idx.msk [tilespmem:v5+s2+$0x0], $0xffff  }
0x296: {  	v5 =	vld.idx.msk [tilespmem:v8+s2+$0x0], $0xffff  }
0x297: {  	s20 =	sadd.s32 $0x400, s20;
	s21 =	sadd.s32 $0x20, s21;
	s22 =	sadd.s32 $0x1B180, s18;
	v8 =	vld.idx.msk [tilespmem:v11+s2+$0x0], $0xffff  }
0x298: {  	_ =	sdelay $0x2  }
0x299: {  	[tilespmem:s22+$0x70] =	vst v10  }
0x29a: {  	v6 =	vld.idx.msk [tilespmem:v6+s2+$0x0], $0xffff;
	[tilespmem:s18+$0x1B180] =	vst v9  }
0x29b: {  	v3 =	vld.idx.msk [tilespmem:v3+s2+$0x0], $0xffff;
	[tilespmem:s22+$0x10] =	vst v7  }
0x29c: {  	[tilespmem:s22+$0x20] =	vst v4  }
0x29d: {  	[tilespmem:s22+$0x30] =	vst v5  }
0x29e: {  	[tilespmem:s22+$0x40] =	vst v8  }
0x29f: {  	[tilespmem:s22+$0x50] =	vst v6  }
0x2a0: {  	[tilespmem:s22+$0x60] =	vst v3  }
0x2a1: {  	v3 =	vld.msk [tilespmem:$0x8A], $0x1;
	_ =	sdelay $0x4  }
0x2a2: {  	v3 =	vshll.u32 v3, $0x11  }
0x2a3: {  	v3 =	vperm.xlane v3, v0;
	_ =	sdelay $0x4  }
0x2a4: {  	s28 =	simm.s32 $0x0  }
0x2a5: {  	[hbm4b:s5+s28] =	stream.indirect_vreg.scatter [tilespmem:s11], [sflag:$0x4], $0x1000, v3, vm0, $0x38;
	[tilespmem:$0x1D180] =	vst v63  }
0x2a6: {  	_ =	swait.ge [sflag:s8], $0x1000  }
0x2a7: {  	[sflag:s8] =	ssyncset.done $0x0  }
0x2a8: {  	[sflag:s8] =	ssyncadd.s32 $0xFFFFF000  }
0x2a9: {  	_ =	swait.ge [sflag:s16], $0x1000  }
0x2aa: {  	s19 =	sand.u32 $0xC00, s28;
	s18 =	sand.u32 $0x380, s28;
	[sflag:s16] =	ssyncset.done $0x0  }
0x2ab: {  	s18 =	sor.u32 s18, s19;
	[sflag:s16] =	ssyncadd.s32 $0xFFFFF000  }
0x2ac: {  	v4 =	vld [tilespmem:s18+$0xB1F0]  }
0x2ad: {  	v5 =	vld [tilespmem:s18+$0xB180]  }
0x2ae: {  	v7 =	vld [tilespmem:s18+$0xB190]  }
0x2af: {  	v8 =	vld [tilespmem:s18+$0xB1A0]  }
0x2b0: {  	v11 =	vld [tilespmem:s18+$0xB1B0]  }
0x2b1: {  	v12 =	vld [tilespmem:s18+$0xB1C0]  }
0x2b2: {  	v6 =	vld [tilespmem:s18+$0xB1D0]  }
0x2b3: {  	v3 =	vld [tilespmem:s18+$0xB1E0]  }
0x2b4: {  	v10 =	vld.idx.msk [tilespmem:v4+s2+$0x0], $0xffff  }
0x2b5: {  	v9 =	vld.idx.msk [tilespmem:v5+s2+$0x0], $0xffff  }
0x2b6: {  	v7 =	vld.idx.msk [tilespmem:v7+s2+$0x0], $0xffff  }
0x2b7: {  	v4 =	vld.idx.msk [tilespmem:v8+s2+$0x0], $0xffff  }
0x2b8: {  	s20 =	simm.s32 $0x400;
	v5 =	vld.idx.msk [tilespmem:v11+s2+$0x0], $0xffff  }
0x2b9: {  	s21 =	simm.s32 $0x20;
	s19 =	simm.s32 $0x0;
	s22 =	sadd.s32 $0x1C180, s18;
	v8 =	vld.idx.msk [tilespmem:v12+s2+$0x0], $0xffff  }
.LBB2_24:
0x2ba: {  	s23 =	sand.u32 $0xC00, s20;
	s24 =	sand.u32 $0x380, s21;
	s19 =	sadd.s32 $0x8, s19;
	v6 =	vld.idx.msk [tilespmem:v6+s2+$0x0], $0xffff;
	[tilespmem:s22+$0x70] =	vst v10  }
0x2bb: {  	p0 =	slt.u32 s19, $0xF8;
	[tilespmem:s18+$0x1C180] =	vst v9;
	s18 =	sor.u32 s24, s23;
	v3 =	vld.idx.msk [tilespmem:v3+s2+$0x0], $0xffff  }
0x2bc: {  	v9 =	vld [tilespmem:s18+$0xB1F0];
	[tilespmem:s22+$0x10] =	vst v7  }
0x2bd: {  	v7 =	vld [tilespmem:s18+$0xB180];
	[tilespmem:s22+$0x20] =	vst v4  }
0x2be: {  	v4 =	vld [tilespmem:s18+$0xB190];
	[tilespmem:s22+$0x30] =	vst v5  }
0x2bf: {  	v5 =	vld [tilespmem:s18+$0xB1A0];
	[tilespmem:s22+$0x40] =	vst v8  }
0x2c0: {  	v8 =	vld [tilespmem:s18+$0xB1B0];
	[tilespmem:s22+$0x50] =	vst v6  }
0x2c1: {  	v11 =	vld [tilespmem:s18+$0xB1C0];
	[tilespmem:s22+$0x60] =	vst v3  }
0x2c2: {  	v6 =	vld [tilespmem:s18+$0xB1D0]  }
0x2c3: {  	v3 =	vld [tilespmem:s18+$0xB1E0]  }
0x2c4: {  	v10 =	vld.idx.msk [tilespmem:v9+s2+$0x0], $0xffff  }
.Ltmp11:
0x2c5: {  	v9 =	vld.idx.msk [tilespmem:v7+s2+$0x0], $0xffff;
	(pc) =	sbr.rel @p0 .LBB2_24-.Ltmp11, $4  }
0x2c6: {  	v7 =	vld.idx.msk [tilespmem:v4+s2+$0x0], $0xffff  }
0x2c7: {  	v4 =	vld.idx.msk [tilespmem:v5+s2+$0x0], $0xffff  }
0x2c8: {  	v5 =	vld.idx.msk [tilespmem:v8+s2+$0x0], $0xffff  }
0x2c9: {  	s20 =	sadd.s32 $0x400, s20;
	s21 =	sadd.s32 $0x20, s21;
	s22 =	sadd.s32 $0x1C180, s18;
	v8 =	vld.idx.msk [tilespmem:v11+s2+$0x0], $0xffff  }
0x2ca: {  	_ =	sdelay $0x2  }
0x2cb: {  	[tilespmem:s22+$0x70] =	vst v10  }
0x2cc: {  	v6 =	vld.idx.msk [tilespmem:v6+s2+$0x0], $0xffff;
	[tilespmem:s18+$0x1C180] =	vst v9  }
0x2cd: {  	v3 =	vld.idx.msk [tilespmem:v3+s2+$0x0], $0xffff;
	[tilespmem:s22+$0x10] =	vst v7  }
0x2ce: {  	[tilespmem:s22+$0x20] =	vst v4  }
0x2cf: {  	[tilespmem:s22+$0x30] =	vst v5  }
0x2d0: {  	[tilespmem:s22+$0x40] =	vst v8  }
0x2d1: {  	[tilespmem:s22+$0x50] =	vst v6  }
0x2d2: {  	[tilespmem:s22+$0x60] =	vst v3  }
0x2d3: {  	v3 =	vld.msk [tilespmem:$0x8B], $0x1;
	_ =	sdelay $0x4  }
0x2d4: {  	v3 =	vshll.u32 v3, $0x11  }
0x2d5: {  	v3 =	vperm.xlane v3, v0;
	_ =	sdelay $0x4  }
0x2d6: {  	s28 =	simm.s32 $0x0  }
0x2d7: {  	[hbm4b:s5+s28] =	stream.indirect_vreg.scatter [tilespmem:s12], [sflag:$0x5], $0x1000, v3, vm0, $0x38;
	[tilespmem:$0x1D180] =	vst v63  }
0x2d8: {  	_ =	swait.ge [sflag:s8], $0x1000  }
0x2d9: {  	[sflag:s8] =	ssyncset.done $0x0  }
0x2da: {  	[sflag:s8] =	ssyncadd.s32 $0xFFFFF000  }
0x2db: {  	_ =	swait.ge [sflag:s13], $0x1000  }
0x2dc: {  	s19 =	sand.u32 $0xC00, s28;
	s18 =	sand.u32 $0x380, s28;
	[sflag:s13] =	ssyncset.done $0x0  }
0x2dd: {  	s18 =	sor.u32 s18, s19;
	[sflag:s13] =	ssyncadd.s32 $0xFFFFF000  }
0x2de: {  	v4 =	vld [tilespmem:s18+$0xC1F0]  }
0x2df: {  	v5 =	vld [tilespmem:s18+$0xC180]  }
0x2e0: {  	v7 =	vld [tilespmem:s18+$0xC190]  }
0x2e1: {  	v8 =	vld [tilespmem:s18+$0xC1A0]  }
0x2e2: {  	v11 =	vld [tilespmem:s18+$0xC1B0]  }
0x2e3: {  	v12 =	vld [tilespmem:s18+$0xC1C0]  }
0x2e4: {  	v6 =	vld [tilespmem:s18+$0xC1D0]  }
0x2e5: {  	v3 =	vld [tilespmem:s18+$0xC1E0]  }
0x2e6: {  	v10 =	vld.idx.msk [tilespmem:v4+s2+$0x0], $0xffff  }
0x2e7: {  	v9 =	vld.idx.msk [tilespmem:v5+s2+$0x0], $0xffff  }
0x2e8: {  	v7 =	vld.idx.msk [tilespmem:v7+s2+$0x0], $0xffff  }
0x2e9: {  	v4 =	vld.idx.msk [tilespmem:v8+s2+$0x0], $0xffff  }
0x2ea: {  	s20 =	simm.s32 $0x400;
	v5 =	vld.idx.msk [tilespmem:v11+s2+$0x0], $0xffff  }
0x2eb: {  	s21 =	simm.s32 $0x20;
	s19 =	simm.s32 $0x0;
	s22 =	sadd.s32 $0x19180, s18;
	v8 =	vld.idx.msk [tilespmem:v12+s2+$0x0], $0xffff  }
.LBB2_26:
0x2ec: {  	s23 =	sand.u32 $0xC00, s20;
	s24 =	sand.u32 $0x380, s21;
	s19 =	sadd.s32 $0x8, s19;
	v6 =	vld.idx.msk [tilespmem:v6+s2+$0x0], $0xffff;
	[tilespmem:s22+$0x70] =	vst v10  }
0x2ed: {  	p0 =	slt.u32 s19, $0xF8;
	[tilespmem:s18+$0x19180] =	vst v9;
	s18 =	sor.u32 s24, s23;
	v3 =	vld.idx.msk [tilespmem:v3+s2+$0x0], $0xffff  }
0x2ee: {  	v9 =	vld [tilespmem:s18+$0xC1F0];
	[tilespmem:s22+$0x10] =	vst v7  }
0x2ef: {  	v7 =	vld [tilespmem:s18+$0xC180];
	[tilespmem:s22+$0x20] =	vst v4  }
0x2f0: {  	v4 =	vld [tilespmem:s18+$0xC190];
	[tilespmem:s22+$0x30] =	vst v5  }
0x2f1: {  	v5 =	vld [tilespmem:s18+$0xC1A0];
	[tilespmem:s22+$0x40] =	vst v8  }
0x2f2: {  	v8 =	vld [tilespmem:s18+$0xC1B0];
	[tilespmem:s22+$0x50] =	vst v6  }
0x2f3: {  	v11 =	vld [tilespmem:s18+$0xC1C0];
	[tilespmem:s22+$0x60] =	vst v3  }
0x2f4: {  	v6 =	vld [tilespmem:s18+$0xC1D0]  }
0x2f5: {  	v3 =	vld [tilespmem:s18+$0xC1E0]  }
0x2f6: {  	v10 =	vld.idx.msk [tilespmem:v9+s2+$0x0], $0xffff  }
.Ltmp12:
0x2f7: {  	v9 =	vld.idx.msk [tilespmem:v7+s2+$0x0], $0xffff;
	(pc) =	sbr.rel @p0 .LBB2_26-.Ltmp12, $4  }
0x2f8: {  	v7 =	vld.idx.msk [tilespmem:v4+s2+$0x0], $0xffff  }
0x2f9: {  	v4 =	vld.idx.msk [tilespmem:v5+s2+$0x0], $0xffff  }
0x2fa: {  	v5 =	vld.idx.msk [tilespmem:v8+s2+$0x0], $0xffff  }
0x2fb: {  	s20 =	sadd.s32 $0x400, s20;
	s21 =	sadd.s32 $0x20, s21;
	s22 =	sadd.s32 $0x19180, s18;
	v8 =	vld.idx.msk [tilespmem:v11+s2+$0x0], $0xffff  }
0x2fc: {  	_ =	sdelay $0x2  }
0x2fd: {  	[tilespmem:s22+$0x70] =	vst v10  }
0x2fe: {  	v6 =	vld.idx.msk [tilespmem:v6+s2+$0x0], $0xffff;
	[tilespmem:s18+$0x19180] =	vst v9  }
0x2ff: {  	v3 =	vld.idx.msk [tilespmem:v3+s2+$0x0], $0xffff;
	[tilespmem:s22+$0x10] =	vst v7  }
0x300: {  	[tilespmem:s22+$0x20] =	vst v4  }
0x301: {  	[tilespmem:s22+$0x30] =	vst v5  }
0x302: {  	[tilespmem:s22+$0x40] =	vst v8  }
0x303: {  	[tilespmem:s22+$0x50] =	vst v6  }
0x304: {  	[tilespmem:s22+$0x60] =	vst v3  }
0x305: {  	v3 =	vld.msk [tilespmem:$0x8C], $0x1;
	_ =	sdelay $0x4  }
0x306: {  	v3 =	vshll.u32 v3, $0x11  }
0x307: {  	v3 =	vperm.xlane v3, v0;
	_ =	sdelay $0x4  }
0x308: {  	s28 =	simm.s32 $0x0  }
0x309: {  	[hbm4b:s5+s28] =	stream.indirect_vreg.scatter [tilespmem:s9], [sflag:$0x2], $0x1000, v3, vm0, $0x38;
	[tilespmem:$0x1D180] =	vst v63  }
0x30a: {  	_ =	swait.ge [sflag:s8], $0x1000  }
0x30b: {  	[sflag:s8] =	ssyncset.done $0x0  }
0x30c: {  	[sflag:s8] =	ssyncadd.s32 $0xFFFFF000  }
0x30d: {  	_ =	swait.ge [sflag:s14], $0x1000  }
0x30e: {  	s19 =	sand.u32 $0xC00, s28;
	s18 =	sand.u32 $0x380, s28;
	[sflag:s14] =	ssyncset.done $0x0  }
0x30f: {  	s18 =	sor.u32 s18, s19;
	[sflag:s14] =	ssyncadd.s32 $0xFFFFF000  }
0x310: {  	v4 =	vld [tilespmem:s18+$0xD1F0]  }
0x311: {  	v5 =	vld [tilespmem:s18+$0xD180]  }
0x312: {  	v7 =	vld [tilespmem:s18+$0xD190]  }
0x313: {  	v8 =	vld [tilespmem:s18+$0xD1A0]  }
0x314: {  	v11 =	vld [tilespmem:s18+$0xD1B0]  }
0x315: {  	v12 =	vld [tilespmem:s18+$0xD1C0]  }
0x316: {  	v6 =	vld [tilespmem:s18+$0xD1D0]  }
0x317: {  	v3 =	vld [tilespmem:s18+$0xD1E0]  }
0x318: {  	v10 =	vld.idx.msk [tilespmem:v4+s2+$0x0], $0xffff  }
0x319: {  	v9 =	vld.idx.msk [tilespmem:v5+s2+$0x0], $0xffff  }
0x31a: {  	v7 =	vld.idx.msk [tilespmem:v7+s2+$0x0], $0xffff  }
0x31b: {  	v4 =	vld.idx.msk [tilespmem:v8+s2+$0x0], $0xffff  }
0x31c: {  	s20 =	simm.s32 $0x400;
	v5 =	vld.idx.msk [tilespmem:v11+s2+$0x0], $0xffff  }
0x31d: {  	s21 =	simm.s32 $0x20;
	s19 =	simm.s32 $0x0;
	s22 =	sadd.s32 $0x1A180, s18;
	v8 =	vld.idx.msk [tilespmem:v12+s2+$0x0], $0xffff  }
.LBB2_28:
0x31e: {  	s23 =	sand.u32 $0xC00, s20;
	s24 =	sand.u32 $0x380, s21;
	s19 =	sadd.s32 $0x8, s19;
	v6 =	vld.idx.msk [tilespmem:v6+s2+$0x0], $0xffff;
	[tilespmem:s22+$0x70] =	vst v10  }
0x31f: {  	p0 =	slt.u32 s19, $0xF8;
	[tilespmem:s18+$0x1A180] =	vst v9;
	s18 =	sor.u32 s24, s23;
	v3 =	vld.idx.msk [tilespmem:v3+s2+$0x0], $0xffff  }
0x320: {  	v9 =	vld [tilespmem:s18+$0xD1F0];
	[tilespmem:s22+$0x10] =	vst v7  }
0x321: {  	v7 =	vld [tilespmem:s18+$0xD180];
	[tilespmem:s22+$0x20] =	vst v4  }
0x322: {  	v4 =	vld [tilespmem:s18+$0xD190];
	[tilespmem:s22+$0x30] =	vst v5  }
0x323: {  	v5 =	vld [tilespmem:s18+$0xD1A0];
	[tilespmem:s22+$0x40] =	vst v8  }
0x324: {  	v8 =	vld [tilespmem:s18+$0xD1B0];
	[tilespmem:s22+$0x50] =	vst v6  }
0x325: {  	v11 =	vld [tilespmem:s18+$0xD1C0];
	[tilespmem:s22+$0x60] =	vst v3  }
0x326: {  	v6 =	vld [tilespmem:s18+$0xD1D0]  }
0x327: {  	v3 =	vld [tilespmem:s18+$0xD1E0]  }
0x328: {  	v10 =	vld.idx.msk [tilespmem:v9+s2+$0x0], $0xffff  }
.Ltmp13:
0x329: {  	v9 =	vld.idx.msk [tilespmem:v7+s2+$0x0], $0xffff;
	(pc) =	sbr.rel @p0 .LBB2_28-.Ltmp13, $4  }
0x32a: {  	v7 =	vld.idx.msk [tilespmem:v4+s2+$0x0], $0xffff  }
0x32b: {  	v4 =	vld.idx.msk [tilespmem:v5+s2+$0x0], $0xffff  }
0x32c: {  	v5 =	vld.idx.msk [tilespmem:v8+s2+$0x0], $0xffff  }
0x32d: {  	s20 =	sadd.s32 $0x400, s20;
	s21 =	sadd.s32 $0x20, s21;
	s22 =	sadd.s32 $0x1A180, s18;
	v8 =	vld.idx.msk [tilespmem:v11+s2+$0x0], $0xffff  }
0x32e: {  	_ =	sdelay $0x2  }
0x32f: {  	[tilespmem:s22+$0x70] =	vst v10  }
0x330: {  	v6 =	vld.idx.msk [tilespmem:v6+s2+$0x0], $0xffff;
	[tilespmem:s18+$0x1A180] =	vst v9  }
0x331: {  	v3 =	vld.idx.msk [tilespmem:v3+s2+$0x0], $0xffff;
	[tilespmem:s22+$0x10] =	vst v7  }
0x332: {  	[tilespmem:s22+$0x20] =	vst v4  }
0x333: {  	[tilespmem:s22+$0x30] =	vst v5  }
0x334: {  	[tilespmem:s22+$0x40] =	vst v8  }
0x335: {  	[tilespmem:s22+$0x50] =	vst v6  }
0x336: {  	[tilespmem:s22+$0x60] =	vst v3  }
0x337: {  	v3 =	vld.msk [tilespmem:$0x8D], $0x1;
	_ =	sdelay $0x4  }
0x338: {  	v3 =	vshll.u32 v3, $0x11  }
0x339: {  	v3 =	vperm.xlane v3, v0;
	_ =	sdelay $0x4  }
0x33a: {  	s28 =	simm.s32 $0x0  }
0x33b: {  	[hbm4b:s5+s28] =	stream.indirect_vreg.scatter [tilespmem:s10], [sflag:$0x3], $0x1000, v3, vm0, $0x38;
	[tilespmem:$0x1D180] =	vst v63  }
0x33c: {  	_ =	swait.ge [sflag:s8], $0x1000  }
0x33d: {  	[sflag:s8] =	ssyncset.done $0x0  }
0x33e: {  	[sflag:s8] =	ssyncadd.s32 $0xFFFFF000  }
0x33f: {  	_ =	swait.ge [sflag:s15], $0x1000  }
0x340: {  	s19 =	sand.u32 $0xC00, s28;
	s18 =	sand.u32 $0x380, s28;
	[sflag:s15] =	ssyncset.done $0x0  }
0x341: {  	s18 =	sor.u32 s18, s19;
	[sflag:s15] =	ssyncadd.s32 $0xFFFFF000  }
0x342: {  	v4 =	vld [tilespmem:s18+$0xE1F0]  }
0x343: {  	v5 =	vld [tilespmem:s18+$0xE180]  }
0x344: {  	v7 =	vld [tilespmem:s18+$0xE190]  }
0x345: {  	v8 =	vld [tilespmem:s18+$0xE1A0]  }
0x346: {  	v11 =	vld [tilespmem:s18+$0xE1B0]  }
0x347: {  	v12 =	vld [tilespmem:s18+$0xE1C0]  }
0x348: {  	v6 =	vld [tilespmem:s18+$0xE1D0]  }
0x349: {  	v3 =	vld [tilespmem:s18+$0xE1E0]  }
0x34a: {  	v10 =	vld.idx.msk [tilespmem:v4+s2+$0x0], $0xffff  }
0x34b: {  	v9 =	vld.idx.msk [tilespmem:v5+s2+$0x0], $0xffff  }
0x34c: {  	v7 =	vld.idx.msk [tilespmem:v7+s2+$0x0], $0xffff  }
0x34d: {  	v4 =	vld.idx.msk [tilespmem:v8+s2+$0x0], $0xffff  }
0x34e: {  	s20 =	simm.s32 $0x400;
	v5 =	vld.idx.msk [tilespmem:v11+s2+$0x0], $0xffff  }
0x34f: {  	s21 =	simm.s32 $0x20;
	s19 =	simm.s32 $0x0;
	s22 =	sadd.s32 $0x1B180, s18;
	v8 =	vld.idx.msk [tilespmem:v12+s2+$0x0], $0xffff  }
.LBB2_30:
0x350: {  	s23 =	sand.u32 $0xC00, s20;
	s24 =	sand.u32 $0x380, s21;
	s19 =	sadd.s32 $0x8, s19;
	v6 =	vld.idx.msk [tilespmem:v6+s2+$0x0], $0xffff;
	[tilespmem:s22+$0x70] =	vst v10  }
0x351: {  	p0 =	slt.u32 s19, $0xF8;
	[tilespmem:s18+$0x1B180] =	vst v9;
	s18 =	sor.u32 s24, s23;
	v3 =	vld.idx.msk [tilespmem:v3+s2+$0x0], $0xffff  }
0x352: {  	v9 =	vld [tilespmem:s18+$0xE1F0];
	[tilespmem:s22+$0x10] =	vst v7  }
0x353: {  	v7 =	vld [tilespmem:s18+$0xE180];
	[tilespmem:s22+$0x20] =	vst v4  }
0x354: {  	v4 =	vld [tilespmem:s18+$0xE190];
	[tilespmem:s22+$0x30] =	vst v5  }
0x355: {  	v5 =	vld [tilespmem:s18+$0xE1A0];
	[tilespmem:s22+$0x40] =	vst v8  }
0x356: {  	v8 =	vld [tilespmem:s18+$0xE1B0];
	[tilespmem:s22+$0x50] =	vst v6  }
0x357: {  	v11 =	vld [tilespmem:s18+$0xE1C0];
	[tilespmem:s22+$0x60] =	vst v3  }
0x358: {  	v6 =	vld [tilespmem:s18+$0xE1D0]  }
0x359: {  	v3 =	vld [tilespmem:s18+$0xE1E0]  }
0x35a: {  	v10 =	vld.idx.msk [tilespmem:v9+s2+$0x0], $0xffff  }
.Ltmp14:
0x35b: {  	v9 =	vld.idx.msk [tilespmem:v7+s2+$0x0], $0xffff;
	(pc) =	sbr.rel @p0 .LBB2_30-.Ltmp14, $4  }
0x35c: {  	v7 =	vld.idx.msk [tilespmem:v4+s2+$0x0], $0xffff  }
0x35d: {  	v4 =	vld.idx.msk [tilespmem:v5+s2+$0x0], $0xffff  }
0x35e: {  	v5 =	vld.idx.msk [tilespmem:v8+s2+$0x0], $0xffff  }
0x35f: {  	s20 =	sadd.s32 $0x400, s20;
	s21 =	sadd.s32 $0x20, s21;
	s22 =	sadd.s32 $0x1B180, s18;
	v8 =	vld.idx.msk [tilespmem:v11+s2+$0x0], $0xffff  }
0x360: {  	_ =	sdelay $0x2  }
0x361: {  	[tilespmem:s22+$0x70] =	vst v10  }
0x362: {  	v6 =	vld.idx.msk [tilespmem:v6+s2+$0x0], $0xffff;
	[tilespmem:s18+$0x1B180] =	vst v9  }
0x363: {  	v3 =	vld.idx.msk [tilespmem:v3+s2+$0x0], $0xffff;
	[tilespmem:s22+$0x10] =	vst v7  }
0x364: {  	[tilespmem:s22+$0x20] =	vst v4  }
0x365: {  	[tilespmem:s22+$0x30] =	vst v5  }
0x366: {  	[tilespmem:s22+$0x40] =	vst v8  }
0x367: {  	[tilespmem:s22+$0x50] =	vst v6  }
0x368: {  	[tilespmem:s22+$0x60] =	vst v3  }
0x369: {  	v3 =	vld.msk [tilespmem:$0x8E], $0x1;
	_ =	sdelay $0x4  }
0x36a: {  	v3 =	vshll.u32 v3, $0x11  }
0x36b: {  	v3 =	vperm.xlane v3, v0;
	_ =	sdelay $0x4  }
0x36c: {  	s28 =	simm.s32 $0x0  }
0x36d: {  	[hbm4b:s5+s28] =	stream.indirect_vreg.scatter [tilespmem:s11], [sflag:$0x4], $0x1000, v3, vm0, $0x38;
	[tilespmem:$0x1D180] =	vst v63  }
0x36e: {  	_ =	swait.ge [sflag:s8], $0x1000  }
0x36f: {  	[sflag:s8] =	ssyncset.done $0x0  }
0x370: {  	[sflag:s8] =	ssyncadd.s32 $0xFFFFF000  }
0x371: {  	_ =	swait.ge [sflag:s16], $0x1000  }
0x372: {  	s19 =	sand.u32 $0xC00, s28;
	s18 =	sand.u32 $0x380, s28;
	[sflag:s16] =	ssyncset.done $0x0  }
0x373: {  	s18 =	sor.u32 s18, s19;
	[sflag:s16] =	ssyncadd.s32 $0xFFFFF000  }
0x374: {  	v4 =	vld [tilespmem:s18+$0xF1F0]  }
0x375: {  	v5 =	vld [tilespmem:s18+$0xF180]  }
0x376: {  	v7 =	vld [tilespmem:s18+$0xF190]  }
0x377: {  	v8 =	vld [tilespmem:s18+$0xF1A0]  }
0x378: {  	v11 =	vld [tilespmem:s18+$0xF1B0]  }
0x379: {  	v12 =	vld [tilespmem:s18+$0xF1C0]  }
0x37a: {  	v6 =	vld [tilespmem:s18+$0xF1D0]  }
0x37b: {  	v3 =	vld [tilespmem:s18+$0xF1E0]  }
0x37c: {  	v10 =	vld.idx.msk [tilespmem:v4+s2+$0x0], $0xffff  }
0x37d: {  	v9 =	vld.idx.msk [tilespmem:v5+s2+$0x0], $0xffff  }
0x37e: {  	v7 =	vld.idx.msk [tilespmem:v7+s2+$0x0], $0xffff  }
0x37f: {  	v4 =	vld.idx.msk [tilespmem:v8+s2+$0x0], $0xffff  }
0x380: {  	s20 =	simm.s32 $0x400;
	v5 =	vld.idx.msk [tilespmem:v11+s2+$0x0], $0xffff  }
0x381: {  	s21 =	simm.s32 $0x20;
	s19 =	simm.s32 $0x0;
	s22 =	sadd.s32 $0x1C180, s18;
	v8 =	vld.idx.msk [tilespmem:v12+s2+$0x0], $0xffff  }
.LBB2_32:
0x382: {  	s23 =	sand.u32 $0xC00, s20;
	s24 =	sand.u32 $0x380, s21;
	s19 =	sadd.s32 $0x8, s19;
	v6 =	vld.idx.msk [tilespmem:v6+s2+$0x0], $0xffff;
	[tilespmem:s22+$0x70] =	vst v10  }
0x383: {  	p0 =	slt.u32 s19, $0xF8;
	[tilespmem:s18+$0x1C180] =	vst v9;
	s18 =	sor.u32 s24, s23;
	v3 =	vld.idx.msk [tilespmem:v3+s2+$0x0], $0xffff  }
0x384: {  	v9 =	vld [tilespmem:s18+$0xF1F0];
	[tilespmem:s22+$0x10] =	vst v7  }
0x385: {  	v7 =	vld [tilespmem:s18+$0xF180];
	[tilespmem:s22+$0x20] =	vst v4  }
0x386: {  	v4 =	vld [tilespmem:s18+$0xF190];
	[tilespmem:s22+$0x30] =	vst v5  }
0x387: {  	v5 =	vld [tilespmem:s18+$0xF1A0];
	[tilespmem:s22+$0x40] =	vst v8  }
0x388: {  	v8 =	vld [tilespmem:s18+$0xF1B0];
	[tilespmem:s22+$0x50] =	vst v6  }
0x389: {  	v11 =	vld [tilespmem:s18+$0xF1C0];
	[tilespmem:s22+$0x60] =	vst v3  }
0x38a: {  	v6 =	vld [tilespmem:s18+$0xF1D0]  }
0x38b: {  	v3 =	vld [tilespmem:s18+$0xF1E0]  }
0x38c: {  	v10 =	vld.idx.msk [tilespmem:v9+s2+$0x0], $0xffff  }
.Ltmp15:
0x38d: {  	v9 =	vld.idx.msk [tilespmem:v7+s2+$0x0], $0xffff;
	(pc) =	sbr.rel @p0 .LBB2_32-.Ltmp15, $4  }
0x38e: {  	v7 =	vld.idx.msk [tilespmem:v4+s2+$0x0], $0xffff  }
0x38f: {  	v4 =	vld.idx.msk [tilespmem:v5+s2+$0x0], $0xffff  }
0x390: {  	v5 =	vld.idx.msk [tilespmem:v8+s2+$0x0], $0xffff  }
0x391: {  	s20 =	sadd.s32 $0x400, s20;
	s21 =	sadd.s32 $0x20, s21;
	s22 =	sadd.s32 $0x1C180, s18;
	v8 =	vld.idx.msk [tilespmem:v11+s2+$0x0], $0xffff  }
0x392: {  	_ =	sdelay $0x2  }
0x393: {  	[tilespmem:s22+$0x70] =	vst v10  }
0x394: {  	v6 =	vld.idx.msk [tilespmem:v6+s2+$0x0], $0xffff;
	[tilespmem:s18+$0x1C180] =	vst v9  }
0x395: {  	v3 =	vld.idx.msk [tilespmem:v3+s2+$0x0], $0xffff;
	[tilespmem:s22+$0x10] =	vst v7  }
0x396: {  	[tilespmem:s22+$0x20] =	vst v4  }
0x397: {  	[tilespmem:s22+$0x30] =	vst v5  }
0x398: {  	[tilespmem:s22+$0x40] =	vst v8  }
0x399: {  	[tilespmem:s22+$0x50] =	vst v6  }
0x39a: {  	[tilespmem:s22+$0x60] =	vst v3  }
0x39b: {  	v3 =	vld.msk [tilespmem:$0x8F], $0x1;
	_ =	sdelay $0x4  }
0x39c: {  	v3 =	vshll.u32 v3, $0x11  }
0x39d: {  	v3 =	vperm.xlane v3, v0;
	_ =	sdelay $0x4  }
0x39e: {  	s28 =	simm.s32 $0x0  }
0x39f: {  	[hbm4b:s5+s28] =	stream.indirect_vreg.scatter [tilespmem:s12], [sflag:$0x5], $0x1000, v3, vm0, $0x38;
	[tilespmem:$0x1D180] =	vst v63  }
0x3a0: {  	_ =	swait.ge [sflag:s8], $0x1000  }
0x3a1: {  	[sflag:s8] =	ssyncset.done $0x0  }
0x3a2: {  	[sflag:s8] =	ssyncadd.s32 $0xFFFFF000  }
0x3a3: {  	_ =	swait.ge [sflag:s13], $0x1000  }
0x3a4: {  	s19 =	sand.u32 $0xC00, s28;
	s18 =	sand.u32 $0x380, s28;
	[sflag:s13] =	ssyncset.done $0x0  }
0x3a5: {  	s18 =	sor.u32 s18, s19;
	[sflag:s13] =	ssyncadd.s32 $0xFFFFF000  }
0x3a6: {  	v4 =	vld [tilespmem:s18+$0x101F0]  }
0x3a7: {  	v5 =	vld [tilespmem:s18+$0x10180]  }
0x3a8: {  	v7 =	vld [tilespmem:s18+$0x10190]  }
0x3a9: {  	v8 =	vld [tilespmem:s18+$0x101A0]  }
0x3aa: {  	v11 =	vld [tilespmem:s18+$0x101B0]  }
0x3ab: {  	v12 =	vld [tilespmem:s18+$0x101C0]  }
0x3ac: {  	v6 =	vld [tilespmem:s18+$0x101D0]  }
0x3ad: {  	v3 =	vld [tilespmem:s18+$0x101E0]  }
0x3ae: {  	v10 =	vld.idx.msk [tilespmem:v4+s2+$0x0], $0xffff  }
0x3af: {  	v9 =	vld.idx.msk [tilespmem:v5+s2+$0x0], $0xffff  }
0x3b0: {  	v7 =	vld.idx.msk [tilespmem:v7+s2+$0x0], $0xffff  }
0x3b1: {  	v4 =	vld.idx.msk [tilespmem:v8+s2+$0x0], $0xffff  }
0x3b2: {  	s20 =	simm.s32 $0x400;
	v5 =	vld.idx.msk [tilespmem:v11+s2+$0x0], $0xffff  }
0x3b3: {  	s21 =	simm.s32 $0x20;
	s19 =	simm.s32 $0x0;
	s22 =	sadd.s32 $0x19180, s18;
	v8 =	vld.idx.msk [tilespmem:v12+s2+$0x0], $0xffff  }
.LBB2_34:
0x3b4: {  	s23 =	sand.u32 $0xC00, s20;
	s24 =	sand.u32 $0x380, s21;
	s19 =	sadd.s32 $0x8, s19;
	v6 =	vld.idx.msk [tilespmem:v6+s2+$0x0], $0xffff;
	[tilespmem:s22+$0x70] =	vst v10  }
0x3b5: {  	p0 =	slt.u32 s19, $0xF8;
	[tilespmem:s18+$0x19180] =	vst v9;
	s18 =	sor.u32 s24, s23;
	v3 =	vld.idx.msk [tilespmem:v3+s2+$0x0], $0xffff  }
0x3b6: {  	v9 =	vld [tilespmem:s18+$0x101F0];
	[tilespmem:s22+$0x10] =	vst v7  }
0x3b7: {  	v7 =	vld [tilespmem:s18+$0x10180];
	[tilespmem:s22+$0x20] =	vst v4  }
0x3b8: {  	v4 =	vld [tilespmem:s18+$0x10190];
	[tilespmem:s22+$0x30] =	vst v5  }
0x3b9: {  	v5 =	vld [tilespmem:s18+$0x101A0];
	[tilespmem:s22+$0x40] =	vst v8  }
0x3ba: {  	v8 =	vld [tilespmem:s18+$0x101B0];
	[tilespmem:s22+$0x50] =	vst v6  }
0x3bb: {  	v11 =	vld [tilespmem:s18+$0x101C0];
	[tilespmem:s22+$0x60] =	vst v3  }
0x3bc: {  	v6 =	vld [tilespmem:s18+$0x101D0]  }
0x3bd: {  	v3 =	vld [tilespmem:s18+$0x101E0]  }
0x3be: {  	v10 =	vld.idx.msk [tilespmem:v9+s2+$0x0], $0xffff  }
.Ltmp16:
0x3bf: {  	v9 =	vld.idx.msk [tilespmem:v7+s2+$0x0], $0xffff;
	(pc) =	sbr.rel @p0 .LBB2_34-.Ltmp16, $4  }
0x3c0: {  	v7 =	vld.idx.msk [tilespmem:v4+s2+$0x0], $0xffff  }
0x3c1: {  	v4 =	vld.idx.msk [tilespmem:v5+s2+$0x0], $0xffff  }
0x3c2: {  	v5 =	vld.idx.msk [tilespmem:v8+s2+$0x0], $0xffff  }
0x3c3: {  	s20 =	sadd.s32 $0x400, s20;
	s21 =	sadd.s32 $0x20, s21;
	s22 =	sadd.s32 $0x19180, s18;
	v8 =	vld.idx.msk [tilespmem:v11+s2+$0x0], $0xffff  }
0x3c4: {  	_ =	sdelay $0x2  }
0x3c5: {  	[tilespmem:s22+$0x70] =	vst v10  }
0x3c6: {  	v6 =	vld.idx.msk [tilespmem:v6+s2+$0x0], $0xffff;
	[tilespmem:s18+$0x19180] =	vst v9  }
0x3c7: {  	v3 =	vld.idx.msk [tilespmem:v3+s2+$0x0], $0xffff;
	[tilespmem:s22+$0x10] =	vst v7  }
0x3c8: {  	[tilespmem:s22+$0x20] =	vst v4  }
0x3c9: {  	[tilespmem:s22+$0x30] =	vst v5  }
0x3ca: {  	[tilespmem:s22+$0x40] =	vst v8  }
0x3cb: {  	[tilespmem:s22+$0x50] =	vst v6  }
0x3cc: {  	[tilespmem:s22+$0x60] =	vst v3  }
0x3cd: {  	v3 =	vld.msk [tilespmem:$0x100], $0x1;
	_ =	sdelay $0x4  }
0x3ce: {  	v3 =	vshll.u32 v3, $0x11  }
0x3cf: {  	v3 =	vperm.xlane v3, v0;
	_ =	sdelay $0x4  }
0x3d0: {  	s28 =	simm.s32 $0x0  }
0x3d1: {  	[hbm4b:s5+s28] =	stream.indirect_vreg.scatter [tilespmem:s9], [sflag:$0x2], $0x1000, v3, vm0, $0x38;
	[tilespmem:$0x1D180] =	vst v63  }
0x3d2: {  	_ =	swait.ge [sflag:s8], $0x1000  }
0x3d3: {  	[sflag:s8] =	ssyncset.done $0x0  }
0x3d4: {  	[sflag:s8] =	ssyncadd.s32 $0xFFFFF000  }
0x3d5: {  	_ =	swait.ge [sflag:s14], $0x1000  }
0x3d6: {  	s19 =	sand.u32 $0xC00, s28;
	s18 =	sand.u32 $0x380, s28;
	[sflag:s14] =	ssyncset.done $0x0  }
0x3d7: {  	s18 =	sor.u32 s18, s19;
	[sflag:s14] =	ssyncadd.s32 $0xFFFFF000  }
0x3d8: {  	v4 =	vld [tilespmem:s18+$0x111F0]  }
0x3d9: {  	v5 =	vld [tilespmem:s18+$0x11180]  }
0x3da: {  	v7 =	vld [tilespmem:s18+$0x11190]  }
0x3db: {  	v8 =	vld [tilespmem:s18+$0x111A0]  }
0x3dc: {  	v11 =	vld [tilespmem:s18+$0x111B0]  }
0x3dd: {  	v12 =	vld [tilespmem:s18+$0x111C0]  }
0x3de: {  	v6 =	vld [tilespmem:s18+$0x111D0]  }
0x3df: {  	v3 =	vld [tilespmem:s18+$0x111E0]  }
0x3e0: {  	v10 =	vld.idx.msk [tilespmem:v4+s2+$0x0], $0xffff  }
0x3e1: {  	v9 =	vld.idx.msk [tilespmem:v5+s2+$0x0], $0xffff  }
0x3e2: {  	v7 =	vld.idx.msk [tilespmem:v7+s2+$0x0], $0xffff  }
0x3e3: {  	v4 =	vld.idx.msk [tilespmem:v8+s2+$0x0], $0xffff  }
0x3e4: {  	s20 =	simm.s32 $0x400;
	v5 =	vld.idx.msk [tilespmem:v11+s2+$0x0], $0xffff  }
0x3e5: {  	s21 =	simm.s32 $0x20;
	s19 =	simm.s32 $0x0;
	s22 =	sadd.s32 $0x1A180, s18;
	v8 =	vld.idx.msk [tilespmem:v12+s2+$0x0], $0xffff  }
.LBB2_36:
0x3e6: {  	s23 =	sand.u32 $0xC00, s20;
	s24 =	sand.u32 $0x380, s21;
	s19 =	sadd.s32 $0x8, s19;
	v6 =	vld.idx.msk [tilespmem:v6+s2+$0x0], $0xffff;
	[tilespmem:s22+$0x70] =	vst v10  }
0x3e7: {  	p0 =	slt.u32 s19, $0xF8;
	[tilespmem:s18+$0x1A180] =	vst v9;
	s18 =	sor.u32 s24, s23;
	v3 =	vld.idx.msk [tilespmem:v3+s2+$0x0], $0xffff  }
0x3e8: {  	v9 =	vld [tilespmem:s18+$0x111F0];
	[tilespmem:s22+$0x10] =	vst v7  }
0x3e9: {  	v7 =	vld [tilespmem:s18+$0x11180];
	[tilespmem:s22+$0x20] =	vst v4  }
0x3ea: {  	v4 =	vld [tilespmem:s18+$0x11190];
	[tilespmem:s22+$0x30] =	vst v5  }
0x3eb: {  	v5 =	vld [tilespmem:s18+$0x111A0];
	[tilespmem:s22+$0x40] =	vst v8  }
0x3ec: {  	v8 =	vld [tilespmem:s18+$0x111B0];
	[tilespmem:s22+$0x50] =	vst v6  }
0x3ed: {  	v11 =	vld [tilespmem:s18+$0x111C0];
	[tilespmem:s22+$0x60] =	vst v3  }
0x3ee: {  	v6 =	vld [tilespmem:s18+$0x111D0]  }
0x3ef: {  	v3 =	vld [tilespmem:s18+$0x111E0]  }
0x3f0: {  	v10 =	vld.idx.msk [tilespmem:v9+s2+$0x0], $0xffff  }
.Ltmp17:
0x3f1: {  	v9 =	vld.idx.msk [tilespmem:v7+s2+$0x0], $0xffff;
	(pc) =	sbr.rel @p0 .LBB2_36-.Ltmp17, $4  }
0x3f2: {  	v7 =	vld.idx.msk [tilespmem:v4+s2+$0x0], $0xffff  }
0x3f3: {  	v4 =	vld.idx.msk [tilespmem:v5+s2+$0x0], $0xffff  }
0x3f4: {  	v5 =	vld.idx.msk [tilespmem:v8+s2+$0x0], $0xffff  }
0x3f5: {  	s20 =	sadd.s32 $0x400, s20;
	s21 =	sadd.s32 $0x20, s21;
	s22 =	sadd.s32 $0x1A180, s18;
	v8 =	vld.idx.msk [tilespmem:v11+s2+$0x0], $0xffff  }
0x3f6: {  	_ =	sdelay $0x2  }
0x3f7: {  	[tilespmem:s22+$0x70] =	vst v10  }
0x3f8: {  	v6 =	vld.idx.msk [tilespmem:v6+s2+$0x0], $0xffff;
	[tilespmem:s18+$0x1A180] =	vst v9  }
0x3f9: {  	v3 =	vld.idx.msk [tilespmem:v3+s2+$0x0], $0xffff;
	[tilespmem:s22+$0x10] =	vst v7  }
0x3fa: {  	[tilespmem:s22+$0x20] =	vst v4  }
0x3fb: {  	[tilespmem:s22+$0x30] =	vst v5  }
0x3fc: {  	[tilespmem:s22+$0x40] =	vst v8  }
0x3fd: {  	[tilespmem:s22+$0x50] =	vst v6  }
0x3fe: {  	[tilespmem:s22+$0x60] =	vst v3  }
0x3ff: {  	v3 =	vld.msk [tilespmem:$0x101], $0x1;
	_ =	sdelay $0x4  }
0x400: {  	v3 =	vshll.u32 v3, $0x11  }
0x401: {  	v3 =	vperm.xlane v3, v0;
	_ =	sdelay $0x4  }
0x402: {  	s28 =	simm.s32 $0x0  }
0x403: {  	[hbm4b:s5+s28] =	stream.indirect_vreg.scatter [tilespmem:s10], [sflag:$0x3], $0x1000, v3, vm0, $0x38;
	[tilespmem:$0x1D180] =	vst v63  }
0x404: {  	_ =	swait.ge [sflag:s8], $0x1000  }
0x405: {  	[sflag:s8] =	ssyncset.done $0x0  }
0x406: {  	[sflag:s8] =	ssyncadd.s32 $0xFFFFF000  }
0x407: {  	_ =	swait.ge [sflag:s15], $0x1000  }
0x408: {  	s19 =	sand.u32 $0xC00, s28;
	s18 =	sand.u32 $0x380, s28;
	[sflag:s15] =	ssyncset.done $0x0  }
0x409: {  	s18 =	sor.u32 s18, s19;
	[sflag:s15] =	ssyncadd.s32 $0xFFFFF000  }
0x40a: {  	v4 =	vld [tilespmem:s18+$0x121F0]  }
0x40b: {  	v5 =	vld [tilespmem:s18+$0x12180]  }
0x40c: {  	v7 =	vld [tilespmem:s18+$0x12190]  }
0x40d: {  	v8 =	vld [tilespmem:s18+$0x121A0]  }
0x40e: {  	v11 =	vld [tilespmem:s18+$0x121B0]  }
0x40f: {  	v12 =	vld [tilespmem:s18+$0x121C0]  }
0x410: {  	v6 =	vld [tilespmem:s18+$0x121D0]  }
0x411: {  	v3 =	vld [tilespmem:s18+$0x121E0]  }
0x412: {  	v10 =	vld.idx.msk [tilespmem:v4+s2+$0x0], $0xffff  }
0x413: {  	v9 =	vld.idx.msk [tilespmem:v5+s2+$0x0], $0xffff  }
0x414: {  	v7 =	vld.idx.msk [tilespmem:v7+s2+$0x0], $0xffff  }
0x415: {  	v4 =	vld.idx.msk [tilespmem:v8+s2+$0x0], $0xffff  }
0x416: {  	s20 =	simm.s32 $0x400;
	v5 =	vld.idx.msk [tilespmem:v11+s2+$0x0], $0xffff  }
0x417: {  	s21 =	simm.s32 $0x20;
	s19 =	simm.s32 $0x0;
	s22 =	sadd.s32 $0x1B180, s18;
	v8 =	vld.idx.msk [tilespmem:v12+s2+$0x0], $0xffff  }
.LBB2_38:
0x418: {  	s23 =	sand.u32 $0xC00, s20;
	s24 =	sand.u32 $0x380, s21;
	s19 =	sadd.s32 $0x8, s19;
	v6 =	vld.idx.msk [tilespmem:v6+s2+$0x0], $0xffff;
	[tilespmem:s22+$0x70] =	vst v10  }
0x419: {  	p0 =	slt.u32 s19, $0xF8;
	[tilespmem:s18+$0x1B180] =	vst v9;
	s18 =	sor.u32 s24, s23;
	v3 =	vld.idx.msk [tilespmem:v3+s2+$0x0], $0xffff  }
0x41a: {  	v9 =	vld [tilespmem:s18+$0x121F0];
	[tilespmem:s22+$0x10] =	vst v7  }
0x41b: {  	v7 =	vld [tilespmem:s18+$0x12180];
	[tilespmem:s22+$0x20] =	vst v4  }
0x41c: {  	v4 =	vld [tilespmem:s18+$0x12190];
	[tilespmem:s22+$0x30] =	vst v5  }
0x41d: {  	v5 =	vld [tilespmem:s18+$0x121A0];
	[tilespmem:s22+$0x40] =	vst v8  }
0x41e: {  	v8 =	vld [tilespmem:s18+$0x121B0];
	[tilespmem:s22+$0x50] =	vst v6  }
0x41f: {  	v11 =	vld [tilespmem:s18+$0x121C0];
	[tilespmem:s22+$0x60] =	vst v3  }
0x420: {  	v6 =	vld [tilespmem:s18+$0x121D0]  }
0x421: {  	v3 =	vld [tilespmem:s18+$0x121E0]  }
0x422: {  	v10 =	vld.idx.msk [tilespmem:v9+s2+$0x0], $0xffff  }
.Ltmp18:
0x423: {  	v9 =	vld.idx.msk [tilespmem:v7+s2+$0x0], $0xffff;
	(pc) =	sbr.rel @p0 .LBB2_38-.Ltmp18, $4  }
0x424: {  	v7 =	vld.idx.msk [tilespmem:v4+s2+$0x0], $0xffff  }
0x425: {  	v4 =	vld.idx.msk [tilespmem:v5+s2+$0x0], $0xffff  }
0x426: {  	v5 =	vld.idx.msk [tilespmem:v8+s2+$0x0], $0xffff  }
0x427: {  	s20 =	sadd.s32 $0x400, s20;
	s21 =	sadd.s32 $0x20, s21;
	s22 =	sadd.s32 $0x1B180, s18;
	v8 =	vld.idx.msk [tilespmem:v11+s2+$0x0], $0xffff  }
0x428: {  	_ =	sdelay $0x2  }
0x429: {  	[tilespmem:s22+$0x70] =	vst v10  }
0x42a: {  	v6 =	vld.idx.msk [tilespmem:v6+s2+$0x0], $0xffff;
	[tilespmem:s18+$0x1B180] =	vst v9  }
0x42b: {  	v3 =	vld.idx.msk [tilespmem:v3+s2+$0x0], $0xffff;
	[tilespmem:s22+$0x10] =	vst v7  }
0x42c: {  	[tilespmem:s22+$0x20] =	vst v4  }
0x42d: {  	[tilespmem:s22+$0x30] =	vst v5  }
0x42e: {  	[tilespmem:s22+$0x40] =	vst v8  }
0x42f: {  	[tilespmem:s22+$0x50] =	vst v6  }
0x430: {  	[tilespmem:s22+$0x60] =	vst v3  }
0x431: {  	v3 =	vld.msk [tilespmem:$0x102], $0x1;
	_ =	sdelay $0x4  }
0x432: {  	v3 =	vshll.u32 v3, $0x11  }
0x433: {  	v3 =	vperm.xlane v3, v0;
	_ =	sdelay $0x4  }
0x434: {  	s28 =	simm.s32 $0x0  }
0x435: {  	[hbm4b:s5+s28] =	stream.indirect_vreg.scatter [tilespmem:s11], [sflag:$0x4], $0x1000, v3, vm0, $0x38;
	[tilespmem:$0x1D180] =	vst v63  }
0x436: {  	_ =	swait.ge [sflag:s8], $0x1000  }
0x437: {  	[sflag:s8] =	ssyncset.done $0x0  }
0x438: {  	[sflag:s8] =	ssyncadd.s32 $0xFFFFF000  }
0x439: {  	_ =	swait.ge [sflag:s16], $0x1000  }
0x43a: {  	s19 =	sand.u32 $0xC00, s28;
	s18 =	sand.u32 $0x380, s28;
	[sflag:s16] =	ssyncset.done $0x0  }
0x43b: {  	s18 =	sor.u32 s18, s19;
	[sflag:s16] =	ssyncadd.s32 $0xFFFFF000  }
0x43c: {  	v4 =	vld [tilespmem:s18+$0x131F0]  }
0x43d: {  	v5 =	vld [tilespmem:s18+$0x13180]  }
0x43e: {  	v7 =	vld [tilespmem:s18+$0x13190]  }
0x43f: {  	v8 =	vld [tilespmem:s18+$0x131A0]  }
0x440: {  	v11 =	vld [tilespmem:s18+$0x131B0]  }
0x441: {  	v12 =	vld [tilespmem:s18+$0x131C0]  }
0x442: {  	v6 =	vld [tilespmem:s18+$0x131D0]  }
0x443: {  	v3 =	vld [tilespmem:s18+$0x131E0]  }
0x444: {  	v10 =	vld.idx.msk [tilespmem:v4+s2+$0x0], $0xffff  }
0x445: {  	v9 =	vld.idx.msk [tilespmem:v5+s2+$0x0], $0xffff  }
0x446: {  	v7 =	vld.idx.msk [tilespmem:v7+s2+$0x0], $0xffff  }
0x447: {  	v4 =	vld.idx.msk [tilespmem:v8+s2+$0x0], $0xffff  }
0x448: {  	s20 =	simm.s32 $0x400;
	v5 =	vld.idx.msk [tilespmem:v11+s2+$0x0], $0xffff  }
0x449: {  	s21 =	simm.s32 $0x20;
	s19 =	simm.s32 $0x0;
	s22 =	sadd.s32 $0x1C180, s18;
	v8 =	vld.idx.msk [tilespmem:v12+s2+$0x0], $0xffff  }
.LBB2_40:
0x44a: {  	s23 =	sand.u32 $0xC00, s20;
	s24 =	sand.u32 $0x380, s21;
	s19 =	sadd.s32 $0x8, s19;
	v6 =	vld.idx.msk [tilespmem:v6+s2+$0x0], $0xffff;
	[tilespmem:s22+$0x70] =	vst v10  }
0x44b: {  	p0 =	slt.u32 s19, $0xF8;
	[tilespmem:s18+$0x1C180] =	vst v9;
	s18 =	sor.u32 s24, s23;
	v3 =	vld.idx.msk [tilespmem:v3+s2+$0x0], $0xffff  }
0x44c: {  	v9 =	vld [tilespmem:s18+$0x131F0];
	[tilespmem:s22+$0x10] =	vst v7  }
0x44d: {  	v7 =	vld [tilespmem:s18+$0x13180];
	[tilespmem:s22+$0x20] =	vst v4  }
0x44e: {  	v4 =	vld [tilespmem:s18+$0x13190];
	[tilespmem:s22+$0x30] =	vst v5  }
0x44f: {  	v5 =	vld [tilespmem:s18+$0x131A0];
	[tilespmem:s22+$0x40] =	vst v8  }
0x450: {  	v8 =	vld [tilespmem:s18+$0x131B0];
	[tilespmem:s22+$0x50] =	vst v6  }
0x451: {  	v11 =	vld [tilespmem:s18+$0x131C0];
	[tilespmem:s22+$0x60] =	vst v3  }
0x452: {  	v6 =	vld [tilespmem:s18+$0x131D0]  }
0x453: {  	v3 =	vld [tilespmem:s18+$0x131E0]  }
0x454: {  	v10 =	vld.idx.msk [tilespmem:v9+s2+$0x0], $0xffff  }
.Ltmp19:
0x455: {  	v9 =	vld.idx.msk [tilespmem:v7+s2+$0x0], $0xffff;
	(pc) =	sbr.rel @p0 .LBB2_40-.Ltmp19, $4  }
0x456: {  	v7 =	vld.idx.msk [tilespmem:v4+s2+$0x0], $0xffff  }
0x457: {  	v4 =	vld.idx.msk [tilespmem:v5+s2+$0x0], $0xffff  }
0x458: {  	v5 =	vld.idx.msk [tilespmem:v8+s2+$0x0], $0xffff  }
0x459: {  	s20 =	sadd.s32 $0x400, s20;
	s21 =	sadd.s32 $0x20, s21;
	s22 =	sadd.s32 $0x1C180, s18;
	v8 =	vld.idx.msk [tilespmem:v11+s2+$0x0], $0xffff  }
0x45a: {  	_ =	sdelay $0x2  }
0x45b: {  	[tilespmem:s22+$0x70] =	vst v10  }
0x45c: {  	v6 =	vld.idx.msk [tilespmem:v6+s2+$0x0], $0xffff;
	[tilespmem:s18+$0x1C180] =	vst v9  }
0x45d: {  	v3 =	vld.idx.msk [tilespmem:v3+s2+$0x0], $0xffff;
	[tilespmem:s22+$0x10] =	vst v7  }
0x45e: {  	[tilespmem:s22+$0x20] =	vst v4  }
0x45f: {  	[tilespmem:s22+$0x30] =	vst v5  }
0x460: {  	[tilespmem:s22+$0x40] =	vst v8  }
0x461: {  	[tilespmem:s22+$0x50] =	vst v6  }
0x462: {  	[tilespmem:s22+$0x60] =	vst v3  }
0x463: {  	v3 =	vld.msk [tilespmem:$0x103], $0x1;
	_ =	sdelay $0x4  }
0x464: {  	v3 =	vshll.u32 v3, $0x11  }
0x465: {  	v3 =	vperm.xlane v3, v0;
	_ =	sdelay $0x4  }
0x466: {  	s28 =	simm.s32 $0x0  }
0x467: {  	[hbm4b:s5+s28] =	stream.indirect_vreg.scatter [tilespmem:s12], [sflag:$0x5], $0x1000, v3, vm0, $0x38;
	[tilespmem:$0x1D180] =	vst v63  }
0x468: {  	_ =	swait.ge [sflag:s8], $0x1000  }
0x469: {  	[sflag:s8] =	ssyncset.done $0x0  }
0x46a: {  	[sflag:s8] =	ssyncadd.s32 $0xFFFFF000  }
0x46b: {  	_ =	swait.ge [sflag:s13], $0x1000  }
0x46c: {  	s19 =	sand.u32 $0xC00, s28;
	s18 =	sand.u32 $0x380, s28;
	[sflag:s13] =	ssyncset.done $0x0  }
0x46d: {  	s18 =	sor.u32 s18, s19;
	[sflag:s13] =	ssyncadd.s32 $0xFFFFF000  }
0x46e: {  	v4 =	vld [tilespmem:s18+$0x141F0]  }
0x46f: {  	v5 =	vld [tilespmem:s18+$0x14180]  }
0x470: {  	v7 =	vld [tilespmem:s18+$0x14190]  }
0x471: {  	v8 =	vld [tilespmem:s18+$0x141A0]  }
0x472: {  	v11 =	vld [tilespmem:s18+$0x141B0]  }
0x473: {  	v12 =	vld [tilespmem:s18+$0x141C0]  }
0x474: {  	v6 =	vld [tilespmem:s18+$0x141D0]  }
0x475: {  	v3 =	vld [tilespmem:s18+$0x141E0]  }
0x476: {  	v10 =	vld.idx.msk [tilespmem:v4+s2+$0x0], $0xffff  }
0x477: {  	v9 =	vld.idx.msk [tilespmem:v5+s2+$0x0], $0xffff  }
0x478: {  	v7 =	vld.idx.msk [tilespmem:v7+s2+$0x0], $0xffff  }
0x479: {  	v4 =	vld.idx.msk [tilespmem:v8+s2+$0x0], $0xffff  }
0x47a: {  	s20 =	simm.s32 $0x400;
	v5 =	vld.idx.msk [tilespmem:v11+s2+$0x0], $0xffff  }
0x47b: {  	s21 =	simm.s32 $0x20;
	s19 =	simm.s32 $0x0;
	s22 =	sadd.s32 $0x19180, s18;
	v8 =	vld.idx.msk [tilespmem:v12+s2+$0x0], $0xffff  }
.LBB2_42:
0x47c: {  	s23 =	sand.u32 $0xC00, s20;
	s24 =	sand.u32 $0x380, s21;
	s19 =	sadd.s32 $0x8, s19;
	v6 =	vld.idx.msk [tilespmem:v6+s2+$0x0], $0xffff;
	[tilespmem:s22+$0x70] =	vst v10  }
0x47d: {  	p0 =	slt.u32 s19, $0xF8;
	[tilespmem:s18+$0x19180] =	vst v9;
	s18 =	sor.u32 s24, s23;
	v3 =	vld.idx.msk [tilespmem:v3+s2+$0x0], $0xffff  }
0x47e: {  	v9 =	vld [tilespmem:s18+$0x141F0];
	[tilespmem:s22+$0x10] =	vst v7  }
0x47f: {  	v7 =	vld [tilespmem:s18+$0x14180];
	[tilespmem:s22+$0x20] =	vst v4  }
0x480: {  	v4 =	vld [tilespmem:s18+$0x14190];
	[tilespmem:s22+$0x30] =	vst v5  }
0x481: {  	v5 =	vld [tilespmem:s18+$0x141A0];
	[tilespmem:s22+$0x40] =	vst v8  }
0x482: {  	v8 =	vld [tilespmem:s18+$0x141B0];
	[tilespmem:s22+$0x50] =	vst v6  }
0x483: {  	v11 =	vld [tilespmem:s18+$0x141C0];
	[tilespmem:s22+$0x60] =	vst v3  }
0x484: {  	v6 =	vld [tilespmem:s18+$0x141D0]  }
0x485: {  	v3 =	vld [tilespmem:s18+$0x141E0]  }
0x486: {  	v10 =	vld.idx.msk [tilespmem:v9+s2+$0x0], $0xffff  }
.Ltmp20:
0x487: {  	v9 =	vld.idx.msk [tilespmem:v7+s2+$0x0], $0xffff;
	(pc) =	sbr.rel @p0 .LBB2_42-.Ltmp20, $4  }
0x488: {  	v7 =	vld.idx.msk [tilespmem:v4+s2+$0x0], $0xffff  }
0x489: {  	v4 =	vld.idx.msk [tilespmem:v5+s2+$0x0], $0xffff  }
0x48a: {  	v5 =	vld.idx.msk [tilespmem:v8+s2+$0x0], $0xffff  }
0x48b: {  	s20 =	sadd.s32 $0x400, s20;
	s21 =	sadd.s32 $0x20, s21;
	s22 =	sadd.s32 $0x19180, s18;
	v8 =	vld.idx.msk [tilespmem:v11+s2+$0x0], $0xffff  }
0x48c: {  	_ =	sdelay $0x2  }
0x48d: {  	[tilespmem:s22+$0x70] =	vst v10  }
0x48e: {  	v6 =	vld.idx.msk [tilespmem:v6+s2+$0x0], $0xffff;
	[tilespmem:s18+$0x19180] =	vst v9  }
0x48f: {  	v3 =	vld.idx.msk [tilespmem:v3+s2+$0x0], $0xffff;
	[tilespmem:s22+$0x10] =	vst v7  }
0x490: {  	[tilespmem:s22+$0x20] =	vst v4  }
0x491: {  	[tilespmem:s22+$0x30] =	vst v5  }
0x492: {  	[tilespmem:s22+$0x40] =	vst v8  }
0x493: {  	[tilespmem:s22+$0x50] =	vst v6  }
0x494: {  	[tilespmem:s22+$0x60] =	vst v3  }
0x495: {  	v3 =	vld.msk [tilespmem:$0x104], $0x1;
	_ =	sdelay $0x4  }
0x496: {  	v3 =	vshll.u32 v3, $0x11  }
0x497: {  	v3 =	vperm.xlane v3, v0;
	_ =	sdelay $0x4  }
0x498: {  	s28 =	simm.s32 $0x0  }
0x499: {  	[hbm4b:s5+s28] =	stream.indirect_vreg.scatter [tilespmem:s9], [sflag:$0x2], $0x1000, v3, vm0, $0x38;
	[tilespmem:$0x1D180] =	vst v63  }
0x49a: {  	_ =	swait.ge [sflag:s8], $0x1000  }
0x49b: {  	[sflag:s8] =	ssyncset.done $0x0  }
0x49c: {  	[sflag:s8] =	ssyncadd.s32 $0xFFFFF000  }
0x49d: {  	_ =	swait.ge [sflag:s14], $0x1000  }
0x49e: {  	s19 =	sand.u32 $0xC00, s28;
	s18 =	sand.u32 $0x380, s28;
	[sflag:s14] =	ssyncset.done $0x0  }
0x49f: {  	s18 =	sor.u32 s18, s19;
	[sflag:s14] =	ssyncadd.s32 $0xFFFFF000  }
0x4a0: {  	v4 =	vld [tilespmem:s18+$0x151F0]  }
0x4a1: {  	v5 =	vld [tilespmem:s18+$0x15180]  }
0x4a2: {  	v7 =	vld [tilespmem:s18+$0x15190]  }
0x4a3: {  	v8 =	vld [tilespmem:s18+$0x151A0]  }
0x4a4: {  	v11 =	vld [tilespmem:s18+$0x151B0]  }
0x4a5: {  	v12 =	vld [tilespmem:s18+$0x151C0]  }
0x4a6: {  	v6 =	vld [tilespmem:s18+$0x151D0]  }
0x4a7: {  	v3 =	vld [tilespmem:s18+$0x151E0]  }
0x4a8: {  	v10 =	vld.idx.msk [tilespmem:v4+s2+$0x0], $0xffff  }
0x4a9: {  	v9 =	vld.idx.msk [tilespmem:v5+s2+$0x0], $0xffff  }
0x4aa: {  	v7 =	vld.idx.msk [tilespmem:v7+s2+$0x0], $0xffff  }
0x4ab: {  	v4 =	vld.idx.msk [tilespmem:v8+s2+$0x0], $0xffff  }
0x4ac: {  	s20 =	simm.s32 $0x400;
	v5 =	vld.idx.msk [tilespmem:v11+s2+$0x0], $0xffff  }
0x4ad: {  	s21 =	simm.s32 $0x20;
	s19 =	simm.s32 $0x0;
	s22 =	sadd.s32 $0x1A180, s18;
	v8 =	vld.idx.msk [tilespmem:v12+s2+$0x0], $0xffff  }
.LBB2_44:
0x4ae: {  	s23 =	sand.u32 $0xC00, s20;
	s24 =	sand.u32 $0x380, s21;
	s19 =	sadd.s32 $0x8, s19;
	v6 =	vld.idx.msk [tilespmem:v6+s2+$0x0], $0xffff;
	[tilespmem:s22+$0x70] =	vst v10  }
0x4af: {  	p0 =	slt.u32 s19, $0xF8;
	[tilespmem:s18+$0x1A180] =	vst v9;
	s18 =	sor.u32 s24, s23;
	v3 =	vld.idx.msk [tilespmem:v3+s2+$0x0], $0xffff  }
0x4b0: {  	v9 =	vld [tilespmem:s18+$0x151F0];
	[tilespmem:s22+$0x10] =	vst v7  }
0x4b1: {  	v7 =	vld [tilespmem:s18+$0x15180];
	[tilespmem:s22+$0x20] =	vst v4  }
0x4b2: {  	v4 =	vld [tilespmem:s18+$0x15190];
	[tilespmem:s22+$0x30] =	vst v5  }
0x4b3: {  	v5 =	vld [tilespmem:s18+$0x151A0];
	[tilespmem:s22+$0x40] =	vst v8  }
0x4b4: {  	v8 =	vld [tilespmem:s18+$0x151B0];
	[tilespmem:s22+$0x50] =	vst v6  }
0x4b5: {  	v11 =	vld [tilespmem:s18+$0x151C0];
	[tilespmem:s22+$0x60] =	vst v3  }
0x4b6: {  	v6 =	vld [tilespmem:s18+$0x151D0]  }
0x4b7: {  	v3 =	vld [tilespmem:s18+$0x151E0]  }
0x4b8: {  	v10 =	vld.idx.msk [tilespmem:v9+s2+$0x0], $0xffff  }
.Ltmp21:
0x4b9: {  	v9 =	vld.idx.msk [tilespmem:v7+s2+$0x0], $0xffff;
	(pc) =	sbr.rel @p0 .LBB2_44-.Ltmp21, $4  }
0x4ba: {  	v7 =	vld.idx.msk [tilespmem:v4+s2+$0x0], $0xffff  }
0x4bb: {  	v4 =	vld.idx.msk [tilespmem:v5+s2+$0x0], $0xffff  }
0x4bc: {  	v5 =	vld.idx.msk [tilespmem:v8+s2+$0x0], $0xffff  }
0x4bd: {  	s20 =	sadd.s32 $0x400, s20;
	s21 =	sadd.s32 $0x20, s21;
	s22 =	sadd.s32 $0x1A180, s18;
	v8 =	vld.idx.msk [tilespmem:v11+s2+$0x0], $0xffff  }
0x4be: {  	_ =	sdelay $0x2  }
0x4bf: {  	[tilespmem:s22+$0x70] =	vst v10  }
0x4c0: {  	v6 =	vld.idx.msk [tilespmem:v6+s2+$0x0], $0xffff;
	[tilespmem:s18+$0x1A180] =	vst v9  }
0x4c1: {  	v3 =	vld.idx.msk [tilespmem:v3+s2+$0x0], $0xffff;
	[tilespmem:s22+$0x10] =	vst v7  }
0x4c2: {  	[tilespmem:s22+$0x20] =	vst v4  }
0x4c3: {  	[tilespmem:s22+$0x30] =	vst v5  }
0x4c4: {  	[tilespmem:s22+$0x40] =	vst v8  }
0x4c5: {  	[tilespmem:s22+$0x50] =	vst v6  }
0x4c6: {  	[tilespmem:s22+$0x60] =	vst v3  }
0x4c7: {  	v3 =	vld.msk [tilespmem:$0x105], $0x1;
	_ =	sdelay $0x4  }
0x4c8: {  	v3 =	vshll.u32 v3, $0x11  }
0x4c9: {  	v3 =	vperm.xlane v3, v0;
	_ =	sdelay $0x4  }
0x4ca: {  	s28 =	simm.s32 $0x0  }
0x4cb: {  	[hbm4b:s5+s28] =	stream.indirect_vreg.scatter [tilespmem:s10], [sflag:$0x3], $0x1000, v3, vm0, $0x38;
	[tilespmem:$0x1D180] =	vst v63  }
0x4cc: {  	_ =	swait.ge [sflag:s8], $0x1000  }
0x4cd: {  	[sflag:s8] =	ssyncset.done $0x0  }
0x4ce: {  	[sflag:s8] =	ssyncadd.s32 $0xFFFFF000  }
0x4cf: {  	_ =	swait.ge [sflag:s15], $0x1000  }
0x4d0: {  	s19 =	sand.u32 $0xC00, s28;
	s18 =	sand.u32 $0x380, s28;
	[sflag:s15] =	ssyncset.done $0x0  }
0x4d1: {  	s18 =	sor.u32 s18, s19;
	[sflag:s15] =	ssyncadd.s32 $0xFFFFF000  }
0x4d2: {  	v4 =	vld [tilespmem:s18+$0x161F0]  }
0x4d3: {  	v5 =	vld [tilespmem:s18+$0x16180]  }
0x4d4: {  	v7 =	vld [tilespmem:s18+$0x16190]  }
0x4d5: {  	v8 =	vld [tilespmem:s18+$0x161A0]  }
0x4d6: {  	v11 =	vld [tilespmem:s18+$0x161B0]  }
0x4d7: {  	v12 =	vld [tilespmem:s18+$0x161C0]  }
0x4d8: {  	v6 =	vld [tilespmem:s18+$0x161D0]  }
0x4d9: {  	v3 =	vld [tilespmem:s18+$0x161E0]  }
0x4da: {  	v10 =	vld.idx.msk [tilespmem:v4+s2+$0x0], $0xffff  }
0x4db: {  	v9 =	vld.idx.msk [tilespmem:v5+s2+$0x0], $0xffff  }
0x4dc: {  	v7 =	vld.idx.msk [tilespmem:v7+s2+$0x0], $0xffff  }
0x4dd: {  	v4 =	vld.idx.msk [tilespmem:v8+s2+$0x0], $0xffff  }
0x4de: {  	s20 =	simm.s32 $0x400;
	v5 =	vld.idx.msk [tilespmem:v11+s2+$0x0], $0xffff  }
0x4df: {  	s21 =	simm.s32 $0x20;
	s19 =	simm.s32 $0x0;
	s22 =	sadd.s32 $0x1B180, s18;
	v8 =	vld.idx.msk [tilespmem:v12+s2+$0x0], $0xffff  }
.LBB2_46:
0x4e0: {  	s23 =	sand.u32 $0xC00, s20;
	s24 =	sand.u32 $0x380, s21;
	s19 =	sadd.s32 $0x8, s19;
	v6 =	vld.idx.msk [tilespmem:v6+s2+$0x0], $0xffff;
	[tilespmem:s22+$0x70] =	vst v10  }
0x4e1: {  	p0 =	slt.u32 s19, $0xF8;
	[tilespmem:s18+$0x1B180] =	vst v9;
	s18 =	sor.u32 s24, s23;
	v3 =	vld.idx.msk [tilespmem:v3+s2+$0x0], $0xffff  }
0x4e2: {  	v9 =	vld [tilespmem:s18+$0x161F0];
	[tilespmem:s22+$0x10] =	vst v7  }
0x4e3: {  	v7 =	vld [tilespmem:s18+$0x16180];
	[tilespmem:s22+$0x20] =	vst v4  }
0x4e4: {  	v4 =	vld [tilespmem:s18+$0x16190];
	[tilespmem:s22+$0x30] =	vst v5  }
0x4e5: {  	v5 =	vld [tilespmem:s18+$0x161A0];
	[tilespmem:s22+$0x40] =	vst v8  }
0x4e6: {  	v8 =	vld [tilespmem:s18+$0x161B0];
	[tilespmem:s22+$0x50] =	vst v6  }
0x4e7: {  	v11 =	vld [tilespmem:s18+$0x161C0];
	[tilespmem:s22+$0x60] =	vst v3  }
0x4e8: {  	v6 =	vld [tilespmem:s18+$0x161D0]  }
0x4e9: {  	v3 =	vld [tilespmem:s18+$0x161E0]  }
0x4ea: {  	v10 =	vld.idx.msk [tilespmem:v9+s2+$0x0], $0xffff  }
.Ltmp22:
0x4eb: {  	v9 =	vld.idx.msk [tilespmem:v7+s2+$0x0], $0xffff;
	(pc) =	sbr.rel @p0 .LBB2_46-.Ltmp22, $4  }
0x4ec: {  	v7 =	vld.idx.msk [tilespmem:v4+s2+$0x0], $0xffff  }
0x4ed: {  	v4 =	vld.idx.msk [tilespmem:v5+s2+$0x0], $0xffff  }
0x4ee: {  	v5 =	vld.idx.msk [tilespmem:v8+s2+$0x0], $0xffff  }
0x4ef: {  	s20 =	sadd.s32 $0x400, s20;
	s21 =	sadd.s32 $0x20, s21;
	s22 =	sadd.s32 $0x1B180, s18;
	v8 =	vld.idx.msk [tilespmem:v11+s2+$0x0], $0xffff  }
0x4f0: {  	_ =	sdelay $0x2  }
0x4f1: {  	[tilespmem:s22+$0x70] =	vst v10  }
0x4f2: {  	v6 =	vld.idx.msk [tilespmem:v6+s2+$0x0], $0xffff;
	[tilespmem:s18+$0x1B180] =	vst v9  }
0x4f3: {  	v3 =	vld.idx.msk [tilespmem:v3+s2+$0x0], $0xffff;
	[tilespmem:s22+$0x10] =	vst v7  }
0x4f4: {  	[tilespmem:s22+$0x20] =	vst v4  }
0x4f5: {  	[tilespmem:s22+$0x30] =	vst v5  }
0x4f6: {  	[tilespmem:s22+$0x40] =	vst v8  }
0x4f7: {  	[tilespmem:s22+$0x50] =	vst v6  }
0x4f8: {  	[tilespmem:s22+$0x60] =	vst v3  }
0x4f9: {  	v3 =	vld.msk [tilespmem:$0x106], $0x1;
	_ =	sdelay $0x4  }
0x4fa: {  	v3 =	vshll.u32 v3, $0x11  }
0x4fb: {  	v3 =	vperm.xlane v3, v0;
	_ =	sdelay $0x4  }
0x4fc: {  	s28 =	simm.s32 $0x0  }
0x4fd: {  	[hbm4b:s5+s28] =	stream.indirect_vreg.scatter [tilespmem:s11], [sflag:$0x4], $0x1000, v3, vm0, $0x38;
	[tilespmem:$0x1D180] =	vst v63  }
0x4fe: {  	_ =	swait.ge [sflag:s8], $0x1000  }
0x4ff: {  	[sflag:s8] =	ssyncset.done $0x0  }
0x500: {  	[sflag:s8] =	ssyncadd.s32 $0xFFFFF000  }
0x501: {  	_ =	swait.ge [sflag:s16], $0x1000  }
0x502: {  	s19 =	sand.u32 $0xC00, s28;
	s18 =	sand.u32 $0x380, s28;
	[sflag:s16] =	ssyncset.done $0x0  }
0x503: {  	s18 =	sor.u32 s18, s19;
	[sflag:s16] =	ssyncadd.s32 $0xFFFFF000  }
0x504: {  	v4 =	vld [tilespmem:s18+$0x171F0]  }
0x505: {  	v5 =	vld [tilespmem:s18+$0x17180]  }
0x506: {  	v7 =	vld [tilespmem:s18+$0x17190]  }
0x507: {  	v8 =	vld [tilespmem:s18+$0x171A0]  }
0x508: {  	v11 =	vld [tilespmem:s18+$0x171B0]  }
0x509: {  	v12 =	vld [tilespmem:s18+$0x171C0]  }
0x50a: {  	v6 =	vld [tilespmem:s18+$0x171D0]  }
0x50b: {  	v3 =	vld [tilespmem:s18+$0x171E0]  }
0x50c: {  	v10 =	vld.idx.msk [tilespmem:v4+s2+$0x0], $0xffff  }
0x50d: {  	v9 =	vld.idx.msk [tilespmem:v5+s2+$0x0], $0xffff  }
0x50e: {  	v7 =	vld.idx.msk [tilespmem:v7+s2+$0x0], $0xffff  }
0x50f: {  	v4 =	vld.idx.msk [tilespmem:v8+s2+$0x0], $0xffff  }
0x510: {  	s20 =	simm.s32 $0x400;
	v5 =	vld.idx.msk [tilespmem:v11+s2+$0x0], $0xffff  }
0x511: {  	s21 =	simm.s32 $0x20;
	s19 =	simm.s32 $0x0;
	s22 =	sadd.s32 $0x1C180, s18;
	v8 =	vld.idx.msk [tilespmem:v12+s2+$0x0], $0xffff  }
.LBB2_48:
0x512: {  	s23 =	sand.u32 $0xC00, s20;
	s24 =	sand.u32 $0x380, s21;
	s19 =	sadd.s32 $0x8, s19;
	v6 =	vld.idx.msk [tilespmem:v6+s2+$0x0], $0xffff;
	[tilespmem:s22+$0x70] =	vst v10  }
0x513: {  	p0 =	slt.u32 s19, $0xF8;
	[tilespmem:s18+$0x1C180] =	vst v9;
	s18 =	sor.u32 s24, s23;
	v3 =	vld.idx.msk [tilespmem:v3+s2+$0x0], $0xffff  }
0x514: {  	v9 =	vld [tilespmem:s18+$0x171F0];
	[tilespmem:s22+$0x10] =	vst v7  }
0x515: {  	v7 =	vld [tilespmem:s18+$0x17180];
	[tilespmem:s22+$0x20] =	vst v4  }
0x516: {  	v4 =	vld [tilespmem:s18+$0x17190];
	[tilespmem:s22+$0x30] =	vst v5  }
0x517: {  	v5 =	vld [tilespmem:s18+$0x171A0];
	[tilespmem:s22+$0x40] =	vst v8  }
0x518: {  	v8 =	vld [tilespmem:s18+$0x171B0];
	[tilespmem:s22+$0x50] =	vst v6  }
0x519: {  	v11 =	vld [tilespmem:s18+$0x171C0];
	[tilespmem:s22+$0x60] =	vst v3  }
0x51a: {  	v6 =	vld [tilespmem:s18+$0x171D0]  }
0x51b: {  	v3 =	vld [tilespmem:s18+$0x171E0]  }
0x51c: {  	v10 =	vld.idx.msk [tilespmem:v9+s2+$0x0], $0xffff  }
.Ltmp23:
0x51d: {  	v9 =	vld.idx.msk [tilespmem:v7+s2+$0x0], $0xffff;
	(pc) =	sbr.rel @p0 .LBB2_48-.Ltmp23, $4  }
0x51e: {  	v7 =	vld.idx.msk [tilespmem:v4+s2+$0x0], $0xffff  }
0x51f: {  	v4 =	vld.idx.msk [tilespmem:v5+s2+$0x0], $0xffff  }
0x520: {  	v5 =	vld.idx.msk [tilespmem:v8+s2+$0x0], $0xffff  }
0x521: {  	s20 =	sadd.s32 $0x400, s20;
	s21 =	sadd.s32 $0x20, s21;
	s22 =	sadd.s32 $0x1C180, s18;
	v8 =	vld.idx.msk [tilespmem:v11+s2+$0x0], $0xffff  }
0x522: {  	_ =	sdelay $0x2  }
0x523: {  	[tilespmem:s22+$0x70] =	vst v10  }
0x524: {  	v6 =	vld.idx.msk [tilespmem:v6+s2+$0x0], $0xffff;
	[tilespmem:s18+$0x1C180] =	vst v9  }
0x525: {  	v3 =	vld.idx.msk [tilespmem:v3+s2+$0x0], $0xffff;
	[tilespmem:s22+$0x10] =	vst v7  }
0x526: {  	[tilespmem:s22+$0x20] =	vst v4  }
0x527: {  	[tilespmem:s22+$0x30] =	vst v5  }
0x528: {  	[tilespmem:s22+$0x40] =	vst v8  }
0x529: {  	[tilespmem:s22+$0x50] =	vst v6  }
0x52a: {  	[tilespmem:s22+$0x60] =	vst v3  }
0x52b: {  	v3 =	vld.msk [tilespmem:$0x107], $0x1;
	_ =	sdelay $0x4  }
0x52c: {  	v3 =	vshll.u32 v3, $0x11  }
0x52d: {  	v3 =	vperm.xlane v3, v0;
	_ =	sdelay $0x4  }
0x52e: {  	s28 =	simm.s32 $0x0  }
0x52f: {  	[hbm4b:s5+s28] =	stream.indirect_vreg.scatter [tilespmem:s12], [sflag:$0x5], $0x1000, v3, vm0, $0x38;
	[tilespmem:$0x1D180] =	vst v63  }
0x530: {  	_ =	swait.ge [sflag:s8], $0x1000  }
0x531: {  	[sflag:s8] =	ssyncset.done $0x0  }
0x532: {  	[sflag:s8] =	ssyncadd.s32 $0xFFFFF000  }
0x533: {  	_ =	swait.ge [sflag:s13], $0x1000  }
0x534: {  	s19 =	sand.u32 $0xC00, s28;
	s18 =	sand.u32 $0x380, s28;
	[sflag:s13] =	ssyncset.done $0x0  }
0x535: {  	s18 =	sor.u32 s18, s19;
	[sflag:s13] =	ssyncadd.s32 $0xFFFFF000  }
0x536: {  	v4 =	vld [tilespmem:s18+$0x181F0]  }
0x537: {  	v5 =	vld [tilespmem:s18+$0x18180]  }
0x538: {  	v7 =	vld [tilespmem:s18+$0x18190]  }
0x539: {  	v8 =	vld [tilespmem:s18+$0x181A0]  }
0x53a: {  	v11 =	vld [tilespmem:s18+$0x181B0]  }
0x53b: {  	v12 =	vld [tilespmem:s18+$0x181C0]  }
0x53c: {  	v6 =	vld [tilespmem:s18+$0x181D0]  }
0x53d: {  	v3 =	vld [tilespmem:s18+$0x181E0]  }
0x53e: {  	v10 =	vld.idx.msk [tilespmem:v4+s2+$0x0], $0xffff  }
0x53f: {  	v9 =	vld.idx.msk [tilespmem:v5+s2+$0x0], $0xffff  }
0x540: {  	v7 =	vld.idx.msk [tilespmem:v7+s2+$0x0], $0xffff  }
0x541: {  	v4 =	vld.idx.msk [tilespmem:v8+s2+$0x0], $0xffff  }
0x542: {  	s20 =	simm.s32 $0x400;
	v5 =	vld.idx.msk [tilespmem:v11+s2+$0x0], $0xffff  }
0x543: {  	s21 =	simm.s32 $0x20;
	s19 =	simm.s32 $0x0;
	s22 =	sadd.s32 $0x19180, s18;
	v8 =	vld.idx.msk [tilespmem:v12+s2+$0x0], $0xffff  }
.LBB2_50:
0x544: {  	s23 =	sand.u32 $0xC00, s20;
	s24 =	sand.u32 $0x380, s21;
	s19 =	sadd.s32 $0x8, s19;
	v6 =	vld.idx.msk [tilespmem:v6+s2+$0x0], $0xffff;
	[tilespmem:s22+$0x70] =	vst v10  }
0x545: {  	p0 =	slt.u32 s19, $0xF8;
	[tilespmem:s18+$0x19180] =	vst v9;
	s18 =	sor.u32 s24, s23;
	v3 =	vld.idx.msk [tilespmem:v3+s2+$0x0], $0xffff  }
0x546: {  	v9 =	vld [tilespmem:s18+$0x181F0];
	[tilespmem:s22+$0x10] =	vst v7  }
0x547: {  	v7 =	vld [tilespmem:s18+$0x18180];
	[tilespmem:s22+$0x20] =	vst v4  }
0x548: {  	v4 =	vld [tilespmem:s18+$0x18190];
	[tilespmem:s22+$0x30] =	vst v5  }
0x549: {  	v5 =	vld [tilespmem:s18+$0x181A0];
	[tilespmem:s22+$0x40] =	vst v8  }
0x54a: {  	v8 =	vld [tilespmem:s18+$0x181B0];
	[tilespmem:s22+$0x50] =	vst v6  }
0x54b: {  	v11 =	vld [tilespmem:s18+$0x181C0];
	[tilespmem:s22+$0x60] =	vst v3  }
0x54c: {  	v6 =	vld [tilespmem:s18+$0x181D0]  }
0x54d: {  	v3 =	vld [tilespmem:s18+$0x181E0]  }
0x54e: {  	v10 =	vld.idx.msk [tilespmem:v9+s2+$0x0], $0xffff  }
.Ltmp24:
0x54f: {  	v9 =	vld.idx.msk [tilespmem:v7+s2+$0x0], $0xffff;
	(pc) =	sbr.rel @p0 .LBB2_50-.Ltmp24, $4  }
0x550: {  	v7 =	vld.idx.msk [tilespmem:v4+s2+$0x0], $0xffff  }
0x551: {  	v4 =	vld.idx.msk [tilespmem:v5+s2+$0x0], $0xffff  }
0x552: {  	v5 =	vld.idx.msk [tilespmem:v8+s2+$0x0], $0xffff  }
0x553: {  	s20 =	sadd.s32 $0x400, s20;
	s21 =	sadd.s32 $0x20, s21;
	s22 =	sadd.s32 $0x19180, s18;
	v8 =	vld.idx.msk [tilespmem:v11+s2+$0x0], $0xffff  }
0x554: {  	_ =	sdelay $0x2  }
0x555: {  	[tilespmem:s22+$0x70] =	vst v10  }
0x556: {  	v6 =	vld.idx.msk [tilespmem:v6+s2+$0x0], $0xffff;
	[tilespmem:s18+$0x19180] =	vst v9  }
0x557: {  	v3 =	vld.idx.msk [tilespmem:v3+s2+$0x0], $0xffff;
	[tilespmem:s22+$0x10] =	vst v7  }
0x558: {  	[tilespmem:s22+$0x20] =	vst v4  }
0x559: {  	[tilespmem:s22+$0x30] =	vst v5  }
0x55a: {  	[tilespmem:s22+$0x40] =	vst v8  }
0x55b: {  	[tilespmem:s22+$0x50] =	vst v6  }
0x55c: {  	[tilespmem:s22+$0x60] =	vst v3  }
0x55d: {  	v3 =	vld.msk [tilespmem:$0x108], $0x1;
	_ =	sdelay $0x4  }
0x55e: {  	v3 =	vshll.u32 v3, $0x11  }
0x55f: {  	v3 =	vperm.xlane v3, v0;
	_ =	sdelay $0x5  }
0x560: {  	[hbm4b:s5+s2] =	stream.indirect_vreg.scatter [tilespmem:s9], [sflag:$0x2], $0x1000, v3, vm0, $0x38;
	[tilespmem:$0x1D180] =	vst v63  }
0x561: {  	_ =	swait.ge [sflag:s14], $0x1000  }
0x562: {  	[sflag:s14] =	ssyncset.done $0x0  }
0x563: {  	[sflag:s14] =	ssyncadd.s32 $0xFFFFF000  }
0x564: {  	_ =	swait.ge [sflag:s15], $0x1000  }
0x565: {  	[sflag:s15] =	ssyncset.done $0x0  }
0x566: {  	s17 =	sadd.s32 $0x1, s17;
	[sflag:s15] =	ssyncadd.s32 $0xFFFFF000  }
0x567: {  	p0 =	sne.s32 s17, s6;
	_ =	swait.ge [sflag:s16], $0x1000  }
.Ltmp25:
0x568: {  	[sflag:s16] =	ssyncset.done $0x0;
	(pc) =	sbr.rel @p0 .LBB2_1-.Ltmp25, $4  }
0x569: {  	[sflag:s16] =	ssyncadd.s32 $0xFFFFF000  }
0x56a: {  	_ =	swait.ge [sflag:s13], $0x1000  }
0x56b: {  	[sflag:s13] =	ssyncset.done $0x0  }
0x56c: {  	[sflag:s13] =	ssyncadd.s32 $0xFFFFF000  }
0x56d: {  	_ =	sfence.sel $0x180000  }
0x56e: {  	[bflag:$0x0] =	sbarrier.arrive $0xFFFF  }
0x56f: {  	_ =	strace $0x90000047  }
0x570: {  	s0 =	stileid.u32;
	[bflag:$0x2] =	sbarrier.arrive $0xFFFF  }
0x571: {  	p0 =	sne.s32 s0, $0x0;
	s0 =	rddreg [dreg:$0x3]  }
0x572: {  	s0 =	sadd.s32 @!p0 $0x100000, s0  }
0x573: {  	[sflag:s0] =	ssyncadd.tile.s32 @!p0 $0x1;
	_ =	shalt  }
.Lfunc_end2:
_tile_overlayer_lowered:
.L_overlay_start_2:
0x574: {  	(tag) =	ssettag $0x2  }
0x575: {  	s0 =	rddreg [dreg:$0x0];
	s2 =	stileid.u32  }
0x576: {  	s1 =	rddreg [dreg:$0x1];
	p0 =	sne.s32 s2, $0x0  }
0x577: {  	s3 =	rddreg [dreg:$0x2];
	[bflag:$0x3] =	sbarrier.arrive $0xFFFF;
	s2 =	simm.s32 @!p0 $0x1C06  }
0x578: {  	[timem:s3], [sflag:s2] =	dma.local @!p0 [hbm:s0], s1  }
0x579: {  	s0 =	simm.s32 @!p0 $0x6  }
0x57a: {  	_ =	swait.ge @!p0 [sflag:s0], s1  }
0x57b: {  	s1 =	ssub.s32 @!p0 $0x0, s1;
	[sflag:s0] =	ssyncset.done @!p0 $0x0  }
0x57c: {  	[sflag:s0] =	ssyncadd.s32 @!p0 s1  }
0x57d: {  	[bflag:$0x3] =	sbarrier.arrive $0xFFFF  }
0x57e: {  	_ =	shalt  }

</sc_bundles>
